<compile_context>
chip_gen: v7x
topology: tpu7x:2x2x1
jax: 0.10.2.dev20260603
libtpu: 0.0.44.dev20260713+nightly
codegen_flags: <defaults>
</compile_context>

<pallas_src>
import dataclasses
import functools

import jax
import jax.numpy as jnp
from jax import lax
from jax.experimental import pallas as pl
from jax.experimental.pallas import tpu as pltpu
from jax.experimental.pallas import tpu_sc as plsc

N = 10000
F = 128
E = 320000

NC, NS, L = 2, 16, 16
NPAD = 10240
RPT = NPAD // NS
BPT = 80
NBLK = NC * NS * BPT
EPAD = NBLK * 128
CH = 8
BPT0 = 80
BPT1 = 80
NCH0 = BPT0 // CH
NCH1 = BPT1 // CH
NBLK0 = NS * BPT0

@functools.cache
def _sc_mesh():
    return plsc.VectorSubcoreMesh(
        core_axis_name="c", subcore_axis_name="s", num_cores=NC, num_subcores=NS
    )


@functools.cache
def _sc_params():
    cp = pltpu.CompilerParams()
    if "needs_layout_passes" in pltpu.CompilerParams.__dataclass_fields__:
        cp = dataclasses.replace(cp, needs_layout_passes=False)
    return cp


def _hist_sc(dst_blocks):

    @functools.partial(
        pl.kernel,
        out_type=jax.ShapeDtypeStruct((NC, NPAD), jnp.float32),
        mesh=_sc_mesh(),
        compiler_params=_sc_params(),
        scratch_types=[
            pltpu.VMEM((BPT, 128), jnp.int32),
            pltpu.VMEM((NPAD,), jnp.float32),
            pltpu.VMEM((NS, RPT), jnp.float32),
            pltpu.VMEM_SHARED((NS, NPAD), jnp.float32),
        ],
    )
    def k(dst_hbm, out_hbm, idx_v, hist_v, col_v, stage_sh):
        c = lax.axis_index("c")
        s = lax.axis_index("s")
        base_blk = (c * NS + s) * BPT
        pltpu.sync_copy(dst_hbm.at[pl.ds(base_blk, BPT)], idx_v)

        zeros16 = jnp.zeros((L,), jnp.float32)
        ones16 = jnp.ones((L,), jnp.float32)

        @pl.loop(0, NPAD // L)
        def _(i):
            hist_v[pl.ds(i * L, L)] = zeros16

        @pl.loop(0, BPT)
        def _(b):
            for j in range(128 // L):
                idx16 = idx_v[b, pl.ds(j * L, L)]
                plsc.addupdate_scatter(hist_v, [idx16], ones16)

        pltpu.sync_copy(hist_v, stage_sh.at[s])
        plsc.subcore_barrier()

        for r in range(NS):
            pltpu.sync_copy(stage_sh.at[r, pl.ds(s * RPT, RPT)], col_v.at[r])

        @pl.loop(0, RPT // L)
        def _(j):
            acc = col_v[0, pl.ds(j * L, L)]
            for r in range(1, NS):
                acc = acc + col_v[r, pl.ds(j * L, L)]
            col_v[0, pl.ds(j * L, L)] = acc

        pltpu.sync_copy(col_v.at[0], out_hbm.at[c, pl.ds(s * RPT, RPT)])

    return k(dst_blocks)


def _matmul_scale_tc(x_pad, W, histc):
    BM = 1024

    def body(x_ref, w_ref, h_ref, g_ref, d_ref):
        dinv = lax.rsqrt(1.0 + h_ref[...])
        h = lax.dot_general(
            x_ref[...], w_ref[...], (((1,), (1,)), ((), ())),
            precision=lax.Precision.HIGHEST,
            preferred_element_type=jnp.float32,
        )
        g_ref[...] = h * dinv
        d_ref[...] = dinv

    return pl.pallas_call(
        body,
        grid=(NPAD // BM,),
        in_specs=[
            pl.BlockSpec((BM, F), lambda i: (i, 0)),
            pl.BlockSpec((F, F), lambda i: (0, 0)),
            pl.BlockSpec((BM, 1), lambda i: (i, 0)),
        ],
        out_specs=[
            pl.BlockSpec((BM, F), lambda i: (i, 0)),
            pl.BlockSpec((BM, 1), lambda i: (i, 0)),
        ],
        out_shape=[
            jax.ShapeDtypeStruct((NPAD, F), jnp.float32),
            jax.ShapeDtypeStruct((NPAD, 1), jnp.float32),
        ],
    )(x_pad, W, histc)


def _scatter_sc(g_pad, src_blocks, dst_blocks):

    @functools.partial(
        pl.kernel,
        out_type=jax.ShapeDtypeStruct((NC, NPAD, F), jnp.float32),
        mesh=_sc_mesh(),
        compiler_params=_sc_params(),
        scratch_types=[
            [pltpu.VMEM((CH, 128), jnp.int32)] * 2,
            [pltpu.VMEM((CH, 128), jnp.int32)] * 2,
            [pltpu.VMEM((128, F), jnp.float32)] * 2,
            [pltpu.SemaphoreType.DMA] * 2,
            [pltpu.SemaphoreType.DMA] * 2,
            [pltpu.SemaphoreType.DMA] * 2,
            pltpu.VMEM_SHARED((NPAD, F), jnp.float32),
        ],
    )
    def k(g_hbm, src_hbm, dst_hbm, out_hbm, src_sl, dst_sl, bufs, gsems, ssems, isems, acc_sh):
        c = lax.axis_index("c")
        s = lax.axis_index("s")
        on0 = c == 0
        base_blk = jnp.where(on0, s * BPT0, NBLK0 + s * BPT1)
        nch = jnp.where(on0, NCH0, NCH1)
        pltpu.sync_copy(g_hbm.at[pl.ds(s * RPT, RPT)], acc_sh.at[pl.ds(s * RPT, RPT)])
        plsc.subcore_barrier()

        def gather_issue(slot, j, p):
            for h in (0, 64):
                pltpu.async_copy(
                    g_hbm.at[src_sl[slot].at[j, pl.ds(h, 64)]],
                    bufs[p].at[pl.ds(h, 64)], gsems[p],
                )

        def gather_wait(slot, j, p):
            for h in (0, 64):
                pltpu.make_async_copy(
                    g_hbm.at[src_sl[slot].at[j, pl.ds(h, 64)]],
                    bufs[p].at[pl.ds(h, 64)], gsems[p],
                ).wait()

        @pl.when(nch > 0)
        def _():
            pltpu.sync_copy(src_hbm.at[pl.ds(base_blk, CH)], src_sl[0])
            pltpu.sync_copy(dst_hbm.at[pl.ds(base_blk, CH)], dst_sl[0])
            gather_issue(0, 0, 0)

        @pl.loop(0, nch, step=2)
        def _(cc):
            for ss in (0, 1):
                ci = cc + ss
                for j in range(CH):
                    p = j % 2
                    q = 1 - p
                    gather_wait(ss, j, p)
                    pltpu.async_copy(
                        bufs[p], acc_sh.at[dst_sl[ss].at[j]], ssems[p], add=True
                    )
                    if j == 0:
                        @pl.when(ci > 0)
                        def _():
                            pltpu.make_async_copy(
                                bufs[q], acc_sh.at[dst_sl[1 - ss].at[CH - 1]], ssems[q]
                            ).wait()

                        @pl.when(ci + 1 < nch)
                        def _():
                            nb = base_blk + (ci + 1) * CH
                            pltpu.async_copy(
                                src_hbm.at[pl.ds(nb, CH)], src_sl[1 - ss], isems[1 - ss]
                            )
                            pltpu.async_copy(
                                dst_hbm.at[pl.ds(nb, CH)], dst_sl[1 - ss], isems[1 - ss]
                            )
                    else:
                        pltpu.make_async_copy(
                            bufs[q], acc_sh.at[dst_sl[ss].at[j - 1]], ssems[q]
                        ).wait()
                    if j < CH - 1:
                        gather_issue(ss, j + 1, q)
                    else:
                        @pl.when(ci + 1 < nch)
                        def _():
                            nb = base_blk + (ci + 1) * CH
                            pltpu.make_async_copy(
                                src_hbm.at[pl.ds(nb, CH)], src_sl[1 - ss], isems[1 - ss]
                            ).wait()
                            pltpu.make_async_copy(
                                dst_hbm.at[pl.ds(nb, CH)], dst_sl[1 - ss], isems[1 - ss]
                            ).wait()
                            gather_issue(1 - ss, 0, q)

        @pl.when(nch > 0)
        def _():
            pltpu.make_async_copy(
                bufs[1], acc_sh.at[dst_sl[1].at[CH - 1]], ssems[1]
            ).wait()

        plsc.subcore_barrier()
        pltpu.sync_copy(acc_sh.at[pl.ds(s * RPT, RPT)], out_hbm.at[c, pl.ds(s * RPT, RPT)])

    return k(g_pad, src_blocks, dst_blocks)


def _combine_bn_tc(g_pad, S2, dinv, b2, gamma2, beta2):
    BM = 2000
    G = N // BM

    def body(g_ref, s_ref, d_ref, b_ref, gm_ref, bt_ref, out_ref,
             pre_v, sum_v, sq_v):
        i = pl.program_id(0)
        pre = (s_ref[0] + s_ref[1] - g_ref[...]) * d_ref[...] + b_ref[...]
        pre_v[pl.ds(i * BM, BM), :] = pre
        p8 = jnp.sum(pre.reshape(BM // 8, 8, F), axis=0)
        q8 = jnp.sum((pre * pre).reshape(BM // 8, 8, F), axis=0)

        @pl.when(i == 0)
        def _():
            sum_v[...] = p8
            sq_v[...] = q8

        @pl.when(i > 0)
        def _():
            sum_v[...] += p8
            sq_v[...] += q8

        @pl.when(i == G - 1)
        def _():
            mean = jnp.sum(sum_v[...], axis=0, keepdims=True) / N
            ex2 = jnp.sum(sq_v[...], axis=0, keepdims=True) / N
            var = ex2 - mean * mean
            scale = gm_ref[...] * lax.rsqrt(var + 1e-5)
            out_ref[...] = jnp.maximum(
                (pre_v[...] - mean) * scale + bt_ref[...], 0.0
            )

    return pl.pallas_call(
        body,
        grid=(G,),
        in_specs=[
            pl.BlockSpec((BM, F), lambda i: (i, 0)),
            pl.BlockSpec((NC, BM, F), lambda i: (0, i, 0)),
            pl.BlockSpec((BM, 1), lambda i: (i, 0)),
            pl.BlockSpec((1, F), lambda i: (0, 0)),
            pl.BlockSpec((1, F), lambda i: (0, 0)),
            pl.BlockSpec((1, F), lambda i: (0, 0)),
        ],
        out_specs=pl.BlockSpec((N, F), lambda i: (0, 0)),
        out_shape=jax.ShapeDtypeStruct((N, F), jnp.float32),
        scratch_shapes=[
            pltpu.VMEM((N, F), jnp.float32),
            pltpu.VMEM((8, F), jnp.float32),
            pltpu.VMEM((8, F), jnp.float32),
        ],
    )(g_pad, S2, dinv, b2, gamma2, beta2)


def kernel(x, edge_index, W, b, gamma, beta):
    src = edge_index[0].astype(jnp.int32)
    dst = edge_index[1].astype(jnp.int32)
    padi = N + (jnp.arange(EPAD - E, dtype=jnp.int32) % (NPAD - N))
    srcb = jnp.concatenate([src, padi]).reshape(NBLK, 128)
    dstb = jnp.concatenate([dst, padi]).reshape(NBLK, 128)

    hist2 = _hist_sc(dstb)
    histc = (hist2[0] + hist2[1]).reshape(NPAD, 1)

    x_pad = jnp.concatenate([x, jnp.zeros((NPAD - N, F), x.dtype)])
    g_pad, dinv = _matmul_scale_tc(x_pad, W, histc)

    S2 = _scatter_sc(g_pad, srcb, dstb)

    return _combine_bn_tc(
        g_pad, S2, dinv,
        b.reshape(1, F), gamma.reshape(1, F), beta.reshape(1, F),
    )

# --- scband reference (transcript-rebuilt; emitter-appended) ---
"""Pipeline reference for scband-gnnblock-26603027432072 (READ-ONLY COPY).

The authoritative reference and input builder live on the scoring server;
editing this copy changes nothing except your own understanding.
"""

import jax, jax.numpy as jnp
import numpy as np

N_NODES = 10000
N_EDGES = 320000
IN_CH = 128
OUT_CH = 128

def setup_inputs(seed: int = 0) -> dict:
    key = jax.random.key(seed)
    k1, k2, k3, k4 = jax.random.split(key, 4)
    x = jax.random.normal(k1, (N_NODES, IN_CH), dtype=jnp.float32)
    edge_index = jax.random.randint(k2, (2, N_EDGES), 0, N_NODES, dtype=jnp.int64)
    # GCNConv linear weight [out_channels, in_channels] (glorot) + bias
    W = jax.random.normal(k3, (OUT_CH, IN_CH), dtype=jnp.float32) * (1.0 / np.sqrt(IN_CH))
    b = jnp.zeros((OUT_CH,), dtype=jnp.float32)
    # BatchNorm1d affine params
    gamma = jnp.ones((OUT_CH,), dtype=jnp.float32)
    beta = jnp.zeros((OUT_CH,), dtype=jnp.float32)
    return {"x": x, "edge_index": edge_index, "W": W, "b": b, "gamma": gamma, "beta": beta}

def reference(x, edge_index, W, b, gamma, beta):
    N = x.shape[0]
    # --- GCNConv: add self-loops, symmetric normalization, linear transform, scatter-add ---
    loops = jnp.arange(N, dtype=edge_index.dtype)
    src = jnp.concatenate([edge_index[0], loops])
    dst = jnp.concatenate([edge_index[1], loops])
    ones = jnp.ones(src.shape[0], dtype=x.dtype)
    deg = jnp.zeros((N,), dtype=x.dtype).at[dst].add(ones)
    deg_inv_sqrt = jnp.where(deg > 0, deg ** -0.5, 0.0)
    norm = deg_inv_sqrt[src] * deg_inv_sqrt[dst]
    h = x @ W.T
    msg = h[src] * norm[:, None]
    out = jnp.zeros((N, h.shape[1]), dtype=x.dtype).at[dst].add(msg)
    out = out + b
    # --- BatchNorm1d (training-mode batch statistics, eps=1e-5) ---
    mean = jnp.mean(out, axis=0)
    var = jnp.var(out, axis=0)
    out = (out - mean) / jnp.sqrt(var + 1e-5) * gamma + beta
    # --- ReLU (dropout p=0.0 is identity) ---
    out = jnp.maximum(out, 0.0)
    return out

if __name__ == "__main__":
    import jax
    _d = setup_inputs()
    print(jax.jit(kernel)(*tuple(_d.values())))

</pallas_src>

<mosaic_0001>
#map = affine_map<(d0, d1) -> (0, 0)>
#map1 = affine_map<(d0, d1) -> (0, 0, 0)>
module attributes {stable_mosaic.version = 14 : i64} {
  func.func @k(%arg0: i32, %arg1: i32, %arg2: memref<10240x128xf32, #tpu.memory_space<hbm>>, %arg3: memref<2560x128xi32, #tpu.memory_space<hbm>>, %arg4: memref<2560x128xi32, #tpu.memory_space<hbm>>, %arg5: memref<2x10240x128xf32, #tpu.memory_space<hbm>>, %arg6: memref<8x128xi32, #tpu.memory_space<vmem>>, %arg7: memref<8x128xi32, #tpu.memory_space<vmem>>, %arg8: memref<8x128xi32, #tpu.memory_space<vmem>>, %arg9: memref<8x128xi32, #tpu.memory_space<vmem>>, %arg10: memref<128x128xf32, #tpu.memory_space<vmem>>, %arg11: memref<128x128xf32, #tpu.memory_space<vmem>>, %arg12: memref<!tpu.dma_semaphore, #tpu.memory_space<semaphore_mem>>, %arg13: memref<!tpu.dma_semaphore, #tpu.memory_space<semaphore_mem>>, %arg14: memref<!tpu.dma_semaphore, #tpu.memory_space<semaphore_mem>>, %arg15: memref<!tpu.dma_semaphore, #tpu.memory_space<semaphore_mem>>, %arg16: memref<!tpu.dma_semaphore, #tpu.memory_space<semaphore_mem>>, %arg17: memref<!tpu.dma_semaphore, #tpu.memory_space<semaphore_mem>>, %arg18: memref<10240x128xf32, #tpu.memory_space<vmem_shared>>) attributes {dimension_semantics = [#tpu.dimension_semantics<core_parallel>, #tpu.dimension_semantics<subcore_parallel>], iteration_bounds = array<i64: 2, 16>, scalar_prefetch = 0 : i64, scratch_operands = 13 : i64, tpu.core_type = #tpu.core_type<sc_vector_subcore>, window_params = [{transform_indices = #map}, {transform_indices = #map}, {transform_indices = #map}, {transform_indices = #map1}]} {
    %eq3A = arith.constant 0 : i32
    %eq3A_0 = arith.cmpi eq, %arg0, %eq3A : i32
    %mul3A = arith.constant 80 : i32
    %mul3A_1 = arith.muli %arg1, %mul3A : i32
    %mul3A_2 = arith.constant 80 : i32
    %mul3A_3 = arith.muli %arg1, %mul3A_2 : i32
    %add3A = arith.constant 1280 : i32
    %add3A_4 = arith.addi %add3A, %mul3A_3 : i32
    %select_n3A = arith.select %eq3A_0, %mul3A_1, %add3A_4 : i32
    %jit3A = arith.constant 10 : i32
    %jit3A_5 = arith.constant 10 : i32
    %select_n3A_6 = arith.select %eq3A_0, %jit3A, %jit3A_5 : i32
    %mul3A_7 = arith.constant 640 : i32
    %mul3A_8 = arith.muli %arg1, %mul3A_7 : i32
    %mul3A_9 = arith.constant 640 : i32
    %mul3A_10 = arith.muli %arg1, %mul3A_9 : i32
    "tpu.region"() ({
      %run_scoped3A = tpu.sem_alloc : memref<!tpu.dma_semaphore, #tpu.memory_space<semaphore_mem>>
      %dma_start3A = arith.constant 0 : i32
      %dma_start3A_39 = tpu.memref_slice %arg18[%mul3A_10, %dma_start3A] : memref<10240x128xf32, #tpu.memory_space<vmem_shared>> -> memref<640x128xf32, #tpu.memory_space<vmem_shared>>
      %dma_start3A_40 = arith.constant 0 : i32
      %dma_start3A_41 = tpu.memref_slice %arg2[%mul3A_8, %dma_start3A_40] : memref<10240x128xf32, #tpu.memory_space<hbm>> -> memref<640x128xf32, #tpu.memory_space<hbm>>
      tpu.enqueue_dma source(%dma_start3A_41 : memref<640x128xf32, #tpu.memory_space<hbm>>) target(%dma_start3A_39 : memref<640x128xf32, #tpu.memory_space<vmem_shared>>) target_semaphore(%run_scoped3A : memref<!tpu.dma_semaphore, #tpu.memory_space<semaphore_mem>>)
      %dma_wait3A = arith.constant 0 : i32
      %dma_wait3A_42 = tpu.memref_slice %arg18[%mul3A_10, %dma_wait3A] : memref<10240x128xf32, #tpu.memory_space<vmem_shared>> -> memref<640x128xf32, #tpu.memory_space<vmem_shared>>
      %dma_wait3A_43 = arith.constant 0 : i32
      %dma_wait3A_44 = tpu.memref_slice %arg2[%mul3A_8, %dma_wait3A_43] : memref<10240x128xf32, #tpu.memory_space<hbm>> -> memref<640x128xf32, #tpu.memory_space<hbm>>
      tpu.wait_dma2 semaphore(%run_scoped3A : memref<!tpu.dma_semaphore, #tpu.memory_space<semaphore_mem>>) src(%dma_wait3A_44 : memref<640x128xf32, #tpu.memory_space<hbm>>) dst(%dma_wait3A_42 : memref<640x128xf32, #tpu.memory_space<vmem_shared>>)
      tpu.yield
    }) : () -> ()
    %barrier3A = arith.constant 0 : index
    tpu.barrier barrier_id(%barrier3A)
    %gt3A = arith.constant 0 : i32
    %gt3A_11 = arith.cmpi sgt, %select_n3A_6, %gt3A : i32
    %convert_element_type3A = arith.extui %gt3A_11 : i1 to i32
    %cond3A = arith.constant 0 : i32
    %cond3A_12 = arith.cmpi ne, %convert_element_type3A, %cond3A : i32
    scf.if %cond3A_12 {
      "tpu.region"() ({
        %run_scoped3A = tpu.sem_alloc : memref<!tpu.dma_semaphore, #tpu.memory_space<semaphore_mem>>
        %dma_start3A_58 = arith.constant 0 : i32
        %dma_start3A_59 = tpu.memref_slice %arg3[%select_n3A, %dma_start3A_58] : memref<2560x128xi32, #tpu.memory_space<hbm>> -> memref<8x128xi32, #tpu.memory_space<hbm>>
        %dma_start3A_60 = arith.constant 0 : i32
        %dma_start3A_61 = tpu.memref_slice %arg3[%select_n3A, %dma_start3A_60] : memref<2560x128xi32, #tpu.memory_space<hbm>> -> memref<8x128xi32, #tpu.memory_space<hbm>>
        tpu.enqueue_dma source(%dma_start3A_61 : memref<8x128xi32, #tpu.memory_space<hbm>>) target(%arg6 : memref<8x128xi32, #tpu.memory_space<vmem>>) target_semaphore(%run_scoped3A : memref<!tpu.dma_semaphore, #tpu.memory_space<semaphore_mem>>)
        %dma_wait3A = arith.constant 0 : i32
        %dma_wait3A_62 = tpu.memref_slice %arg3[%select_n3A, %dma_wait3A] : memref<2560x128xi32, #tpu.memory_space<hbm>> -> memref<8x128xi32, #tpu.memory_space<hbm>>
        %dma_wait3A_63 = arith.constant 0 : i32
        %dma_wait3A_64 = tpu.memref_slice %arg3[%select_n3A, %dma_wait3A_63] : memref<2560x128xi32, #tpu.memory_space<hbm>> -> memref<8x128xi32, #tpu.memory_space<hbm>>
        tpu.wait_dma2 semaphore(%run_scoped3A : memref<!tpu.dma_semaphore, #tpu.memory_space<semaphore_mem>>) src(%dma_wait3A_64 : memref<8x128xi32, #tpu.memory_space<hbm>>) dst(%arg6 : memref<8x128xi32, #tpu.memory_space<vmem>>)
        tpu.yield
      }) : () -> ()
      "tpu.region"() ({
        %run_scoped3A = tpu.sem_alloc : memref<!tpu.dma_semaphore, #tpu.memory_space<semaphore_mem>>
        %dma_start3A_58 = arith.constant 0 : i32
        %dma_start3A_59 = tpu.memref_slice %arg4[%select_n3A, %dma_start3A_58] : memref<2560x128xi32, #tpu.memory_space<hbm>> -> memref<8x128xi32, #tpu.memory_space<hbm>>
        %dma_start3A_60 = arith.constant 0 : i32
        %dma_start3A_61 = tpu.memref_slice %arg4[%select_n3A, %dma_start3A_60] : memref<2560x128xi32, #tpu.memory_space<hbm>> -> memref<8x128xi32, #tpu.memory_space<hbm>>
        tpu.enqueue_dma source(%dma_start3A_61 : memref<8x128xi32, #tpu.memory_space<hbm>>) target(%arg8 : memref<8x128xi32, #tpu.memory_space<vmem>>) target_semaphore(%run_scoped3A : memref<!tpu.dma_semaphore, #tpu.memory_space<semaphore_mem>>)
        %dma_wait3A = arith.constant 0 : i32
        %dma_wait3A_62 = tpu.memref_slice %arg4[%select_n3A, %dma_wait3A] : memref<2560x128xi32, #tpu.memory_space<hbm>> -> memref<8x128xi32, #tpu.memory_space<hbm>>
        %dma_wait3A_63 = arith.constant 0 : i32
        %dma_wait3A_64 = tpu.memref_slice %arg4[%select_n3A, %dma_wait3A_63] : memref<2560x128xi32, #tpu.memory_space<hbm>> -> memref<8x128xi32, #tpu.memory_space<hbm>>
        tpu.wait_dma2 semaphore(%run_scoped3A : memref<!tpu.dma_semaphore, #tpu.memory_space<semaphore_mem>>) src(%dma_wait3A_64 : memref<8x128xi32, #tpu.memory_space<hbm>>) dst(%arg8 : memref<8x128xi32, #tpu.memory_space<vmem>>)
        tpu.yield
      }) : () -> ()
      %dma_start3A = arith.constant 0 : i32
      %dma_start3A_39 = arith.constant 0 : i32
      %dma_start3A_40 = arith.constant 0 : i32
      %dma_start3A_41 = tpu.memref_slice %arg10[%dma_start3A_39, %dma_start3A_40] : memref<128x128xf32, #tpu.memory_space<vmem>> -> memref<64x128xf32, #tpu.memory_space<vmem>>
      %dma_start3A_42 = arith.constant 0 : i32
      %dma_start3A_43 = tpu.memref_slice %arg6[%dma_start3A, %dma_start3A_42] : memref<8x128xi32, #tpu.memory_space<vmem>> -> memref<1x64xi32, #tpu.memory_space<vmem>>
      %dma_start3A_44 = tpu.memref_squeeze %dma_start3A_43 : memref<1x64xi32, #tpu.memory_space<vmem>> -> memref<64xi32, #tpu.memory_space<vmem>>
      %dma_start3A_45 = arith.constant 0 : i32
      %dma_start3A_46 = arith.constant 0 : i32
      %dma_start3A_47 = tpu.memref_slice %arg2[%dma_start3A_45, %dma_start3A_46] : memref<10240x128xf32, #tpu.memory_space<hbm>> -> memref<10240x128xf32, #tpu.memory_space<hbm>>
      tpu.enqueue_indirect_dma source(%dma_start3A_47 : memref<10240x128xf32, #tpu.memory_space<hbm>>) target(%dma_start3A_41 : memref<64x128xf32, #tpu.memory_space<vmem>>) offsets(%dma_start3A_44 : memref<64xi32, #tpu.memory_space<vmem>>) semaphore(%arg12 : memref<!tpu.dma_semaphore, #tpu.memory_space<semaphore_mem>>)
      %dma_start3A_48 = arith.constant 0 : i32
      %dma_start3A_49 = arith.constant 64 : i32
      %dma_start3A_50 = arith.constant 0 : i32
      %dma_start3A_51 = tpu.memref_slice %arg10[%dma_start3A_49, %dma_start3A_50] : memref<128x128xf32, #tpu.memory_space<vmem>> -> memref<64x128xf32, #tpu.memory_space<vmem>>
      %dma_start3A_52 = arith.constant 64 : i32
      %dma_start3A_53 = tpu.memref_slice %arg6[%dma_start3A_48, %dma_start3A_52] : memref<8x128xi32, #tpu.memory_space<vmem>> -> memref<1x64xi32, #tpu.memory_space<vmem>>
      %dma_start3A_54 = tpu.memref_squeeze %dma_start3A_53 : memref<1x64xi32, #tpu.memory_space<vmem>> -> memref<64xi32, #tpu.memory_space<vmem>>
      %dma_start3A_55 = arith.constant 0 : i32
      %dma_start3A_56 = arith.constant 0 : i32
      %dma_start3A_57 = tpu.memref_slice %arg2[%dma_start3A_55, %dma_start3A_56] : memref<10240x128xf32, #tpu.memory_space<hbm>> -> memref<10240x128xf32, #tpu.memory_space<hbm>>
      tpu.enqueue_indirect_dma source(%dma_start3A_57 : memref<10240x128xf32, #tpu.memory_space<hbm>>) target(%dma_start3A_51 : memref<64x128xf32, #tpu.memory_space<vmem>>) offsets(%dma_start3A_54 : memref<64xi32, #tpu.memory_space<vmem>>) semaphore(%arg12 : memref<!tpu.dma_semaphore, #tpu.memory_space<semaphore_mem>>)
    } else {
    }
    %sub3A = arith.constant 0 : i32
    %sub3A_13 = arith.subi %select_n3A_6, %sub3A : i32
    %sub3A_14 = arith.constant 2 : i32
    %sub3A_15 = arith.constant 1 : i32
    %sub3A_16 = arith.subi %sub3A_14, %sub3A_15 : i32
    %add3A_17 = arith.addi %sub3A_13, %sub3A_16 : i32
    %div3A = arith.constant 2 : i32
    %div3A_18 = arith.divsi %add3A_17, %div3A : i32
    %while3A = arith.constant 2 : i32
    %while3A_19 = arith.constant 0 : i32
    %while3A_20 = arith.constant 0 : i32
    %while3A_21 = arith.subi %div3A_18, %while3A_20 : i32
    %while3A_22 = arith.addi %while3A_20, %while3A_21 : i32
    %while3A_23 = arith.constant 1 : i32
    %while3A_24 = arith.divsi %while3A_21, %while3A_23 : i32
    %while3A_25 = arith.muli %while3A_24, %while3A_23 : i32
    %while3A_26 = arith.addi %while3A_20, %while3A_25 : i32
    %while3A_27 = arith.constant 1 : i32
    scf.for %while3A_39 = %while3A_20 to %while3A_26 step %while3A_27  : i32 {
      %mul3A_40 = arith.muli %while3A_39, %while3A : i32
      %add3A_41 = arith.addi %while3A_19, %mul3A_40 : i32
      %add3A_42 = arith.constant 0 : i32
      %add3A_43 = arith.addi %add3A_41, %add3A_42 : i32
      %dma_wait3A = arith.constant 0 : i32
      %dma_wait3A_44 = arith.constant 0 : i32
      %dma_wait3A_45 = arith.constant 0 : i32
      %dma_wait3A_46 = tpu.memref_slice %arg10[%dma_wait3A_44, %dma_wait3A_45] : memref<128x128xf32, #tpu.memory_space<vmem>> -> memref<64x128xf32, #tpu.memory_space<vmem>>
      %dma_wait3A_47 = arith.constant 0 : i32
      %dma_wait3A_48 = tpu.memref_slice %arg6[%dma_wait3A, %dma_wait3A_47] : memref<8x128xi32, #tpu.memory_space<vmem>> -> memref<1x64xi32, #tpu.memory_space<vmem>>
      %dma_wait3A_49 = tpu.memref_squeeze %dma_wait3A_48 : memref<1x64xi32, #tpu.memory_space<vmem>> -> memref<64xi32, #tpu.memory_space<vmem>>
      %dma_wait3A_50 = arith.constant 0 : i32
      %dma_wait3A_51 = arith.constant 0 : i32
      %dma_wait3A_52 = tpu.memref_slice %arg2[%dma_wait3A_50, %dma_wait3A_51] : memref<10240x128xf32, #tpu.memory_space<hbm>> -> memref<10240x128xf32, #tpu.memory_space<hbm>>
      tpu.wait_indirect_dma semaphore(%arg12 : memref<!tpu.dma_semaphore, #tpu.memory_space<semaphore_mem>>) src(%dma_wait3A_52 : memref<10240x128xf32, #tpu.memory_space<hbm>>) dst(%dma_wait3A_46 : memref<64x128xf32, #tpu.memory_space<vmem>>)
      %dma_wait3A_53 = arith.constant 0 : i32
      %dma_wait3A_54 = arith.constant 64 : i32
      %dma_wait3A_55 = arith.constant 0 : i32
      %dma_wait3A_56 = tpu.memref_slice %arg10[%dma_wait3A_54, %dma_wait3A_55] : memref<128x128xf32, #tpu.memory_space<vmem>> -> memref<64x128xf32, #tpu.memory_space<vmem>>
      %dma_wait3A_57 = arith.constant 64 : i32
      %dma_wait3A_58 = tpu.memref_slice %arg6[%dma_wait3A_53, %dma_wait3A_57] : memref<8x128xi32, #tpu.memory_space<vmem>> -> memref<1x64xi32, #tpu.memory_space<vmem>>
      %dma_wait3A_59 = tpu.memref_squeeze %dma_wait3A_58 : memref<1x64xi32, #tpu.memory_space<vmem>> -> memref<64xi32, #tpu.memory_space<vmem>>
      %dma_wait3A_60 = arith.constant 0 : i32
      %dma_wait3A_61 = arith.constant 0 : i32
      %dma_wait3A_62 = tpu.memref_slice %arg2[%dma_wait3A_60, %dma_wait3A_61] : memref<10240x128xf32, #tpu.memory_space<hbm>> -> memref<10240x128xf32, #tpu.memory_space<hbm>>
      tpu.wait_indirect_dma semaphore(%arg12 : memref<!tpu.dma_semaphore, #tpu.memory_space<semaphore_mem>>) src(%dma_wait3A_62 : memref<10240x128xf32, #tpu.memory_space<hbm>>) dst(%dma_wait3A_56 : memref<64x128xf32, #tpu.memory_space<vmem>>)
      %dma_start3A = arith.constant 0 : i32
      %dma_start3A_63 = arith.constant 0 : i32
      %dma_start3A_64 = tpu.memref_slice %arg8[%dma_start3A, %dma_start3A_63] : memref<8x128xi32, #tpu.memory_space<vmem>> -> memref<1x128xi32, #tpu.memory_space<vmem>>
      %dma_start3A_65 = tpu.memref_squeeze %dma_start3A_64 : memref<1x128xi32, #tpu.memory_space<vmem>> -> memref<128xi32, #tpu.memory_space<vmem>>
      %dma_start3A_66 = arith.constant 0 : i32
      %dma_start3A_67 = arith.constant 0 : i32
      %dma_start3A_68 = tpu.memref_slice %arg18[%dma_start3A_66, %dma_start3A_67] : memref<10240x128xf32, #tpu.memory_space<vmem_shared>> -> memref<10240x128xf32, #tpu.memory_space<vmem_shared>>
      tpu.enqueue_indirect_dma source(%arg10 : memref<128x128xf32, #tpu.memory_space<vmem>>) target(%dma_start3A_68 : memref<10240x128xf32, #tpu.memory_space<vmem_shared>>) offsets(%dma_start3A_65 : memref<128xi32, #tpu.memory_space<vmem>>) semaphore(%arg14 : memref<!tpu.dma_semaphore, #tpu.memory_space<semaphore_mem>>) {add = true}
      %gt3A_69 = arith.constant 0 : i32
      %gt3A_70 = arith.cmpi sgt, %add3A_43, %gt3A_69 : i32
      %convert_element_type3A_71 = arith.extui %gt3A_70 : i1 to i32
      %cond3A_72 = arith.constant 0 : i32
      %cond3A_73 = arith.cmpi ne, %convert_element_type3A_71, %cond3A_72 : i32
      scf.if %cond3A_73 {
        %dma_wait3A_887 = arith.constant 7 : i32
        %dma_wait3A_888 = arith.constant 0 : i32
        %dma_wait3A_889 = tpu.memref_slice %arg9[%dma_wait3A_887, %dma_wait3A_888] : memref<8x128xi32, #tpu.memory_space<vmem>> -> memref<1x128xi32, #tpu.memory_space<vmem>>
        %dma_wait3A_890 = tpu.memref_squeeze %dma_wait3A_889 : memref<1x128xi32, #tpu.memory_space<vmem>> -> memref<128xi32, #tpu.memory_space<vmem>>
        %dma_wait3A_891 = arith.constant 0 : i32
        %dma_wait3A_892 = arith.constant 0 : i32
        %dma_wait3A_893 = tpu.memref_slice %arg18[%dma_wait3A_891, %dma_wait3A_892] : memref<10240x128xf32, #tpu.memory_space<vmem_shared>> -> memref<10240x128xf32, #tpu.memory_space<vmem_shared>>
        tpu.wait_indirect_dma semaphore(%arg15 : memref<!tpu.dma_semaphore, #tpu.memory_space<semaphore_mem>>) src(%arg11 : memref<128x128xf32, #tpu.memory_space<vmem>>) dst(%dma_wait3A_893 : memref<10240x128xf32, #tpu.memory_space<vmem_shared>>)
      } else {
      }
      %add3A_74 = arith.constant 1 : i32
      %add3A_75 = arith.addi %add3A_43, %add3A_74 : i32
      %lt3A = arith.cmpi slt, %add3A_75, %select_n3A_6 : i32
      %convert_element_type3A_76 = arith.extui %lt3A : i1 to i32
      %cond3A_77 = arith.constant 0 : i32
      %cond3A_78 = arith.cmpi ne, %convert_element_type3A_76, %cond3A_77 : i32
      scf.if %cond3A_78 {
        %add3A_887 = arith.constant 1 : i32
        %add3A_888 = arith.addi %add3A_43, %add3A_887 : i32
        %mul3A_889 = arith.constant 8 : i32
        %mul3A_890 = arith.muli %add3A_888, %mul3A_889 : i32
        %add3A_891 = arith.addi %select_n3A, %mul3A_890 : i32
        %dma_start3A_892 = arith.constant 0 : i32
        %dma_start3A_893 = tpu.memref_slice %arg3[%add3A_891, %dma_start3A_892] : memref<2560x128xi32, #tpu.memory_space<hbm>> -> memref<8x128xi32, #tpu.memory_space<hbm>>
        %dma_start3A_894 = arith.constant 0 : i32
        %dma_start3A_895 = tpu.memref_slice %arg3[%add3A_891, %dma_start3A_894] : memref<2560x128xi32, #tpu.memory_space<hbm>> -> memref<8x128xi32, #tpu.memory_space<hbm>>
        tpu.enqueue_dma source(%dma_start3A_895 : memref<8x128xi32, #tpu.memory_space<hbm>>) target(%arg7 : memref<8x128xi32, #tpu.memory_space<vmem>>) target_semaphore(%arg17 : memref<!tpu.dma_semaphore, #tpu.memory_space<semaphore_mem>>)
        %dma_start3A_896 = arith.constant 0 : i32
        %dma_start3A_897 = tpu.memref_slice %arg4[%add3A_891, %dma_start3A_896] : memref<2560x128xi32, #tpu.memory_space<hbm>> -> memref<8x128xi32, #tpu.memory_space<hbm>>
        %dma_start3A_898 = arith.constant 0 : i32
        %dma_start3A_899 = tpu.memref_slice %arg4[%add3A_891, %dma_start3A_898] : memref<2560x128xi32, #tpu.memory_space<hbm>> -> memref<8x128xi32, #tpu.memory_space<hbm>>
        tpu.enqueue_dma source(%dma_start3A_899 : memref<8x128xi32, #tpu.memory_space<hbm>>) target(%arg9 : memref<8x128xi32, #tpu.memory_space<vmem>>) target_semaphore(%arg17 : memref<!tpu.dma_semaphore, #tpu.memory_space<semaphore_mem>>)
      } else {
      }
      %dma_start3A_79 = arith.constant 1 : i32
      %dma_start3A_80 = arith.constant 0 : i32
      %dma_start3A_81 = arith.constant 0 : i32
      %dma_start3A_82 = tpu.memref_slice %arg11[%dma_start3A_80, %dma_start3A_81] : memref<128x128xf32, #tpu.memory_space<vmem>> -> memref<64x128xf32, #tpu.memory_space<vmem>>
      %dma_start3A_83 = arith.constant 0 : i32
      %dma_start3A_84 = tpu.memref_slice %arg6[%dma_start3A_79, %dma_start3A_83] : memref<8x128xi32, #tpu.memory_space<vmem>> -> memref<1x64xi32, #tpu.memory_space<vmem>>
      %dma_start3A_85 = tpu.memref_squeeze %dma_start3A_84 : memref<1x64xi32, #tpu.memory_space<vmem>> -> memref<64xi32, #tpu.memory_space<vmem>>
      %dma_start3A_86 = arith.constant 0 : i32
      %dma_start3A_87 = arith.constant 0 : i32
      %dma_start3A_88 = tpu.memref_slice %arg2[%dma_start3A_86, %dma_start3A_87] : memref<10240x128xf32, #tpu.memory_space<hbm>> -> memref<10240x128xf32, #tpu.memory_space<hbm>>
      tpu.enqueue_indirect_dma source(%dma_start3A_88 : memref<10240x128xf32, #tpu.memory_space<hbm>>) target(%dma_start3A_82 : memref<64x128xf32, #tpu.memory_space<vmem>>) offsets(%dma_start3A_85 : memref<64xi32, #tpu.memory_space<vmem>>) semaphore(%arg13 : memref<!tpu.dma_semaphore, #tpu.memory_space<semaphore_mem>>)
      %dma_start3A_89 = arith.constant 1 : i32
      %dma_start3A_90 = arith.constant 64 : i32
      %dma_start3A_91 = arith.constant 0 : i32
      %dma_start3A_92 = tpu.memref_slice %arg11[%dma_start3A_90, %dma_start3A_91] : memref<128x128xf32, #tpu.memory_space<vmem>> -> memref<64x128xf32, #tpu.memory_space<vmem>>
      %dma_start3A_93 = arith.constant 64 : i32
      %dma_start3A_94 = tpu.memref_slice %arg6[%dma_start3A_89, %dma_start3A_93] : memref<8x128xi32, #tpu.memory_space<vmem>> -> memref<1x64xi32, #tpu.memory_space<vmem>>
      %dma_start3A_95 = tpu.memref_squeeze %dma_start3A_94 : memref<1x64xi32, #tpu.memory_space<vmem>> -> memref<64xi32, #tpu.memory_space<vmem>>
      %dma_start3A_96 = arith.constant 0 : i32
      %dma_start3A_97 = arith.constant 0 : i32
      %dma_start3A_98 = tpu.memref_slice %arg2[%dma_start3A_96, %dma_start3A_97] : memref<10240x128xf32, #tpu.memory_space<hbm>> -> memref<10240x128xf32, #tpu.memory_space<hbm>>
      tpu.enqueue_indirect_dma source(%dma_start3A_98 : memref<10240x128xf32, #tpu.memory_space<hbm>>) target(%dma_start3A_92 : memref<64x128xf32, #tpu.memory_space<vmem>>) offsets(%dma_start3A_95 : memref<64xi32, #tpu.memory_space<vmem>>) semaphore(%arg13 : memref<!tpu.dma_semaphore, #tpu.memory_space<semaphore_mem>>)
      %dma_wait3A_99 = arith.constant 1 : i32
      %dma_wait3A_100 = arith.constant 0 : i32
      %dma_wait3A_101 = arith.constant 0 : i32
      %dma_wait3A_102 = tpu.memref_slice %arg11[%dma_wait3A_100, %dma_wait3A_101] : memref<128x128xf32, #tpu.memory_space<vmem>> -> memref<64x128xf32, #tpu.memory_space<vmem>>
      %dma_wait3A_103 = arith.constant 0 : i32
      %dma_wait3A_104 = tpu.memref_slice %arg6[%dma_wait3A_99, %dma_wait3A_103] : memref<8x128xi32, #tpu.memory_space<vmem>> -> memref<1x64xi32, #tpu.memory_space<vmem>>
      %dma_wait3A_105 = tpu.memref_squeeze %dma_wait3A_104 : memref<1x64xi32, #tpu.memory_space<vmem>> -> memref<64xi32, #tpu.memory_space<vmem>>
      %dma_wait3A_106 = arith.constant 0 : i32
      %dma_wait3A_107 = arith.constant 0 : i32
      %dma_wait3A_108 = tpu.memref_slice %arg2[%dma_wait3A_106, %dma_wait3A_107] : memref<10240x128xf32, #tpu.memory_space<hbm>> -> memref<10240x128xf32, #tpu.memory_space<hbm>>
      tpu.wait_indirect_dma semaphore(%arg13 : memref<!tpu.dma_semaphore, #tpu.memory_space<semaphore_mem>>) src(%dma_wait3A_108 : memref<10240x128xf32, #tpu.memory_space<hbm>>) dst(%dma_wait3A_102 : memref<64x128xf32, #tpu.memory_space<vmem>>)
      %dma_wait3A_109 = arith.constant 1 : i32
      %dma_wait3A_110 = arith.constant 64 : i32
      %dma_wait3A_111 = arith.constant 0 : i32
      %dma_wait3A_112 = tpu.memref_slice %arg11[%dma_wait3A_110, %dma_wait3A_111] : memref<128x128xf32, #tpu.memory_space<vmem>> -> memref<64x128xf32, #tpu.memory_space<vmem>>
      %dma_wait3A_113 = arith.constant 64 : i32
      %dma_wait3A_114 = tpu.memref_slice %arg6[%dma_wait3A_109, %dma_wait3A_113] : memref<8x128xi32, #tpu.memory_space<vmem>> -> memref<1x64xi32, #tpu.memory_space<vmem>>
      %dma_wait3A_115 = tpu.memref_squeeze %dma_wait3A_114 : memref<1x64xi32, #tpu.memory_space<vmem>> -> memref<64xi32, #tpu.memory_space<vmem>>
      %dma_wait3A_116 = arith.constant 0 : i32
      %dma_wait3A_117 = arith.constant 0 : i32
      %dma_wait3A_118 = tpu.memref_slice %arg2[%dma_wait3A_116, %dma_wait3A_117] : memref<10240x128xf32, #tpu.memory_space<hbm>> -> memref<10240x128xf32, #tpu.memory_space<hbm>>
      tpu.wait_indirect_dma semaphore(%arg13 : memref<!tpu.dma_semaphore, #tpu.memory_space<semaphore_mem>>) src(%dma_wait3A_118 : memref<10240x128xf32, #tpu.memory_space<hbm>>) dst(%dma_wait3A_112 : memref<64x128xf32, #tpu.memory_space<vmem>>)
      %dma_start3A_119 = arith.constant 1 : i32
      %dma_start3A_120 = arith.constant 0 : i32
      %dma_start3A_121 = tpu.memref_slice %arg8[%dma_start3A_119, %dma_start3A_120] : memref<8x128xi32, #tpu.memory_space<vmem>> -> memref<1x128xi32, #tpu.memory_space<vmem>>
      %dma_start3A_122 = tpu.memref_squeeze %dma_start3A_121 : memref<1x128xi32, #tpu.memory_space<vmem>> -> memref<128xi32, #tpu.memory_space<vmem>>
      %dma_start3A_123 = arith.constant 0 : i32
      %dma_start3A_124 = arith.constant 0 : i32
      %dma_start3A_125 = tpu.memref_slice %arg18[%dma_start3A_123, %dma_start3A_124] : memref<10240x128xf32, #tpu.memory_space<vmem_shared>> -> memref<10240x128xf32, #tpu.memory_space<vmem_shared>>
      tpu.enqueue_indirect_dma source(%arg11 : memref<128x128xf32, #tpu.memory_space<vmem>>) target(%dma_start3A_125 : memref<10240x128xf32, #tpu.memory_space<vmem_shared>>) offsets(%dma_start3A_122 : memref<128xi32, #tpu.memory_space<vmem>>) semaphore(%arg15 : memref<!tpu.dma_semaphore, #tpu.memory_space<semaphore_mem>>) {add = true}
      %dma_wait3A_126 = arith.constant 0 : i32
      %dma_wait3A_127 = arith.constant 0 : i32
      %dma_wait3A_128 = tpu.memref_slice %arg8[%dma_wait3A_126, %dma_wait3A_127] : memref<8x128xi32, #tpu.memory_space<vmem>> -> memref<1x128xi32, #tpu.memory_space<vmem>>
      %dma_wait3A_129 = tpu.memref_squeeze %dma_wait3A_128 : memref<1x128xi32, #tpu.memory_space<vmem>> -> memref<128xi32, #tpu.memory_space<vmem>>
      %dma_wait3A_130 = arith.constant 0 : i32
      %dma_wait3A_131 = arith.constant 0 : i32
      %dma_wait3A_132 = tpu.memref_slice %arg18[%dma_wait3A_130, %dma_wait3A_131] : memref<10240x128xf32, #tpu.memory_space<vmem_shared>> -> memref<10240x128xf32, #tpu.memory_space<vmem_shared>>
      tpu.wait_indirect_dma semaphore(%arg14 : memref<!tpu.dma_semaphore, #tpu.memory_space<semaphore_mem>>) src(%arg10 : memref<128x128xf32, #tpu.memory_space<vmem>>) dst(%dma_wait3A_132 : memref<10240x128xf32, #tpu.memory_space<vmem_shared>>)
      %dma_start3A_133 = arith.constant 2 : i32
      %dma_start3A_134 = arith.constant 0 : i32
      %dma_start3A_135 = arith.constant 0 : i32
      %dma_start3A_136 = tpu.memref_slice %arg10[%dma_start3A_134, %dma_start3A_135] : memref<128x128xf32, #tpu.memory_space<vmem>> -> memref<64x128xf32, #tpu.memory_space<vmem>>
      %dma_start3A_137 = arith.constant 0 : i32
      %dma_start3A_138 = tpu.memref_slice %arg6[%dma_start3A_133, %dma_start3A_137] : memref<8x128xi32, #tpu.memory_space<vmem>> -> memref<1x64xi32, #tpu.memory_space<vmem>>
      %dma_start3A_139 = tpu.memref_squeeze %dma_start3A_138 : memref<1x64xi32, #tpu.memory_space<vmem>> -> memref<64xi32, #tpu.memory_space<vmem>>
      %dma_start3A_140 = arith.constant 0 : i32
      %dma_start3A_141 = arith.constant 0 : i32
      %dma_start3A_142 = tpu.memref_slice %arg2[%dma_start3A_140, %dma_start3A_141] : memref<10240x128xf32, #tpu.memory_space<hbm>> -> memref<10240x128xf32, #tpu.memory_space<hbm>>
      tpu.enqueue_indirect_dma source(%dma_start3A_142 : memref<10240x128xf32, #tpu.memory_space<hbm>>) target(%dma_start3A_136 : memref<64x128xf32, #tpu.memory_space<vmem>>) offsets(%dma_start3A_139 : memref<64xi32, #tpu.memory_space<vmem>>) semaphore(%arg12 : memref<!tpu.dma_semaphore, #tpu.memory_space<semaphore_mem>>)
      %dma_start3A_143 = arith.constant 2 : i32
      %dma_start3A_144 = arith.constant 64 : i32
      %dma_start3A_145 = arith.constant 0 : i32
      %dma_start3A_146 = tpu.memref_slice %arg10[%dma_start3A_144, %dma_start3A_145] : memref<128x128xf32, #tpu.memory_space<vmem>> -> memref<64x128xf32, #tpu.memory_space<vmem>>
      %dma_start3A_147 = arith.constant 64 : i32
      %dma_start3A_148 = tpu.memref_slice %arg6[%dma_start3A_143, %dma_start3A_147] : memref<8x128xi32, #tpu.memory_space<vmem>> -> memref<1x64xi32, #tpu.memory_space<vmem>>
      %dma_start3A_149 = tpu.memref_squeeze %dma_start3A_148 : memref<1x64xi32, #tpu.memory_space<vmem>> -> memref<64xi32, #tpu.memory_space<vmem>>
      %dma_start3A_150 = arith.constant 0 : i32
      %dma_start3A_151 = arith.constant 0 : i32
      %dma_start3A_152 = tpu.memref_slice %arg2[%dma_start3A_150, %dma_start3A_151] : memref<10240x128xf32, #tpu.memory_space<hbm>> -> memref<10240x128xf32, #tpu.memory_space<hbm>>
      tpu.enqueue_indirect_dma source(%dma_start3A_152 : memref<10240x128xf32, #tpu.memory_space<hbm>>) target(%dma_start3A_146 : memref<64x128xf32, #tpu.memory_space<vmem>>) offsets(%dma_start3A_149 : memref<64xi32, #tpu.memory_space<vmem>>) semaphore(%arg12 : memref<!tpu.dma_semaphore, #tpu.memory_space<semaphore_mem>>)
      %dma_wait3A_153 = arith.constant 2 : i32
      %dma_wait3A_154 = arith.constant 0 : i32
      %dma_wait3A_155 = arith.constant 0 : i32
      %dma_wait3A_156 = tpu.memref_slice %arg10[%dma_wait3A_154, %dma_wait3A_155] : memref<128x128xf32, #tpu.memory_space<vmem>> -> memref<64x128xf32, #tpu.memory_space<vmem>>
      %dma_wait3A_157 = arith.constant 0 : i32
      %dma_wait3A_158 = tpu.memref_slice %arg6[%dma_wait3A_153, %dma_wait3A_157] : memref<8x128xi32, #tpu.memory_space<vmem>> -> memref<1x64xi32, #tpu.memory_space<vmem>>
      %dma_wait3A_159 = tpu.memref_squeeze %dma_wait3A_158 : memref<1x64xi32, #tpu.memory_space<vmem>> -> memref<64xi32, #tpu.memory_space<vmem>>
      %dma_wait3A_160 = arith.constant 0 : i32
      %dma_wait3A_161 = arith.constant 0 : i32
      %dma_wait3A_162 = tpu.memref_slice %arg2[%dma_wait3A_160, %dma_wait3A_161] : memref<10240x128xf32, #tpu.memory_space<hbm>> -> memref<10240x128xf32, #tpu.memory_space<hbm>>
      tpu.wait_indirect_dma semaphore(%arg12 : memref<!tpu.dma_semaphore, #tpu.memory_space<semaphore_mem>>) src(%dma_wait3A_162 : memref<10240x128xf32, #tpu.memory_space<hbm>>) dst(%dma_wait3A_156 : memref<64x128xf32, #tpu.memory_space<vmem>>)
      %dma_wait3A_163 = arith.constant 2 : i32
      %dma_wait3A_164 = arith.constant 64 : i32
      %dma_wait3A_165 = arith.constant 0 : i32
      %dma_wait3A_166 = tpu.memref_slice %arg10[%dma_wait3A_164, %dma_wait3A_165] : memref<128x128xf32, #tpu.memory_space<vmem>> -> memref<64x128xf32, #tpu.memory_space<vmem>>
      %dma_wait3A_167 = arith.constant 64 : i32
      %dma_wait3A_168 = tpu.memref_slice %arg6[%dma_wait3A_163, %dma_wait3A_167] : memref<8x128xi32, #tpu.memory_space<vmem>> -> memref<1x64xi32, #tpu.memory_space<vmem>>
      %dma_wait3A_169 = tpu.memref_squeeze %dma_wait3A_168 : memref<1x64xi32, #tpu.memory_space<vmem>> -> memref<64xi32, #tpu.memory_space<vmem>>
      %dma_wait3A_170 = arith.constant 0 : i32
      %dma_wait3A_171 = arith.constant 0 : i32
      %dma_wait3A_172 = tpu.memref_slice %arg2[%dma_wait3A_170, %dma_wait3A_171] : memref<10240x128xf32, #tpu.memory_space<hbm>> -> memref<10240x128xf32, #tpu.memory_space<hbm>>
      tpu.wait_indirect_dma semaphore(%arg12 : memref<!tpu.dma_semaphore, #tpu.memory_space<semaphore_mem>>) src(%dma_wait3A_172 : memref<10240x128xf32, #tpu.memory_space<hbm>>) dst(%dma_wait3A_166 : memref<64x128xf32, #tpu.memory_space<vmem>>)
      %dma_start3A_173 = arith.constant 2 : i32
      %dma_start3A_174 = arith.constant 0 : i32
      %dma_start3A_175 = tpu.memref_slice %arg8[%dma_start3A_173, %dma_start3A_174] : memref<8x128xi32, #tpu.memory_space<vmem>> -> memref<1x128xi32, #tpu.memory_space<vmem>>
      %dma_start3A_176 = tpu.memref_squeeze %dma_start3A_175 : memref<1x128xi32, #tpu.memory_space<vmem>> -> memref<128xi32, #tpu.memory_space<vmem>>
      %dma_start3A_177 = arith.constant 0 : i32
      %dma_start3A_178 = arith.constant 0 : i32
      %dma_start3A_179 = tpu.memref_slice %arg18[%dma_start3A_177, %dma_start3A_178] : memref<10240x128xf32, #tpu.memory_space<vmem_shared>> -> memref<10240x128xf32, #tpu.memory_space<vmem_shared>>
      tpu.enqueue_indirect_dma source(%arg10 : memref<128x128xf32, #tpu.memory_space<vmem>>) target(%dma_start3A_179 : memref<10240x128xf32, #tpu.memory_space<vmem_shared>>) offsets(%dma_start3A_176 : memref<128xi32, #tpu.memory_space<vmem>>) semaphore(%arg14 : memref<!tpu.dma_semaphore, #tpu.memory_space<semaphore_mem>>) {add = true}
      %dma_wait3A_180 = arith.constant 1 : i32
      %dma_wait3A_181 = arith.constant 0 : i32
      %dma_wait3A_182 = tpu.memref_slice %arg8[%dma_wait3A_180, %dma_wait3A_181] : memref<8x128xi32, #tpu.memory_space<vmem>> -> memref<1x128xi32, #tpu.memory_space<vmem>>
      %dma_wait3A_183 = tpu.memref_squeeze %dma_wait3A_182 : memref<1x128xi32, #tpu.memory_space<vmem>> -> memref<128xi32, #tpu.memory_space<vmem>>
      %dma_wait3A_184 = arith.constant 0 : i32
      %dma_wait3A_185 = arith.constant 0 : i32
      %dma_wait3A_186 = tpu.memref_slice %arg18[%dma_wait3A_184, %dma_wait3A_185] : memref<10240x128xf32, #tpu.memory_space<vmem_shared>> -> memref<10240x128xf32, #tpu.memory_space<vmem_shared>>
      tpu.wait_indirect_dma semaphore(%arg15 : memref<!tpu.dma_semaphore, #tpu.memory_space<semaphore_mem>>) src(%arg11 : memref<128x128xf32, #tpu.memory_space<vmem>>) dst(%dma_wait3A_186 : memref<10240x128xf32, #tpu.memory_space<vmem_shared>>)
      %dma_start3A_187 = arith.constant 3 : i32
      %dma_start3A_188 = arith.constant 0 : i32
      %dma_start3A_189 = arith.constant 0 : i32
      %dma_start3A_190 = tpu.memref_slice %arg11[%dma_start3A_188, %dma_start3A_189] : memref<128x128xf32, #tpu.memory_space<vmem>> -> memref<64x128xf32, #tpu.memory_space<vmem>>
      %dma_start3A_191 = arith.constant 0 : i32
      %dma_start3A_192 = tpu.memref_slice %arg6[%dma_start3A_187, %dma_start3A_191] : memref<8x128xi32, #tpu.memory_space<vmem>> -> memref<1x64xi32, #tpu.memory_space<vmem>>
      %dma_start3A_193 = tpu.memref_squeeze %dma_start3A_192 : memref<1x64xi32, #tpu.memory_space<vmem>> -> memref<64xi32, #tpu.memory_space<vmem>>
      %dma_start3A_194 = arith.constant 0 : i32
      %dma_start3A_195 = arith.constant 0 : i32
      %dma_start3A_196 = tpu.memref_slice %arg2[%dma_start3A_194, %dma_start3A_195] : memref<10240x128xf32, #tpu.memory_space<hbm>> -> memref<10240x128xf32, #tpu.memory_space<hbm>>
      tpu.enqueue_indirect_dma source(%dma_start3A_196 : memref<10240x128xf32, #tpu.memory_space<hbm>>) target(%dma_start3A_190 : memref<64x128xf32, #tpu.memory_space<vmem>>) offsets(%dma_start3A_193 : memref<64xi32, #tpu.memory_space<vmem>>) semaphore(%arg13 : memref<!tpu.dma_semaphore, #tpu.memory_space<semaphore_mem>>)
      %dma_start3A_197 = arith.constant 3 : i32
      %dma_start3A_198 = arith.constant 64 : i32
      %dma_start3A_199 = arith.constant 0 : i32
      %dma_start3A_200 = tpu.memref_slice %arg11[%dma_start3A_198, %dma_start3A_199] : memref<128x128xf32, #tpu.memory_space<vmem>> -> memref<64x128xf32, #tpu.memory_space<vmem>>
      %dma_start3A_201 = arith.constant 64 : i32
      %dma_start3A_202 = tpu.memref_slice %arg6[%dma_start3A_197, %dma_start3A_201] : memref<8x128xi32, #tpu.memory_space<vmem>> -> memref<1x64xi32, #tpu.memory_space<vmem>>
      %dma_start3A_203 = tpu.memref_squeeze %dma_start3A_202 : memref<1x64xi32, #tpu.memory_space<vmem>> -> memref<64xi32, #tpu.memory_space<vmem>>
      %dma_start3A_204 = arith.constant 0 : i32
      %dma_start3A_205 = arith.constant 0 : i32
      %dma_start3A_206 = tpu.memref_slice %arg2[%dma_start3A_204, %dma_start3A_205] : memref<10240x128xf32, #tpu.memory_space<hbm>> -> memref<10240x128xf32, #tpu.memory_space<hbm>>
      tpu.enqueue_indirect_dma source(%dma_start3A_206 : memref<10240x128xf32, #tpu.memory_space<hbm>>) target(%dma_start3A_200 : memref<64x128xf32, #tpu.memory_space<vmem>>) offsets(%dma_start3A_203 : memref<64xi32, #tpu.memory_space<vmem>>) semaphore(%arg13 : memref<!tpu.dma_semaphore, #tpu.memory_space<semaphore_mem>>)
      %dma_wait3A_207 = arith.constant 3 : i32
      %dma_wait3A_208 = arith.constant 0 : i32
      %dma_wait3A_209 = arith.constant 0 : i32
      %dma_wait3A_210 = tpu.memref_slice %arg11[%dma_wait3A_208, %dma_wait3A_209] : memref<128x128xf32, #tpu.memory_space<vmem>> -> memref<64x128xf32, #tpu.memory_space<vmem>>
      %dma_wait3A_211 = arith.constant 0 : i32
      %dma_wait3A_212 = tpu.memref_slice %arg6[%dma_wait3A_207, %dma_wait3A_211] : memref<8x128xi32, #tpu.memory_space<vmem>> -> memref<1x64xi32, #tpu.memory_space<vmem>>
      %dma_wait3A_213 = tpu.memref_squeeze %dma_wait3A_212 : memref<1x64xi32, #tpu.memory_space<vmem>> -> memref<64xi32, #tpu.memory_space<vmem>>
      %dma_wait3A_214 = arith.constant 0 : i32
      %dma_wait3A_215 = arith.constant 0 : i32
      %dma_wait3A_216 = tpu.memref_slice %arg2[%dma_wait3A_214, %dma_wait3A_215] : memref<10240x128xf32, #tpu.memory_space<hbm>> -> memref<10240x128xf32, #tpu.memory_space<hbm>>
      tpu.wait_indirect_dma semaphore(%arg13 : memref<!tpu.dma_semaphore, #tpu.memory_space<semaphore_mem>>) src(%dma_wait3A_216 : memref<10240x128xf32, #tpu.memory_space<hbm>>) dst(%dma_wait3A_210 : memref<64x128xf32, #tpu.memory_space<vmem>>)
      %dma_wait3A_217 = arith.constant 3 : i32
      %dma_wait3A_218 = arith.constant 64 : i32
      %dma_wait3A_219 = arith.constant 0 : i32
      %dma_wait3A_220 = tpu.memref_slice %arg11[%dma_wait3A_218, %dma_wait3A_219] : memref<128x128xf32, #tpu.memory_space<vmem>> -> memref<64x128xf32, #tpu.memory_space<vmem>>
      %dma_wait3A_221 = arith.constant 64 : i32
      %dma_wait3A_222 = tpu.memref_slice %arg6[%dma_wait3A_217, %dma_wait3A_221] : memref<8x128xi32, #tpu.memory_space<vmem>> -> memref<1x64xi32, #tpu.memory_space<vmem>>
      %dma_wait3A_223 = tpu.memref_squeeze %dma_wait3A_222 : memref<1x64xi32, #tpu.memory_space<vmem>> -> memref<64xi32, #tpu.memory_space<vmem>>
      %dma_wait3A_224 = arith.constant 0 : i32
      %dma_wait3A_225 = arith.constant 0 : i32
      %dma_wait3A_226 = tpu.memref_slice %arg2[%dma_wait3A_224, %dma_wait3A_225] : memref<10240x128xf32, #tpu.memory_space<hbm>> -> memref<10240x128xf32, #tpu.memory_space<hbm>>
      tpu.wait_indirect_dma semaphore(%arg13 : memref<!tpu.dma_semaphore, #tpu.memory_space<semaphore_mem>>) src(%dma_wait3A_226 : memref<10240x128xf32, #tpu.memory_space<hbm>>) dst(%dma_wait3A_220 : memref<64x128xf32, #tpu.memory_space<vmem>>)
      %dma_start3A_227 = arith.constant 3 : i32
      %dma_start3A_228 = arith.constant 0 : i32
      %dma_start3A_229 = tpu.memref_slice %arg8[%dma_start3A_227, %dma_start3A_228] : memref<8x128xi32, #tpu.memory_space<vmem>> -> memref<1x128xi32, #tpu.memory_space<vmem>>
      %dma_start3A_230 = tpu.memref_squeeze %dma_start3A_229 : memref<1x128xi32, #tpu.memory_space<vmem>> -> memref<128xi32, #tpu.memory_space<vmem>>
      %dma_start3A_231 = arith.constant 0 : i32
      %dma_start3A_232 = arith.constant 0 : i32
      %dma_start3A_233 = tpu.memref_slice %arg18[%dma_start3A_231, %dma_start3A_232] : memref<10240x128xf32, #tpu.memory_space<vmem_shared>> -> memref<10240x128xf32, #tpu.memory_space<vmem_shared>>
      tpu.enqueue_indirect_dma source(%arg11 : memref<128x128xf32, #tpu.memory_space<vmem>>) target(%dma_start3A_233 : memref<10240x128xf32, #tpu.memory_space<vmem_shared>>) offsets(%dma_start3A_230 : memref<128xi32, #tpu.memory_space<vmem>>) semaphore(%arg15 : memref<!tpu.dma_semaphore, #tpu.memory_space<semaphore_mem>>) {add = true}
      %dma_wait3A_234 = arith.constant 2 : i32
      %dma_wait3A_235 = arith.constant 0 : i32
      %dma_wait3A_236 = tpu.memref_slice %arg8[%dma_wait3A_234, %dma_wait3A_235] : memref<8x128xi32, #tpu.memory_space<vmem>> -> memref<1x128xi32, #tpu.memory_space<vmem>>
      %dma_wait3A_237 = tpu.memref_squeeze %dma_wait3A_236 : memref<1x128xi32, #tpu.memory_space<vmem>> -> memref<128xi32, #tpu.memory_space<vmem>>
      %dma_wait3A_238 = arith.constant 0 : i32
      %dma_wait3A_239 = arith.constant 0 : i32
      %dma_wait3A_240 = tpu.memref_slice %arg18[%dma_wait3A_238, %dma_wait3A_239] : memref<10240x128xf32, #tpu.memory_space<vmem_shared>> -> memref<10240x128xf32, #tpu.memory_space<vmem_shared>>
      tpu.wait_indirect_dma semaphore(%arg14 : memref<!tpu.dma_semaphore, #tpu.memory_space<semaphore_mem>>) src(%arg10 : memref<128x128xf32, #tpu.memory_space<vmem>>) dst(%dma_wait3A_240 : memref<10240x128xf32, #tpu.memory_space<vmem_shared>>)
      %dma_start3A_241 = arith.constant 4 : i32
      %dma_start3A_242 = arith.constant 0 : i32
      %dma_start3A_243 = arith.constant 0 : i32
      %dma_start3A_244 = tpu.memref_slice %arg10[%dma_start3A_242, %dma_start3A_243] : memref<128x128xf32, #tpu.memory_space<vmem>> -> memref<64x128xf32, #tpu.memory_space<vmem>>
      %dma_start3A_245 = arith.constant 0 : i32
      %dma_start3A_246 = tpu.memref_slice %arg6[%dma_start3A_241, %dma_start3A_245] : memref<8x128xi32, #tpu.memory_space<vmem>> -> memref<1x64xi32, #tpu.memory_space<vmem>>
      %dma_start3A_247 = tpu.memref_squeeze %dma_start3A_246 : memref<1x64xi32, #tpu.memory_space<vmem>> -> memref<64xi32, #tpu.memory_space<vmem>>
      %dma_start3A_248 = arith.constant 0 : i32
      %dma_start3A_249 = arith.constant 0 : i32
      %dma_start3A_250 = tpu.memref_slice %arg2[%dma_start3A_248, %dma_start3A_249] : memref<10240x128xf32, #tpu.memory_space<hbm>> -> memref<10240x128xf32, #tpu.memory_space<hbm>>
      tpu.enqueue_indirect_dma source(%dma_start3A_250 : memref<10240x128xf32, #tpu.memory_space<hbm>>) target(%dma_start3A_244 : memref<64x128xf32, #tpu.memory_space<vmem>>) offsets(%dma_start3A_247 : memref<64xi32, #tpu.memory_space<vmem>>) semaphore(%arg12 : memref<!tpu.dma_semaphore, #tpu.memory_space<semaphore_mem>>)
      %dma_start3A_251 = arith.constant 4 : i32
      %dma_start3A_252 = arith.constant 64 : i32
      %dma_start3A_253 = arith.constant 0 : i32
      %dma_start3A_254 = tpu.memref_slice %arg10[%dma_start3A_252, %dma_start3A_253] : memref<128x128xf32, #tpu.memory_space<vmem>> -> memref<64x128xf32, #tpu.memory_space<vmem>>
      %dma_start3A_255 = arith.constant 64 : i32
      %dma_start3A_256 = tpu.memref_slice %arg6[%dma_start3A_251, %dma_start3A_255] : memref<8x128xi32, #tpu.memory_space<vmem>> -> memref<1x64xi32, #tpu.memory_space<vmem>>
      %dma_start3A_257 = tpu.memref_squeeze %dma_start3A_256 : memref<1x64xi32, #tpu.memory_space<vmem>> -> memref<64xi32, #tpu.memory_space<vmem>>
      %dma_start3A_258 = arith.constant 0 : i32
      %dma_start3A_259 = arith.constant 0 : i32
      %dma_start3A_260 = tpu.memref_slice %arg2[%dma_start3A_258, %dma_start3A_259] : memref<10240x128xf32, #tpu.memory_space<hbm>> -> memref<10240x128xf32, #tpu.memory_space<hbm>>
      tpu.enqueue_indirect_dma source(%dma_start3A_260 : memref<10240x128xf32, #tpu.memory_space<hbm>>) target(%dma_start3A_254 : memref<64x128xf32, #tpu.memory_space<vmem>>) offsets(%dma_start3A_257 : memref<64xi32, #tpu.memory_space<vmem>>) semaphore(%arg12 : memref<!tpu.dma_semaphore, #tpu.memory_space<semaphore_mem>>)
      %dma_wait3A_261 = arith.constant 4 : i32
      %dma_wait3A_262 = arith.constant 0 : i32
      %dma_wait3A_263 = arith.constant 0 : i32
      %dma_wait3A_264 = tpu.memref_slice %arg10[%dma_wait3A_262, %dma_wait3A_263] : memref<128x128xf32, #tpu.memory_space<vmem>> -> memref<64x128xf32, #tpu.memory_space<vmem>>
      %dma_wait3A_265 = arith.constant 0 : i32
      %dma_wait3A_266 = tpu.memref_slice %arg6[%dma_wait3A_261, %dma_wait3A_265] : memref<8x128xi32, #tpu.memory_space<vmem>> -> memref<1x64xi32, #tpu.memory_space<vmem>>
      %dma_wait3A_267 = tpu.memref_squeeze %dma_wait3A_266 : memref<1x64xi32, #tpu.memory_space<vmem>> -> memref<64xi32, #tpu.memory_space<vmem>>
      %dma_wait3A_268 = arith.constant 0 : i32
      %dma_wait3A_269 = arith.constant 0 : i32
      %dma_wait3A_270 = tpu.memref_slice %arg2[%dma_wait3A_268, %dma_wait3A_269] : memref<10240x128xf32, #tpu.memory_space<hbm>> -> memref<10240x128xf32, #tpu.memory_space<hbm>>
      tpu.wait_indirect_dma semaphore(%arg12 : memref<!tpu.dma_semaphore, #tpu.memory_space<semaphore_mem>>) src(%dma_wait3A_270 : memref<10240x128xf32, #tpu.memory_space<hbm>>) dst(%dma_wait3A_264 : memref<64x128xf32, #tpu.memory_space<vmem>>)
      %dma_wait3A_271 = arith.constant 4 : i32
      %dma_wait3A_272 = arith.constant 64 : i32
      %dma_wait3A_273 = arith.constant 0 : i32
      %dma_wait3A_274 = tpu.memref_slice %arg10[%dma_wait3A_272, %dma_wait3A_273] : memref<128x128xf32, #tpu.memory_space<vmem>> -> memref<64x128xf32, #tpu.memory_space<vmem>>
      %dma_wait3A_275 = arith.constant 64 : i32
      %dma_wait3A_276 = tpu.memref_slice %arg6[%dma_wait3A_271, %dma_wait3A_275] : memref<8x128xi32, #tpu.memory_space<vmem>> -> memref<1x64xi32, #tpu.memory_space<vmem>>
      %dma_wait3A_277 = tpu.memref_squeeze %dma_wait3A_276 : memref<1x64xi32, #tpu.memory_space<vmem>> -> memref<64xi32, #tpu.memory_space<vmem>>
      %dma_wait3A_278 = arith.constant 0 : i32
      %dma_wait3A_279 = arith.constant 0 : i32
      %dma_wait3A_280 = tpu.memref_slice %arg2[%dma_wait3A_278, %dma_wait3A_279] : memref<10240x128xf32, #tpu.memory_space<hbm>> -> memref<10240x128xf32, #tpu.memory_space<hbm>>
      tpu.wait_indirect_dma semaphore(%arg12 : memref<!tpu.dma_semaphore, #tpu.memory_space<semaphore_mem>>) src(%dma_wait3A_280 : memref<10240x128xf32, #tpu.memory_space<hbm>>) dst(%dma_wait3A_274 : memref<64x128xf32, #tpu.memory_space<vmem>>)
      %dma_start3A_281 = arith.constant 4 : i32
      %dma_start3A_282 = arith.constant 0 : i32
      %dma_start3A_283 = tpu.memref_slice %arg8[%dma_start3A_281, %dma_start3A_282] : memref<8x128xi32, #tpu.memory_space<vmem>> -> memref<1x128xi32, #tpu.memory_space<vmem>>
      %dma_start3A_284 = tpu.memref_squeeze %dma_start3A_283 : memref<1x128xi32, #tpu.memory_space<vmem>> -> memref<128xi32, #tpu.memory_space<vmem>>
      %dma_start3A_285 = arith.constant 0 : i32
      %dma_start3A_286 = arith.constant 0 : i32
      %dma_start3A_287 = tpu.memref_slice %arg18[%dma_start3A_285, %dma_start3A_286] : memref<10240x128xf32, #tpu.memory_space<vmem_shared>> -> memref<10240x128xf32, #tpu.memory_space<vmem_shared>>
      tpu.enqueue_indirect_dma source(%arg10 : memref<128x128xf32, #tpu.memory_space<vmem>>) target(%dma_start3A_287 : memref<10240x128xf32, #tpu.memory_space<vmem_shared>>) offsets(%dma_start3A_284 : memref<128xi32, #tpu.memory_space<vmem>>) semaphore(%arg14 : memref<!tpu.dma_semaphore, #tpu.memory_space<semaphore_mem>>) {add = true}
      %dma_wait3A_288 = arith.constant 3 : i32
      %dma_wait3A_289 = arith.constant 0 : i32
      %dma_wait3A_290 = tpu.memref_slice %arg8[%dma_wait3A_288, %dma_wait3A_289] : memref<8x128xi32, #tpu.memory_space<vmem>> -> memref<1x128xi32, #tpu.memory_space<vmem>>
      %dma_wait3A_291 = tpu.memref_squeeze %dma_wait3A_290 : memref<1x128xi32, #tpu.memory_space<vmem>> -> memref<128xi32, #tpu.memory_space<vmem>>
      %dma_wait3A_292 = arith.constant 0 : i32
      %dma_wait3A_293 = arith.constant 0 : i32
      %dma_wait3A_294 = tpu.memref_slice %arg18[%dma_wait3A_292, %dma_wait3A_293] : memref<10240x128xf32, #tpu.memory_space<vmem_shared>> -> memref<10240x128xf32, #tpu.memory_space<vmem_shared>>
      tpu.wait_indirect_dma semaphore(%arg15 : memref<!tpu.dma_semaphore, #tpu.memory_space<semaphore_mem>>) src(%arg11 : memref<128x128xf32, #tpu.memory_space<vmem>>) dst(%dma_wait3A_294 : memref<10240x128xf32, #tpu.memory_space<vmem_shared>>)
      %dma_start3A_295 = arith.constant 5 : i32
      %dma_start3A_296 = arith.constant 0 : i32
      %dma_start3A_297 = arith.constant 0 : i32
      %dma_start3A_298 = tpu.memref_slice %arg11[%dma_start3A_296, %dma_start3A_297] : memref<128x128xf32, #tpu.memory_space<vmem>> -> memref<64x128xf32, #tpu.memory_space<vmem>>
      %dma_start3A_299 = arith.constant 0 : i32
      %dma_start3A_300 = tpu.memref_slice %arg6[%dma_start3A_295, %dma_start3A_299] : memref<8x128xi32, #tpu.memory_space<vmem>> -> memref<1x64xi32, #tpu.memory_space<vmem>>
      %dma_start3A_301 = tpu.memref_squeeze %dma_start3A_300 : memref<1x64xi32, #tpu.memory_space<vmem>> -> memref<64xi32, #tpu.memory_space<vmem>>
      %dma_start3A_302 = arith.constant 0 : i32
      %dma_start3A_303 = arith.constant 0 : i32
      %dma_start3A_304 = tpu.memref_slice %arg2[%dma_start3A_302, %dma_start3A_303] : memref<10240x128xf32, #tpu.memory_space<hbm>> -> memref<10240x128xf32, #tpu.memory_space<hbm>>
      tpu.enqueue_indirect_dma source(%dma_start3A_304 : memref<10240x128xf32, #tpu.memory_space<hbm>>) target(%dma_start3A_298 : memref<64x128xf32, #tpu.memory_space<vmem>>) offsets(%dma_start3A_301 : memref<64xi32, #tpu.memory_space<vmem>>) semaphore(%arg13 : memref<!tpu.dma_semaphore, #tpu.memory_space<semaphore_mem>>)
      %dma_start3A_305 = arith.constant 5 : i32
      %dma_start3A_306 = arith.constant 64 : i32
      %dma_start3A_307 = arith.constant 0 : i32
      %dma_start3A_308 = tpu.memref_slice %arg11[%dma_start3A_306, %dma_start3A_307] : memref<128x128xf32, #tpu.memory_space<vmem>> -> memref<64x128xf32, #tpu.memory_space<vmem>>
      %dma_start3A_309 = arith.constant 64 : i32
      %dma_start3A_310 = tpu.memref_slice %arg6[%dma_start3A_305, %dma_start3A_309] : memref<8x128xi32, #tpu.memory_space<vmem>> -> memref<1x64xi32, #tpu.memory_space<vmem>>
      %dma_start3A_311 = tpu.memref_squeeze %dma_start3A_310 : memref<1x64xi32, #tpu.memory_space<vmem>> -> memref<64xi32, #tpu.memory_space<vmem>>
      %dma_start3A_312 = arith.constant 0 : i32
      %dma_start3A_313 = arith.constant 0 : i32
      %dma_start3A_314 = tpu.memref_slice %arg2[%dma_start3A_312, %dma_start3A_313] : memref<10240x128xf32, #tpu.memory_space<hbm>> -> memref<10240x128xf32, #tpu.memory_space<hbm>>
      tpu.enqueue_indirect_dma source(%dma_start3A_314 : memref<10240x128xf32, #tpu.memory_space<hbm>>) target(%dma_start3A_308 : memref<64x128xf32, #tpu.memory_space<vmem>>) offsets(%dma_start3A_311 : memref<64xi32, #tpu.memory_space<vmem>>) semaphore(%arg13 : memref<!tpu.dma_semaphore, #tpu.memory_space<semaphore_mem>>)
      %dma_wait3A_315 = arith.constant 5 : i32
      %dma_wait3A_316 = arith.constant 0 : i32
      %dma_wait3A_317 = arith.constant 0 : i32
      %dma_wait3A_318 = tpu.memref_slice %arg11[%dma_wait3A_316, %dma_wait3A_317] : memref<128x128xf32, #tpu.memory_space<vmem>> -> memref<64x128xf32, #tpu.memory_space<vmem>>
      %dma_wait3A_319 = arith.constant 0 : i32
      %dma_wait3A_320 = tpu.memref_slice %arg6[%dma_wait3A_315, %dma_wait3A_319] : memref<8x128xi32, #tpu.memory_space<vmem>> -> memref<1x64xi32, #tpu.memory_space<vmem>>
      %dma_wait3A_321 = tpu.memref_squeeze %dma_wait3A_320 : memref<1x64xi32, #tpu.memory_space<vmem>> -> memref<64xi32, #tpu.memory_space<vmem>>
      %dma_wait3A_322 = arith.constant 0 : i32
      %dma_wait3A_323 = arith.constant 0 : i32
      %dma_wait3A_324 = tpu.memref_slice %arg2[%dma_wait3A_322, %dma_wait3A_323] : memref<10240x128xf32, #tpu.memory_space<hbm>> -> memref<10240x128xf32, #tpu.memory_space<hbm>>
      tpu.wait_indirect_dma semaphore(%arg13 : memref<!tpu.dma_semaphore, #tpu.memory_space<semaphore_mem>>) src(%dma_wait3A_324 : memref<10240x128xf32, #tpu.memory_space<hbm>>) dst(%dma_wait3A_318 : memref<64x128xf32, #tpu.memory_space<vmem>>)
      %dma_wait3A_325 = arith.constant 5 : i32
      %dma_wait3A_326 = arith.constant 64 : i32
      %dma_wait3A_327 = arith.constant 0 : i32
      %dma_wait3A_328 = tpu.memref_slice %arg11[%dma_wait3A_326, %dma_wait3A_327] : memref<128x128xf32, #tpu.memory_space<vmem>> -> memref<64x128xf32, #tpu.memory_space<vmem>>
      %dma_wait3A_329 = arith.constant 64 : i32
      %dma_wait3A_330 = tpu.memref_slice %arg6[%dma_wait3A_325, %dma_wait3A_329] : memref<8x128xi32, #tpu.memory_space<vmem>> -> memref<1x64xi32, #tpu.memory_space<vmem>>
      %dma_wait3A_331 = tpu.memref_squeeze %dma_wait3A_330 : memref<1x64xi32, #tpu.memory_space<vmem>> -> memref<64xi32, #tpu.memory_space<vmem>>
      %dma_wait3A_332 = arith.constant 0 : i32
      %dma_wait3A_333 = arith.constant 0 : i32
      %dma_wait3A_334 = tpu.memref_slice %arg2[%dma_wait3A_332, %dma_wait3A_333] : memref<10240x128xf32, #tpu.memory_space<hbm>> -> memref<10240x128xf32, #tpu.memory_space<hbm>>
      tpu.wait_indirect_dma semaphore(%arg13 : memref<!tpu.dma_semaphore, #tpu.memory_space<semaphore_mem>>) src(%dma_wait3A_334 : memref<10240x128xf32, #tpu.memory_space<hbm>>) dst(%dma_wait3A_328 : memref<64x128xf32, #tpu.memory_space<vmem>>)
      %dma_start3A_335 = arith.constant 5 : i32
      %dma_start3A_336 = arith.constant 0 : i32
      %dma_start3A_337 = tpu.memref_slice %arg8[%dma_start3A_335, %dma_start3A_336] : memref<8x128xi32, #tpu.memory_space<vmem>> -> memref<1x128xi32, #tpu.memory_space<vmem>>
      %dma_start3A_338 = tpu.memref_squeeze %dma_start3A_337 : memref<1x128xi32, #tpu.memory_space<vmem>> -> memref<128xi32, #tpu.memory_space<vmem>>
      %dma_start3A_339 = arith.constant 0 : i32
      %dma_start3A_340 = arith.constant 0 : i32
      %dma_start3A_341 = tpu.memref_slice %arg18[%dma_start3A_339, %dma_start3A_340] : memref<10240x128xf32, #tpu.memory_space<vmem_shared>> -> memref<10240x128xf32, #tpu.memory_space<vmem_shared>>
      tpu.enqueue_indirect_dma source(%arg11 : memref<128x128xf32, #tpu.memory_space<vmem>>) target(%dma_start3A_341 : memref<10240x128xf32, #tpu.memory_space<vmem_shared>>) offsets(%dma_start3A_338 : memref<128xi32, #tpu.memory_space<vmem>>) semaphore(%arg15 : memref<!tpu.dma_semaphore, #tpu.memory_space<semaphore_mem>>) {add = true}
      %dma_wait3A_342 = arith.constant 4 : i32
      %dma_wait3A_343 = arith.constant 0 : i32
      %dma_wait3A_344 = tpu.memref_slice %arg8[%dma_wait3A_342, %dma_wait3A_343] : memref<8x128xi32, #tpu.memory_space<vmem>> -> memref<1x128xi32, #tpu.memory_space<vmem>>
      %dma_wait3A_345 = tpu.memref_squeeze %dma_wait3A_344 : memref<1x128xi32, #tpu.memory_space<vmem>> -> memref<128xi32, #tpu.memory_space<vmem>>
      %dma_wait3A_346 = arith.constant 0 : i32
      %dma_wait3A_347 = arith.constant 0 : i32
      %dma_wait3A_348 = tpu.memref_slice %arg18[%dma_wait3A_346, %dma_wait3A_347] : memref<10240x128xf32, #tpu.memory_space<vmem_shared>> -> memref<10240x128xf32, #tpu.memory_space<vmem_shared>>
      tpu.wait_indirect_dma semaphore(%arg14 : memref<!tpu.dma_semaphore, #tpu.memory_space<semaphore_mem>>) src(%arg10 : memref<128x128xf32, #tpu.memory_space<vmem>>) dst(%dma_wait3A_348 : memref<10240x128xf32, #tpu.memory_space<vmem_shared>>)
      %dma_start3A_349 = arith.constant 6 : i32
      %dma_start3A_350 = arith.constant 0 : i32
      %dma_start3A_351 = arith.constant 0 : i32
      %dma_start3A_352 = tpu.memref_slice %arg10[%dma_start3A_350, %dma_start3A_351] : memref<128x128xf32, #tpu.memory_space<vmem>> -> memref<64x128xf32, #tpu.memory_space<vmem>>
      %dma_start3A_353 = arith.constant 0 : i32
      %dma_start3A_354 = tpu.memref_slice %arg6[%dma_start3A_349, %dma_start3A_353] : memref<8x128xi32, #tpu.memory_space<vmem>> -> memref<1x64xi32, #tpu.memory_space<vmem>>
      %dma_start3A_355 = tpu.memref_squeeze %dma_start3A_354 : memref<1x64xi32, #tpu.memory_space<vmem>> -> memref<64xi32, #tpu.memory_space<vmem>>
      %dma_start3A_356 = arith.constant 0 : i32
      %dma_start3A_357 = arith.constant 0 : i32
      %dma_start3A_358 = tpu.memref_slice %arg2[%dma_start3A_356, %dma_start3A_357] : memref<10240x128xf32, #tpu.memory_space<hbm>> -> memref<10240x128xf32, #tpu.memory_space<hbm>>
      tpu.enqueue_indirect_dma source(%dma_start3A_358 : memref<10240x128xf32, #tpu.memory_space<hbm>>) target(%dma_start3A_352 : memref<64x128xf32, #tpu.memory_space<vmem>>) offsets(%dma_start3A_355 : memref<64xi32, #tpu.memory_space<vmem>>) semaphore(%arg12 : memref<!tpu.dma_semaphore, #tpu.memory_space<semaphore_mem>>)
      %dma_start3A_359 = arith.constant 6 : i32
      %dma_start3A_360 = arith.constant 64 : i32
      %dma_start3A_361 = arith.constant 0 : i32
      %dma_start3A_362 = tpu.memref_slice %arg10[%dma_start3A_360, %dma_start3A_361] : memref<128x128xf32, #tpu.memory_space<vmem>> -> memref<64x128xf32, #tpu.memory_space<vmem>>
      %dma_start3A_363 = arith.constant 64 : i32
      %dma_start3A_364 = tpu.memref_slice %arg6[%dma_start3A_359, %dma_start3A_363] : memref<8x128xi32, #tpu.memory_space<vmem>> -> memref<1x64xi32, #tpu.memory_space<vmem>>
      %dma_start3A_365 = tpu.memref_squeeze %dma_start3A_364 : memref<1x64xi32, #tpu.memory_space<vmem>> -> memref<64xi32, #tpu.memory_space<vmem>>
      %dma_start3A_366 = arith.constant 0 : i32
      %dma_start3A_367 = arith.constant 0 : i32
      %dma_start3A_368 = tpu.memref_slice %arg2[%dma_start3A_366, %dma_start3A_367] : memref<10240x128xf32, #tpu.memory_space<hbm>> -> memref<10240x128xf32, #tpu.memory_space<hbm>>
      tpu.enqueue_indirect_dma source(%dma_start3A_368 : memref<10240x128xf32, #tpu.memory_space<hbm>>) target(%dma_start3A_362 : memref<64x128xf32, #tpu.memory_space<vmem>>) offsets(%dma_start3A_365 : memref<64xi32, #tpu.memory_space<vmem>>) semaphore(%arg12 : memref<!tpu.dma_semaphore, #tpu.memory_space<semaphore_mem>>)
      %dma_wait3A_369 = arith.constant 6 : i32
      %dma_wait3A_370 = arith.constant 0 : i32
      %dma_wait3A_371 = arith.constant 0 : i32
      %dma_wait3A_372 = tpu.memref_slice %arg10[%dma_wait3A_370, %dma_wait3A_371] : memref<128x128xf32, #tpu.memory_space<vmem>> -> memref<64x128xf32, #tpu.memory_space<vmem>>
      %dma_wait3A_373 = arith.constant 0 : i32
      %dma_wait3A_374 = tpu.memref_slice %arg6[%dma_wait3A_369, %dma_wait3A_373] : memref<8x128xi32, #tpu.memory_space<vmem>> -> memref<1x64xi32, #tpu.memory_space<vmem>>
      %dma_wait3A_375 = tpu.memref_squeeze %dma_wait3A_374 : memref<1x64xi32, #tpu.memory_space<vmem>> -> memref<64xi32, #tpu.memory_space<vmem>>
      %dma_wait3A_376 = arith.constant 0 : i32
      %dma_wait3A_377 = arith.constant 0 : i32
      %dma_wait3A_378 = tpu.memref_slice %arg2[%dma_wait3A_376, %dma_wait3A_377] : memref<10240x128xf32, #tpu.memory_space<hbm>> -> memref<10240x128xf32, #tpu.memory_space<hbm>>
      tpu.wait_indirect_dma semaphore(%arg12 : memref<!tpu.dma_semaphore, #tpu.memory_space<semaphore_mem>>) src(%dma_wait3A_378 : memref<10240x128xf32, #tpu.memory_space<hbm>>) dst(%dma_wait3A_372 : memref<64x128xf32, #tpu.memory_space<vmem>>)
      %dma_wait3A_379 = arith.constant 6 : i32
      %dma_wait3A_380 = arith.constant 64 : i32
      %dma_wait3A_381 = arith.constant 0 : i32
      %dma_wait3A_382 = tpu.memref_slice %arg10[%dma_wait3A_380, %dma_wait3A_381] : memref<128x128xf32, #tpu.memory_space<vmem>> -> memref<64x128xf32, #tpu.memory_space<vmem>>
      %dma_wait3A_383 = arith.constant 64 : i32
      %dma_wait3A_384 = tpu.memref_slice %arg6[%dma_wait3A_379, %dma_wait3A_383] : memref<8x128xi32, #tpu.memory_space<vmem>> -> memref<1x64xi32, #tpu.memory_space<vmem>>
      %dma_wait3A_385 = tpu.memref_squeeze %dma_wait3A_384 : memref<1x64xi32, #tpu.memory_space<vmem>> -> memref<64xi32, #tpu.memory_space<vmem>>
      %dma_wait3A_386 = arith.constant 0 : i32
      %dma_wait3A_387 = arith.constant 0 : i32
      %dma_wait3A_388 = tpu.memref_slice %arg2[%dma_wait3A_386, %dma_wait3A_387] : memref<10240x128xf32, #tpu.memory_space<hbm>> -> memref<10240x128xf32, #tpu.memory_space<hbm>>
      tpu.wait_indirect_dma semaphore(%arg12 : memref<!tpu.dma_semaphore, #tpu.memory_space<semaphore_mem>>) src(%dma_wait3A_388 : memref<10240x128xf32, #tpu.memory_space<hbm>>) dst(%dma_wait3A_382 : memref<64x128xf32, #tpu.memory_space<vmem>>)
      %dma_start3A_389 = arith.constant 6 : i32
      %dma_start3A_390 = arith.constant 0 : i32
      %dma_start3A_391 = tpu.memref_slice %arg8[%dma_start3A_389, %dma_start3A_390] : memref<8x128xi32, #tpu.memory_space<vmem>> -> memref<1x128xi32, #tpu.memory_space<vmem>>
      %dma_start3A_392 = tpu.memref_squeeze %dma_start3A_391 : memref<1x128xi32, #tpu.memory_space<vmem>> -> memref<128xi32, #tpu.memory_space<vmem>>
      %dma_start3A_393 = arith.constant 0 : i32
      %dma_start3A_394 = arith.constant 0 : i32
      %dma_start3A_395 = tpu.memref_slice %arg18[%dma_start3A_393, %dma_start3A_394] : memref<10240x128xf32, #tpu.memory_space<vmem_shared>> -> memref<10240x128xf32, #tpu.memory_space<vmem_shared>>
      tpu.enqueue_indirect_dma source(%arg10 : memref<128x128xf32, #tpu.memory_space<vmem>>) target(%dma_start3A_395 : memref<10240x128xf32, #tpu.memory_space<vmem_shared>>) offsets(%dma_start3A_392 : memref<128xi32, #tpu.memory_space<vmem>>) semaphore(%arg14 : memref<!tpu.dma_semaphore, #tpu.memory_space<semaphore_mem>>) {add = true}
      %dma_wait3A_396 = arith.constant 5 : i32
      %dma_wait3A_397 = arith.constant 0 : i32
      %dma_wait3A_398 = tpu.memref_slice %arg8[%dma_wait3A_396, %dma_wait3A_397] : memref<8x128xi32, #tpu.memory_space<vmem>> -> memref<1x128xi32, #tpu.memory_space<vmem>>
      %dma_wait3A_399 = tpu.memref_squeeze %dma_wait3A_398 : memref<1x128xi32, #tpu.memory_space<vmem>> -> memref<128xi32, #tpu.memory_space<vmem>>
      %dma_wait3A_400 = arith.constant 0 : i32
      %dma_wait3A_401 = arith.constant 0 : i32
      %dma_wait3A_402 = tpu.memref_slice %arg18[%dma_wait3A_400, %dma_wait3A_401] : memref<10240x128xf32, #tpu.memory_space<vmem_shared>> -> memref<10240x128xf32, #tpu.memory_space<vmem_shared>>
      tpu.wait_indirect_dma semaphore(%arg15 : memref<!tpu.dma_semaphore, #tpu.memory_space<semaphore_mem>>) src(%arg11 : memref<128x128xf32, #tpu.memory_space<vmem>>) dst(%dma_wait3A_402 : memref<10240x128xf32, #tpu.memory_space<vmem_shared>>)
      %dma_start3A_403 = arith.constant 7 : i32
      %dma_start3A_404 = arith.constant 0 : i32
      %dma_start3A_405 = arith.constant 0 : i32
      %dma_start3A_406 = tpu.memref_slice %arg11[%dma_start3A_404, %dma_start3A_405] : memref<128x128xf32, #tpu.memory_space<vmem>> -> memref<64x128xf32, #tpu.memory_space<vmem>>
      %dma_start3A_407 = arith.constant 0 : i32
      %dma_start3A_408 = tpu.memref_slice %arg6[%dma_start3A_403, %dma_start3A_407] : memref<8x128xi32, #tpu.memory_space<vmem>> -> memref<1x64xi32, #tpu.memory_space<vmem>>
      %dma_start3A_409 = tpu.memref_squeeze %dma_start3A_408 : memref<1x64xi32, #tpu.memory_space<vmem>> -> memref<64xi32, #tpu.memory_space<vmem>>
      %dma_start3A_410 = arith.constant 0 : i32
      %dma_start3A_411 = arith.constant 0 : i32
      %dma_start3A_412 = tpu.memref_slice %arg2[%dma_start3A_410, %dma_start3A_411] : memref<10240x128xf32, #tpu.memory_space<hbm>> -> memref<10240x128xf32, #tpu.memory_space<hbm>>
      tpu.enqueue_indirect_dma source(%dma_start3A_412 : memref<10240x128xf32, #tpu.memory_space<hbm>>) target(%dma_start3A_406 : memref<64x128xf32, #tpu.memory_space<vmem>>) offsets(%dma_start3A_409 : memref<64xi32, #tpu.memory_space<vmem>>) semaphore(%arg13 : memref<!tpu.dma_semaphore, #tpu.memory_space<semaphore_mem>>)
      %dma_start3A_413 = arith.constant 7 : i32
      %dma_start3A_414 = arith.constant 64 : i32
      %dma_start3A_415 = arith.constant 0 : i32
      %dma_start3A_416 = tpu.memref_slice %arg11[%dma_start3A_414, %dma_start3A_415] : memref<128x128xf32, #tpu.memory_space<vmem>> -> memref<64x128xf32, #tpu.memory_space<vmem>>
      %dma_start3A_417 = arith.constant 64 : i32
      %dma_start3A_418 = tpu.memref_slice %arg6[%dma_start3A_413, %dma_start3A_417] : memref<8x128xi32, #tpu.memory_space<vmem>> -> memref<1x64xi32, #tpu.memory_space<vmem>>
      %dma_start3A_419 = tpu.memref_squeeze %dma_start3A_418 : memref<1x64xi32, #tpu.memory_space<vmem>> -> memref<64xi32, #tpu.memory_space<vmem>>
      %dma_start3A_420 = arith.constant 0 : i32
      %dma_start3A_421 = arith.constant 0 : i32
      %dma_start3A_422 = tpu.memref_slice %arg2[%dma_start3A_420, %dma_start3A_421] : memref<10240x128xf32, #tpu.memory_space<hbm>> -> memref<10240x128xf32, #tpu.memory_space<hbm>>
      tpu.enqueue_indirect_dma source(%dma_start3A_422 : memref<10240x128xf32, #tpu.memory_space<hbm>>) target(%dma_start3A_416 : memref<64x128xf32, #tpu.memory_space<vmem>>) offsets(%dma_start3A_419 : memref<64xi32, #tpu.memory_space<vmem>>) semaphore(%arg13 : memref<!tpu.dma_semaphore, #tpu.memory_space<semaphore_mem>>)
      %dma_wait3A_423 = arith.constant 7 : i32
      %dma_wait3A_424 = arith.constant 0 : i32
      %dma_wait3A_425 = arith.constant 0 : i32
      %dma_wait3A_426 = tpu.memref_slice %arg11[%dma_wait3A_424, %dma_wait3A_425] : memref<128x128xf32, #tpu.memory_space<vmem>> -> memref<64x128xf32, #tpu.memory_space<vmem>>
      %dma_wait3A_427 = arith.constant 0 : i32
      %dma_wait3A_428 = tpu.memref_slice %arg6[%dma_wait3A_423, %dma_wait3A_427] : memref<8x128xi32, #tpu.memory_space<vmem>> -> memref<1x64xi32, #tpu.memory_space<vmem>>
      %dma_wait3A_429 = tpu.memref_squeeze %dma_wait3A_428 : memref<1x64xi32, #tpu.memory_space<vmem>> -> memref<64xi32, #tpu.memory_space<vmem>>
      %dma_wait3A_430 = arith.constant 0 : i32
      %dma_wait3A_431 = arith.constant 0 : i32
      %dma_wait3A_432 = tpu.memref_slice %arg2[%dma_wait3A_430, %dma_wait3A_431] : memref<10240x128xf32, #tpu.memory_space<hbm>> -> memref<10240x128xf32, #tpu.memory_space<hbm>>
      tpu.wait_indirect_dma semaphore(%arg13 : memref<!tpu.dma_semaphore, #tpu.memory_space<semaphore_mem>>) src(%dma_wait3A_432 : memref<10240x128xf32, #tpu.memory_space<hbm>>) dst(%dma_wait3A_426 : memref<64x128xf32, #tpu.memory_space<vmem>>)
      %dma_wait3A_433 = arith.constant 7 : i32
      %dma_wait3A_434 = arith.constant 64 : i32
      %dma_wait3A_435 = arith.constant 0 : i32
      %dma_wait3A_436 = tpu.memref_slice %arg11[%dma_wait3A_434, %dma_wait3A_435] : memref<128x128xf32, #tpu.memory_space<vmem>> -> memref<64x128xf32, #tpu.memory_space<vmem>>
      %dma_wait3A_437 = arith.constant 64 : i32
      %dma_wait3A_438 = tpu.memref_slice %arg6[%dma_wait3A_433, %dma_wait3A_437] : memref<8x128xi32, #tpu.memory_space<vmem>> -> memref<1x64xi32, #tpu.memory_space<vmem>>
      %dma_wait3A_439 = tpu.memref_squeeze %dma_wait3A_438 : memref<1x64xi32, #tpu.memory_space<vmem>> -> memref<64xi32, #tpu.memory_space<vmem>>
      %dma_wait3A_440 = arith.constant 0 : i32
      %dma_wait3A_441 = arith.constant 0 : i32
      %dma_wait3A_442 = tpu.memref_slice %arg2[%dma_wait3A_440, %dma_wait3A_441] : memref<10240x128xf32, #tpu.memory_space<hbm>> -> memref<10240x128xf32, #tpu.memory_space<hbm>>
      tpu.wait_indirect_dma semaphore(%arg13 : memref<!tpu.dma_semaphore, #tpu.memory_space<semaphore_mem>>) src(%dma_wait3A_442 : memref<10240x128xf32, #tpu.memory_space<hbm>>) dst(%dma_wait3A_436 : memref<64x128xf32, #tpu.memory_space<vmem>>)
      %dma_start3A_443 = arith.constant 7 : i32
      %dma_start3A_444 = arith.constant 0 : i32
      %dma_start3A_445 = tpu.memref_slice %arg8[%dma_start3A_443, %dma_start3A_444] : memref<8x128xi32, #tpu.memory_space<vmem>> -> memref<1x128xi32, #tpu.memory_space<vmem>>
      %dma_start3A_446 = tpu.memref_squeeze %dma_start3A_445 : memref<1x128xi32, #tpu.memory_space<vmem>> -> memref<128xi32, #tpu.memory_space<vmem>>
      %dma_start3A_447 = arith.constant 0 : i32
      %dma_start3A_448 = arith.constant 0 : i32
      %dma_start3A_449 = tpu.memref_slice %arg18[%dma_start3A_447, %dma_start3A_448] : memref<10240x128xf32, #tpu.memory_space<vmem_shared>> -> memref<10240x128xf32, #tpu.memory_space<vmem_shared>>
      tpu.enqueue_indirect_dma source(%arg11 : memref<128x128xf32, #tpu.memory_space<vmem>>) target(%dma_start3A_449 : memref<10240x128xf32, #tpu.memory_space<vmem_shared>>) offsets(%dma_start3A_446 : memref<128xi32, #tpu.memory_space<vmem>>) semaphore(%arg15 : memref<!tpu.dma_semaphore, #tpu.memory_space<semaphore_mem>>) {add = true}
      %dma_wait3A_450 = arith.constant 6 : i32
      %dma_wait3A_451 = arith.constant 0 : i32
      %dma_wait3A_452 = tpu.memref_slice %arg8[%dma_wait3A_450, %dma_wait3A_451] : memref<8x128xi32, #tpu.memory_space<vmem>> -> memref<1x128xi32, #tpu.memory_space<vmem>>
      %dma_wait3A_453 = tpu.memref_squeeze %dma_wait3A_452 : memref<1x128xi32, #tpu.memory_space<vmem>> -> memref<128xi32, #tpu.memory_space<vmem>>
      %dma_wait3A_454 = arith.constant 0 : i32
      %dma_wait3A_455 = arith.constant 0 : i32
      %dma_wait3A_456 = tpu.memref_slice %arg18[%dma_wait3A_454, %dma_wait3A_455] : memref<10240x128xf32, #tpu.memory_space<vmem_shared>> -> memref<10240x128xf32, #tpu.memory_space<vmem_shared>>
      tpu.wait_indirect_dma semaphore(%arg14 : memref<!tpu.dma_semaphore, #tpu.memory_space<semaphore_mem>>) src(%arg10 : memref<128x128xf32, #tpu.memory_space<vmem>>) dst(%dma_wait3A_456 : memref<10240x128xf32, #tpu.memory_space<vmem_shared>>)
      %add3A_457 = arith.constant 1 : i32
      %add3A_458 = arith.addi %add3A_43, %add3A_457 : i32
      %lt3A_459 = arith.cmpi slt, %add3A_458, %select_n3A_6 : i32
      %convert_element_type3A_460 = arith.extui %lt3A_459 : i1 to i32
      %cond3A_461 = arith.constant 0 : i32
      %cond3A_462 = arith.cmpi ne, %convert_element_type3A_460, %cond3A_461 : i32
      scf.if %cond3A_462 {
        %add3A_887 = arith.constant 1 : i32
        %add3A_888 = arith.addi %add3A_43, %add3A_887 : i32
        %mul3A_889 = arith.constant 8 : i32
        %mul3A_890 = arith.muli %add3A_888, %mul3A_889 : i32
        %add3A_891 = arith.addi %select_n3A, %mul3A_890 : i32
        %dma_wait3A_892 = arith.constant 0 : i32
        %dma_wait3A_893 = tpu.memref_slice %arg3[%add3A_891, %dma_wait3A_892] : memref<2560x128xi32, #tpu.memory_space<hbm>> -> memref<8x128xi32, #tpu.memory_space<hbm>>
        %dma_wait3A_894 = arith.constant 0 : i32
        %dma_wait3A_895 = tpu.memref_slice %arg3[%add3A_891, %dma_wait3A_894] : memref<2560x128xi32, #tpu.memory_space<hbm>> -> memref<8x128xi32, #tpu.memory_space<hbm>>
        tpu.wait_dma2 semaphore(%arg17 : memref<!tpu.dma_semaphore, #tpu.memory_space<semaphore_mem>>) src(%dma_wait3A_895 : memref<8x128xi32, #tpu.memory_space<hbm>>) dst(%arg7 : memref<8x128xi32, #tpu.memory_space<vmem>>)
        %dma_wait3A_896 = arith.constant 0 : i32
        %dma_wait3A_897 = tpu.memref_slice %arg4[%add3A_891, %dma_wait3A_896] : memref<2560x128xi32, #tpu.memory_space<hbm>> -> memref<8x128xi32, #tpu.memory_space<hbm>>
        %dma_wait3A_898 = arith.constant 0 : i32
        %dma_wait3A_899 = tpu.memref_slice %arg4[%add3A_891, %dma_wait3A_898] : memref<2560x128xi32, #tpu.memory_space<hbm>> -> memref<8x128xi32, #tpu.memory_space<hbm>>
        tpu.wait_dma2 semaphore(%arg17 : memref<!tpu.dma_semaphore, #tpu.memory_space<semaphore_mem>>) src(%dma_wait3A_899 : memref<8x128xi32, #tpu.memory_space<hbm>>) dst(%arg9 : memref<8x128xi32, #tpu.memory_space<vmem>>)
        %dma_start3A_900 = arith.constant 0 : i32
        %dma_start3A_901 = arith.constant 0 : i32
        %dma_start3A_902 = arith.constant 0 : i32
        %dma_start3A_903 = tpu.memref_slice %arg10[%dma_start3A_901, %dma_start3A_902] : memref<128x128xf32, #tpu.memory_space<vmem>> -> memref<64x128xf32, #tpu.memory_space<vmem>>
        %dma_start3A_904 = arith.constant 0 : i32
        %dma_start3A_905 = tpu.memref_slice %arg7[%dma_start3A_900, %dma_start3A_904] : memref<8x128xi32, #tpu.memory_space<vmem>> -> memref<1x64xi32, #tpu.memory_space<vmem>>
        %dma_start3A_906 = tpu.memref_squeeze %dma_start3A_905 : memref<1x64xi32, #tpu.memory_space<vmem>> -> memref<64xi32, #tpu.memory_space<vmem>>
        %dma_start3A_907 = arith.constant 0 : i32
        %dma_start3A_908 = arith.constant 0 : i32
        %dma_start3A_909 = tpu.memref_slice %arg2[%dma_start3A_907, %dma_start3A_908] : memref<10240x128xf32, #tpu.memory_space<hbm>> -> memref<10240x128xf32, #tpu.memory_space<hbm>>
        tpu.enqueue_indirect_dma source(%dma_start3A_909 : memref<10240x128xf32, #tpu.memory_space<hbm>>) target(%dma_start3A_903 : memref<64x128xf32, #tpu.memory_space<vmem>>) offsets(%dma_start3A_906 : memref<64xi32, #tpu.memory_space<vmem>>) semaphore(%arg12 : memref<!tpu.dma_semaphore, #tpu.memory_space<semaphore_mem>>)
        %dma_start3A_910 = arith.constant 0 : i32
        %dma_start3A_911 = arith.constant 64 : i32
        %dma_start3A_912 = arith.constant 0 : i32
        %dma_start3A_913 = tpu.memref_slice %arg10[%dma_start3A_911, %dma_start3A_912] : memref<128x128xf32, #tpu.memory_space<vmem>> -> memref<64x128xf32, #tpu.memory_space<vmem>>
        %dma_start3A_914 = arith.constant 64 : i32
        %dma_start3A_915 = tpu.memref_slice %arg7[%dma_start3A_910, %dma_start3A_914] : memref<8x128xi32, #tpu.memory_space<vmem>> -> memref<1x64xi32, #tpu.memory_space<vmem>>
        %dma_start3A_916 = tpu.memref_squeeze %dma_start3A_915 : memref<1x64xi32, #tpu.memory_space<vmem>> -> memref<64xi32, #tpu.memory_space<vmem>>
        %dma_start3A_917 = arith.constant 0 : i32
        %dma_start3A_918 = arith.constant 0 : i32
        %dma_start3A_919 = tpu.memref_slice %arg2[%dma_start3A_917, %dma_start3A_918] : memref<10240x128xf32, #tpu.memory_space<hbm>> -> memref<10240x128xf32, #tpu.memory_space<hbm>>
        tpu.enqueue_indirect_dma source(%dma_start3A_919 : memref<10240x128xf32, #tpu.memory_space<hbm>>) target(%dma_start3A_913 : memref<64x128xf32, #tpu.memory_space<vmem>>) offsets(%dma_start3A_916 : memref<64xi32, #tpu.memory_space<vmem>>) semaphore(%arg12 : memref<!tpu.dma_semaphore, #tpu.memory_space<semaphore_mem>>)
      } else {
      }
      %add3A_463 = arith.constant 1 : i32
      %add3A_464 = arith.addi %add3A_41, %add3A_463 : i32
      %dma_wait3A_465 = arith.constant 0 : i32
      %dma_wait3A_466 = arith.constant 0 : i32
      %dma_wait3A_467 = arith.constant 0 : i32
      %dma_wait3A_468 = tpu.memref_slice %arg10[%dma_wait3A_466, %dma_wait3A_467] : memref<128x128xf32, #tpu.memory_space<vmem>> -> memref<64x128xf32, #tpu.memory_space<vmem>>
      %dma_wait3A_469 = arith.constant 0 : i32
      %dma_wait3A_470 = tpu.memref_slice %arg7[%dma_wait3A_465, %dma_wait3A_469] : memref<8x128xi32, #tpu.memory_space<vmem>> -> memref<1x64xi32, #tpu.memory_space<vmem>>
      %dma_wait3A_471 = tpu.memref_squeeze %dma_wait3A_470 : memref<1x64xi32, #tpu.memory_space<vmem>> -> memref<64xi32, #tpu.memory_space<vmem>>
      %dma_wait3A_472 = arith.constant 0 : i32
      %dma_wait3A_473 = arith.constant 0 : i32
      %dma_wait3A_474 = tpu.memref_slice %arg2[%dma_wait3A_472, %dma_wait3A_473] : memref<10240x128xf32, #tpu.memory_space<hbm>> -> memref<10240x128xf32, #tpu.memory_space<hbm>>
      tpu.wait_indirect_dma semaphore(%arg12 : memref<!tpu.dma_semaphore, #tpu.memory_space<semaphore_mem>>) src(%dma_wait3A_474 : memref<10240x128xf32, #tpu.memory_space<hbm>>) dst(%dma_wait3A_468 : memref<64x128xf32, #tpu.memory_space<vmem>>)
      %dma_wait3A_475 = arith.constant 0 : i32
      %dma_wait3A_476 = arith.constant 64 : i32
      %dma_wait3A_477 = arith.constant 0 : i32
      %dma_wait3A_478 = tpu.memref_slice %arg10[%dma_wait3A_476, %dma_wait3A_477] : memref<128x128xf32, #tpu.memory_space<vmem>> -> memref<64x128xf32, #tpu.memory_space<vmem>>
      %dma_wait3A_479 = arith.constant 64 : i32
      %dma_wait3A_480 = tpu.memref_slice %arg7[%dma_wait3A_475, %dma_wait3A_479] : memref<8x128xi32, #tpu.memory_space<vmem>> -> memref<1x64xi32, #tpu.memory_space<vmem>>
      %dma_wait3A_481 = tpu.memref_squeeze %dma_wait3A_480 : memref<1x64xi32, #tpu.memory_space<vmem>> -> memref<64xi32, #tpu.memory_space<vmem>>
      %dma_wait3A_482 = arith.constant 0 : i32
      %dma_wait3A_483 = arith.constant 0 : i32
      %dma_wait3A_484 = tpu.memref_slice %arg2[%dma_wait3A_482, %dma_wait3A_483] : memref<10240x128xf32, #tpu.memory_space<hbm>> -> memref<10240x128xf32, #tpu.memory_space<hbm>>
      tpu.wait_indirect_dma semaphore(%arg12 : memref<!tpu.dma_semaphore, #tpu.memory_space<semaphore_mem>>) src(%dma_wait3A_484 : memref<10240x128xf32, #tpu.memory_space<hbm>>) dst(%dma_wait3A_478 : memref<64x128xf32, #tpu.memory_space<vmem>>)
      %dma_start3A_485 = arith.constant 0 : i32
      %dma_start3A_486 = arith.constant 0 : i32
      %dma_start3A_487 = tpu.memref_slice %arg9[%dma_start3A_485, %dma_start3A_486] : memref<8x128xi32, #tpu.memory_space<vmem>> -> memref<1x128xi32, #tpu.memory_space<vmem>>
      %dma_start3A_488 = tpu.memref_squeeze %dma_start3A_487 : memref<1x128xi32, #tpu.memory_space<vmem>> -> memref<128xi32, #tpu.memory_space<vmem>>
      %dma_start3A_489 = arith.constant 0 : i32
      %dma_start3A_490 = arith.constant 0 : i32
      %dma_start3A_491 = tpu.memref_slice %arg18[%dma_start3A_489, %dma_start3A_490] : memref<10240x128xf32, #tpu.memory_space<vmem_shared>> -> memref<10240x128xf32, #tpu.memory_space<vmem_shared>>
      tpu.enqueue_indirect_dma source(%arg10 : memref<128x128xf32, #tpu.memory_space<vmem>>) target(%dma_start3A_491 : memref<10240x128xf32, #tpu.memory_space<vmem_shared>>) offsets(%dma_start3A_488 : memref<128xi32, #tpu.memory_space<vmem>>) semaphore(%arg14 : memref<!tpu.dma_semaphore, #tpu.memory_space<semaphore_mem>>) {add = true}
      %gt3A_492 = arith.constant 0 : i32
      %gt3A_493 = arith.cmpi sgt, %add3A_464, %gt3A_492 : i32
      %convert_element_type3A_494 = arith.extui %gt3A_493 : i1 to i32
      %cond3A_495 = arith.constant 0 : i32
      %cond3A_496 = arith.cmpi ne, %convert_element_type3A_494, %cond3A_495 : i32
      scf.if %cond3A_496 {
        %dma_wait3A_887 = arith.constant 7 : i32
        %dma_wait3A_888 = arith.constant 0 : i32
        %dma_wait3A_889 = tpu.memref_slice %arg8[%dma_wait3A_887, %dma_wait3A_888] : memref<8x128xi32, #tpu.memory_space<vmem>> -> memref<1x128xi32, #tpu.memory_space<vmem>>
        %dma_wait3A_890 = tpu.memref_squeeze %dma_wait3A_889 : memref<1x128xi32, #tpu.memory_space<vmem>> -> memref<128xi32, #tpu.memory_space<vmem>>
        %dma_wait3A_891 = arith.constant 0 : i32
        %dma_wait3A_892 = arith.constant 0 : i32
        %dma_wait3A_893 = tpu.memref_slice %arg18[%dma_wait3A_891, %dma_wait3A_892] : memref<10240x128xf32, #tpu.memory_space<vmem_shared>> -> memref<10240x128xf32, #tpu.memory_space<vmem_shared>>
        tpu.wait_indirect_dma semaphore(%arg15 : memref<!tpu.dma_semaphore, #tpu.memory_space<semaphore_mem>>) src(%arg11 : memref<128x128xf32, #tpu.memory_space<vmem>>) dst(%dma_wait3A_893 : memref<10240x128xf32, #tpu.memory_space<vmem_shared>>)
      } else {
      }
      %add3A_497 = arith.constant 1 : i32
      %add3A_498 = arith.addi %add3A_464, %add3A_497 : i32
      %lt3A_499 = arith.cmpi slt, %add3A_498, %select_n3A_6 : i32
      %convert_element_type3A_500 = arith.extui %lt3A_499 : i1 to i32
      %cond3A_501 = arith.constant 0 : i32
      %cond3A_502 = arith.cmpi ne, %convert_element_type3A_500, %cond3A_501 : i32
      scf.if %cond3A_502 {
        %add3A_887 = arith.constant 1 : i32
        %add3A_888 = arith.addi %add3A_464, %add3A_887 : i32
        %mul3A_889 = arith.constant 8 : i32
        %mul3A_890 = arith.muli %add3A_888, %mul3A_889 : i32
        %add3A_891 = arith.addi %select_n3A, %mul3A_890 : i32
        %dma_start3A_892 = arith.constant 0 : i32
        %dma_start3A_893 = tpu.memref_slice %arg3[%add3A_891, %dma_start3A_892] : memref<2560x128xi32, #tpu.memory_space<hbm>> -> memref<8x128xi32, #tpu.memory_space<hbm>>
        %dma_start3A_894 = arith.constant 0 : i32
        %dma_start3A_895 = tpu.memref_slice %arg3[%add3A_891, %dma_start3A_894] : memref<2560x128xi32, #tpu.memory_space<hbm>> -> memref<8x128xi32, #tpu.memory_space<hbm>>
        tpu.enqueue_dma source(%dma_start3A_895 : memref<8x128xi32, #tpu.memory_space<hbm>>) target(%arg6 : memref<8x128xi32, #tpu.memory_space<vmem>>) target_semaphore(%arg16 : memref<!tpu.dma_semaphore, #tpu.memory_space<semaphore_mem>>)
        %dma_start3A_896 = arith.constant 0 : i32
        %dma_start3A_897 = tpu.memref_slice %arg4[%add3A_891, %dma_start3A_896] : memref<2560x128xi32, #tpu.memory_space<hbm>> -> memref<8x128xi32, #tpu.memory_space<hbm>>
        %dma_start3A_898 = arith.constant 0 : i32
        %dma_start3A_899 = tpu.memref_slice %arg4[%add3A_891, %dma_start3A_898] : memref<2560x128xi32, #tpu.memory_space<hbm>> -> memref<8x128xi32, #tpu.memory_space<hbm>>
        tpu.enqueue_dma source(%dma_start3A_899 : memref<8x128xi32, #tpu.memory_space<hbm>>) target(%arg8 : memref<8x128xi32, #tpu.memory_space<vmem>>) target_semaphore(%arg16 : memref<!tpu.dma_semaphore, #tpu.memory_space<semaphore_mem>>)
      } else {
      }
      %dma_start3A_503 = arith.constant 1 : i32
      %dma_start3A_504 = arith.constant 0 : i32
      %dma_start3A_505 = arith.constant 0 : i32
      %dma_start3A_506 = tpu.memref_slice %arg11[%dma_start3A_504, %dma_start3A_505] : memref<128x128xf32, #tpu.memory_space<vmem>> -> memref<64x128xf32, #tpu.memory_space<vmem>>
      %dma_start3A_507 = arith.constant 0 : i32
      %dma_start3A_508 = tpu.memref_slice %arg7[%dma_start3A_503, %dma_start3A_507] : memref<8x128xi32, #tpu.memory_space<vmem>> -> memref<1x64xi32, #tpu.memory_space<vmem>>
      %dma_start3A_509 = tpu.memref_squeeze %dma_start3A_508 : memref<1x64xi32, #tpu.memory_space<vmem>> -> memref<64xi32, #tpu.memory_space<vmem>>
      %dma_start3A_510 = arith.constant 0 : i32
      %dma_start3A_511 = arith.constant 0 : i32
      %dma_start3A_512 = tpu.memref_slice %arg2[%dma_start3A_510, %dma_start3A_511] : memref<10240x128xf32, #tpu.memory_space<hbm>> -> memref<10240x128xf32, #tpu.memory_space<hbm>>
      tpu.enqueue_indirect_dma source(%dma_start3A_512 : memref<10240x128xf32, #tpu.memory_space<hbm>>) target(%dma_start3A_506 : memref<64x128xf32, #tpu.memory_space<vmem>>) offsets(%dma_start3A_509 : memref<64xi32, #tpu.memory_space<vmem>>) semaphore(%arg13 : memref<!tpu.dma_semaphore, #tpu.memory_space<semaphore_mem>>)
      %dma_start3A_513 = arith.constant 1 : i32
      %dma_start3A_514 = arith.constant 64 : i32
      %dma_start3A_515 = arith.constant 0 : i32
      %dma_start3A_516 = tpu.memref_slice %arg11[%dma_start3A_514, %dma_start3A_515] : memref<128x128xf32, #tpu.memory_space<vmem>> -> memref<64x128xf32, #tpu.memory_space<vmem>>
      %dma_start3A_517 = arith.constant 64 : i32
      %dma_start3A_518 = tpu.memref_slice %arg7[%dma_start3A_513, %dma_start3A_517] : memref<8x128xi32, #tpu.memory_space<vmem>> -> memref<1x64xi32, #tpu.memory_space<vmem>>
      %dma_start3A_519 = tpu.memref_squeeze %dma_start3A_518 : memref<1x64xi32, #tpu.memory_space<vmem>> -> memref<64xi32, #tpu.memory_space<vmem>>
      %dma_start3A_520 = arith.constant 0 : i32
      %dma_start3A_521 = arith.constant 0 : i32
      %dma_start3A_522 = tpu.memref_slice %arg2[%dma_start3A_520, %dma_start3A_521] : memref<10240x128xf32, #tpu.memory_space<hbm>> -> memref<10240x128xf32, #tpu.memory_space<hbm>>
      tpu.enqueue_indirect_dma source(%dma_start3A_522 : memref<10240x128xf32, #tpu.memory_space<hbm>>) target(%dma_start3A_516 : memref<64x128xf32, #tpu.memory_space<vmem>>) offsets(%dma_start3A_519 : memref<64xi32, #tpu.memory_space<vmem>>) semaphore(%arg13 : memref<!tpu.dma_semaphore, #tpu.memory_space<semaphore_mem>>)
      %dma_wait3A_523 = arith.constant 1 : i32
      %dma_wait3A_524 = arith.constant 0 : i32
      %dma_wait3A_525 = arith.constant 0 : i32
      %dma_wait3A_526 = tpu.memref_slice %arg11[%dma_wait3A_524, %dma_wait3A_525] : memref<128x128xf32, #tpu.memory_space<vmem>> -> memref<64x128xf32, #tpu.memory_space<vmem>>
      %dma_wait3A_527 = arith.constant 0 : i32
      %dma_wait3A_528 = tpu.memref_slice %arg7[%dma_wait3A_523, %dma_wait3A_527] : memref<8x128xi32, #tpu.memory_space<vmem>> -> memref<1x64xi32, #tpu.memory_space<vmem>>
      %dma_wait3A_529 = tpu.memref_squeeze %dma_wait3A_528 : memref<1x64xi32, #tpu.memory_space<vmem>> -> memref<64xi32, #tpu.memory_space<vmem>>
      %dma_wait3A_530 = arith.constant 0 : i32
      %dma_wait3A_531 = arith.constant 0 : i32
      %dma_wait3A_532 = tpu.memref_slice %arg2[%dma_wait3A_530, %dma_wait3A_531] : memref<10240x128xf32, #tpu.memory_space<hbm>> -> memref<10240x128xf32, #tpu.memory_space<hbm>>
      tpu.wait_indirect_dma semaphore(%arg13 : memref<!tpu.dma_semaphore, #tpu.memory_space<semaphore_mem>>) src(%dma_wait3A_532 : memref<10240x128xf32, #tpu.memory_space<hbm>>) dst(%dma_wait3A_526 : memref<64x128xf32, #tpu.memory_space<vmem>>)
      %dma_wait3A_533 = arith.constant 1 : i32
      %dma_wait3A_534 = arith.constant 64 : i32
      %dma_wait3A_535 = arith.constant 0 : i32
      %dma_wait3A_536 = tpu.memref_slice %arg11[%dma_wait3A_534, %dma_wait3A_535] : memref<128x128xf32, #tpu.memory_space<vmem>> -> memref<64x128xf32, #tpu.memory_space<vmem>>
      %dma_wait3A_537 = arith.constant 64 : i32
      %dma_wait3A_538 = tpu.memref_slice %arg7[%dma_wait3A_533, %dma_wait3A_537] : memref<8x128xi32, #tpu.memory_space<vmem>> -> memref<1x64xi32, #tpu.memory_space<vmem>>
      %dma_wait3A_539 = tpu.memref_squeeze %dma_wait3A_538 : memref<1x64xi32, #tpu.memory_space<vmem>> -> memref<64xi32, #tpu.memory_space<vmem>>
      %dma_wait3A_540 = arith.constant 0 : i32
      %dma_wait3A_541 = arith.constant 0 : i32
      %dma_wait3A_542 = tpu.memref_slice %arg2[%dma_wait3A_540, %dma_wait3A_541] : memref<10240x128xf32, #tpu.memory_space<hbm>> -> memref<10240x128xf32, #tpu.memory_space<hbm>>
      tpu.wait_indirect_dma semaphore(%arg13 : memref<!tpu.dma_semaphore, #tpu.memory_space<semaphore_mem>>) src(%dma_wait3A_542 : memref<10240x128xf32, #tpu.memory_space<hbm>>) dst(%dma_wait3A_536 : memref<64x128xf32, #tpu.memory_space<vmem>>)
      %dma_start3A_543 = arith.constant 1 : i32
      %dma_start3A_544 = arith.constant 0 : i32
      %dma_start3A_545 = tpu.memref_slice %arg9[%dma_start3A_543, %dma_start3A_544] : memref<8x128xi32, #tpu.memory_space<vmem>> -> memref<1x128xi32, #tpu.memory_space<vmem>>
      %dma_start3A_546 = tpu.memref_squeeze %dma_start3A_545 : memref<1x128xi32, #tpu.memory_space<vmem>> -> memref<128xi32, #tpu.memory_space<vmem>>
      %dma_start3A_547 = arith.constant 0 : i32
      %dma_start3A_548 = arith.constant 0 : i32
      %dma_start3A_549 = tpu.memref_slice %arg18[%dma_start3A_547, %dma_start3A_548] : memref<10240x128xf32, #tpu.memory_space<vmem_shared>> -> memref<10240x128xf32, #tpu.memory_space<vmem_shared>>
      tpu.enqueue_indirect_dma source(%arg11 : memref<128x128xf32, #tpu.memory_space<vmem>>) target(%dma_start3A_549 : memref<10240x128xf32, #tpu.memory_space<vmem_shared>>) offsets(%dma_start3A_546 : memref<128xi32, #tpu.memory_space<vmem>>) semaphore(%arg15 : memref<!tpu.dma_semaphore, #tpu.memory_space<semaphore_mem>>) {add = true}
      %dma_wait3A_550 = arith.constant 0 : i32
      %dma_wait3A_551 = arith.constant 0 : i32
      %dma_wait3A_552 = tpu.memref_slice %arg9[%dma_wait3A_550, %dma_wait3A_551] : memref<8x128xi32, #tpu.memory_space<vmem>> -> memref<1x128xi32, #tpu.memory_space<vmem>>
      %dma_wait3A_553 = tpu.memref_squeeze %dma_wait3A_552 : memref<1x128xi32, #tpu.memory_space<vmem>> -> memref<128xi32, #tpu.memory_space<vmem>>
      %dma_wait3A_554 = arith.constant 0 : i32
      %dma_wait3A_555 = arith.constant 0 : i32
      %dma_wait3A_556 = tpu.memref_slice %arg18[%dma_wait3A_554, %dma_wait3A_555] : memref<10240x128xf32, #tpu.memory_space<vmem_shared>> -> memref<10240x128xf32, #tpu.memory_space<vmem_shared>>
      tpu.wait_indirect_dma semaphore(%arg14 : memref<!tpu.dma_semaphore, #tpu.memory_space<semaphore_mem>>) src(%arg10 : memref<128x128xf32, #tpu.memory_space<vmem>>) dst(%dma_wait3A_556 : memref<10240x128xf32, #tpu.memory_space<vmem_shared>>)
      %dma_start3A_557 = arith.constant 2 : i32
      %dma_start3A_558 = arith.constant 0 : i32
      %dma_start3A_559 = arith.constant 0 : i32
      %dma_start3A_560 = tpu.memref_slice %arg10[%dma_start3A_558, %dma_start3A_559] : memref<128x128xf32, #tpu.memory_space<vmem>> -> memref<64x128xf32, #tpu.memory_space<vmem>>
      %dma_start3A_561 = arith.constant 0 : i32
      %dma_start3A_562 = tpu.memref_slice %arg7[%dma_start3A_557, %dma_start3A_561] : memref<8x128xi32, #tpu.memory_space<vmem>> -> memref<1x64xi32, #tpu.memory_space<vmem>>
      %dma_start3A_563 = tpu.memref_squeeze %dma_start3A_562 : memref<1x64xi32, #tpu.memory_space<vmem>> -> memref<64xi32, #tpu.memory_space<vmem>>
      %dma_start3A_564 = arith.constant 0 : i32
      %dma_start3A_565 = arith.constant 0 : i32
      %dma_start3A_566 = tpu.memref_slice %arg2[%dma_start3A_564, %dma_start3A_565] : memref<10240x128xf32, #tpu.memory_space<hbm>> -> memref<10240x128xf32, #tpu.memory_space<hbm>>
      tpu.enqueue_indirect_dma source(%dma_start3A_566 : memref<10240x128xf32, #tpu.memory_space<hbm>>) target(%dma_start3A_560 : memref<64x128xf32, #tpu.memory_space<vmem>>) offsets(%dma_start3A_563 : memref<64xi32, #tpu.memory_space<vmem>>) semaphore(%arg12 : memref<!tpu.dma_semaphore, #tpu.memory_space<semaphore_mem>>)
      %dma_start3A_567 = arith.constant 2 : i32
      %dma_start3A_568 = arith.constant 64 : i32
      %dma_start3A_569 = arith.constant 0 : i32
      %dma_start3A_570 = tpu.memref_slice %arg10[%dma_start3A_568, %dma_start3A_569] : memref<128x128xf32, #tpu.memory_space<vmem>> -> memref<64x128xf32, #tpu.memory_space<vmem>>
      %dma_start3A_571 = arith.constant 64 : i32
      %dma_start3A_572 = tpu.memref_slice %arg7[%dma_start3A_567, %dma_start3A_571] : memref<8x128xi32, #tpu.memory_space<vmem>> -> memref<1x64xi32, #tpu.memory_space<vmem>>
      %dma_start3A_573 = tpu.memref_squeeze %dma_start3A_572 : memref<1x64xi32, #tpu.memory_space<vmem>> -> memref<64xi32, #tpu.memory_space<vmem>>
      %dma_start3A_574 = arith.constant 0 : i32
      %dma_start3A_575 = arith.constant 0 : i32
      %dma_start3A_576 = tpu.memref_slice %arg2[%dma_start3A_574, %dma_start3A_575] : memref<10240x128xf32, #tpu.memory_space<hbm>> -> memref<10240x128xf32, #tpu.memory_space<hbm>>
      tpu.enqueue_indirect_dma source(%dma_start3A_576 : memref<10240x128xf32, #tpu.memory_space<hbm>>) target(%dma_start3A_570 : memref<64x128xf32, #tpu.memory_space<vmem>>) offsets(%dma_start3A_573 : memref<64xi32, #tpu.memory_space<vmem>>) semaphore(%arg12 : memref<!tpu.dma_semaphore, #tpu.memory_space<semaphore_mem>>)
      %dma_wait3A_577 = arith.constant 2 : i32
      %dma_wait3A_578 = arith.constant 0 : i32
      %dma_wait3A_579 = arith.constant 0 : i32
      %dma_wait3A_580 = tpu.memref_slice %arg10[%dma_wait3A_578, %dma_wait3A_579] : memref<128x128xf32, #tpu.memory_space<vmem>> -> memref<64x128xf32, #tpu.memory_space<vmem>>
      %dma_wait3A_581 = arith.constant 0 : i32
      %dma_wait3A_582 = tpu.memref_slice %arg7[%dma_wait3A_577, %dma_wait3A_581] : memref<8x128xi32, #tpu.memory_space<vmem>> -> memref<1x64xi32, #tpu.memory_space<vmem>>
      %dma_wait3A_583 = tpu.memref_squeeze %dma_wait3A_582 : memref<1x64xi32, #tpu.memory_space<vmem>> -> memref<64xi32, #tpu.memory_space<vmem>>
      %dma_wait3A_584 = arith.constant 0 : i32
      %dma_wait3A_585 = arith.constant 0 : i32
      %dma_wait3A_586 = tpu.memref_slice %arg2[%dma_wait3A_584, %dma_wait3A_585] : memref<10240x128xf32, #tpu.memory_space<hbm>> -> memref<10240x128xf32, #tpu.memory_space<hbm>>
      tpu.wait_indirect_dma semaphore(%arg12 : memref<!tpu.dma_semaphore, #tpu.memory_space<semaphore_mem>>) src(%dma_wait3A_586 : memref<10240x128xf32, #tpu.memory_space<hbm>>) dst(%dma_wait3A_580 : memref<64x128xf32, #tpu.memory_space<vmem>>)
      %dma_wait3A_587 = arith.constant 2 : i32
      %dma_wait3A_588 = arith.constant 64 : i32
      %dma_wait3A_589 = arith.constant 0 : i32
      %dma_wait3A_590 = tpu.memref_slice %arg10[%dma_wait3A_588, %dma_wait3A_589] : memref<128x128xf32, #tpu.memory_space<vmem>> -> memref<64x128xf32, #tpu.memory_space<vmem>>
      %dma_wait3A_591 = arith.constant 64 : i32
      %dma_wait3A_592 = tpu.memref_slice %arg7[%dma_wait3A_587, %dma_wait3A_591] : memref<8x128xi32, #tpu.memory_space<vmem>> -> memref<1x64xi32, #tpu.memory_space<vmem>>
      %dma_wait3A_593 = tpu.memref_squeeze %dma_wait3A_592 : memref<1x64xi32, #tpu.memory_space<vmem>> -> memref<64xi32, #tpu.memory_space<vmem>>
      %dma_wait3A_594 = arith.constant 0 : i32
      %dma_wait3A_595 = arith.constant 0 : i32
      %dma_wait3A_596 = tpu.memref_slice %arg2[%dma_wait3A_594, %dma_wait3A_595] : memref<10240x128xf32, #tpu.memory_space<hbm>> -> memref<10240x128xf32, #tpu.memory_space<hbm>>
      tpu.wait_indirect_dma semaphore(%arg12 : memref<!tpu.dma_semaphore, #tpu.memory_space<semaphore_mem>>) src(%dma_wait3A_596 : memref<10240x128xf32, #tpu.memory_space<hbm>>) dst(%dma_wait3A_590 : memref<64x128xf32, #tpu.memory_space<vmem>>)
      %dma_start3A_597 = arith.constant 2 : i32
      %dma_start3A_598 = arith.constant 0 : i32
      %dma_start3A_599 = tpu.memref_slice %arg9[%dma_start3A_597, %dma_start3A_598] : memref<8x128xi32, #tpu.memory_space<vmem>> -> memref<1x128xi32, #tpu.memory_space<vmem>>
      %dma_start3A_600 = tpu.memref_squeeze %dma_start3A_599 : memref<1x128xi32, #tpu.memory_space<vmem>> -> memref<128xi32, #tpu.memory_space<vmem>>
      %dma_start3A_601 = arith.constant 0 : i32
      %dma_start3A_602 = arith.constant 0 : i32
      %dma_start3A_603 = tpu.memref_slice %arg18[%dma_start3A_601, %dma_start3A_602] : memref<10240x128xf32, #tpu.memory_space<vmem_shared>> -> memref<10240x128xf32, #tpu.memory_space<vmem_shared>>
      tpu.enqueue_indirect_dma source(%arg10 : memref<128x128xf32, #tpu.memory_space<vmem>>) target(%dma_start3A_603 : memref<10240x128xf32, #tpu.memory_space<vmem_shared>>) offsets(%dma_start3A_600 : memref<128xi32, #tpu.memory_space<vmem>>) semaphore(%arg14 : memref<!tpu.dma_semaphore, #tpu.memory_space<semaphore_mem>>) {add = true}
      %dma_wait3A_604 = arith.constant 1 : i32
      %dma_wait3A_605 = arith.constant 0 : i32
      %dma_wait3A_606 = tpu.memref_slice %arg9[%dma_wait3A_604, %dma_wait3A_605] : memref<8x128xi32, #tpu.memory_space<vmem>> -> memref<1x128xi32, #tpu.memory_space<vmem>>
      %dma_wait3A_607 = tpu.memref_squeeze %dma_wait3A_606 : memref<1x128xi32, #tpu.memory_space<vmem>> -> memref<128xi32, #tpu.memory_space<vmem>>
      %dma_wait3A_608 = arith.constant 0 : i32
      %dma_wait3A_609 = arith.constant 0 : i32
      %dma_wait3A_610 = tpu.memref_slice %arg18[%dma_wait3A_608, %dma_wait3A_609] : memref<10240x128xf32, #tpu.memory_space<vmem_shared>> -> memref<10240x128xf32, #tpu.memory_space<vmem_shared>>
      tpu.wait_indirect_dma semaphore(%arg15 : memref<!tpu.dma_semaphore, #tpu.memory_space<semaphore_mem>>) src(%arg11 : memref<128x128xf32, #tpu.memory_space<vmem>>) dst(%dma_wait3A_610 : memref<10240x128xf32, #tpu.memory_space<vmem_shared>>)
      %dma_start3A_611 = arith.constant 3 : i32
      %dma_start3A_612 = arith.constant 0 : i32
      %dma_start3A_613 = arith.constant 0 : i32
      %dma_start3A_614 = tpu.memref_slice %arg11[%dma_start3A_612, %dma_start3A_613] : memref<128x128xf32, #tpu.memory_space<vmem>> -> memref<64x128xf32, #tpu.memory_space<vmem>>
      %dma_start3A_615 = arith.constant 0 : i32
      %dma_start3A_616 = tpu.memref_slice %arg7[%dma_start3A_611, %dma_start3A_615] : memref<8x128xi32, #tpu.memory_space<vmem>> -> memref<1x64xi32, #tpu.memory_space<vmem>>
      %dma_start3A_617 = tpu.memref_squeeze %dma_start3A_616 : memref<1x64xi32, #tpu.memory_space<vmem>> -> memref<64xi32, #tpu.memory_space<vmem>>
      %dma_start3A_618 = arith.constant 0 : i32
      %dma_start3A_619 = arith.constant 0 : i32
      %dma_start3A_620 = tpu.memref_slice %arg2[%dma_start3A_618, %dma_start3A_619] : memref<10240x128xf32, #tpu.memory_space<hbm>> -> memref<10240x128xf32, #tpu.memory_space<hbm>>
      tpu.enqueue_indirect_dma source(%dma_start3A_620 : memref<10240x128xf32, #tpu.memory_space<hbm>>) target(%dma_start3A_614 : memref<64x128xf32, #tpu.memory_space<vmem>>) offsets(%dma_start3A_617 : memref<64xi32, #tpu.memory_space<vmem>>) semaphore(%arg13 : memref<!tpu.dma_semaphore, #tpu.memory_space<semaphore_mem>>)
      %dma_start3A_621 = arith.constant 3 : i32
      %dma_start3A_622 = arith.constant 64 : i32
      %dma_start3A_623 = arith.constant 0 : i32
      %dma_start3A_624 = tpu.memref_slice %arg11[%dma_start3A_622, %dma_start3A_623] : memref<128x128xf32, #tpu.memory_space<vmem>> -> memref<64x128xf32, #tpu.memory_space<vmem>>
      %dma_start3A_625 = arith.constant 64 : i32
      %dma_start3A_626 = tpu.memref_slice %arg7[%dma_start3A_621, %dma_start3A_625] : memref<8x128xi32, #tpu.memory_space<vmem>> -> memref<1x64xi32, #tpu.memory_space<vmem>>
      %dma_start3A_627 = tpu.memref_squeeze %dma_start3A_626 : memref<1x64xi32, #tpu.memory_space<vmem>> -> memref<64xi32, #tpu.memory_space<vmem>>
      %dma_start3A_628 = arith.constant 0 : i32
      %dma_start3A_629 = arith.constant 0 : i32
      %dma_start3A_630 = tpu.memref_slice %arg2[%dma_start3A_628, %dma_start3A_629] : memref<10240x128xf32, #tpu.memory_space<hbm>> -> memref<10240x128xf32, #tpu.memory_space<hbm>>
      tpu.enqueue_indirect_dma source(%dma_start3A_630 : memref<10240x128xf32, #tpu.memory_space<hbm>>) target(%dma_start3A_624 : memref<64x128xf32, #tpu.memory_space<vmem>>) offsets(%dma_start3A_627 : memref<64xi32, #tpu.memory_space<vmem>>) semaphore(%arg13 : memref<!tpu.dma_semaphore, #tpu.memory_space<semaphore_mem>>)
      %dma_wait3A_631 = arith.constant 3 : i32
      %dma_wait3A_632 = arith.constant 0 : i32
      %dma_wait3A_633 = arith.constant 0 : i32
      %dma_wait3A_634 = tpu.memref_slice %arg11[%dma_wait3A_632, %dma_wait3A_633] : memref<128x128xf32, #tpu.memory_space<vmem>> -> memref<64x128xf32, #tpu.memory_space<vmem>>
      %dma_wait3A_635 = arith.constant 0 : i32
      %dma_wait3A_636 = tpu.memref_slice %arg7[%dma_wait3A_631, %dma_wait3A_635] : memref<8x128xi32, #tpu.memory_space<vmem>> -> memref<1x64xi32, #tpu.memory_space<vmem>>
      %dma_wait3A_637 = tpu.memref_squeeze %dma_wait3A_636 : memref<1x64xi32, #tpu.memory_space<vmem>> -> memref<64xi32, #tpu.memory_space<vmem>>
      %dma_wait3A_638 = arith.constant 0 : i32
      %dma_wait3A_639 = arith.constant 0 : i32
      %dma_wait3A_640 = tpu.memref_slice %arg2[%dma_wait3A_638, %dma_wait3A_639] : memref<10240x128xf32, #tpu.memory_space<hbm>> -> memref<10240x128xf32, #tpu.memory_space<hbm>>
      tpu.wait_indirect_dma semaphore(%arg13 : memref<!tpu.dma_semaphore, #tpu.memory_space<semaphore_mem>>) src(%dma_wait3A_640 : memref<10240x128xf32, #tpu.memory_space<hbm>>) dst(%dma_wait3A_634 : memref<64x128xf32, #tpu.memory_space<vmem>>)
      %dma_wait3A_641 = arith.constant 3 : i32
      %dma_wait3A_642 = arith.constant 64 : i32
      %dma_wait3A_643 = arith.constant 0 : i32
      %dma_wait3A_644 = tpu.memref_slice %arg11[%dma_wait3A_642, %dma_wait3A_643] : memref<128x128xf32, #tpu.memory_space<vmem>> -> memref<64x128xf32, #tpu.memory_space<vmem>>
      %dma_wait3A_645 = arith.constant 64 : i32
      %dma_wait3A_646 = tpu.memref_slice %arg7[%dma_wait3A_641, %dma_wait3A_645] : memref<8x128xi32, #tpu.memory_space<vmem>> -> memref<1x64xi32, #tpu.memory_space<vmem>>
      %dma_wait3A_647 = tpu.memref_squeeze %dma_wait3A_646 : memref<1x64xi32, #tpu.memory_space<vmem>> -> memref<64xi32, #tpu.memory_space<vmem>>
      %dma_wait3A_648 = arith.constant 0 : i32
      %dma_wait3A_649 = arith.constant 0 : i32
      %dma_wait3A_650 = tpu.memref_slice %arg2[%dma_wait3A_648, %dma_wait3A_649] : memref<10240x128xf32, #tpu.memory_space<hbm>> -> memref<10240x128xf32, #tpu.memory_space<hbm>>
      tpu.wait_indirect_dma semaphore(%arg13 : memref<!tpu.dma_semaphore, #tpu.memory_space<semaphore_mem>>) src(%dma_wait3A_650 : memref<10240x128xf32, #tpu.memory_space<hbm>>) dst(%dma_wait3A_644 : memref<64x128xf32, #tpu.memory_space<vmem>>)
      %dma_start3A_651 = arith.constant 3 : i32
      %dma_start3A_652 = arith.constant 0 : i32
      %dma_start3A_653 = tpu.memref_slice %arg9[%dma_start3A_651, %dma_start3A_652] : memref<8x128xi32, #tpu.memory_space<vmem>> -> memref<1x128xi32, #tpu.memory_space<vmem>>
      %dma_start3A_654 = tpu.memref_squeeze %dma_start3A_653 : memref<1x128xi32, #tpu.memory_space<vmem>> -> memref<128xi32, #tpu.memory_space<vmem>>
      %dma_start3A_655 = arith.constant 0 : i32
      %dma_start3A_656 = arith.constant 0 : i32
      %dma_start3A_657 = tpu.memref_slice %arg18[%dma_start3A_655, %dma_start3A_656] : memref<10240x128xf32, #tpu.memory_space<vmem_shared>> -> memref<10240x128xf32, #tpu.memory_space<vmem_shared>>
      tpu.enqueue_indirect_dma source(%arg11 : memref<128x128xf32, #tpu.memory_space<vmem>>) target(%dma_start3A_657 : memref<10240x128xf32, #tpu.memory_space<vmem_shared>>) offsets(%dma_start3A_654 : memref<128xi32, #tpu.memory_space<vmem>>) semaphore(%arg15 : memref<!tpu.dma_semaphore, #tpu.memory_space<semaphore_mem>>) {add = true}
      %dma_wait3A_658 = arith.constant 2 : i32
      %dma_wait3A_659 = arith.constant 0 : i32
      %dma_wait3A_660 = tpu.memref_slice %arg9[%dma_wait3A_658, %dma_wait3A_659] : memref<8x128xi32, #tpu.memory_space<vmem>> -> memref<1x128xi32, #tpu.memory_space<vmem>>
      %dma_wait3A_661 = tpu.memref_squeeze %dma_wait3A_660 : memref<1x128xi32, #tpu.memory_space<vmem>> -> memref<128xi32, #tpu.memory_space<vmem>>
      %dma_wait3A_662 = arith.constant 0 : i32
      %dma_wait3A_663 = arith.constant 0 : i32
      %dma_wait3A_664 = tpu.memref_slice %arg18[%dma_wait3A_662, %dma_wait3A_663] : memref<10240x128xf32, #tpu.memory_space<vmem_shared>> -> memref<10240x128xf32, #tpu.memory_space<vmem_shared>>
      tpu.wait_indirect_dma semaphore(%arg14 : memref<!tpu.dma_semaphore, #tpu.memory_space<semaphore_mem>>) src(%arg10 : memref<128x128xf32, #tpu.memory_space<vmem>>) dst(%dma_wait3A_664 : memref<10240x128xf32, #tpu.memory_space<vmem_shared>>)
      %dma_start3A_665 = arith.constant 4 : i32
      %dma_start3A_666 = arith.constant 0 : i32
      %dma_start3A_667 = arith.constant 0 : i32
      %dma_start3A_668 = tpu.memref_slice %arg10[%dma_start3A_666, %dma_start3A_667] : memref<128x128xf32, #tpu.memory_space<vmem>> -> memref<64x128xf32, #tpu.memory_space<vmem>>
      %dma_start3A_669 = arith.constant 0 : i32
      %dma_start3A_670 = tpu.memref_slice %arg7[%dma_start3A_665, %dma_start3A_669] : memref<8x128xi32, #tpu.memory_space<vmem>> -> memref<1x64xi32, #tpu.memory_space<vmem>>
      %dma_start3A_671 = tpu.memref_squeeze %dma_start3A_670 : memref<1x64xi32, #tpu.memory_space<vmem>> -> memref<64xi32, #tpu.memory_space<vmem>>
      %dma_start3A_672 = arith.constant 0 : i32
      %dma_start3A_673 = arith.constant 0 : i32
      %dma_start3A_674 = tpu.memref_slice %arg2[%dma_start3A_672, %dma_start3A_673] : memref<10240x128xf32, #tpu.memory_space<hbm>> -> memref<10240x128xf32, #tpu.memory_space<hbm>>
      tpu.enqueue_indirect_dma source(%dma_start3A_674 : memref<10240x128xf32, #tpu.memory_space<hbm>>) target(%dma_start3A_668 : memref<64x128xf32, #tpu.memory_space<vmem>>) offsets(%dma_start3A_671 : memref<64xi32, #tpu.memory_space<vmem>>) semaphore(%arg12 : memref<!tpu.dma_semaphore, #tpu.memory_space<semaphore_mem>>)
      %dma_start3A_675 = arith.constant 4 : i32
      %dma_start3A_676 = arith.constant 64 : i32
      %dma_start3A_677 = arith.constant 0 : i32
      %dma_start3A_678 = tpu.memref_slice %arg10[%dma_start3A_676, %dma_start3A_677] : memref<128x128xf32, #tpu.memory_space<vmem>> -> memref<64x128xf32, #tpu.memory_space<vmem>>
      %dma_start3A_679 = arith.constant 64 : i32
      %dma_start3A_680 = tpu.memref_slice %arg7[%dma_start3A_675, %dma_start3A_679] : memref<8x128xi32, #tpu.memory_space<vmem>> -> memref<1x64xi32, #tpu.memory_space<vmem>>
      %dma_start3A_681 = tpu.memref_squeeze %dma_start3A_680 : memref<1x64xi32, #tpu.memory_space<vmem>> -> memref<64xi32, #tpu.memory_space<vmem>>
      %dma_start3A_682 = arith.constant 0 : i32
      %dma_start3A_683 = arith.constant 0 : i32
      %dma_start3A_684 = tpu.memref_slice %arg2[%dma_start3A_682, %dma_start3A_683] : memref<10240x128xf32, #tpu.memory_space<hbm>> -> memref<10240x128xf32, #tpu.memory_space<hbm>>
      tpu.enqueue_indirect_dma source(%dma_start3A_684 : memref<10240x128xf32, #tpu.memory_space<hbm>>) target(%dma_start3A_678 : memref<64x128xf32, #tpu.memory_space<vmem>>) offsets(%dma_start3A_681 : memref<64xi32, #tpu.memory_space<vmem>>) semaphore(%arg12 : memref<!tpu.dma_semaphore, #tpu.memory_space<semaphore_mem>>)
      %dma_wait3A_685 = arith.constant 4 : i32
      %dma_wait3A_686 = arith.constant 0 : i32
      %dma_wait3A_687 = arith.constant 0 : i32
      %dma_wait3A_688 = tpu.memref_slice %arg10[%dma_wait3A_686, %dma_wait3A_687] : memref<128x128xf32, #tpu.memory_space<vmem>> -> memref<64x128xf32, #tpu.memory_space<vmem>>
      %dma_wait3A_689 = arith.constant 0 : i32
      %dma_wait3A_690 = tpu.memref_slice %arg7[%dma_wait3A_685, %dma_wait3A_689] : memref<8x128xi32, #tpu.memory_space<vmem>> -> memref<1x64xi32, #tpu.memory_space<vmem>>
      %dma_wait3A_691 = tpu.memref_squeeze %dma_wait3A_690 : memref<1x64xi32, #tpu.memory_space<vmem>> -> memref<64xi32, #tpu.memory_space<vmem>>
      %dma_wait3A_692 = arith.constant 0 : i32
      %dma_wait3A_693 = arith.constant 0 : i32
      %dma_wait3A_694 = tpu.memref_slice %arg2[%dma_wait3A_692, %dma_wait3A_693] : memref<10240x128xf32, #tpu.memory_space<hbm>> -> memref<10240x128xf32, #tpu.memory_space<hbm>>
      tpu.wait_indirect_dma semaphore(%arg12 : memref<!tpu.dma_semaphore, #tpu.memory_space<semaphore_mem>>) src(%dma_wait3A_694 : memref<10240x128xf32, #tpu.memory_space<hbm>>) dst(%dma_wait3A_688 : memref<64x128xf32, #tpu.memory_space<vmem>>)
      %dma_wait3A_695 = arith.constant 4 : i32
      %dma_wait3A_696 = arith.constant 64 : i32
      %dma_wait3A_697 = arith.constant 0 : i32
      %dma_wait3A_698 = tpu.memref_slice %arg10[%dma_wait3A_696, %dma_wait3A_697] : memref<128x128xf32, #tpu.memory_space<vmem>> -> memref<64x128xf32, #tpu.memory_space<vmem>>
      %dma_wait3A_699 = arith.constant 64 : i32
      %dma_wait3A_700 = tpu.memref_slice %arg7[%dma_wait3A_695, %dma_wait3A_699] : memref<8x128xi32, #tpu.memory_space<vmem>> -> memref<1x64xi32, #tpu.memory_space<vmem>>
      %dma_wait3A_701 = tpu.memref_squeeze %dma_wait3A_700 : memref<1x64xi32, #tpu.memory_space<vmem>> -> memref<64xi32, #tpu.memory_space<vmem>>
      %dma_wait3A_702 = arith.constant 0 : i32
      %dma_wait3A_703 = arith.constant 0 : i32
      %dma_wait3A_704 = tpu.memref_slice %arg2[%dma_wait3A_702, %dma_wait3A_703] : memref<10240x128xf32, #tpu.memory_space<hbm>> -> memref<10240x128xf32, #tpu.memory_space<hbm>>
      tpu.wait_indirect_dma semaphore(%arg12 : memref<!tpu.dma_semaphore, #tpu.memory_space<semaphore_mem>>) src(%dma_wait3A_704 : memref<10240x128xf32, #tpu.memory_space<hbm>>) dst(%dma_wait3A_698 : memref<64x128xf32, #tpu.memory_space<vmem>>)
      %dma_start3A_705 = arith.constant 4 : i32
      %dma_start3A_706 = arith.constant 0 : i32
      %dma_start3A_707 = tpu.memref_slice %arg9[%dma_start3A_705, %dma_start3A_706] : memref<8x128xi32, #tpu.memory_space<vmem>> -> memref<1x128xi32, #tpu.memory_space<vmem>>
      %dma_start3A_708 = tpu.memref_squeeze %dma_start3A_707 : memref<1x128xi32, #tpu.memory_space<vmem>> -> memref<128xi32, #tpu.memory_space<vmem>>
      %dma_start3A_709 = arith.constant 0 : i32
      %dma_start3A_710 = arith.constant 0 : i32
      %dma_start3A_711 = tpu.memref_slice %arg18[%dma_start3A_709, %dma_start3A_710] : memref<10240x128xf32, #tpu.memory_space<vmem_shared>> -> memref<10240x128xf32, #tpu.memory_space<vmem_shared>>
      tpu.enqueue_indirect_dma source(%arg10 : memref<128x128xf32, #tpu.memory_space<vmem>>) target(%dma_start3A_711 : memref<10240x128xf32, #tpu.memory_space<vmem_shared>>) offsets(%dma_start3A_708 : memref<128xi32, #tpu.memory_space<vmem>>) semaphore(%arg14 : memref<!tpu.dma_semaphore, #tpu.memory_space<semaphore_mem>>) {add = true}
      %dma_wait3A_712 = arith.constant 3 : i32
      %dma_wait3A_713 = arith.constant 0 : i32
      %dma_wait3A_714 = tpu.memref_slice %arg9[%dma_wait3A_712, %dma_wait3A_713] : memref<8x128xi32, #tpu.memory_space<vmem>> -> memref<1x128xi32, #tpu.memory_space<vmem>>
      %dma_wait3A_715 = tpu.memref_squeeze %dma_wait3A_714 : memref<1x128xi32, #tpu.memory_space<vmem>> -> memref<128xi32, #tpu.memory_space<vmem>>
      %dma_wait3A_716 = arith.constant 0 : i32
      %dma_wait3A_717 = arith.constant 0 : i32
      %dma_wait3A_718 = tpu.memref_slice %arg18[%dma_wait3A_716, %dma_wait3A_717] : memref<10240x128xf32, #tpu.memory_space<vmem_shared>> -> memref<10240x128xf32, #tpu.memory_space<vmem_shared>>
      tpu.wait_indirect_dma semaphore(%arg15 : memref<!tpu.dma_semaphore, #tpu.memory_space<semaphore_mem>>) src(%arg11 : memref<128x128xf32, #tpu.memory_space<vmem>>) dst(%dma_wait3A_718 : memref<10240x128xf32, #tpu.memory_space<vmem_shared>>)
      %dma_start3A_719 = arith.constant 5 : i32
      %dma_start3A_720 = arith.constant 0 : i32
      %dma_start3A_721 = arith.constant 0 : i32
      %dma_start3A_722 = tpu.memref_slice %arg11[%dma_start3A_720, %dma_start3A_721] : memref<128x128xf32, #tpu.memory_space<vmem>> -> memref<64x128xf32, #tpu.memory_space<vmem>>
      %dma_start3A_723 = arith.constant 0 : i32
      %dma_start3A_724 = tpu.memref_slice %arg7[%dma_start3A_719, %dma_start3A_723] : memref<8x128xi32, #tpu.memory_space<vmem>> -> memref<1x64xi32, #tpu.memory_space<vmem>>
      %dma_start3A_725 = tpu.memref_squeeze %dma_start3A_724 : memref<1x64xi32, #tpu.memory_space<vmem>> -> memref<64xi32, #tpu.memory_space<vmem>>
      %dma_start3A_726 = arith.constant 0 : i32
      %dma_start3A_727 = arith.constant 0 : i32
      %dma_start3A_728 = tpu.memref_slice %arg2[%dma_start3A_726, %dma_start3A_727] : memref<10240x128xf32, #tpu.memory_space<hbm>> -> memref<10240x128xf32, #tpu.memory_space<hbm>>
      tpu.enqueue_indirect_dma source(%dma_start3A_728 : memref<10240x128xf32, #tpu.memory_space<hbm>>) target(%dma_start3A_722 : memref<64x128xf32, #tpu.memory_space<vmem>>) offsets(%dma_start3A_725 : memref<64xi32, #tpu.memory_space<vmem>>) semaphore(%arg13 : memref<!tpu.dma_semaphore, #tpu.memory_space<semaphore_mem>>)
      %dma_start3A_729 = arith.constant 5 : i32
      %dma_start3A_730 = arith.constant 64 : i32
      %dma_start3A_731 = arith.constant 0 : i32
      %dma_start3A_732 = tpu.memref_slice %arg11[%dma_start3A_730, %dma_start3A_731] : memref<128x128xf32, #tpu.memory_space<vmem>> -> memref<64x128xf32, #tpu.memory_space<vmem>>
      %dma_start3A_733 = arith.constant 64 : i32
      %dma_start3A_734 = tpu.memref_slice %arg7[%dma_start3A_729, %dma_start3A_733] : memref<8x128xi32, #tpu.memory_space<vmem>> -> memref<1x64xi32, #tpu.memory_space<vmem>>
      %dma_start3A_735 = tpu.memref_squeeze %dma_start3A_734 : memref<1x64xi32, #tpu.memory_space<vmem>> -> memref<64xi32, #tpu.memory_space<vmem>>
      %dma_start3A_736 = arith.constant 0 : i32
      %dma_start3A_737 = arith.constant 0 : i32
      %dma_start3A_738 = tpu.memref_slice %arg2[%dma_start3A_736, %dma_start3A_737] : memref<10240x128xf32, #tpu.memory_space<hbm>> -> memref<10240x128xf32, #tpu.memory_space<hbm>>
      tpu.enqueue_indirect_dma source(%dma_start3A_738 : memref<10240x128xf32, #tpu.memory_space<hbm>>) target(%dma_start3A_732 : memref<64x128xf32, #tpu.memory_space<vmem>>) offsets(%dma_start3A_735 : memref<64xi32, #tpu.memory_space<vmem>>) semaphore(%arg13 : memref<!tpu.dma_semaphore, #tpu.memory_space<semaphore_mem>>)
      %dma_wait3A_739 = arith.constant 5 : i32
      %dma_wait3A_740 = arith.constant 0 : i32
      %dma_wait3A_741 = arith.constant 0 : i32
      %dma_wait3A_742 = tpu.memref_slice %arg11[%dma_wait3A_740, %dma_wait3A_741] : memref<128x128xf32, #tpu.memory_space<vmem>> -> memref<64x128xf32, #tpu.memory_space<vmem>>
      %dma_wait3A_743 = arith.constant 0 : i32
      %dma_wait3A_744 = tpu.memref_slice %arg7[%dma_wait3A_739, %dma_wait3A_743] : memref<8x128xi32, #tpu.memory_space<vmem>> -> memref<1x64xi32, #tpu.memory_space<vmem>>
      %dma_wait3A_745 = tpu.memref_squeeze %dma_wait3A_744 : memref<1x64xi32, #tpu.memory_space<vmem>> -> memref<64xi32, #tpu.memory_space<vmem>>
      %dma_wait3A_746 = arith.constant 0 : i32
      %dma_wait3A_747 = arith.constant 0 : i32
      %dma_wait3A_748 = tpu.memref_slice %arg2[%dma_wait3A_746, %dma_wait3A_747] : memref<10240x128xf32, #tpu.memory_space<hbm>> -> memref<10240x128xf32, #tpu.memory_space<hbm>>
      tpu.wait_indirect_dma semaphore(%arg13 : memref<!tpu.dma_semaphore, #tpu.memory_space<semaphore_mem>>) src(%dma_wait3A_748 : memref<10240x128xf32, #tpu.memory_space<hbm>>) dst(%dma_wait3A_742 : memref<64x128xf32, #tpu.memory_space<vmem>>)
      %dma_wait3A_749 = arith.constant 5 : i32
      %dma_wait3A_750 = arith.constant 64 : i32
      %dma_wait3A_751 = arith.constant 0 : i32
      %dma_wait3A_752 = tpu.memref_slice %arg11[%dma_wait3A_750, %dma_wait3A_751] : memref<128x128xf32, #tpu.memory_space<vmem>> -> memref<64x128xf32, #tpu.memory_space<vmem>>
      %dma_wait3A_753 = arith.constant 64 : i32
      %dma_wait3A_754 = tpu.memref_slice %arg7[%dma_wait3A_749, %dma_wait3A_753] : memref<8x128xi32, #tpu.memory_space<vmem>> -> memref<1x64xi32, #tpu.memory_space<vmem>>
      %dma_wait3A_755 = tpu.memref_squeeze %dma_wait3A_754 : memref<1x64xi32, #tpu.memory_space<vmem>> -> memref<64xi32, #tpu.memory_space<vmem>>
      %dma_wait3A_756 = arith.constant 0 : i32
      %dma_wait3A_757 = arith.constant 0 : i32
      %dma_wait3A_758 = tpu.memref_slice %arg2[%dma_wait3A_756, %dma_wait3A_757] : memref<10240x128xf32, #tpu.memory_space<hbm>> -> memref<10240x128xf32, #tpu.memory_space<hbm>>
      tpu.wait_indirect_dma semaphore(%arg13 : memref<!tpu.dma_semaphore, #tpu.memory_space<semaphore_mem>>) src(%dma_wait3A_758 : memref<10240x128xf32, #tpu.memory_space<hbm>>) dst(%dma_wait3A_752 : memref<64x128xf32, #tpu.memory_space<vmem>>)
      %dma_start3A_759 = arith.constant 5 : i32
      %dma_start3A_760 = arith.constant 0 : i32
      %dma_start3A_761 = tpu.memref_slice %arg9[%dma_start3A_759, %dma_start3A_760] : memref<8x128xi32, #tpu.memory_space<vmem>> -> memref<1x128xi32, #tpu.memory_space<vmem>>
      %dma_start3A_762 = tpu.memref_squeeze %dma_start3A_761 : memref<1x128xi32, #tpu.memory_space<vmem>> -> memref<128xi32, #tpu.memory_space<vmem>>
      %dma_start3A_763 = arith.constant 0 : i32
      %dma_start3A_764 = arith.constant 0 : i32
      %dma_start3A_765 = tpu.memref_slice %arg18[%dma_start3A_763, %dma_start3A_764] : memref<10240x128xf32, #tpu.memory_space<vmem_shared>> -> memref<10240x128xf32, #tpu.memory_space<vmem_shared>>
      tpu.enqueue_indirect_dma source(%arg11 : memref<128x128xf32, #tpu.memory_space<vmem>>) target(%dma_start3A_765 : memref<10240x128xf32, #tpu.memory_space<vmem_shared>>) offsets(%dma_start3A_762 : memref<128xi32, #tpu.memory_space<vmem>>) semaphore(%arg15 : memref<!tpu.dma_semaphore, #tpu.memory_space<semaphore_mem>>) {add = true}
      %dma_wait3A_766 = arith.constant 4 : i32
      %dma_wait3A_767 = arith.constant 0 : i32
      %dma_wait3A_768 = tpu.memref_slice %arg9[%dma_wait3A_766, %dma_wait3A_767] : memref<8x128xi32, #tpu.memory_space<vmem>> -> memref<1x128xi32, #tpu.memory_space<vmem>>
      %dma_wait3A_769 = tpu.memref_squeeze %dma_wait3A_768 : memref<1x128xi32, #tpu.memory_space<vmem>> -> memref<128xi32, #tpu.memory_space<vmem>>
      %dma_wait3A_770 = arith.constant 0 : i32
      %dma_wait3A_771 = arith.constant 0 : i32
      %dma_wait3A_772 = tpu.memref_slice %arg18[%dma_wait3A_770, %dma_wait3A_771] : memref<10240x128xf32, #tpu.memory_space<vmem_shared>> -> memref<10240x128xf32, #tpu.memory_space<vmem_shared>>
      tpu.wait_indirect_dma semaphore(%arg14 : memref<!tpu.dma_semaphore, #tpu.memory_space<semaphore_mem>>) src(%arg10 : memref<128x128xf32, #tpu.memory_space<vmem>>) dst(%dma_wait3A_772 : memref<10240x128xf32, #tpu.memory_space<vmem_shared>>)
      %dma_start3A_773 = arith.constant 6 : i32
      %dma_start3A_774 = arith.constant 0 : i32
      %dma_start3A_775 = arith.constant 0 : i32
      %dma_start3A_776 = tpu.memref_slice %arg10[%dma_start3A_774, %dma_start3A_775] : memref<128x128xf32, #tpu.memory_space<vmem>> -> memref<64x128xf32, #tpu.memory_space<vmem>>
      %dma_start3A_777 = arith.constant 0 : i32
      %dma_start3A_778 = tpu.memref_slice %arg7[%dma_start3A_773, %dma_start3A_777] : memref<8x128xi32, #tpu.memory_space<vmem>> -> memref<1x64xi32, #tpu.memory_space<vmem>>
      %dma_start3A_779 = tpu.memref_squeeze %dma_start3A_778 : memref<1x64xi32, #tpu.memory_space<vmem>> -> memref<64xi32, #tpu.memory_space<vmem>>
      %dma_start3A_780 = arith.constant 0 : i32
      %dma_start3A_781 = arith.constant 0 : i32
      %dma_start3A_782 = tpu.memref_slice %arg2[%dma_start3A_780, %dma_start3A_781] : memref<10240x128xf32, #tpu.memory_space<hbm>> -> memref<10240x128xf32, #tpu.memory_space<hbm>>
      tpu.enqueue_indirect_dma source(%dma_start3A_782 : memref<10240x128xf32, #tpu.memory_space<hbm>>) target(%dma_start3A_776 : memref<64x128xf32, #tpu.memory_space<vmem>>) offsets(%dma_start3A_779 : memref<64xi32, #tpu.memory_space<vmem>>) semaphore(%arg12 : memref<!tpu.dma_semaphore, #tpu.memory_space<semaphore_mem>>)
      %dma_start3A_783 = arith.constant 6 : i32
      %dma_start3A_784 = arith.constant 64 : i32
      %dma_start3A_785 = arith.constant 0 : i32
      %dma_start3A_786 = tpu.memref_slice %arg10[%dma_start3A_784, %dma_start3A_785] : memref<128x128xf32, #tpu.memory_space<vmem>> -> memref<64x128xf32, #tpu.memory_space<vmem>>
      %dma_start3A_787 = arith.constant 64 : i32
      %dma_start3A_788 = tpu.memref_slice %arg7[%dma_start3A_783, %dma_start3A_787] : memref<8x128xi32, #tpu.memory_space<vmem>> -> memref<1x64xi32, #tpu.memory_space<vmem>>
      %dma_start3A_789 = tpu.memref_squeeze %dma_start3A_788 : memref<1x64xi32, #tpu.memory_space<vmem>> -> memref<64xi32, #tpu.memory_space<vmem>>
      %dma_start3A_790 = arith.constant 0 : i32
      %dma_start3A_791 = arith.constant 0 : i32
      %dma_start3A_792 = tpu.memref_slice %arg2[%dma_start3A_790, %dma_start3A_791] : memref<10240x128xf32, #tpu.memory_space<hbm>> -> memref<10240x128xf32, #tpu.memory_space<hbm>>
      tpu.enqueue_indirect_dma source(%dma_start3A_792 : memref<10240x128xf32, #tpu.memory_space<hbm>>) target(%dma_start3A_786 : memref<64x128xf32, #tpu.memory_space<vmem>>) offsets(%dma_start3A_789 : memref<64xi32, #tpu.memory_space<vmem>>) semaphore(%arg12 : memref<!tpu.dma_semaphore, #tpu.memory_space<semaphore_mem>>)
      %dma_wait3A_793 = arith.constant 6 : i32
      %dma_wait3A_794 = arith.constant 0 : i32
      %dma_wait3A_795 = arith.constant 0 : i32
      %dma_wait3A_796 = tpu.memref_slice %arg10[%dma_wait3A_794, %dma_wait3A_795] : memref<128x128xf32, #tpu.memory_space<vmem>> -> memref<64x128xf32, #tpu.memory_space<vmem>>
      %dma_wait3A_797 = arith.constant 0 : i32
      %dma_wait3A_798 = tpu.memref_slice %arg7[%dma_wait3A_793, %dma_wait3A_797] : memref<8x128xi32, #tpu.memory_space<vmem>> -> memref<1x64xi32, #tpu.memory_space<vmem>>
      %dma_wait3A_799 = tpu.memref_squeeze %dma_wait3A_798 : memref<1x64xi32, #tpu.memory_space<vmem>> -> memref<64xi32, #tpu.memory_space<vmem>>
      %dma_wait3A_800 = arith.constant 0 : i32
      %dma_wait3A_801 = arith.constant 0 : i32
      %dma_wait3A_802 = tpu.memref_slice %arg2[%dma_wait3A_800, %dma_wait3A_801] : memref<10240x128xf32, #tpu.memory_space<hbm>> -> memref<10240x128xf32, #tpu.memory_space<hbm>>
      tpu.wait_indirect_dma semaphore(%arg12 : memref<!tpu.dma_semaphore, #tpu.memory_space<semaphore_mem>>) src(%dma_wait3A_802 : memref<10240x128xf32, #tpu.memory_space<hbm>>) dst(%dma_wait3A_796 : memref<64x128xf32, #tpu.memory_space<vmem>>)
      %dma_wait3A_803 = arith.constant 6 : i32
      %dma_wait3A_804 = arith.constant 64 : i32
      %dma_wait3A_805 = arith.constant 0 : i32
      %dma_wait3A_806 = tpu.memref_slice %arg10[%dma_wait3A_804, %dma_wait3A_805] : memref<128x128xf32, #tpu.memory_space<vmem>> -> memref<64x128xf32, #tpu.memory_space<vmem>>
      %dma_wait3A_807 = arith.constant 64 : i32
      %dma_wait3A_808 = tpu.memref_slice %arg7[%dma_wait3A_803, %dma_wait3A_807] : memref<8x128xi32, #tpu.memory_space<vmem>> -> memref<1x64xi32, #tpu.memory_space<vmem>>
      %dma_wait3A_809 = tpu.memref_squeeze %dma_wait3A_808 : memref<1x64xi32, #tpu.memory_space<vmem>> -> memref<64xi32, #tpu.memory_space<vmem>>
      %dma_wait3A_810 = arith.constant 0 : i32
      %dma_wait3A_811 = arith.constant 0 : i32
      %dma_wait3A_812 = tpu.memref_slice %arg2[%dma_wait3A_810, %dma_wait3A_811] : memref<10240x128xf32, #tpu.memory_space<hbm>> -> memref<10240x128xf32, #tpu.memory_space<hbm>>
      tpu.wait_indirect_dma semaphore(%arg12 : memref<!tpu.dma_semaphore, #tpu.memory_space<semaphore_mem>>) src(%dma_wait3A_812 : memref<10240x128xf32, #tpu.memory_space<hbm>>) dst(%dma_wait3A_806 : memref<64x128xf32, #tpu.memory_space<vmem>>)
      %dma_start3A_813 = arith.constant 6 : i32
      %dma_start3A_814 = arith.constant 0 : i32
      %dma_start3A_815 = tpu.memref_slice %arg9[%dma_start3A_813, %dma_start3A_814] : memref<8x128xi32, #tpu.memory_space<vmem>> -> memref<1x128xi32, #tpu.memory_space<vmem>>
      %dma_start3A_816 = tpu.memref_squeeze %dma_start3A_815 : memref<1x128xi32, #tpu.memory_space<vmem>> -> memref<128xi32, #tpu.memory_space<vmem>>
      %dma_start3A_817 = arith.constant 0 : i32
      %dma_start3A_818 = arith.constant 0 : i32
      %dma_start3A_819 = tpu.memref_slice %arg18[%dma_start3A_817, %dma_start3A_818] : memref<10240x128xf32, #tpu.memory_space<vmem_shared>> -> memref<10240x128xf32, #tpu.memory_space<vmem_shared>>
      tpu.enqueue_indirect_dma source(%arg10 : memref<128x128xf32, #tpu.memory_space<vmem>>) target(%dma_start3A_819 : memref<10240x128xf32, #tpu.memory_space<vmem_shared>>) offsets(%dma_start3A_816 : memref<128xi32, #tpu.memory_space<vmem>>) semaphore(%arg14 : memref<!tpu.dma_semaphore, #tpu.memory_space<semaphore_mem>>) {add = true}
      %dma_wait3A_820 = arith.constant 5 : i32
      %dma_wait3A_821 = arith.constant 0 : i32
      %dma_wait3A_822 = tpu.memref_slice %arg9[%dma_wait3A_820, %dma_wait3A_821] : memref<8x128xi32, #tpu.memory_space<vmem>> -> memref<1x128xi32, #tpu.memory_space<vmem>>
      %dma_wait3A_823 = tpu.memref_squeeze %dma_wait3A_822 : memref<1x128xi32, #tpu.memory_space<vmem>> -> memref<128xi32, #tpu.memory_space<vmem>>
      %dma_wait3A_824 = arith.constant 0 : i32
      %dma_wait3A_825 = arith.constant 0 : i32
      %dma_wait3A_826 = tpu.memref_slice %arg18[%dma_wait3A_824, %dma_wait3A_825] : memref<10240x128xf32, #tpu.memory_space<vmem_shared>> -> memref<10240x128xf32, #tpu.memory_space<vmem_shared>>
      tpu.wait_indirect_dma semaphore(%arg15 : memref<!tpu.dma_semaphore, #tpu.memory_space<semaphore_mem>>) src(%arg11 : memref<128x128xf32, #tpu.memory_space<vmem>>) dst(%dma_wait3A_826 : memref<10240x128xf32, #tpu.memory_space<vmem_shared>>)
      %dma_start3A_827 = arith.constant 7 : i32
      %dma_start3A_828 = arith.constant 0 : i32
      %dma_start3A_829 = arith.constant 0 : i32
      %dma_start3A_830 = tpu.memref_slice %arg11[%dma_start3A_828, %dma_start3A_829] : memref<128x128xf32, #tpu.memory_space<vmem>> -> memref<64x128xf32, #tpu.memory_space<vmem>>
      %dma_start3A_831 = arith.constant 0 : i32
      %dma_start3A_832 = tpu.memref_slice %arg7[%dma_start3A_827, %dma_start3A_831] : memref<8x128xi32, #tpu.memory_space<vmem>> -> memref<1x64xi32, #tpu.memory_space<vmem>>
      %dma_start3A_833 = tpu.memref_squeeze %dma_start3A_832 : memref<1x64xi32, #tpu.memory_space<vmem>> -> memref<64xi32, #tpu.memory_space<vmem>>
      %dma_start3A_834 = arith.constant 0 : i32
      %dma_start3A_835 = arith.constant 0 : i32
      %dma_start3A_836 = tpu.memref_slice %arg2[%dma_start3A_834, %dma_start3A_835] : memref<10240x128xf32, #tpu.memory_space<hbm>> -> memref<10240x128xf32, #tpu.memory_space<hbm>>
      tpu.enqueue_indirect_dma source(%dma_start3A_836 : memref<10240x128xf32, #tpu.memory_space<hbm>>) target(%dma_start3A_830 : memref<64x128xf32, #tpu.memory_space<vmem>>) offsets(%dma_start3A_833 : memref<64xi32, #tpu.memory_space<vmem>>) semaphore(%arg13 : memref<!tpu.dma_semaphore, #tpu.memory_space<semaphore_mem>>)
      %dma_start3A_837 = arith.constant 7 : i32
      %dma_start3A_838 = arith.constant 64 : i32
      %dma_start3A_839 = arith.constant 0 : i32
      %dma_start3A_840 = tpu.memref_slice %arg11[%dma_start3A_838, %dma_start3A_839] : memref<128x128xf32, #tpu.memory_space<vmem>> -> memref<64x128xf32, #tpu.memory_space<vmem>>
      %dma_start3A_841 = arith.constant 64 : i32
      %dma_start3A_842 = tpu.memref_slice %arg7[%dma_start3A_837, %dma_start3A_841] : memref<8x128xi32, #tpu.memory_space<vmem>> -> memref<1x64xi32, #tpu.memory_space<vmem>>
      %dma_start3A_843 = tpu.memref_squeeze %dma_start3A_842 : memref<1x64xi32, #tpu.memory_space<vmem>> -> memref<64xi32, #tpu.memory_space<vmem>>
      %dma_start3A_844 = arith.constant 0 : i32
      %dma_start3A_845 = arith.constant 0 : i32
      %dma_start3A_846 = tpu.memref_slice %arg2[%dma_start3A_844, %dma_start3A_845] : memref<10240x128xf32, #tpu.memory_space<hbm>> -> memref<10240x128xf32, #tpu.memory_space<hbm>>
      tpu.enqueue_indirect_dma source(%dma_start3A_846 : memref<10240x128xf32, #tpu.memory_space<hbm>>) target(%dma_start3A_840 : memref<64x128xf32, #tpu.memory_space<vmem>>) offsets(%dma_start3A_843 : memref<64xi32, #tpu.memory_space<vmem>>) semaphore(%arg13 : memref<!tpu.dma_semaphore, #tpu.memory_space<semaphore_mem>>)
      %dma_wait3A_847 = arith.constant 7 : i32
      %dma_wait3A_848 = arith.constant 0 : i32
      %dma_wait3A_849 = arith.constant 0 : i32
      %dma_wait3A_850 = tpu.memref_slice %arg11[%dma_wait3A_848, %dma_wait3A_849] : memref<128x128xf32, #tpu.memory_space<vmem>> -> memref<64x128xf32, #tpu.memory_space<vmem>>
      %dma_wait3A_851 = arith.constant 0 : i32
      %dma_wait3A_852 = tpu.memref_slice %arg7[%dma_wait3A_847, %dma_wait3A_851] : memref<8x128xi32, #tpu.memory_space<vmem>> -> memref<1x64xi32, #tpu.memory_space<vmem>>
      %dma_wait3A_853 = tpu.memref_squeeze %dma_wait3A_852 : memref<1x64xi32, #tpu.memory_space<vmem>> -> memref<64xi32, #tpu.memory_space<vmem>>
      %dma_wait3A_854 = arith.constant 0 : i32
      %dma_wait3A_855 = arith.constant 0 : i32
      %dma_wait3A_856 = tpu.memref_slice %arg2[%dma_wait3A_854, %dma_wait3A_855] : memref<10240x128xf32, #tpu.memory_space<hbm>> -> memref<10240x128xf32, #tpu.memory_space<hbm>>
      tpu.wait_indirect_dma semaphore(%arg13 : memref<!tpu.dma_semaphore, #tpu.memory_space<semaphore_mem>>) src(%dma_wait3A_856 : memref<10240x128xf32, #tpu.memory_space<hbm>>) dst(%dma_wait3A_850 : memref<64x128xf32, #tpu.memory_space<vmem>>)
      %dma_wait3A_857 = arith.constant 7 : i32
      %dma_wait3A_858 = arith.constant 64 : i32
      %dma_wait3A_859 = arith.constant 0 : i32
      %dma_wait3A_860 = tpu.memref_slice %arg11[%dma_wait3A_858, %dma_wait3A_859] : memref<128x128xf32, #tpu.memory_space<vmem>> -> memref<64x128xf32, #tpu.memory_space<vmem>>
      %dma_wait3A_861 = arith.constant 64 : i32
      %dma_wait3A_862 = tpu.memref_slice %arg7[%dma_wait3A_857, %dma_wait3A_861] : memref<8x128xi32, #tpu.memory_space<vmem>> -> memref<1x64xi32, #tpu.memory_space<vmem>>
      %dma_wait3A_863 = tpu.memref_squeeze %dma_wait3A_862 : memref<1x64xi32, #tpu.memory_space<vmem>> -> memref<64xi32, #tpu.memory_space<vmem>>
      %dma_wait3A_864 = arith.constant 0 : i32
      %dma_wait3A_865 = arith.constant 0 : i32
      %dma_wait3A_866 = tpu.memref_slice %arg2[%dma_wait3A_864, %dma_wait3A_865] : memref<10240x128xf32, #tpu.memory_space<hbm>> -> memref<10240x128xf32, #tpu.memory_space<hbm>>
      tpu.wait_indirect_dma semaphore(%arg13 : memref<!tpu.dma_semaphore, #tpu.memory_space<semaphore_mem>>) src(%dma_wait3A_866 : memref<10240x128xf32, #tpu.memory_space<hbm>>) dst(%dma_wait3A_860 : memref<64x128xf32, #tpu.memory_space<vmem>>)
      %dma_start3A_867 = arith.constant 7 : i32
      %dma_start3A_868 = arith.constant 0 : i32
      %dma_start3A_869 = tpu.memref_slice %arg9[%dma_start3A_867, %dma_start3A_868] : memref<8x128xi32, #tpu.memory_space<vmem>> -> memref<1x128xi32, #tpu.memory_space<vmem>>
      %dma_start3A_870 = tpu.memref_squeeze %dma_start3A_869 : memref<1x128xi32, #tpu.memory_space<vmem>> -> memref<128xi32, #tpu.memory_space<vmem>>
      %dma_start3A_871 = arith.constant 0 : i32
      %dma_start3A_872 = arith.constant 0 : i32
      %dma_start3A_873 = tpu.memref_slice %arg18[%dma_start3A_871, %dma_start3A_872] : memref<10240x128xf32, #tpu.memory_space<vmem_shared>> -> memref<10240x128xf32, #tpu.memory_space<vmem_shared>>
      tpu.enqueue_indirect_dma source(%arg11 : memref<128x128xf32, #tpu.memory_space<vmem>>) target(%dma_start3A_873 : memref<10240x128xf32, #tpu.memory_space<vmem_shared>>) offsets(%dma_start3A_870 : memref<128xi32, #tpu.memory_space<vmem>>) semaphore(%arg15 : memref<!tpu.dma_semaphore, #tpu.memory_space<semaphore_mem>>) {add = true}
      %dma_wait3A_874 = arith.constant 6 : i32
      %dma_wait3A_875 = arith.constant 0 : i32
      %dma_wait3A_876 = tpu.memref_slice %arg9[%dma_wait3A_874, %dma_wait3A_875] : memref<8x128xi32, #tpu.memory_space<vmem>> -> memref<1x128xi32, #tpu.memory_space<vmem>>
      %dma_wait3A_877 = tpu.memref_squeeze %dma_wait3A_876 : memref<1x128xi32, #tpu.memory_space<vmem>> -> memref<128xi32, #tpu.memory_space<vmem>>
      %dma_wait3A_878 = arith.constant 0 : i32
      %dma_wait3A_879 = arith.constant 0 : i32
      %dma_wait3A_880 = tpu.memref_slice %arg18[%dma_wait3A_878, %dma_wait3A_879] : memref<10240x128xf32, #tpu.memory_space<vmem_shared>> -> memref<10240x128xf32, #tpu.memory_space<vmem_shared>>
      tpu.wait_indirect_dma semaphore(%arg14 : memref<!tpu.dma_semaphore, #tpu.memory_space<semaphore_mem>>) src(%arg10 : memref<128x128xf32, #tpu.memory_space<vmem>>) dst(%dma_wait3A_880 : memref<10240x128xf32, #tpu.memory_space<vmem_shared>>)
      %add3A_881 = arith.constant 1 : i32
      %add3A_882 = arith.addi %add3A_464, %add3A_881 : i32
      %lt3A_883 = arith.cmpi slt, %add3A_882, %select_n3A_6 : i32
      %convert_element_type3A_884 = arith.extui %lt3A_883 : i1 to i32
      %cond3A_885 = arith.constant 0 : i32
      %cond3A_886 = arith.cmpi ne, %convert_element_type3A_884, %cond3A_885 : i32
      scf.if %cond3A_886 {
        %add3A_887 = arith.constant 1 : i32
        %add3A_888 = arith.addi %add3A_464, %add3A_887 : i32
        %mul3A_889 = arith.constant 8 : i32
        %mul3A_890 = arith.muli %add3A_888, %mul3A_889 : i32
        %add3A_891 = arith.addi %select_n3A, %mul3A_890 : i32
        %dma_wait3A_892 = arith.constant 0 : i32
        %dma_wait3A_893 = tpu.memref_slice %arg3[%add3A_891, %dma_wait3A_892] : memref<2560x128xi32, #tpu.memory_space<hbm>> -> memref<8x128xi32, #tpu.memory_space<hbm>>
        %dma_wait3A_894 = arith.constant 0 : i32
        %dma_wait3A_895 = tpu.memref_slice %arg3[%add3A_891, %dma_wait3A_894] : memref<2560x128xi32, #tpu.memory_space<hbm>> -> memref<8x128xi32, #tpu.memory_space<hbm>>
        tpu.wait_dma2 semaphore(%arg16 : memref<!tpu.dma_semaphore, #tpu.memory_space<semaphore_mem>>) src(%dma_wait3A_895 : memref<8x128xi32, #tpu.memory_space<hbm>>) dst(%arg6 : memref<8x128xi32, #tpu.memory_space<vmem>>)
        %dma_wait3A_896 = arith.constant 0 : i32
        %dma_wait3A_897 = tpu.memref_slice %arg4[%add3A_891, %dma_wait3A_896] : memref<2560x128xi32, #tpu.memory_space<hbm>> -> memref<8x128xi32, #tpu.memory_space<hbm>>
        %dma_wait3A_898 = arith.constant 0 : i32
        %dma_wait3A_899 = tpu.memref_slice %arg4[%add3A_891, %dma_wait3A_898] : memref<2560x128xi32, #tpu.memory_space<hbm>> -> memref<8x128xi32, #tpu.memory_space<hbm>>
        tpu.wait_dma2 semaphore(%arg16 : memref<!tpu.dma_semaphore, #tpu.memory_space<semaphore_mem>>) src(%dma_wait3A_899 : memref<8x128xi32, #tpu.memory_space<hbm>>) dst(%arg8 : memref<8x128xi32, #tpu.memory_space<vmem>>)
        %dma_start3A_900 = arith.constant 0 : i32
        %dma_start3A_901 = arith.constant 0 : i32
        %dma_start3A_902 = arith.constant 0 : i32
        %dma_start3A_903 = tpu.memref_slice %arg10[%dma_start3A_901, %dma_start3A_902] : memref<128x128xf32, #tpu.memory_space<vmem>> -> memref<64x128xf32, #tpu.memory_space<vmem>>
        %dma_start3A_904 = arith.constant 0 : i32
        %dma_start3A_905 = tpu.memref_slice %arg6[%dma_start3A_900, %dma_start3A_904] : memref<8x128xi32, #tpu.memory_space<vmem>> -> memref<1x64xi32, #tpu.memory_space<vmem>>
        %dma_start3A_906 = tpu.memref_squeeze %dma_start3A_905 : memref<1x64xi32, #tpu.memory_space<vmem>> -> memref<64xi32, #tpu.memory_space<vmem>>
        %dma_start3A_907 = arith.constant 0 : i32
        %dma_start3A_908 = arith.constant 0 : i32
        %dma_start3A_909 = tpu.memref_slice %arg2[%dma_start3A_907, %dma_start3A_908] : memref<10240x128xf32, #tpu.memory_space<hbm>> -> memref<10240x128xf32, #tpu.memory_space<hbm>>
        tpu.enqueue_indirect_dma source(%dma_start3A_909 : memref<10240x128xf32, #tpu.memory_space<hbm>>) target(%dma_start3A_903 : memref<64x128xf32, #tpu.memory_space<vmem>>) offsets(%dma_start3A_906 : memref<64xi32, #tpu.memory_space<vmem>>) semaphore(%arg12 : memref<!tpu.dma_semaphore, #tpu.memory_space<semaphore_mem>>)
        %dma_start3A_910 = arith.constant 0 : i32
        %dma_start3A_911 = arith.constant 64 : i32
        %dma_start3A_912 = arith.constant 0 : i32
        %dma_start3A_913 = tpu.memref_slice %arg10[%dma_start3A_911, %dma_start3A_912] : memref<128x128xf32, #tpu.memory_space<vmem>> -> memref<64x128xf32, #tpu.memory_space<vmem>>
        %dma_start3A_914 = arith.constant 64 : i32
        %dma_start3A_915 = tpu.memref_slice %arg6[%dma_start3A_910, %dma_start3A_914] : memref<8x128xi32, #tpu.memory_space<vmem>> -> memref<1x64xi32, #tpu.memory_space<vmem>>
        %dma_start3A_916 = tpu.memref_squeeze %dma_start3A_915 : memref<1x64xi32, #tpu.memory_space<vmem>> -> memref<64xi32, #tpu.memory_space<vmem>>
        %dma_start3A_917 = arith.constant 0 : i32
        %dma_start3A_918 = arith.constant 0 : i32
        %dma_start3A_919 = tpu.memref_slice %arg2[%dma_start3A_917, %dma_start3A_918] : memref<10240x128xf32, #tpu.memory_space<hbm>> -> memref<10240x128xf32, #tpu.memory_space<hbm>>
        tpu.enqueue_indirect_dma source(%dma_start3A_919 : memref<10240x128xf32, #tpu.memory_space<hbm>>) target(%dma_start3A_913 : memref<64x128xf32, #tpu.memory_space<vmem>>) offsets(%dma_start3A_916 : memref<64xi32, #tpu.memory_space<vmem>>) semaphore(%arg12 : memref<!tpu.dma_semaphore, #tpu.memory_space<semaphore_mem>>)
      } else {
      }
    }
    %while3A_28 = arith.constant 1 : i32
    scf.for %while3A_39 = %while3A_26 to %while3A_22 step %while3A_28  : i32 {
      %mul3A_40 = arith.muli %while3A_39, %while3A : i32
      %add3A_41 = arith.addi %while3A_19, %mul3A_40 : i32
      %add3A_42 = arith.constant 0 : i32
      %add3A_43 = arith.addi %add3A_41, %add3A_42 : i32
      %dma_wait3A = arith.constant 0 : i32
      %dma_wait3A_44 = arith.constant 0 : i32
      %dma_wait3A_45 = arith.constant 0 : i32
      %dma_wait3A_46 = tpu.memref_slice %arg10[%dma_wait3A_44, %dma_wait3A_45] : memref<128x128xf32, #tpu.memory_space<vmem>> -> memref<64x128xf32, #tpu.memory_space<vmem>>
      %dma_wait3A_47 = arith.constant 0 : i32
      %dma_wait3A_48 = tpu.memref_slice %arg6[%dma_wait3A, %dma_wait3A_47] : memref<8x128xi32, #tpu.memory_space<vmem>> -> memref<1x64xi32, #tpu.memory_space<vmem>>
      %dma_wait3A_49 = tpu.memref_squeeze %dma_wait3A_48 : memref<1x64xi32, #tpu.memory_space<vmem>> -> memref<64xi32, #tpu.memory_space<vmem>>
      %dma_wait3A_50 = arith.constant 0 : i32
      %dma_wait3A_51 = arith.constant 0 : i32
      %dma_wait3A_52 = tpu.memref_slice %arg2[%dma_wait3A_50, %dma_wait3A_51] : memref<10240x128xf32, #tpu.memory_space<hbm>> -> memref<10240x128xf32, #tpu.memory_space<hbm>>
      tpu.wait_indirect_dma semaphore(%arg12 : memref<!tpu.dma_semaphore, #tpu.memory_space<semaphore_mem>>) src(%dma_wait3A_52 : memref<10240x128xf32, #tpu.memory_space<hbm>>) dst(%dma_wait3A_46 : memref<64x128xf32, #tpu.memory_space<vmem>>)
      %dma_wait3A_53 = arith.constant 0 : i32
      %dma_wait3A_54 = arith.constant 64 : i32
      %dma_wait3A_55 = arith.constant 0 : i32
      %dma_wait3A_56 = tpu.memref_slice %arg10[%dma_wait3A_54, %dma_wait3A_55] : memref<128x128xf32, #tpu.memory_space<vmem>> -> memref<64x128xf32, #tpu.memory_space<vmem>>
      %dma_wait3A_57 = arith.constant 64 : i32
      %dma_wait3A_58 = tpu.memref_slice %arg6[%dma_wait3A_53, %dma_wait3A_57] : memref<8x128xi32, #tpu.memory_space<vmem>> -> memref<1x64xi32, #tpu.memory_space<vmem>>
      %dma_wait3A_59 = tpu.memref_squeeze %dma_wait3A_58 : memref<1x64xi32, #tpu.memory_space<vmem>> -> memref<64xi32, #tpu.memory_space<vmem>>
      %dma_wait3A_60 = arith.constant 0 : i32
      %dma_wait3A_61 = arith.constant 0 : i32
      %dma_wait3A_62 = tpu.memref_slice %arg2[%dma_wait3A_60, %dma_wait3A_61] : memref<10240x128xf32, #tpu.memory_space<hbm>> -> memref<10240x128xf32, #tpu.memory_space<hbm>>
      tpu.wait_indirect_dma semaphore(%arg12 : memref<!tpu.dma_semaphore, #tpu.memory_space<semaphore_mem>>) src(%dma_wait3A_62 : memref<10240x128xf32, #tpu.memory_space<hbm>>) dst(%dma_wait3A_56 : memref<64x128xf32, #tpu.memory_space<vmem>>)
      %dma_start3A = arith.constant 0 : i32
      %dma_start3A_63 = arith.constant 0 : i32
      %dma_start3A_64 = tpu.memref_slice %arg8[%dma_start3A, %dma_start3A_63] : memref<8x128xi32, #tpu.memory_space<vmem>> -> memref<1x128xi32, #tpu.memory_space<vmem>>
      %dma_start3A_65 = tpu.memref_squeeze %dma_start3A_64 : memref<1x128xi32, #tpu.memory_space<vmem>> -> memref<128xi32, #tpu.memory_space<vmem>>
      %dma_start3A_66 = arith.constant 0 : i32
      %dma_start3A_67 = arith.constant 0 : i32
      %dma_start3A_68 = tpu.memref_slice %arg18[%dma_start3A_66, %dma_start3A_67] : memref<10240x128xf32, #tpu.memory_space<vmem_shared>> -> memref<10240x128xf32, #tpu.memory_space<vmem_shared>>
      tpu.enqueue_indirect_dma source(%arg10 : memref<128x128xf32, #tpu.memory_space<vmem>>) target(%dma_start3A_68 : memref<10240x128xf32, #tpu.memory_space<vmem_shared>>) offsets(%dma_start3A_65 : memref<128xi32, #tpu.memory_space<vmem>>) semaphore(%arg14 : memref<!tpu.dma_semaphore, #tpu.memory_space<semaphore_mem>>) {add = true}
      %gt3A_69 = arith.constant 0 : i32
      %gt3A_70 = arith.cmpi sgt, %add3A_43, %gt3A_69 : i32
      %convert_element_type3A_71 = arith.extui %gt3A_70 : i1 to i32
      %cond3A_72 = arith.constant 0 : i32
      %cond3A_73 = arith.cmpi ne, %convert_element_type3A_71, %cond3A_72 : i32
      scf.if %cond3A_73 {
        %dma_wait3A_887 = arith.constant 7 : i32
        %dma_wait3A_888 = arith.constant 0 : i32
        %dma_wait3A_889 = tpu.memref_slice %arg9[%dma_wait3A_887, %dma_wait3A_888] : memref<8x128xi32, #tpu.memory_space<vmem>> -> memref<1x128xi32, #tpu.memory_space<vmem>>
        %dma_wait3A_890 = tpu.memref_squeeze %dma_wait3A_889 : memref<1x128xi32, #tpu.memory_space<vmem>> -> memref<128xi32, #tpu.memory_space<vmem>>
        %dma_wait3A_891 = arith.constant 0 : i32
        %dma_wait3A_892 = arith.constant 0 : i32
        %dma_wait3A_893 = tpu.memref_slice %arg18[%dma_wait3A_891, %dma_wait3A_892] : memref<10240x128xf32, #tpu.memory_space<vmem_shared>> -> memref<10240x128xf32, #tpu.memory_space<vmem_shared>>
        tpu.wait_indirect_dma semaphore(%arg15 : memref<!tpu.dma_semaphore, #tpu.memory_space<semaphore_mem>>) src(%arg11 : memref<128x128xf32, #tpu.memory_space<vmem>>) dst(%dma_wait3A_893 : memref<10240x128xf32, #tpu.memory_space<vmem_shared>>)
      } else {
      }
      %add3A_74 = arith.constant 1 : i32
      %add3A_75 = arith.addi %add3A_43, %add3A_74 : i32
      %lt3A = arith.cmpi slt, %add3A_75, %select_n3A_6 : i32
      %convert_element_type3A_76 = arith.extui %lt3A : i1 to i32
      %cond3A_77 = arith.constant 0 : i32
      %cond3A_78 = arith.cmpi ne, %convert_element_type3A_76, %cond3A_77 : i32
      scf.if %cond3A_78 {
        %add3A_887 = arith.constant 1 : i32
        %add3A_888 = arith.addi %add3A_43, %add3A_887 : i32
        %mul3A_889 = arith.constant 8 : i32
        %mul3A_890 = arith.muli %add3A_888, %mul3A_889 : i32
        %add3A_891 = arith.addi %select_n3A, %mul3A_890 : i32
        %dma_start3A_892 = arith.constant 0 : i32
        %dma_start3A_893 = tpu.memref_slice %arg3[%add3A_891, %dma_start3A_892] : memref<2560x128xi32, #tpu.memory_space<hbm>> -> memref<8x128xi32, #tpu.memory_space<hbm>>
        %dma_start3A_894 = arith.constant 0 : i32
        %dma_start3A_895 = tpu.memref_slice %arg3[%add3A_891, %dma_start3A_894] : memref<2560x128xi32, #tpu.memory_space<hbm>> -> memref<8x128xi32, #tpu.memory_space<hbm>>
        tpu.enqueue_dma source(%dma_start3A_895 : memref<8x128xi32, #tpu.memory_space<hbm>>) target(%arg7 : memref<8x128xi32, #tpu.memory_space<vmem>>) target_semaphore(%arg17 : memref<!tpu.dma_semaphore, #tpu.memory_space<semaphore_mem>>)
        %dma_start3A_896 = arith.constant 0 : i32
        %dma_start3A_897 = tpu.memref_slice %arg4[%add3A_891, %dma_start3A_896] : memref<2560x128xi32, #tpu.memory_space<hbm>> -> memref<8x128xi32, #tpu.memory_space<hbm>>
        %dma_start3A_898 = arith.constant 0 : i32
        %dma_start3A_899 = tpu.memref_slice %arg4[%add3A_891, %dma_start3A_898] : memref<2560x128xi32, #tpu.memory_space<hbm>> -> memref<8x128xi32, #tpu.memory_space<hbm>>
        tpu.enqueue_dma source(%dma_start3A_899 : memref<8x128xi32, #tpu.memory_space<hbm>>) target(%arg9 : memref<8x128xi32, #tpu.memory_space<vmem>>) target_semaphore(%arg17 : memref<!tpu.dma_semaphore, #tpu.memory_space<semaphore_mem>>)
      } else {
      }
      %dma_start3A_79 = arith.constant 1 : i32
      %dma_start3A_80 = arith.constant 0 : i32
      %dma_start3A_81 = arith.constant 0 : i32
      %dma_start3A_82 = tpu.memref_slice %arg11[%dma_start3A_80, %dma_start3A_81] : memref<128x128xf32, #tpu.memory_space<vmem>> -> memref<64x128xf32, #tpu.memory_space<vmem>>
      %dma_start3A_83 = arith.constant 0 : i32
      %dma_start3A_84 = tpu.memref_slice %arg6[%dma_start3A_79, %dma_start3A_83] : memref<8x128xi32, #tpu.memory_space<vmem>> -> memref<1x64xi32, #tpu.memory_space<vmem>>
      %dma_start3A_85 = tpu.memref_squeeze %dma_start3A_84 : memref<1x64xi32, #tpu.memory_space<vmem>> -> memref<64xi32, #tpu.memory_space<vmem>>
      %dma_start3A_86 = arith.constant 0 : i32
      %dma_start3A_87 = arith.constant 0 : i32
      %dma_start3A_88 = tpu.memref_slice %arg2[%dma_start3A_86, %dma_start3A_87] : memref<10240x128xf32, #tpu.memory_space<hbm>> -> memref<10240x128xf32, #tpu.memory_space<hbm>>
      tpu.enqueue_indirect_dma source(%dma_start3A_88 : memref<10240x128xf32, #tpu.memory_space<hbm>>) target(%dma_start3A_82 : memref<64x128xf32, #tpu.memory_space<vmem>>) offsets(%dma_start3A_85 : memref<64xi32, #tpu.memory_space<vmem>>) semaphore(%arg13 : memref<!tpu.dma_semaphore, #tpu.memory_space<semaphore_mem>>)
      %dma_start3A_89 = arith.constant 1 : i32
      %dma_start3A_90 = arith.constant 64 : i32
      %dma_start3A_91 = arith.constant 0 : i32
      %dma_start3A_92 = tpu.memref_slice %arg11[%dma_start3A_90, %dma_start3A_91] : memref<128x128xf32, #tpu.memory_space<vmem>> -> memref<64x128xf32, #tpu.memory_space<vmem>>
      %dma_start3A_93 = arith.constant 64 : i32
      %dma_start3A_94 = tpu.memref_slice %arg6[%dma_start3A_89, %dma_start3A_93] : memref<8x128xi32, #tpu.memory_space<vmem>> -> memref<1x64xi32, #tpu.memory_space<vmem>>
      %dma_start3A_95 = tpu.memref_squeeze %dma_start3A_94 : memref<1x64xi32, #tpu.memory_space<vmem>> -> memref<64xi32, #tpu.memory_space<vmem>>
      %dma_start3A_96 = arith.constant 0 : i32
      %dma_start3A_97 = arith.constant 0 : i32
      %dma_start3A_98 = tpu.memref_slice %arg2[%dma_start3A_96, %dma_start3A_97] : memref<10240x128xf32, #tpu.memory_space<hbm>> -> memref<10240x128xf32, #tpu.memory_space<hbm>>
      tpu.enqueue_indirect_dma source(%dma_start3A_98 : memref<10240x128xf32, #tpu.memory_space<hbm>>) target(%dma_start3A_92 : memref<64x128xf32, #tpu.memory_space<vmem>>) offsets(%dma_start3A_95 : memref<64xi32, #tpu.memory_space<vmem>>) semaphore(%arg13 : memref<!tpu.dma_semaphore, #tpu.memory_space<semaphore_mem>>)
      %dma_wait3A_99 = arith.constant 1 : i32
      %dma_wait3A_100 = arith.constant 0 : i32
      %dma_wait3A_101 = arith.constant 0 : i32
      %dma_wait3A_102 = tpu.memref_slice %arg11[%dma_wait3A_100, %dma_wait3A_101] : memref<128x128xf32, #tpu.memory_space<vmem>> -> memref<64x128xf32, #tpu.memory_space<vmem>>
      %dma_wait3A_103 = arith.constant 0 : i32
      %dma_wait3A_104 = tpu.memref_slice %arg6[%dma_wait3A_99, %dma_wait3A_103] : memref<8x128xi32, #tpu.memory_space<vmem>> -> memref<1x64xi32, #tpu.memory_space<vmem>>
      %dma_wait3A_105 = tpu.memref_squeeze %dma_wait3A_104 : memref<1x64xi32, #tpu.memory_space<vmem>> -> memref<64xi32, #tpu.memory_space<vmem>>
      %dma_wait3A_106 = arith.constant 0 : i32
      %dma_wait3A_107 = arith.constant 0 : i32
      %dma_wait3A_108 = tpu.memref_slice %arg2[%dma_wait3A_106, %dma_wait3A_107] : memref<10240x128xf32, #tpu.memory_space<hbm>> -> memref<10240x128xf32, #tpu.memory_space<hbm>>
      tpu.wait_indirect_dma semaphore(%arg13 : memref<!tpu.dma_semaphore, #tpu.memory_space<semaphore_mem>>) src(%dma_wait3A_108 : memref<10240x128xf32, #tpu.memory_space<hbm>>) dst(%dma_wait3A_102 : memref<64x128xf32, #tpu.memory_space<vmem>>)
      %dma_wait3A_109 = arith.constant 1 : i32
      %dma_wait3A_110 = arith.constant 64 : i32
      %dma_wait3A_111 = arith.constant 0 : i32
      %dma_wait3A_112 = tpu.memref_slice %arg11[%dma_wait3A_110, %dma_wait3A_111] : memref<128x128xf32, #tpu.memory_space<vmem>> -> memref<64x128xf32, #tpu.memory_space<vmem>>
      %dma_wait3A_113 = arith.constant 64 : i32
      %dma_wait3A_114 = tpu.memref_slice %arg6[%dma_wait3A_109, %dma_wait3A_113] : memref<8x128xi32, #tpu.memory_space<vmem>> -> memref<1x64xi32, #tpu.memory_space<vmem>>
      %dma_wait3A_115 = tpu.memref_squeeze %dma_wait3A_114 : memref<1x64xi32, #tpu.memory_space<vmem>> -> memref<64xi32, #tpu.memory_space<vmem>>
      %dma_wait3A_116 = arith.constant 0 : i32
      %dma_wait3A_117 = arith.constant 0 : i32
      %dma_wait3A_118 = tpu.memref_slice %arg2[%dma_wait3A_116, %dma_wait3A_117] : memref<10240x128xf32, #tpu.memory_space<hbm>> -> memref<10240x128xf32, #tpu.memory_space<hbm>>
      tpu.wait_indirect_dma semaphore(%arg13 : memref<!tpu.dma_semaphore, #tpu.memory_space<semaphore_mem>>) src(%dma_wait3A_118 : memref<10240x128xf32, #tpu.memory_space<hbm>>) dst(%dma_wait3A_112 : memref<64x128xf32, #tpu.memory_space<vmem>>)
      %dma_start3A_119 = arith.constant 1 : i32
      %dma_start3A_120 = arith.constant 0 : i32
      %dma_start3A_121 = tpu.memref_slice %arg8[%dma_start3A_119, %dma_start3A_120] : memref<8x128xi32, #tpu.memory_space<vmem>> -> memref<1x128xi32, #tpu.memory_space<vmem>>
      %dma_start3A_122 = tpu.memref_squeeze %dma_start3A_121 : memref<1x128xi32, #tpu.memory_space<vmem>> -> memref<128xi32, #tpu.memory_space<vmem>>
      %dma_start3A_123 = arith.constant 0 : i32
      %dma_start3A_124 = arith.constant 0 : i32
      %dma_start3A_125 = tpu.memref_slice %arg18[%dma_start3A_123, %dma_start3A_124] : memref<10240x128xf32, #tpu.memory_space<vmem_shared>> -> memref<10240x128xf32, #tpu.memory_space<vmem_shared>>
      tpu.enqueue_indirect_dma source(%arg11 : memref<128x128xf32, #tpu.memory_space<vmem>>) target(%dma_start3A_125 : memref<10240x128xf32, #tpu.memory_space<vmem_shared>>) offsets(%dma_start3A_122 : memref<128xi32, #tpu.memory_space<vmem>>) semaphore(%arg15 : memref<!tpu.dma_semaphore, #tpu.memory_space<semaphore_mem>>) {add = true}
      %dma_wait3A_126 = arith.constant 0 : i32
      %dma_wait3A_127 = arith.constant 0 : i32
      %dma_wait3A_128 = tpu.memref_slice %arg8[%dma_wait3A_126, %dma_wait3A_127] : memref<8x128xi32, #tpu.memory_space<vmem>> -> memref<1x128xi32, #tpu.memory_space<vmem>>
      %dma_wait3A_129 = tpu.memref_squeeze %dma_wait3A_128 : memref<1x128xi32, #tpu.memory_space<vmem>> -> memref<128xi32, #tpu.memory_space<vmem>>
      %dma_wait3A_130 = arith.constant 0 : i32
      %dma_wait3A_131 = arith.constant 0 : i32
      %dma_wait3A_132 = tpu.memref_slice %arg18[%dma_wait3A_130, %dma_wait3A_131] : memref<10240x128xf32, #tpu.memory_space<vmem_shared>> -> memref<10240x128xf32, #tpu.memory_space<vmem_shared>>
      tpu.wait_indirect_dma semaphore(%arg14 : memref<!tpu.dma_semaphore, #tpu.memory_space<semaphore_mem>>) src(%arg10 : memref<128x128xf32, #tpu.memory_space<vmem>>) dst(%dma_wait3A_132 : memref<10240x128xf32, #tpu.memory_space<vmem_shared>>)
      %dma_start3A_133 = arith.constant 2 : i32
      %dma_start3A_134 = arith.constant 0 : i32
      %dma_start3A_135 = arith.constant 0 : i32
      %dma_start3A_136 = tpu.memref_slice %arg10[%dma_start3A_134, %dma_start3A_135] : memref<128x128xf32, #tpu.memory_space<vmem>> -> memref<64x128xf32, #tpu.memory_space<vmem>>
      %dma_start3A_137 = arith.constant 0 : i32
      %dma_start3A_138 = tpu.memref_slice %arg6[%dma_start3A_133, %dma_start3A_137] : memref<8x128xi32, #tpu.memory_space<vmem>> -> memref<1x64xi32, #tpu.memory_space<vmem>>
      %dma_start3A_139 = tpu.memref_squeeze %dma_start3A_138 : memref<1x64xi32, #tpu.memory_space<vmem>> -> memref<64xi32, #tpu.memory_space<vmem>>
      %dma_start3A_140 = arith.constant 0 : i32
      %dma_start3A_141 = arith.constant 0 : i32
      %dma_start3A_142 = tpu.memref_slice %arg2[%dma_start3A_140, %dma_start3A_141] : memref<10240x128xf32, #tpu.memory_space<hbm>> -> memref<10240x128xf32, #tpu.memory_space<hbm>>
      tpu.enqueue_indirect_dma source(%dma_start3A_142 : memref<10240x128xf32, #tpu.memory_space<hbm>>) target(%dma_start3A_136 : memref<64x128xf32, #tpu.memory_space<vmem>>) offsets(%dma_start3A_139 : memref<64xi32, #tpu.memory_space<vmem>>) semaphore(%arg12 : memref<!tpu.dma_semaphore, #tpu.memory_space<semaphore_mem>>)
      %dma_start3A_143 = arith.constant 2 : i32
      %dma_start3A_144 = arith.constant 64 : i32
      %dma_start3A_145 = arith.constant 0 : i32
      %dma_start3A_146 = tpu.memref_slice %arg10[%dma_start3A_144, %dma_start3A_145] : memref<128x128xf32, #tpu.memory_space<vmem>> -> memref<64x128xf32, #tpu.memory_space<vmem>>
      %dma_start3A_147 = arith.constant 64 : i32
      %dma_start3A_148 = tpu.memref_slice %arg6[%dma_start3A_143, %dma_start3A_147] : memref<8x128xi32, #tpu.memory_space<vmem>> -> memref<1x64xi32, #tpu.memory_space<vmem>>
      %dma_start3A_149 = tpu.memref_squeeze %dma_start3A_148 : memref<1x64xi32, #tpu.memory_space<vmem>> -> memref<64xi32, #tpu.memory_space<vmem>>
      %dma_start3A_150 = arith.constant 0 : i32
      %dma_start3A_151 = arith.constant 0 : i32
      %dma_start3A_152 = tpu.memref_slice %arg2[%dma_start3A_150, %dma_start3A_151] : memref<10240x128xf32, #tpu.memory_space<hbm>> -> memref<10240x128xf32, #tpu.memory_space<hbm>>
      tpu.enqueue_indirect_dma source(%dma_start3A_152 : memref<10240x128xf32, #tpu.memory_space<hbm>>) target(%dma_start3A_146 : memref<64x128xf32, #tpu.memory_space<vmem>>) offsets(%dma_start3A_149 : memref<64xi32, #tpu.memory_space<vmem>>) semaphore(%arg12 : memref<!tpu.dma_semaphore, #tpu.memory_space<semaphore_mem>>)
      %dma_wait3A_153 = arith.constant 2 : i32
      %dma_wait3A_154 = arith.constant 0 : i32
      %dma_wait3A_155 = arith.constant 0 : i32
      %dma_wait3A_156 = tpu.memref_slice %arg10[%dma_wait3A_154, %dma_wait3A_155] : memref<128x128xf32, #tpu.memory_space<vmem>> -> memref<64x128xf32, #tpu.memory_space<vmem>>
      %dma_wait3A_157 = arith.constant 0 : i32
      %dma_wait3A_158 = tpu.memref_slice %arg6[%dma_wait3A_153, %dma_wait3A_157] : memref<8x128xi32, #tpu.memory_space<vmem>> -> memref<1x64xi32, #tpu.memory_space<vmem>>
      %dma_wait3A_159 = tpu.memref_squeeze %dma_wait3A_158 : memref<1x64xi32, #tpu.memory_space<vmem>> -> memref<64xi32, #tpu.memory_space<vmem>>
      %dma_wait3A_160 = arith.constant 0 : i32
      %dma_wait3A_161 = arith.constant 0 : i32
      %dma_wait3A_162 = tpu.memref_slice %arg2[%dma_wait3A_160, %dma_wait3A_161] : memref<10240x128xf32, #tpu.memory_space<hbm>> -> memref<10240x128xf32, #tpu.memory_space<hbm>>
      tpu.wait_indirect_dma semaphore(%arg12 : memref<!tpu.dma_semaphore, #tpu.memory_space<semaphore_mem>>) src(%dma_wait3A_162 : memref<10240x128xf32, #tpu.memory_space<hbm>>) dst(%dma_wait3A_156 : memref<64x128xf32, #tpu.memory_space<vmem>>)
      %dma_wait3A_163 = arith.constant 2 : i32
      %dma_wait3A_164 = arith.constant 64 : i32
      %dma_wait3A_165 = arith.constant 0 : i32
      %dma_wait3A_166 = tpu.memref_slice %arg10[%dma_wait3A_164, %dma_wait3A_165] : memref<128x128xf32, #tpu.memory_space<vmem>> -> memref<64x128xf32, #tpu.memory_space<vmem>>
      %dma_wait3A_167 = arith.constant 64 : i32
      %dma_wait3A_168 = tpu.memref_slice %arg6[%dma_wait3A_163, %dma_wait3A_167] : memref<8x128xi32, #tpu.memory_space<vmem>> -> memref<1x64xi32, #tpu.memory_space<vmem>>
      %dma_wait3A_169 = tpu.memref_squeeze %dma_wait3A_168 : memref<1x64xi32, #tpu.memory_space<vmem>> -> memref<64xi32, #tpu.memory_space<vmem>>
      %dma_wait3A_170 = arith.constant 0 : i32
      %dma_wait3A_171 = arith.constant 0 : i32
      %dma_wait3A_172 = tpu.memref_slice %arg2[%dma_wait3A_170, %dma_wait3A_171] : memref<10240x128xf32, #tpu.memory_space<hbm>> -> memref<10240x128xf32, #tpu.memory_space<hbm>>
      tpu.wait_indirect_dma semaphore(%arg12 : memref<!tpu.dma_semaphore, #tpu.memory_space<semaphore_mem>>) src(%dma_wait3A_172 : memref<10240x128xf32, #tpu.memory_space<hbm>>) dst(%dma_wait3A_166 : memref<64x128xf32, #tpu.memory_space<vmem>>)
      %dma_start3A_173 = arith.constant 2 : i32
      %dma_start3A_174 = arith.constant 0 : i32
      %dma_start3A_175 = tpu.memref_slice %arg8[%dma_start3A_173, %dma_start3A_174] : memref<8x128xi32, #tpu.memory_space<vmem>> -> memref<1x128xi32, #tpu.memory_space<vmem>>
      %dma_start3A_176 = tpu.memref_squeeze %dma_start3A_175 : memref<1x128xi32, #tpu.memory_space<vmem>> -> memref<128xi32, #tpu.memory_space<vmem>>
      %dma_start3A_177 = arith.constant 0 : i32
      %dma_start3A_178 = arith.constant 0 : i32
      %dma_start3A_179 = tpu.memref_slice %arg18[%dma_start3A_177, %dma_start3A_178] : memref<10240x128xf32, #tpu.memory_space<vmem_shared>> -> memref<10240x128xf32, #tpu.memory_space<vmem_shared>>
      tpu.enqueue_indirect_dma source(%arg10 : memref<128x128xf32, #tpu.memory_space<vmem>>) target(%dma_start3A_179 : memref<10240x128xf32, #tpu.memory_space<vmem_shared>>) offsets(%dma_start3A_176 : memref<128xi32, #tpu.memory_space<vmem>>) semaphore(%arg14 : memref<!tpu.dma_semaphore, #tpu.memory_space<semaphore_mem>>) {add = true}
      %dma_wait3A_180 = arith.constant 1 : i32
      %dma_wait3A_181 = arith.constant 0 : i32
      %dma_wait3A_182 = tpu.memref_slice %arg8[%dma_wait3A_180, %dma_wait3A_181] : memref<8x128xi32, #tpu.memory_space<vmem>> -> memref<1x128xi32, #tpu.memory_space<vmem>>
      %dma_wait3A_183 = tpu.memref_squeeze %dma_wait3A_182 : memref<1x128xi32, #tpu.memory_space<vmem>> -> memref<128xi32, #tpu.memory_space<vmem>>
      %dma_wait3A_184 = arith.constant 0 : i32
      %dma_wait3A_185 = arith.constant 0 : i32
      %dma_wait3A_186 = tpu.memref_slice %arg18[%dma_wait3A_184, %dma_wait3A_185] : memref<10240x128xf32, #tpu.memory_space<vmem_shared>> -> memref<10240x128xf32, #tpu.memory_space<vmem_shared>>
      tpu.wait_indirect_dma semaphore(%arg15 : memref<!tpu.dma_semaphore, #tpu.memory_space<semaphore_mem>>) src(%arg11 : memref<128x128xf32, #tpu.memory_space<vmem>>) dst(%dma_wait3A_186 : memref<10240x128xf32, #tpu.memory_space<vmem_shared>>)
      %dma_start3A_187 = arith.constant 3 : i32
      %dma_start3A_188 = arith.constant 0 : i32
      %dma_start3A_189 = arith.constant 0 : i32
      %dma_start3A_190 = tpu.memref_slice %arg11[%dma_start3A_188, %dma_start3A_189] : memref<128x128xf32, #tpu.memory_space<vmem>> -> memref<64x128xf32, #tpu.memory_space<vmem>>
      %dma_start3A_191 = arith.constant 0 : i32
      %dma_start3A_192 = tpu.memref_slice %arg6[%dma_start3A_187, %dma_start3A_191] : memref<8x128xi32, #tpu.memory_space<vmem>> -> memref<1x64xi32, #tpu.memory_space<vmem>>
      %dma_start3A_193 = tpu.memref_squeeze %dma_start3A_192 : memref<1x64xi32, #tpu.memory_space<vmem>> -> memref<64xi32, #tpu.memory_space<vmem>>
      %dma_start3A_194 = arith.constant 0 : i32
      %dma_start3A_195 = arith.constant 0 : i32
      %dma_start3A_196 = tpu.memref_slice %arg2[%dma_start3A_194, %dma_start3A_195] : memref<10240x128xf32, #tpu.memory_space<hbm>> -> memref<10240x128xf32, #tpu.memory_space<hbm>>
      tpu.enqueue_indirect_dma source(%dma_start3A_196 : memref<10240x128xf32, #tpu.memory_space<hbm>>) target(%dma_start3A_190 : memref<64x128xf32, #tpu.memory_space<vmem>>) offsets(%dma_start3A_193 : memref<64xi32, #tpu.memory_space<vmem>>) semaphore(%arg13 : memref<!tpu.dma_semaphore, #tpu.memory_space<semaphore_mem>>)
      %dma_start3A_197 = arith.constant 3 : i32
      %dma_start3A_198 = arith.constant 64 : i32
      %dma_start3A_199 = arith.constant 0 : i32
      %dma_start3A_200 = tpu.memref_slice %arg11[%dma_start3A_198, %dma_start3A_199] : memref<128x128xf32, #tpu.memory_space<vmem>> -> memref<64x128xf32, #tpu.memory_space<vmem>>
      %dma_start3A_201 = arith.constant 64 : i32
      %dma_start3A_202 = tpu.memref_slice %arg6[%dma_start3A_197, %dma_start3A_201] : memref<8x128xi32, #tpu.memory_space<vmem>> -> memref<1x64xi32, #tpu.memory_space<vmem>>
      %dma_start3A_203 = tpu.memref_squeeze %dma_start3A_202 : memref<1x64xi32, #tpu.memory_space<vmem>> -> memref<64xi32, #tpu.memory_space<vmem>>
      %dma_start3A_204 = arith.constant 0 : i32
      %dma_start3A_205 = arith.constant 0 : i32
      %dma_start3A_206 = tpu.memref_slice %arg2[%dma_start3A_204, %dma_start3A_205] : memref<10240x128xf32, #tpu.memory_space<hbm>> -> memref<10240x128xf32, #tpu.memory_space<hbm>>
      tpu.enqueue_indirect_dma source(%dma_start3A_206 : memref<10240x128xf32, #tpu.memory_space<hbm>>) target(%dma_start3A_200 : memref<64x128xf32, #tpu.memory_space<vmem>>) offsets(%dma_start3A_203 : memref<64xi32, #tpu.memory_space<vmem>>) semaphore(%arg13 : memref<!tpu.dma_semaphore, #tpu.memory_space<semaphore_mem>>)
      %dma_wait3A_207 = arith.constant 3 : i32
      %dma_wait3A_208 = arith.constant 0 : i32
      %dma_wait3A_209 = arith.constant 0 : i32
      %dma_wait3A_210 = tpu.memref_slice %arg11[%dma_wait3A_208, %dma_wait3A_209] : memref<128x128xf32, #tpu.memory_space<vmem>> -> memref<64x128xf32, #tpu.memory_space<vmem>>
      %dma_wait3A_211 = arith.constant 0 : i32
      %dma_wait3A_212 = tpu.memref_slice %arg6[%dma_wait3A_207, %dma_wait3A_211] : memref<8x128xi32, #tpu.memory_space<vmem>> -> memref<1x64xi32, #tpu.memory_space<vmem>>
      %dma_wait3A_213 = tpu.memref_squeeze %dma_wait3A_212 : memref<1x64xi32, #tpu.memory_space<vmem>> -> memref<64xi32, #tpu.memory_space<vmem>>
      %dma_wait3A_214 = arith.constant 0 : i32
      %dma_wait3A_215 = arith.constant 0 : i32
      %dma_wait3A_216 = tpu.memref_slice %arg2[%dma_wait3A_214, %dma_wait3A_215] : memref<10240x128xf32, #tpu.memory_space<hbm>> -> memref<10240x128xf32, #tpu.memory_space<hbm>>
      tpu.wait_indirect_dma semaphore(%arg13 : memref<!tpu.dma_semaphore, #tpu.memory_space<semaphore_mem>>) src(%dma_wait3A_216 : memref<10240x128xf32, #tpu.memory_space<hbm>>) dst(%dma_wait3A_210 : memref<64x128xf32, #tpu.memory_space<vmem>>)
      %dma_wait3A_217 = arith.constant 3 : i32
      %dma_wait3A_218 = arith.constant 64 : i32
      %dma_wait3A_219 = arith.constant 0 : i32
      %dma_wait3A_220 = tpu.memref_slice %arg11[%dma_wait3A_218, %dma_wait3A_219] : memref<128x128xf32, #tpu.memory_space<vmem>> -> memref<64x128xf32, #tpu.memory_space<vmem>>
      %dma_wait3A_221 = arith.constant 64 : i32
      %dma_wait3A_222 = tpu.memref_slice %arg6[%dma_wait3A_217, %dma_wait3A_221] : memref<8x128xi32, #tpu.memory_space<vmem>> -> memref<1x64xi32, #tpu.memory_space<vmem>>
      %dma_wait3A_223 = tpu.memref_squeeze %dma_wait3A_222 : memref<1x64xi32, #tpu.memory_space<vmem>> -> memref<64xi32, #tpu.memory_space<vmem>>
      %dma_wait3A_224 = arith.constant 0 : i32
      %dma_wait3A_225 = arith.constant 0 : i32
      %dma_wait3A_226 = tpu.memref_slice %arg2[%dma_wait3A_224, %dma_wait3A_225] : memref<10240x128xf32, #tpu.memory_space<hbm>> -> memref<10240x128xf32, #tpu.memory_space<hbm>>
      tpu.wait_indirect_dma semaphore(%arg13 : memref<!tpu.dma_semaphore, #tpu.memory_space<semaphore_mem>>) src(%dma_wait3A_226 : memref<10240x128xf32, #tpu.memory_space<hbm>>) dst(%dma_wait3A_220 : memref<64x128xf32, #tpu.memory_space<vmem>>)
      %dma_start3A_227 = arith.constant 3 : i32
      %dma_start3A_228 = arith.constant 0 : i32
      %dma_start3A_229 = tpu.memref_slice %arg8[%dma_start3A_227, %dma_start3A_228] : memref<8x128xi32, #tpu.memory_space<vmem>> -> memref<1x128xi32, #tpu.memory_space<vmem>>
      %dma_start3A_230 = tpu.memref_squeeze %dma_start3A_229 : memref<1x128xi32, #tpu.memory_space<vmem>> -> memref<128xi32, #tpu.memory_space<vmem>>
      %dma_start3A_231 = arith.constant 0 : i32
      %dma_start3A_232 = arith.constant 0 : i32
      %dma_start3A_233 = tpu.memref_slice %arg18[%dma_start3A_231, %dma_start3A_232] : memref<10240x128xf32, #tpu.memory_space<vmem_shared>> -> memref<10240x128xf32, #tpu.memory_space<vmem_shared>>
      tpu.enqueue_indirect_dma source(%arg11 : memref<128x128xf32, #tpu.memory_space<vmem>>) target(%dma_start3A_233 : memref<10240x128xf32, #tpu.memory_space<vmem_shared>>) offsets(%dma_start3A_230 : memref<128xi32, #tpu.memory_space<vmem>>) semaphore(%arg15 : memref<!tpu.dma_semaphore, #tpu.memory_space<semaphore_mem>>) {add = true}
      %dma_wait3A_234 = arith.constant 2 : i32
      %dma_wait3A_235 = arith.constant 0 : i32
      %dma_wait3A_236 = tpu.memref_slice %arg8[%dma_wait3A_234, %dma_wait3A_235] : memref<8x128xi32, #tpu.memory_space<vmem>> -> memref<1x128xi32, #tpu.memory_space<vmem>>
      %dma_wait3A_237 = tpu.memref_squeeze %dma_wait3A_236 : memref<1x128xi32, #tpu.memory_space<vmem>> -> memref<128xi32, #tpu.memory_space<vmem>>
      %dma_wait3A_238 = arith.constant 0 : i32
      %dma_wait3A_239 = arith.constant 0 : i32
      %dma_wait3A_240 = tpu.memref_slice %arg18[%dma_wait3A_238, %dma_wait3A_239] : memref<10240x128xf32, #tpu.memory_space<vmem_shared>> -> memref<10240x128xf32, #tpu.memory_space<vmem_shared>>
      tpu.wait_indirect_dma semaphore(%arg14 : memref<!tpu.dma_semaphore, #tpu.memory_space<semaphore_mem>>) src(%arg10 : memref<128x128xf32, #tpu.memory_space<vmem>>) dst(%dma_wait3A_240 : memref<10240x128xf32, #tpu.memory_space<vmem_shared>>)
      %dma_start3A_241 = arith.constant 4 : i32
      %dma_start3A_242 = arith.constant 0 : i32
      %dma_start3A_243 = arith.constant 0 : i32
      %dma_start3A_244 = tpu.memref_slice %arg10[%dma_start3A_242, %dma_start3A_243] : memref<128x128xf32, #tpu.memory_space<vmem>> -> memref<64x128xf32, #tpu.memory_space<vmem>>
      %dma_start3A_245 = arith.constant 0 : i32
      %dma_start3A_246 = tpu.memref_slice %arg6[%dma_start3A_241, %dma_start3A_245] : memref<8x128xi32, #tpu.memory_space<vmem>> -> memref<1x64xi32, #tpu.memory_space<vmem>>
      %dma_start3A_247 = tpu.memref_squeeze %dma_start3A_246 : memref<1x64xi32, #tpu.memory_space<vmem>> -> memref<64xi32, #tpu.memory_space<vmem>>
      %dma_start3A_248 = arith.constant 0 : i32
      %dma_start3A_249 = arith.constant 0 : i32
      %dma_start3A_250 = tpu.memref_slice %arg2[%dma_start3A_248, %dma_start3A_249] : memref<10240x128xf32, #tpu.memory_space<hbm>> -> memref<10240x128xf32, #tpu.memory_space<hbm>>
      tpu.enqueue_indirect_dma source(%dma_start3A_250 : memref<10240x128xf32, #tpu.memory_space<hbm>>) target(%dma_start3A_244 : memref<64x128xf32, #tpu.memory_space<vmem>>) offsets(%dma_start3A_247 : memref<64xi32, #tpu.memory_space<vmem>>) semaphore(%arg12 : memref<!tpu.dma_semaphore, #tpu.memory_space<semaphore_mem>>)
      %dma_start3A_251 = arith.constant 4 : i32
      %dma_start3A_252 = arith.constant 64 : i32
      %dma_start3A_253 = arith.constant 0 : i32
      %dma_start3A_254 = tpu.memref_slice %arg10[%dma_start3A_252, %dma_start3A_253] : memref<128x128xf32, #tpu.memory_space<vmem>> -> memref<64x128xf32, #tpu.memory_space<vmem>>
      %dma_start3A_255 = arith.constant 64 : i32
      %dma_start3A_256 = tpu.memref_slice %arg6[%dma_start3A_251, %dma_start3A_255] : memref<8x128xi32, #tpu.memory_space<vmem>> -> memref<1x64xi32, #tpu.memory_space<vmem>>
      %dma_start3A_257 = tpu.memref_squeeze %dma_start3A_256 : memref<1x64xi32, #tpu.memory_space<vmem>> -> memref<64xi32, #tpu.memory_space<vmem>>
      %dma_start3A_258 = arith.constant 0 : i32
      %dma_start3A_259 = arith.constant 0 : i32
      %dma_start3A_260 = tpu.memref_slice %arg2[%dma_start3A_258, %dma_start3A_259] : memref<10240x128xf32, #tpu.memory_space<hbm>> -> memref<10240x128xf32, #tpu.memory_space<hbm>>
      tpu.enqueue_indirect_dma source(%dma_start3A_260 : memref<10240x128xf32, #tpu.memory_space<hbm>>) target(%dma_start3A_254 : memref<64x128xf32, #tpu.memory_space<vmem>>) offsets(%dma_start3A_257 : memref<64xi32, #tpu.memory_space<vmem>>) semaphore(%arg12 : memref<!tpu.dma_semaphore, #tpu.memory_space<semaphore_mem>>)
      %dma_wait3A_261 = arith.constant 4 : i32
      %dma_wait3A_262 = arith.constant 0 : i32
      %dma_wait3A_263 = arith.constant 0 : i32
      %dma_wait3A_264 = tpu.memref_slice %arg10[%dma_wait3A_262, %dma_wait3A_263] : memref<128x128xf32, #tpu.memory_space<vmem>> -> memref<64x128xf32, #tpu.memory_space<vmem>>
      %dma_wait3A_265 = arith.constant 0 : i32
      %dma_wait3A_266 = tpu.memref_slice %arg6[%dma_wait3A_261, %dma_wait3A_265] : memref<8x128xi32, #tpu.memory_space<vmem>> -> memref<1x64xi32, #tpu.memory_space<vmem>>
      %dma_wait3A_267 = tpu.memref_squeeze %dma_wait3A_266 : memref<1x64xi32, #tpu.memory_space<vmem>> -> memref<64xi32, #tpu.memory_space<vmem>>
      %dma_wait3A_268 = arith.constant 0 : i32
      %dma_wait3A_269 = arith.constant 0 : i32
      %dma_wait3A_270 = tpu.memref_slice %arg2[%dma_wait3A_268, %dma_wait3A_269] : memref<10240x128xf32, #tpu.memory_space<hbm>> -> memref<10240x128xf32, #tpu.memory_space<hbm>>
      tpu.wait_indirect_dma semaphore(%arg12 : memref<!tpu.dma_semaphore, #tpu.memory_space<semaphore_mem>>) src(%dma_wait3A_270 : memref<10240x128xf32, #tpu.memory_space<hbm>>) dst(%dma_wait3A_264 : memref<64x128xf32, #tpu.memory_space<vmem>>)
      %dma_wait3A_271 = arith.constant 4 : i32
      %dma_wait3A_272 = arith.constant 64 : i32
      %dma_wait3A_273 = arith.constant 0 : i32
      %dma_wait3A_274 = tpu.memref_slice %arg10[%dma_wait3A_272, %dma_wait3A_273] : memref<128x128xf32, #tpu.memory_space<vmem>> -> memref<64x128xf32, #tpu.memory_space<vmem>>
      %dma_wait3A_275 = arith.constant 64 : i32
      %dma_wait3A_276 = tpu.memref_slice %arg6[%dma_wait3A_271, %dma_wait3A_275] : memref<8x128xi32, #tpu.memory_space<vmem>> -> memref<1x64xi32, #tpu.memory_space<vmem>>
      %dma_wait3A_277 = tpu.memref_squeeze %dma_wait3A_276 : memref<1x64xi32, #tpu.memory_space<vmem>> -> memref<64xi32, #tpu.memory_space<vmem>>
      %dma_wait3A_278 = arith.constant 0 : i32
      %dma_wait3A_279 = arith.constant 0 : i32
      %dma_wait3A_280 = tpu.memref_slice %arg2[%dma_wait3A_278, %dma_wait3A_279] : memref<10240x128xf32, #tpu.memory_space<hbm>> -> memref<10240x128xf32, #tpu.memory_space<hbm>>
      tpu.wait_indirect_dma semaphore(%arg12 : memref<!tpu.dma_semaphore, #tpu.memory_space<semaphore_mem>>) src(%dma_wait3A_280 : memref<10240x128xf32, #tpu.memory_space<hbm>>) dst(%dma_wait3A_274 : memref<64x128xf32, #tpu.memory_space<vmem>>)
      %dma_start3A_281 = arith.constant 4 : i32
      %dma_start3A_282 = arith.constant 0 : i32
      %dma_start3A_283 = tpu.memref_slice %arg8[%dma_start3A_281, %dma_start3A_282] : memref<8x128xi32, #tpu.memory_space<vmem>> -> memref<1x128xi32, #tpu.memory_space<vmem>>
      %dma_start3A_284 = tpu.memref_squeeze %dma_start3A_283 : memref<1x128xi32, #tpu.memory_space<vmem>> -> memref<128xi32, #tpu.memory_space<vmem>>
      %dma_start3A_285 = arith.constant 0 : i32
      %dma_start3A_286 = arith.constant 0 : i32
      %dma_start3A_287 = tpu.memref_slice %arg18[%dma_start3A_285, %dma_start3A_286] : memref<10240x128xf32, #tpu.memory_space<vmem_shared>> -> memref<10240x128xf32, #tpu.memory_space<vmem_shared>>
      tpu.enqueue_indirect_dma source(%arg10 : memref<128x128xf32, #tpu.memory_space<vmem>>) target(%dma_start3A_287 : memref<10240x128xf32, #tpu.memory_space<vmem_shared>>) offsets(%dma_start3A_284 : memref<128xi32, #tpu.memory_space<vmem>>) semaphore(%arg14 : memref<!tpu.dma_semaphore, #tpu.memory_space<semaphore_mem>>) {add = true}
      %dma_wait3A_288 = arith.constant 3 : i32
      %dma_wait3A_289 = arith.constant 0 : i32
      %dma_wait3A_290 = tpu.memref_slice %arg8[%dma_wait3A_288, %dma_wait3A_289] : memref<8x128xi32, #tpu.memory_space<vmem>> -> memref<1x128xi32, #tpu.memory_space<vmem>>
      %dma_wait3A_291 = tpu.memref_squeeze %dma_wait3A_290 : memref<1x128xi32, #tpu.memory_space<vmem>> -> memref<128xi32, #tpu.memory_space<vmem>>
      %dma_wait3A_292 = arith.constant 0 : i32
      %dma_wait3A_293 = arith.constant 0 : i32
      %dma_wait3A_294 = tpu.memref_slice %arg18[%dma_wait3A_292, %dma_wait3A_293] : memref<10240x128xf32, #tpu.memory_space<vmem_shared>> -> memref<10240x128xf32, #tpu.memory_space<vmem_shared>>
      tpu.wait_indirect_dma semaphore(%arg15 : memref<!tpu.dma_semaphore, #tpu.memory_space<semaphore_mem>>) src(%arg11 : memref<128x128xf32, #tpu.memory_space<vmem>>) dst(%dma_wait3A_294 : memref<10240x128xf32, #tpu.memory_space<vmem_shared>>)
      %dma_start3A_295 = arith.constant 5 : i32
      %dma_start3A_296 = arith.constant 0 : i32
      %dma_start3A_297 = arith.constant 0 : i32
      %dma_start3A_298 = tpu.memref_slice %arg11[%dma_start3A_296, %dma_start3A_297] : memref<128x128xf32, #tpu.memory_space<vmem>> -> memref<64x128xf32, #tpu.memory_space<vmem>>
      %dma_start3A_299 = arith.constant 0 : i32
      %dma_start3A_300 = tpu.memref_slice %arg6[%dma_start3A_295, %dma_start3A_299] : memref<8x128xi32, #tpu.memory_space<vmem>> -> memref<1x64xi32, #tpu.memory_space<vmem>>
      %dma_start3A_301 = tpu.memref_squeeze %dma_start3A_300 : memref<1x64xi32, #tpu.memory_space<vmem>> -> memref<64xi32, #tpu.memory_space<vmem>>
      %dma_start3A_302 = arith.constant 0 : i32
      %dma_start3A_303 = arith.constant 0 : i32
      %dma_start3A_304 = tpu.memref_slice %arg2[%dma_start3A_302, %dma_start3A_303] : memref<10240x128xf32, #tpu.memory_space<hbm>> -> memref<10240x128xf32, #tpu.memory_space<hbm>>
      tpu.enqueue_indirect_dma source(%dma_start3A_304 : memref<10240x128xf32, #tpu.memory_space<hbm>>) target(%dma_start3A_298 : memref<64x128xf32, #tpu.memory_space<vmem>>) offsets(%dma_start3A_301 : memref<64xi32, #tpu.memory_space<vmem>>) semaphore(%arg13 : memref<!tpu.dma_semaphore, #tpu.memory_space<semaphore_mem>>)
      %dma_start3A_305 = arith.constant 5 : i32
      %dma_start3A_306 = arith.constant 64 : i32
      %dma_start3A_307 = arith.constant 0 : i32
      %dma_start3A_308 = tpu.memref_slice %arg11[%dma_start3A_306, %dma_start3A_307] : memref<128x128xf32, #tpu.memory_space<vmem>> -> memref<64x128xf32, #tpu.memory_space<vmem>>
      %dma_start3A_309 = arith.constant 64 : i32
      %dma_start3A_310 = tpu.memref_slice %arg6[%dma_start3A_305, %dma_start3A_309] : memref<8x128xi32, #tpu.memory_space<vmem>> -> memref<1x64xi32, #tpu.memory_space<vmem>>
      %dma_start3A_311 = tpu.memref_squeeze %dma_start3A_310 : memref<1x64xi32, #tpu.memory_space<vmem>> -> memref<64xi32, #tpu.memory_space<vmem>>
      %dma_start3A_312 = arith.constant 0 : i32
      %dma_start3A_313 = arith.constant 0 : i32
      %dma_start3A_314 = tpu.memref_slice %arg2[%dma_start3A_312, %dma_start3A_313] : memref<10240x128xf32, #tpu.memory_space<hbm>> -> memref<10240x128xf32, #tpu.memory_space<hbm>>
      tpu.enqueue_indirect_dma source(%dma_start3A_314 : memref<10240x128xf32, #tpu.memory_space<hbm>>) target(%dma_start3A_308 : memref<64x128xf32, #tpu.memory_space<vmem>>) offsets(%dma_start3A_311 : memref<64xi32, #tpu.memory_space<vmem>>) semaphore(%arg13 : memref<!tpu.dma_semaphore, #tpu.memory_space<semaphore_mem>>)
      %dma_wait3A_315 = arith.constant 5 : i32
      %dma_wait3A_316 = arith.constant 0 : i32
      %dma_wait3A_317 = arith.constant 0 : i32
      %dma_wait3A_318 = tpu.memref_slice %arg11[%dma_wait3A_316, %dma_wait3A_317] : memref<128x128xf32, #tpu.memory_space<vmem>> -> memref<64x128xf32, #tpu.memory_space<vmem>>
      %dma_wait3A_319 = arith.constant 0 : i32
      %dma_wait3A_320 = tpu.memref_slice %arg6[%dma_wait3A_315, %dma_wait3A_319] : memref<8x128xi32, #tpu.memory_space<vmem>> -> memref<1x64xi32, #tpu.memory_space<vmem>>
      %dma_wait3A_321 = tpu.memref_squeeze %dma_wait3A_320 : memref<1x64xi32, #tpu.memory_space<vmem>> -> memref<64xi32, #tpu.memory_space<vmem>>
      %dma_wait3A_322 = arith.constant 0 : i32
      %dma_wait3A_323 = arith.constant 0 : i32
      %dma_wait3A_324 = tpu.memref_slice %arg2[%dma_wait3A_322, %dma_wait3A_323] : memref<10240x128xf32, #tpu.memory_space<hbm>> -> memref<10240x128xf32, #tpu.memory_space<hbm>>
      tpu.wait_indirect_dma semaphore(%arg13 : memref<!tpu.dma_semaphore, #tpu.memory_space<semaphore_mem>>) src(%dma_wait3A_324 : memref<10240x128xf32, #tpu.memory_space<hbm>>) dst(%dma_wait3A_318 : memref<64x128xf32, #tpu.memory_space<vmem>>)
      %dma_wait3A_325 = arith.constant 5 : i32
      %dma_wait3A_326 = arith.constant 64 : i32
      %dma_wait3A_327 = arith.constant 0 : i32
      %dma_wait3A_328 = tpu.memref_slice %arg11[%dma_wait3A_326, %dma_wait3A_327] : memref<128x128xf32, #tpu.memory_space<vmem>> -> memref<64x128xf32, #tpu.memory_space<vmem>>
      %dma_wait3A_329 = arith.constant 64 : i32
      %dma_wait3A_330 = tpu.memref_slice %arg6[%dma_wait3A_325, %dma_wait3A_329] : memref<8x128xi32, #tpu.memory_space<vmem>> -> memref<1x64xi32, #tpu.memory_space<vmem>>
      %dma_wait3A_331 = tpu.memref_squeeze %dma_wait3A_330 : memref<1x64xi32, #tpu.memory_space<vmem>> -> memref<64xi32, #tpu.memory_space<vmem>>
      %dma_wait3A_332 = arith.constant 0 : i32
      %dma_wait3A_333 = arith.constant 0 : i32
      %dma_wait3A_334 = tpu.memref_slice %arg2[%dma_wait3A_332, %dma_wait3A_333] : memref<10240x128xf32, #tpu.memory_space<hbm>> -> memref<10240x128xf32, #tpu.memory_space<hbm>>
      tpu.wait_indirect_dma semaphore(%arg13 : memref<!tpu.dma_semaphore, #tpu.memory_space<semaphore_mem>>) src(%dma_wait3A_334 : memref<10240x128xf32, #tpu.memory_space<hbm>>) dst(%dma_wait3A_328 : memref<64x128xf32, #tpu.memory_space<vmem>>)
      %dma_start3A_335 = arith.constant 5 : i32
      %dma_start3A_336 = arith.constant 0 : i32
      %dma_start3A_337 = tpu.memref_slice %arg8[%dma_start3A_335, %dma_start3A_336] : memref<8x128xi32, #tpu.memory_space<vmem>> -> memref<1x128xi32, #tpu.memory_space<vmem>>
      %dma_start3A_338 = tpu.memref_squeeze %dma_start3A_337 : memref<1x128xi32, #tpu.memory_space<vmem>> -> memref<128xi32, #tpu.memory_space<vmem>>
      %dma_start3A_339 = arith.constant 0 : i32
      %dma_start3A_340 = arith.constant 0 : i32
      %dma_start3A_341 = tpu.memref_slice %arg18[%dma_start3A_339, %dma_start3A_340] : memref<10240x128xf32, #tpu.memory_space<vmem_shared>> -> memref<10240x128xf32, #tpu.memory_space<vmem_shared>>
      tpu.enqueue_indirect_dma source(%arg11 : memref<128x128xf32, #tpu.memory_space<vmem>>) target(%dma_start3A_341 : memref<10240x128xf32, #tpu.memory_space<vmem_shared>>) offsets(%dma_start3A_338 : memref<128xi32, #tpu.memory_space<vmem>>) semaphore(%arg15 : memref<!tpu.dma_semaphore, #tpu.memory_space<semaphore_mem>>) {add = true}
      %dma_wait3A_342 = arith.constant 4 : i32
      %dma_wait3A_343 = arith.constant 0 : i32
      %dma_wait3A_344 = tpu.memref_slice %arg8[%dma_wait3A_342, %dma_wait3A_343] : memref<8x128xi32, #tpu.memory_space<vmem>> -> memref<1x128xi32, #tpu.memory_space<vmem>>
      %dma_wait3A_345 = tpu.memref_squeeze %dma_wait3A_344 : memref<1x128xi32, #tpu.memory_space<vmem>> -> memref<128xi32, #tpu.memory_space<vmem>>
      %dma_wait3A_346 = arith.constant 0 : i32
      %dma_wait3A_347 = arith.constant 0 : i32
      %dma_wait3A_348 = tpu.memref_slice %arg18[%dma_wait3A_346, %dma_wait3A_347] : memref<10240x128xf32, #tpu.memory_space<vmem_shared>> -> memref<10240x128xf32, #tpu.memory_space<vmem_shared>>
      tpu.wait_indirect_dma semaphore(%arg14 : memref<!tpu.dma_semaphore, #tpu.memory_space<semaphore_mem>>) src(%arg10 : memref<128x128xf32, #tpu.memory_space<vmem>>) dst(%dma_wait3A_348 : memref<10240x128xf32, #tpu.memory_space<vmem_shared>>)
      %dma_start3A_349 = arith.constant 6 : i32
      %dma_start3A_350 = arith.constant 0 : i32
      %dma_start3A_351 = arith.constant 0 : i32
      %dma_start3A_352 = tpu.memref_slice %arg10[%dma_start3A_350, %dma_start3A_351] : memref<128x128xf32, #tpu.memory_space<vmem>> -> memref<64x128xf32, #tpu.memory_space<vmem>>
      %dma_start3A_353 = arith.constant 0 : i32
      %dma_start3A_354 = tpu.memref_slice %arg6[%dma_start3A_349, %dma_start3A_353] : memref<8x128xi32, #tpu.memory_space<vmem>> -> memref<1x64xi32, #tpu.memory_space<vmem>>
      %dma_start3A_355 = tpu.memref_squeeze %dma_start3A_354 : memref<1x64xi32, #tpu.memory_space<vmem>> -> memref<64xi32, #tpu.memory_space<vmem>>
      %dma_start3A_356 = arith.constant 0 : i32
      %dma_start3A_357 = arith.constant 0 : i32
      %dma_start3A_358 = tpu.memref_slice %arg2[%dma_start3A_356, %dma_start3A_357] : memref<10240x128xf32, #tpu.memory_space<hbm>> -> memref<10240x128xf32, #tpu.memory_space<hbm>>
      tpu.enqueue_indirect_dma source(%dma_start3A_358 : memref<10240x128xf32, #tpu.memory_space<hbm>>) target(%dma_start3A_352 : memref<64x128xf32, #tpu.memory_space<vmem>>) offsets(%dma_start3A_355 : memref<64xi32, #tpu.memory_space<vmem>>) semaphore(%arg12 : memref<!tpu.dma_semaphore, #tpu.memory_space<semaphore_mem>>)
      %dma_start3A_359 = arith.constant 6 : i32
      %dma_start3A_360 = arith.constant 64 : i32
      %dma_start3A_361 = arith.constant 0 : i32
      %dma_start3A_362 = tpu.memref_slice %arg10[%dma_start3A_360, %dma_start3A_361] : memref<128x128xf32, #tpu.memory_space<vmem>> -> memref<64x128xf32, #tpu.memory_space<vmem>>
      %dma_start3A_363 = arith.constant 64 : i32
      %dma_start3A_364 = tpu.memref_slice %arg6[%dma_start3A_359, %dma_start3A_363] : memref<8x128xi32, #tpu.memory_space<vmem>> -> memref<1x64xi32, #tpu.memory_space<vmem>>
      %dma_start3A_365 = tpu.memref_squeeze %dma_start3A_364 : memref<1x64xi32, #tpu.memory_space<vmem>> -> memref<64xi32, #tpu.memory_space<vmem>>
      %dma_start3A_366 = arith.constant 0 : i32
      %dma_start3A_367 = arith.constant 0 : i32
      %dma_start3A_368 = tpu.memref_slice %arg2[%dma_start3A_366, %dma_start3A_367] : memref<10240x128xf32, #tpu.memory_space<hbm>> -> memref<10240x128xf32, #tpu.memory_space<hbm>>
      tpu.enqueue_indirect_dma source(%dma_start3A_368 : memref<10240x128xf32, #tpu.memory_space<hbm>>) target(%dma_start3A_362 : memref<64x128xf32, #tpu.memory_space<vmem>>) offsets(%dma_start3A_365 : memref<64xi32, #tpu.memory_space<vmem>>) semaphore(%arg12 : memref<!tpu.dma_semaphore, #tpu.memory_space<semaphore_mem>>)
      %dma_wait3A_369 = arith.constant 6 : i32
      %dma_wait3A_370 = arith.constant 0 : i32
      %dma_wait3A_371 = arith.constant 0 : i32
      %dma_wait3A_372 = tpu.memref_slice %arg10[%dma_wait3A_370, %dma_wait3A_371] : memref<128x128xf32, #tpu.memory_space<vmem>> -> memref<64x128xf32, #tpu.memory_space<vmem>>
      %dma_wait3A_373 = arith.constant 0 : i32
      %dma_wait3A_374 = tpu.memref_slice %arg6[%dma_wait3A_369, %dma_wait3A_373] : memref<8x128xi32, #tpu.memory_space<vmem>> -> memref<1x64xi32, #tpu.memory_space<vmem>>
      %dma_wait3A_375 = tpu.memref_squeeze %dma_wait3A_374 : memref<1x64xi32, #tpu.memory_space<vmem>> -> memref<64xi32, #tpu.memory_space<vmem>>
      %dma_wait3A_376 = arith.constant 0 : i32
      %dma_wait3A_377 = arith.constant 0 : i32
      %dma_wait3A_378 = tpu.memref_slice %arg2[%dma_wait3A_376, %dma_wait3A_377] : memref<10240x128xf32, #tpu.memory_space<hbm>> -> memref<10240x128xf32, #tpu.memory_space<hbm>>
      tpu.wait_indirect_dma semaphore(%arg12 : memref<!tpu.dma_semaphore, #tpu.memory_space<semaphore_mem>>) src(%dma_wait3A_378 : memref<10240x128xf32, #tpu.memory_space<hbm>>) dst(%dma_wait3A_372 : memref<64x128xf32, #tpu.memory_space<vmem>>)
      %dma_wait3A_379 = arith.constant 6 : i32
      %dma_wait3A_380 = arith.constant 64 : i32
      %dma_wait3A_381 = arith.constant 0 : i32
      %dma_wait3A_382 = tpu.memref_slice %arg10[%dma_wait3A_380, %dma_wait3A_381] : memref<128x128xf32, #tpu.memory_space<vmem>> -> memref<64x128xf32, #tpu.memory_space<vmem>>
      %dma_wait3A_383 = arith.constant 64 : i32
      %dma_wait3A_384 = tpu.memref_slice %arg6[%dma_wait3A_379, %dma_wait3A_383] : memref<8x128xi32, #tpu.memory_space<vmem>> -> memref<1x64xi32, #tpu.memory_space<vmem>>
      %dma_wait3A_385 = tpu.memref_squeeze %dma_wait3A_384 : memref<1x64xi32, #tpu.memory_space<vmem>> -> memref<64xi32, #tpu.memory_space<vmem>>
      %dma_wait3A_386 = arith.constant 0 : i32
      %dma_wait3A_387 = arith.constant 0 : i32
      %dma_wait3A_388 = tpu.memref_slice %arg2[%dma_wait3A_386, %dma_wait3A_387] : memref<10240x128xf32, #tpu.memory_space<hbm>> -> memref<10240x128xf32, #tpu.memory_space<hbm>>
      tpu.wait_indirect_dma semaphore(%arg12 : memref<!tpu.dma_semaphore, #tpu.memory_space<semaphore_mem>>) src(%dma_wait3A_388 : memref<10240x128xf32, #tpu.memory_space<hbm>>) dst(%dma_wait3A_382 : memref<64x128xf32, #tpu.memory_space<vmem>>)
      %dma_start3A_389 = arith.constant 6 : i32
      %dma_start3A_390 = arith.constant 0 : i32
      %dma_start3A_391 = tpu.memref_slice %arg8[%dma_start3A_389, %dma_start3A_390] : memref<8x128xi32, #tpu.memory_space<vmem>> -> memref<1x128xi32, #tpu.memory_space<vmem>>
      %dma_start3A_392 = tpu.memref_squeeze %dma_start3A_391 : memref<1x128xi32, #tpu.memory_space<vmem>> -> memref<128xi32, #tpu.memory_space<vmem>>
      %dma_start3A_393 = arith.constant 0 : i32
      %dma_start3A_394 = arith.constant 0 : i32
      %dma_start3A_395 = tpu.memref_slice %arg18[%dma_start3A_393, %dma_start3A_394] : memref<10240x128xf32, #tpu.memory_space<vmem_shared>> -> memref<10240x128xf32, #tpu.memory_space<vmem_shared>>
      tpu.enqueue_indirect_dma source(%arg10 : memref<128x128xf32, #tpu.memory_space<vmem>>) target(%dma_start3A_395 : memref<10240x128xf32, #tpu.memory_space<vmem_shared>>) offsets(%dma_start3A_392 : memref<128xi32, #tpu.memory_space<vmem>>) semaphore(%arg14 : memref<!tpu.dma_semaphore, #tpu.memory_space<semaphore_mem>>) {add = true}
      %dma_wait3A_396 = arith.constant 5 : i32
      %dma_wait3A_397 = arith.constant 0 : i32
      %dma_wait3A_398 = tpu.memref_slice %arg8[%dma_wait3A_396, %dma_wait3A_397] : memref<8x128xi32, #tpu.memory_space<vmem>> -> memref<1x128xi32, #tpu.memory_space<vmem>>
      %dma_wait3A_399 = tpu.memref_squeeze %dma_wait3A_398 : memref<1x128xi32, #tpu.memory_space<vmem>> -> memref<128xi32, #tpu.memory_space<vmem>>
      %dma_wait3A_400 = arith.constant 0 : i32
      %dma_wait3A_401 = arith.constant 0 : i32
      %dma_wait3A_402 = tpu.memref_slice %arg18[%dma_wait3A_400, %dma_wait3A_401] : memref<10240x128xf32, #tpu.memory_space<vmem_shared>> -> memref<10240x128xf32, #tpu.memory_space<vmem_shared>>
      tpu.wait_indirect_dma semaphore(%arg15 : memref<!tpu.dma_semaphore, #tpu.memory_space<semaphore_mem>>) src(%arg11 : memref<128x128xf32, #tpu.memory_space<vmem>>) dst(%dma_wait3A_402 : memref<10240x128xf32, #tpu.memory_space<vmem_shared>>)
      %dma_start3A_403 = arith.constant 7 : i32
      %dma_start3A_404 = arith.constant 0 : i32
      %dma_start3A_405 = arith.constant 0 : i32
      %dma_start3A_406 = tpu.memref_slice %arg11[%dma_start3A_404, %dma_start3A_405] : memref<128x128xf32, #tpu.memory_space<vmem>> -> memref<64x128xf32, #tpu.memory_space<vmem>>
      %dma_start3A_407 = arith.constant 0 : i32
      %dma_start3A_408 = tpu.memref_slice %arg6[%dma_start3A_403, %dma_start3A_407] : memref<8x128xi32, #tpu.memory_space<vmem>> -> memref<1x64xi32, #tpu.memory_space<vmem>>
      %dma_start3A_409 = tpu.memref_squeeze %dma_start3A_408 : memref<1x64xi32, #tpu.memory_space<vmem>> -> memref<64xi32, #tpu.memory_space<vmem>>
      %dma_start3A_410 = arith.constant 0 : i32
      %dma_start3A_411 = arith.constant 0 : i32
      %dma_start3A_412 = tpu.memref_slice %arg2[%dma_start3A_410, %dma_start3A_411] : memref<10240x128xf32, #tpu.memory_space<hbm>> -> memref<10240x128xf32, #tpu.memory_space<hbm>>
      tpu.enqueue_indirect_dma source(%dma_start3A_412 : memref<10240x128xf32, #tpu.memory_space<hbm>>) target(%dma_start3A_406 : memref<64x128xf32, #tpu.memory_space<vmem>>) offsets(%dma_start3A_409 : memref<64xi32, #tpu.memory_space<vmem>>) semaphore(%arg13 : memref<!tpu.dma_semaphore, #tpu.memory_space<semaphore_mem>>)
      %dma_start3A_413 = arith.constant 7 : i32
      %dma_start3A_414 = arith.constant 64 : i32
      %dma_start3A_415 = arith.constant 0 : i32
      %dma_start3A_416 = tpu.memref_slice %arg11[%dma_start3A_414, %dma_start3A_415] : memref<128x128xf32, #tpu.memory_space<vmem>> -> memref<64x128xf32, #tpu.memory_space<vmem>>
      %dma_start3A_417 = arith.constant 64 : i32
      %dma_start3A_418 = tpu.memref_slice %arg6[%dma_start3A_413, %dma_start3A_417] : memref<8x128xi32, #tpu.memory_space<vmem>> -> memref<1x64xi32, #tpu.memory_space<vmem>>
      %dma_start3A_419 = tpu.memref_squeeze %dma_start3A_418 : memref<1x64xi32, #tpu.memory_space<vmem>> -> memref<64xi32, #tpu.memory_space<vmem>>
      %dma_start3A_420 = arith.constant 0 : i32
      %dma_start3A_421 = arith.constant 0 : i32
      %dma_start3A_422 = tpu.memref_slice %arg2[%dma_start3A_420, %dma_start3A_421] : memref<10240x128xf32, #tpu.memory_space<hbm>> -> memref<10240x128xf32, #tpu.memory_space<hbm>>
      tpu.enqueue_indirect_dma source(%dma_start3A_422 : memref<10240x128xf32, #tpu.memory_space<hbm>>) target(%dma_start3A_416 : memref<64x128xf32, #tpu.memory_space<vmem>>) offsets(%dma_start3A_419 : memref<64xi32, #tpu.memory_space<vmem>>) semaphore(%arg13 : memref<!tpu.dma_semaphore, #tpu.memory_space<semaphore_mem>>)
      %dma_wait3A_423 = arith.constant 7 : i32
      %dma_wait3A_424 = arith.constant 0 : i32
      %dma_wait3A_425 = arith.constant 0 : i32
      %dma_wait3A_426 = tpu.memref_slice %arg11[%dma_wait3A_424, %dma_wait3A_425] : memref<128x128xf32, #tpu.memory_space<vmem>> -> memref<64x128xf32, #tpu.memory_space<vmem>>
      %dma_wait3A_427 = arith.constant 0 : i32
      %dma_wait3A_428 = tpu.memref_slice %arg6[%dma_wait3A_423, %dma_wait3A_427] : memref<8x128xi32, #tpu.memory_space<vmem>> -> memref<1x64xi32, #tpu.memory_space<vmem>>
      %dma_wait3A_429 = tpu.memref_squeeze %dma_wait3A_428 : memref<1x64xi32, #tpu.memory_space<vmem>> -> memref<64xi32, #tpu.memory_space<vmem>>
      %dma_wait3A_430 = arith.constant 0 : i32
      %dma_wait3A_431 = arith.constant 0 : i32
      %dma_wait3A_432 = tpu.memref_slice %arg2[%dma_wait3A_430, %dma_wait3A_431] : memref<10240x128xf32, #tpu.memory_space<hbm>> -> memref<10240x128xf32, #tpu.memory_space<hbm>>
      tpu.wait_indirect_dma semaphore(%arg13 : memref<!tpu.dma_semaphore, #tpu.memory_space<semaphore_mem>>) src(%dma_wait3A_432 : memref<10240x128xf32, #tpu.memory_space<hbm>>) dst(%dma_wait3A_426 : memref<64x128xf32, #tpu.memory_space<vmem>>)
      %dma_wait3A_433 = arith.constant 7 : i32
      %dma_wait3A_434 = arith.constant 64 : i32
      %dma_wait3A_435 = arith.constant 0 : i32
      %dma_wait3A_436 = tpu.memref_slice %arg11[%dma_wait3A_434, %dma_wait3A_435] : memref<128x128xf32, #tpu.memory_space<vmem>> -> memref<64x128xf32, #tpu.memory_space<vmem>>
      %dma_wait3A_437 = arith.constant 64 : i32
      %dma_wait3A_438 = tpu.memref_slice %arg6[%dma_wait3A_433, %dma_wait3A_437] : memref<8x128xi32, #tpu.memory_space<vmem>> -> memref<1x64xi32, #tpu.memory_space<vmem>>
      %dma_wait3A_439 = tpu.memref_squeeze %dma_wait3A_438 : memref<1x64xi32, #tpu.memory_space<vmem>> -> memref<64xi32, #tpu.memory_space<vmem>>
      %dma_wait3A_440 = arith.constant 0 : i32
      %dma_wait3A_441 = arith.constant 0 : i32
      %dma_wait3A_442 = tpu.memref_slice %arg2[%dma_wait3A_440, %dma_wait3A_441] : memref<10240x128xf32, #tpu.memory_space<hbm>> -> memref<10240x128xf32, #tpu.memory_space<hbm>>
      tpu.wait_indirect_dma semaphore(%arg13 : memref<!tpu.dma_semaphore, #tpu.memory_space<semaphore_mem>>) src(%dma_wait3A_442 : memref<10240x128xf32, #tpu.memory_space<hbm>>) dst(%dma_wait3A_436 : memref<64x128xf32, #tpu.memory_space<vmem>>)
      %dma_start3A_443 = arith.constant 7 : i32
      %dma_start3A_444 = arith.constant 0 : i32
      %dma_start3A_445 = tpu.memref_slice %arg8[%dma_start3A_443, %dma_start3A_444] : memref<8x128xi32, #tpu.memory_space<vmem>> -> memref<1x128xi32, #tpu.memory_space<vmem>>
      %dma_start3A_446 = tpu.memref_squeeze %dma_start3A_445 : memref<1x128xi32, #tpu.memory_space<vmem>> -> memref<128xi32, #tpu.memory_space<vmem>>
      %dma_start3A_447 = arith.constant 0 : i32
      %dma_start3A_448 = arith.constant 0 : i32
      %dma_start3A_449 = tpu.memref_slice %arg18[%dma_start3A_447, %dma_start3A_448] : memref<10240x128xf32, #tpu.memory_space<vmem_shared>> -> memref<10240x128xf32, #tpu.memory_space<vmem_shared>>
      tpu.enqueue_indirect_dma source(%arg11 : memref<128x128xf32, #tpu.memory_space<vmem>>) target(%dma_start3A_449 : memref<10240x128xf32, #tpu.memory_space<vmem_shared>>) offsets(%dma_start3A_446 : memref<128xi32, #tpu.memory_space<vmem>>) semaphore(%arg15 : memref<!tpu.dma_semaphore, #tpu.memory_space<semaphore_mem>>) {add = true}
      %dma_wait3A_450 = arith.constant 6 : i32
      %dma_wait3A_451 = arith.constant 0 : i32
      %dma_wait3A_452 = tpu.memref_slice %arg8[%dma_wait3A_450, %dma_wait3A_451] : memref<8x128xi32, #tpu.memory_space<vmem>> -> memref<1x128xi32, #tpu.memory_space<vmem>>
      %dma_wait3A_453 = tpu.memref_squeeze %dma_wait3A_452 : memref<1x128xi32, #tpu.memory_space<vmem>> -> memref<128xi32, #tpu.memory_space<vmem>>
      %dma_wait3A_454 = arith.constant 0 : i32
      %dma_wait3A_455 = arith.constant 0 : i32
      %dma_wait3A_456 = tpu.memref_slice %arg18[%dma_wait3A_454, %dma_wait3A_455] : memref<10240x128xf32, #tpu.memory_space<vmem_shared>> -> memref<10240x128xf32, #tpu.memory_space<vmem_shared>>
      tpu.wait_indirect_dma semaphore(%arg14 : memref<!tpu.dma_semaphore, #tpu.memory_space<semaphore_mem>>) src(%arg10 : memref<128x128xf32, #tpu.memory_space<vmem>>) dst(%dma_wait3A_456 : memref<10240x128xf32, #tpu.memory_space<vmem_shared>>)
      %add3A_457 = arith.constant 1 : i32
      %add3A_458 = arith.addi %add3A_43, %add3A_457 : i32
      %lt3A_459 = arith.cmpi slt, %add3A_458, %select_n3A_6 : i32
      %convert_element_type3A_460 = arith.extui %lt3A_459 : i1 to i32
      %cond3A_461 = arith.constant 0 : i32
      %cond3A_462 = arith.cmpi ne, %convert_element_type3A_460, %cond3A_461 : i32
      scf.if %cond3A_462 {
        %add3A_887 = arith.constant 1 : i32
        %add3A_888 = arith.addi %add3A_43, %add3A_887 : i32
        %mul3A_889 = arith.constant 8 : i32
        %mul3A_890 = arith.muli %add3A_888, %mul3A_889 : i32
        %add3A_891 = arith.addi %select_n3A, %mul3A_890 : i32
        %dma_wait3A_892 = arith.constant 0 : i32
        %dma_wait3A_893 = tpu.memref_slice %arg3[%add3A_891, %dma_wait3A_892] : memref<2560x128xi32, #tpu.memory_space<hbm>> -> memref<8x128xi32, #tpu.memory_space<hbm>>
        %dma_wait3A_894 = arith.constant 0 : i32
        %dma_wait3A_895 = tpu.memref_slice %arg3[%add3A_891, %dma_wait3A_894] : memref<2560x128xi32, #tpu.memory_space<hbm>> -> memref<8x128xi32, #tpu.memory_space<hbm>>
        tpu.wait_dma2 semaphore(%arg17 : memref<!tpu.dma_semaphore, #tpu.memory_space<semaphore_mem>>) src(%dma_wait3A_895 : memref<8x128xi32, #tpu.memory_space<hbm>>) dst(%arg7 : memref<8x128xi32, #tpu.memory_space<vmem>>)
        %dma_wait3A_896 = arith.constant 0 : i32
        %dma_wait3A_897 = tpu.memref_slice %arg4[%add3A_891, %dma_wait3A_896] : memref<2560x128xi32, #tpu.memory_space<hbm>> -> memref<8x128xi32, #tpu.memory_space<hbm>>
        %dma_wait3A_898 = arith.constant 0 : i32
        %dma_wait3A_899 = tpu.memref_slice %arg4[%add3A_891, %dma_wait3A_898] : memref<2560x128xi32, #tpu.memory_space<hbm>> -> memref<8x128xi32, #tpu.memory_space<hbm>>
        tpu.wait_dma2 semaphore(%arg17 : memref<!tpu.dma_semaphore, #tpu.memory_space<semaphore_mem>>) src(%dma_wait3A_899 : memref<8x128xi32, #tpu.memory_space<hbm>>) dst(%arg9 : memref<8x128xi32, #tpu.memory_space<vmem>>)
        %dma_start3A_900 = arith.constant 0 : i32
        %dma_start3A_901 = arith.constant 0 : i32
        %dma_start3A_902 = arith.constant 0 : i32
        %dma_start3A_903 = tpu.memref_slice %arg10[%dma_start3A_901, %dma_start3A_902] : memref<128x128xf32, #tpu.memory_space<vmem>> -> memref<64x128xf32, #tpu.memory_space<vmem>>
        %dma_start3A_904 = arith.constant 0 : i32
        %dma_start3A_905 = tpu.memref_slice %arg7[%dma_start3A_900, %dma_start3A_904] : memref<8x128xi32, #tpu.memory_space<vmem>> -> memref<1x64xi32, #tpu.memory_space<vmem>>
        %dma_start3A_906 = tpu.memref_squeeze %dma_start3A_905 : memref<1x64xi32, #tpu.memory_space<vmem>> -> memref<64xi32, #tpu.memory_space<vmem>>
        %dma_start3A_907 = arith.constant 0 : i32
        %dma_start3A_908 = arith.constant 0 : i32
        %dma_start3A_909 = tpu.memref_slice %arg2[%dma_start3A_907, %dma_start3A_908] : memref<10240x128xf32, #tpu.memory_space<hbm>> -> memref<10240x128xf32, #tpu.memory_space<hbm>>
        tpu.enqueue_indirect_dma source(%dma_start3A_909 : memref<10240x128xf32, #tpu.memory_space<hbm>>) target(%dma_start3A_903 : memref<64x128xf32, #tpu.memory_space<vmem>>) offsets(%dma_start3A_906 : memref<64xi32, #tpu.memory_space<vmem>>) semaphore(%arg12 : memref<!tpu.dma_semaphore, #tpu.memory_space<semaphore_mem>>)
        %dma_start3A_910 = arith.constant 0 : i32
        %dma_start3A_911 = arith.constant 64 : i32
        %dma_start3A_912 = arith.constant 0 : i32
        %dma_start3A_913 = tpu.memref_slice %arg10[%dma_start3A_911, %dma_start3A_912] : memref<128x128xf32, #tpu.memory_space<vmem>> -> memref<64x128xf32, #tpu.memory_space<vmem>>
        %dma_start3A_914 = arith.constant 64 : i32
        %dma_start3A_915 = tpu.memref_slice %arg7[%dma_start3A_910, %dma_start3A_914] : memref<8x128xi32, #tpu.memory_space<vmem>> -> memref<1x64xi32, #tpu.memory_space<vmem>>
        %dma_start3A_916 = tpu.memref_squeeze %dma_start3A_915 : memref<1x64xi32, #tpu.memory_space<vmem>> -> memref<64xi32, #tpu.memory_space<vmem>>
        %dma_start3A_917 = arith.constant 0 : i32
        %dma_start3A_918 = arith.constant 0 : i32
        %dma_start3A_919 = tpu.memref_slice %arg2[%dma_start3A_917, %dma_start3A_918] : memref<10240x128xf32, #tpu.memory_space<hbm>> -> memref<10240x128xf32, #tpu.memory_space<hbm>>
        tpu.enqueue_indirect_dma source(%dma_start3A_919 : memref<10240x128xf32, #tpu.memory_space<hbm>>) target(%dma_start3A_913 : memref<64x128xf32, #tpu.memory_space<vmem>>) offsets(%dma_start3A_916 : memref<64xi32, #tpu.memory_space<vmem>>) semaphore(%arg12 : memref<!tpu.dma_semaphore, #tpu.memory_space<semaphore_mem>>)
      } else {
      }
      %add3A_463 = arith.constant 1 : i32
      %add3A_464 = arith.addi %add3A_41, %add3A_463 : i32
      %dma_wait3A_465 = arith.constant 0 : i32
      %dma_wait3A_466 = arith.constant 0 : i32
      %dma_wait3A_467 = arith.constant 0 : i32
      %dma_wait3A_468 = tpu.memref_slice %arg10[%dma_wait3A_466, %dma_wait3A_467] : memref<128x128xf32, #tpu.memory_space<vmem>> -> memref<64x128xf32, #tpu.memory_space<vmem>>
      %dma_wait3A_469 = arith.constant 0 : i32
      %dma_wait3A_470 = tpu.memref_slice %arg7[%dma_wait3A_465, %dma_wait3A_469] : memref<8x128xi32, #tpu.memory_space<vmem>> -> memref<1x64xi32, #tpu.memory_space<vmem>>
      %dma_wait3A_471 = tpu.memref_squeeze %dma_wait3A_470 : memref<1x64xi32, #tpu.memory_space<vmem>> -> memref<64xi32, #tpu.memory_space<vmem>>
      %dma_wait3A_472 = arith.constant 0 : i32
      %dma_wait3A_473 = arith.constant 0 : i32
      %dma_wait3A_474 = tpu.memref_slice %arg2[%dma_wait3A_472, %dma_wait3A_473] : memref<10240x128xf32, #tpu.memory_space<hbm>> -> memref<10240x128xf32, #tpu.memory_space<hbm>>
      tpu.wait_indirect_dma semaphore(%arg12 : memref<!tpu.dma_semaphore, #tpu.memory_space<semaphore_mem>>) src(%dma_wait3A_474 : memref<10240x128xf32, #tpu.memory_space<hbm>>) dst(%dma_wait3A_468 : memref<64x128xf32, #tpu.memory_space<vmem>>)
      %dma_wait3A_475 = arith.constant 0 : i32
      %dma_wait3A_476 = arith.constant 64 : i32
      %dma_wait3A_477 = arith.constant 0 : i32
      %dma_wait3A_478 = tpu.memref_slice %arg10[%dma_wait3A_476, %dma_wait3A_477] : memref<128x128xf32, #tpu.memory_space<vmem>> -> memref<64x128xf32, #tpu.memory_space<vmem>>
      %dma_wait3A_479 = arith.constant 64 : i32
      %dma_wait3A_480 = tpu.memref_slice %arg7[%dma_wait3A_475, %dma_wait3A_479] : memref<8x128xi32, #tpu.memory_space<vmem>> -> memref<1x64xi32, #tpu.memory_space<vmem>>
      %dma_wait3A_481 = tpu.memref_squeeze %dma_wait3A_480 : memref<1x64xi32, #tpu.memory_space<vmem>> -> memref<64xi32, #tpu.memory_space<vmem>>
      %dma_wait3A_482 = arith.constant 0 : i32
      %dma_wait3A_483 = arith.constant 0 : i32
      %dma_wait3A_484 = tpu.memref_slice %arg2[%dma_wait3A_482, %dma_wait3A_483] : memref<10240x128xf32, #tpu.memory_space<hbm>> -> memref<10240x128xf32, #tpu.memory_space<hbm>>
      tpu.wait_indirect_dma semaphore(%arg12 : memref<!tpu.dma_semaphore, #tpu.memory_space<semaphore_mem>>) src(%dma_wait3A_484 : memref<10240x128xf32, #tpu.memory_space<hbm>>) dst(%dma_wait3A_478 : memref<64x128xf32, #tpu.memory_space<vmem>>)
      %dma_start3A_485 = arith.constant 0 : i32
      %dma_start3A_486 = arith.constant 0 : i32
      %dma_start3A_487 = tpu.memref_slice %arg9[%dma_start3A_485, %dma_start3A_486] : memref<8x128xi32, #tpu.memory_space<vmem>> -> memref<1x128xi32, #tpu.memory_space<vmem>>
      %dma_start3A_488 = tpu.memref_squeeze %dma_start3A_487 : memref<1x128xi32, #tpu.memory_space<vmem>> -> memref<128xi32, #tpu.memory_space<vmem>>
      %dma_start3A_489 = arith.constant 0 : i32
      %dma_start3A_490 = arith.constant 0 : i32
      %dma_start3A_491 = tpu.memref_slice %arg18[%dma_start3A_489, %dma_start3A_490] : memref<10240x128xf32, #tpu.memory_space<vmem_shared>> -> memref<10240x128xf32, #tpu.memory_space<vmem_shared>>
      tpu.enqueue_indirect_dma source(%arg10 : memref<128x128xf32, #tpu.memory_space<vmem>>) target(%dma_start3A_491 : memref<10240x128xf32, #tpu.memory_space<vmem_shared>>) offsets(%dma_start3A_488 : memref<128xi32, #tpu.memory_space<vmem>>) semaphore(%arg14 : memref<!tpu.dma_semaphore, #tpu.memory_space<semaphore_mem>>) {add = true}
      %gt3A_492 = arith.constant 0 : i32
      %gt3A_493 = arith.cmpi sgt, %add3A_464, %gt3A_492 : i32
      %convert_element_type3A_494 = arith.extui %gt3A_493 : i1 to i32
      %cond3A_495 = arith.constant 0 : i32
      %cond3A_496 = arith.cmpi ne, %convert_element_type3A_494, %cond3A_495 : i32
      scf.if %cond3A_496 {
        %dma_wait3A_887 = arith.constant 7 : i32
        %dma_wait3A_888 = arith.constant 0 : i32
        %dma_wait3A_889 = tpu.memref_slice %arg8[%dma_wait3A_887, %dma_wait3A_888] : memref<8x128xi32, #tpu.memory_space<vmem>> -> memref<1x128xi32, #tpu.memory_space<vmem>>
        %dma_wait3A_890 = tpu.memref_squeeze %dma_wait3A_889 : memref<1x128xi32, #tpu.memory_space<vmem>> -> memref<128xi32, #tpu.memory_space<vmem>>
        %dma_wait3A_891 = arith.constant 0 : i32
        %dma_wait3A_892 = arith.constant 0 : i32
        %dma_wait3A_893 = tpu.memref_slice %arg18[%dma_wait3A_891, %dma_wait3A_892] : memref<10240x128xf32, #tpu.memory_space<vmem_shared>> -> memref<10240x128xf32, #tpu.memory_space<vmem_shared>>
        tpu.wait_indirect_dma semaphore(%arg15 : memref<!tpu.dma_semaphore, #tpu.memory_space<semaphore_mem>>) src(%arg11 : memref<128x128xf32, #tpu.memory_space<vmem>>) dst(%dma_wait3A_893 : memref<10240x128xf32, #tpu.memory_space<vmem_shared>>)
      } else {
      }
      %add3A_497 = arith.constant 1 : i32
      %add3A_498 = arith.addi %add3A_464, %add3A_497 : i32
      %lt3A_499 = arith.cmpi slt, %add3A_498, %select_n3A_6 : i32
      %convert_element_type3A_500 = arith.extui %lt3A_499 : i1 to i32
      %cond3A_501 = arith.constant 0 : i32
      %cond3A_502 = arith.cmpi ne, %convert_element_type3A_500, %cond3A_501 : i32
      scf.if %cond3A_502 {
        %add3A_887 = arith.constant 1 : i32
        %add3A_888 = arith.addi %add3A_464, %add3A_887 : i32
        %mul3A_889 = arith.constant 8 : i32
        %mul3A_890 = arith.muli %add3A_888, %mul3A_889 : i32
        %add3A_891 = arith.addi %select_n3A, %mul3A_890 : i32
        %dma_start3A_892 = arith.constant 0 : i32
        %dma_start3A_893 = tpu.memref_slice %arg3[%add3A_891, %dma_start3A_892] : memref<2560x128xi32, #tpu.memory_space<hbm>> -> memref<8x128xi32, #tpu.memory_space<hbm>>
        %dma_start3A_894 = arith.constant 0 : i32
        %dma_start3A_895 = tpu.memref_slice %arg3[%add3A_891, %dma_start3A_894] : memref<2560x128xi32, #tpu.memory_space<hbm>> -> memref<8x128xi32, #tpu.memory_space<hbm>>
        tpu.enqueue_dma source(%dma_start3A_895 : memref<8x128xi32, #tpu.memory_space<hbm>>) target(%arg6 : memref<8x128xi32, #tpu.memory_space<vmem>>) target_semaphore(%arg16 : memref<!tpu.dma_semaphore, #tpu.memory_space<semaphore_mem>>)
        %dma_start3A_896 = arith.constant 0 : i32
        %dma_start3A_897 = tpu.memref_slice %arg4[%add3A_891, %dma_start3A_896] : memref<2560x128xi32, #tpu.memory_space<hbm>> -> memref<8x128xi32, #tpu.memory_space<hbm>>
        %dma_start3A_898 = arith.constant 0 : i32
        %dma_start3A_899 = tpu.memref_slice %arg4[%add3A_891, %dma_start3A_898] : memref<2560x128xi32, #tpu.memory_space<hbm>> -> memref<8x128xi32, #tpu.memory_space<hbm>>
        tpu.enqueue_dma source(%dma_start3A_899 : memref<8x128xi32, #tpu.memory_space<hbm>>) target(%arg8 : memref<8x128xi32, #tpu.memory_space<vmem>>) target_semaphore(%arg16 : memref<!tpu.dma_semaphore, #tpu.memory_space<semaphore_mem>>)
      } else {
      }
      %dma_start3A_503 = arith.constant 1 : i32
      %dma_start3A_504 = arith.constant 0 : i32
      %dma_start3A_505 = arith.constant 0 : i32
      %dma_start3A_506 = tpu.memref_slice %arg11[%dma_start3A_504, %dma_start3A_505] : memref<128x128xf32, #tpu.memory_space<vmem>> -> memref<64x128xf32, #tpu.memory_space<vmem>>
      %dma_start3A_507 = arith.constant 0 : i32
      %dma_start3A_508 = tpu.memref_slice %arg7[%dma_start3A_503, %dma_start3A_507] : memref<8x128xi32, #tpu.memory_space<vmem>> -> memref<1x64xi32, #tpu.memory_space<vmem>>
      %dma_start3A_509 = tpu.memref_squeeze %dma_start3A_508 : memref<1x64xi32, #tpu.memory_space<vmem>> -> memref<64xi32, #tpu.memory_space<vmem>>
      %dma_start3A_510 = arith.constant 0 : i32
      %dma_start3A_511 = arith.constant 0 : i32
      %dma_start3A_512 = tpu.memref_slice %arg2[%dma_start3A_510, %dma_start3A_511] : memref<10240x128xf32, #tpu.memory_space<hbm>> -> memref<10240x128xf32, #tpu.memory_space<hbm>>
      tpu.enqueue_indirect_dma source(%dma_start3A_512 : memref<10240x128xf32, #tpu.memory_space<hbm>>) target(%dma_start3A_506 : memref<64x128xf32, #tpu.memory_space<vmem>>) offsets(%dma_start3A_509 : memref<64xi32, #tpu.memory_space<vmem>>) semaphore(%arg13 : memref<!tpu.dma_semaphore, #tpu.memory_space<semaphore_mem>>)
      %dma_start3A_513 = arith.constant 1 : i32
      %dma_start3A_514 = arith.constant 64 : i32
      %dma_start3A_515 = arith.constant 0 : i32
      %dma_start3A_516 = tpu.memref_slice %arg11[%dma_start3A_514, %dma_start3A_515] : memref<128x128xf32, #tpu.memory_space<vmem>> -> memref<64x128xf32, #tpu.memory_space<vmem>>
      %dma_start3A_517 = arith.constant 64 : i32
      %dma_start3A_518 = tpu.memref_slice %arg7[%dma_start3A_513, %dma_start3A_517] : memref<8x128xi32, #tpu.memory_space<vmem>> -> memref<1x64xi32, #tpu.memory_space<vmem>>
      %dma_start3A_519 = tpu.memref_squeeze %dma_start3A_518 : memref<1x64xi32, #tpu.memory_space<vmem>> -> memref<64xi32, #tpu.memory_space<vmem>>
      %dma_start3A_520 = arith.constant 0 : i32
      %dma_start3A_521 = arith.constant 0 : i32
      %dma_start3A_522 = tpu.memref_slice %arg2[%dma_start3A_520, %dma_start3A_521] : memref<10240x128xf32, #tpu.memory_space<hbm>> -> memref<10240x128xf32, #tpu.memory_space<hbm>>
      tpu.enqueue_indirect_dma source(%dma_start3A_522 : memref<10240x128xf32, #tpu.memory_space<hbm>>) target(%dma_start3A_516 : memref<64x128xf32, #tpu.memory_space<vmem>>) offsets(%dma_start3A_519 : memref<64xi32, #tpu.memory_space<vmem>>) semaphore(%arg13 : memref<!tpu.dma_semaphore, #tpu.memory_space<semaphore_mem>>)
      %dma_wait3A_523 = arith.constant 1 : i32
      %dma_wait3A_524 = arith.constant 0 : i32
      %dma_wait3A_525 = arith.constant 0 : i32
      %dma_wait3A_526 = tpu.memref_slice %arg11[%dma_wait3A_524, %dma_wait3A_525] : memref<128x128xf32, #tpu.memory_space<vmem>> -> memref<64x128xf32, #tpu.memory_space<vmem>>
      %dma_wait3A_527 = arith.constant 0 : i32
      %dma_wait3A_528 = tpu.memref_slice %arg7[%dma_wait3A_523, %dma_wait3A_527] : memref<8x128xi32, #tpu.memory_space<vmem>> -> memref<1x64xi32, #tpu.memory_space<vmem>>
      %dma_wait3A_529 = tpu.memref_squeeze %dma_wait3A_528 : memref<1x64xi32, #tpu.memory_space<vmem>> -> memref<64xi32, #tpu.memory_space<vmem>>
      %dma_wait3A_530 = arith.constant 0 : i32
      %dma_wait3A_531 = arith.constant 0 : i32
      %dma_wait3A_532 = tpu.memref_slice %arg2[%dma_wait3A_530, %dma_wait3A_531] : memref<10240x128xf32, #tpu.memory_space<hbm>> -> memref<10240x128xf32, #tpu.memory_space<hbm>>
      tpu.wait_indirect_dma semaphore(%arg13 : memref<!tpu.dma_semaphore, #tpu.memory_space<semaphore_mem>>) src(%dma_wait3A_532 : memref<10240x128xf32, #tpu.memory_space<hbm>>) dst(%dma_wait3A_526 : memref<64x128xf32, #tpu.memory_space<vmem>>)
      %dma_wait3A_533 = arith.constant 1 : i32
      %dma_wait3A_534 = arith.constant 64 : i32
      %dma_wait3A_535 = arith.constant 0 : i32
      %dma_wait3A_536 = tpu.memref_slice %arg11[%dma_wait3A_534, %dma_wait3A_535] : memref<128x128xf32, #tpu.memory_space<vmem>> -> memref<64x128xf32, #tpu.memory_space<vmem>>
      %dma_wait3A_537 = arith.constant 64 : i32
      %dma_wait3A_538 = tpu.memref_slice %arg7[%dma_wait3A_533, %dma_wait3A_537] : memref<8x128xi32, #tpu.memory_space<vmem>> -> memref<1x64xi32, #tpu.memory_space<vmem>>
      %dma_wait3A_539 = tpu.memref_squeeze %dma_wait3A_538 : memref<1x64xi32, #tpu.memory_space<vmem>> -> memref<64xi32, #tpu.memory_space<vmem>>
      %dma_wait3A_540 = arith.constant 0 : i32
      %dma_wait3A_541 = arith.constant 0 : i32
      %dma_wait3A_542 = tpu.memref_slice %arg2[%dma_wait3A_540, %dma_wait3A_541] : memref<10240x128xf32, #tpu.memory_space<hbm>> -> memref<10240x128xf32, #tpu.memory_space<hbm>>
      tpu.wait_indirect_dma semaphore(%arg13 : memref<!tpu.dma_semaphore, #tpu.memory_space<semaphore_mem>>) src(%dma_wait3A_542 : memref<10240x128xf32, #tpu.memory_space<hbm>>) dst(%dma_wait3A_536 : memref<64x128xf32, #tpu.memory_space<vmem>>)
      %dma_start3A_543 = arith.constant 1 : i32
      %dma_start3A_544 = arith.constant 0 : i32
      %dma_start3A_545 = tpu.memref_slice %arg9[%dma_start3A_543, %dma_start3A_544] : memref<8x128xi32, #tpu.memory_space<vmem>> -> memref<1x128xi32, #tpu.memory_space<vmem>>
      %dma_start3A_546 = tpu.memref_squeeze %dma_start3A_545 : memref<1x128xi32, #tpu.memory_space<vmem>> -> memref<128xi32, #tpu.memory_space<vmem>>
      %dma_start3A_547 = arith.constant 0 : i32
      %dma_start3A_548 = arith.constant 0 : i32
      %dma_start3A_549 = tpu.memref_slice %arg18[%dma_start3A_547, %dma_start3A_548] : memref<10240x128xf32, #tpu.memory_space<vmem_shared>> -> memref<10240x128xf32, #tpu.memory_space<vmem_shared>>
      tpu.enqueue_indirect_dma source(%arg11 : memref<128x128xf32, #tpu.memory_space<vmem>>) target(%dma_start3A_549 : memref<10240x128xf32, #tpu.memory_space<vmem_shared>>) offsets(%dma_start3A_546 : memref<128xi32, #tpu.memory_space<vmem>>) semaphore(%arg15 : memref<!tpu.dma_semaphore, #tpu.memory_space<semaphore_mem>>) {add = true}
      %dma_wait3A_550 = arith.constant 0 : i32
      %dma_wait3A_551 = arith.constant 0 : i32
      %dma_wait3A_552 = tpu.memref_slice %arg9[%dma_wait3A_550, %dma_wait3A_551] : memref<8x128xi32, #tpu.memory_space<vmem>> -> memref<1x128xi32, #tpu.memory_space<vmem>>
      %dma_wait3A_553 = tpu.memref_squeeze %dma_wait3A_552 : memref<1x128xi32, #tpu.memory_space<vmem>> -> memref<128xi32, #tpu.memory_space<vmem>>
      %dma_wait3A_554 = arith.constant 0 : i32
      %dma_wait3A_555 = arith.constant 0 : i32
      %dma_wait3A_556 = tpu.memref_slice %arg18[%dma_wait3A_554, %dma_wait3A_555] : memref<10240x128xf32, #tpu.memory_space<vmem_shared>> -> memref<10240x128xf32, #tpu.memory_space<vmem_shared>>
      tpu.wait_indirect_dma semaphore(%arg14 : memref<!tpu.dma_semaphore, #tpu.memory_space<semaphore_mem>>) src(%arg10 : memref<128x128xf32, #tpu.memory_space<vmem>>) dst(%dma_wait3A_556 : memref<10240x128xf32, #tpu.memory_space<vmem_shared>>)
      %dma_start3A_557 = arith.constant 2 : i32
      %dma_start3A_558 = arith.constant 0 : i32
      %dma_start3A_559 = arith.constant 0 : i32
      %dma_start3A_560 = tpu.memref_slice %arg10[%dma_start3A_558, %dma_start3A_559] : memref<128x128xf32, #tpu.memory_space<vmem>> -> memref<64x128xf32, #tpu.memory_space<vmem>>
      %dma_start3A_561 = arith.constant 0 : i32
      %dma_start3A_562 = tpu.memref_slice %arg7[%dma_start3A_557, %dma_start3A_561] : memref<8x128xi32, #tpu.memory_space<vmem>> -> memref<1x64xi32, #tpu.memory_space<vmem>>
      %dma_start3A_563 = tpu.memref_squeeze %dma_start3A_562 : memref<1x64xi32, #tpu.memory_space<vmem>> -> memref<64xi32, #tpu.memory_space<vmem>>
      %dma_start3A_564 = arith.constant 0 : i32
      %dma_start3A_565 = arith.constant 0 : i32
      %dma_start3A_566 = tpu.memref_slice %arg2[%dma_start3A_564, %dma_start3A_565] : memref<10240x128xf32, #tpu.memory_space<hbm>> -> memref<10240x128xf32, #tpu.memory_space<hbm>>
      tpu.enqueue_indirect_dma source(%dma_start3A_566 : memref<10240x128xf32, #tpu.memory_space<hbm>>) target(%dma_start3A_560 : memref<64x128xf32, #tpu.memory_space<vmem>>) offsets(%dma_start3A_563 : memref<64xi32, #tpu.memory_space<vmem>>) semaphore(%arg12 : memref<!tpu.dma_semaphore, #tpu.memory_space<semaphore_mem>>)
      %dma_start3A_567 = arith.constant 2 : i32
      %dma_start3A_568 = arith.constant 64 : i32
      %dma_start3A_569 = arith.constant 0 : i32
      %dma_start3A_570 = tpu.memref_slice %arg10[%dma_start3A_568, %dma_start3A_569] : memref<128x128xf32, #tpu.memory_space<vmem>> -> memref<64x128xf32, #tpu.memory_space<vmem>>
      %dma_start3A_571 = arith.constant 64 : i32
      %dma_start3A_572 = tpu.memref_slice %arg7[%dma_start3A_567, %dma_start3A_571] : memref<8x128xi32, #tpu.memory_space<vmem>> -> memref<1x64xi32, #tpu.memory_space<vmem>>
      %dma_start3A_573 = tpu.memref_squeeze %dma_start3A_572 : memref<1x64xi32, #tpu.memory_space<vmem>> -> memref<64xi32, #tpu.memory_space<vmem>>
      %dma_start3A_574 = arith.constant 0 : i32
      %dma_start3A_575 = arith.constant 0 : i32
      %dma_start3A_576 = tpu.memref_slice %arg2[%dma_start3A_574, %dma_start3A_575] : memref<10240x128xf32, #tpu.memory_space<hbm>> -> memref<10240x128xf32, #tpu.memory_space<hbm>>
      tpu.enqueue_indirect_dma source(%dma_start3A_576 : memref<10240x128xf32, #tpu.memory_space<hbm>>) target(%dma_start3A_570 : memref<64x128xf32, #tpu.memory_space<vmem>>) offsets(%dma_start3A_573 : memref<64xi32, #tpu.memory_space<vmem>>) semaphore(%arg12 : memref<!tpu.dma_semaphore, #tpu.memory_space<semaphore_mem>>)
      %dma_wait3A_577 = arith.constant 2 : i32
      %dma_wait3A_578 = arith.constant 0 : i32
      %dma_wait3A_579 = arith.constant 0 : i32
      %dma_wait3A_580 = tpu.memref_slice %arg10[%dma_wait3A_578, %dma_wait3A_579] : memref<128x128xf32, #tpu.memory_space<vmem>> -> memref<64x128xf32, #tpu.memory_space<vmem>>
      %dma_wait3A_581 = arith.constant 0 : i32
      %dma_wait3A_582 = tpu.memref_slice %arg7[%dma_wait3A_577, %dma_wait3A_581] : memref<8x128xi32, #tpu.memory_space<vmem>> -> memref<1x64xi32, #tpu.memory_space<vmem>>
      %dma_wait3A_583 = tpu.memref_squeeze %dma_wait3A_582 : memref<1x64xi32, #tpu.memory_space<vmem>> -> memref<64xi32, #tpu.memory_space<vmem>>
      %dma_wait3A_584 = arith.constant 0 : i32
      %dma_wait3A_585 = arith.constant 0 : i32
      %dma_wait3A_586 = tpu.memref_slice %arg2[%dma_wait3A_584, %dma_wait3A_585] : memref<10240x128xf32, #tpu.memory_space<hbm>> -> memref<10240x128xf32, #tpu.memory_space<hbm>>
      tpu.wait_indirect_dma semaphore(%arg12 : memref<!tpu.dma_semaphore, #tpu.memory_space<semaphore_mem>>) src(%dma_wait3A_586 : memref<10240x128xf32, #tpu.memory_space<hbm>>) dst(%dma_wait3A_580 : memref<64x128xf32, #tpu.memory_space<vmem>>)
      %dma_wait3A_587 = arith.constant 2 : i32
      %dma_wait3A_588 = arith.constant 64 : i32
      %dma_wait3A_589 = arith.constant 0 : i32
      %dma_wait3A_590 = tpu.memref_slice %arg10[%dma_wait3A_588, %dma_wait3A_589] : memref<128x128xf32, #tpu.memory_space<vmem>> -> memref<64x128xf32, #tpu.memory_space<vmem>>
      %dma_wait3A_591 = arith.constant 64 : i32
      %dma_wait3A_592 = tpu.memref_slice %arg7[%dma_wait3A_587, %dma_wait3A_591] : memref<8x128xi32, #tpu.memory_space<vmem>> -> memref<1x64xi32, #tpu.memory_space<vmem>>
      %dma_wait3A_593 = tpu.memref_squeeze %dma_wait3A_592 : memref<1x64xi32, #tpu.memory_space<vmem>> -> memref<64xi32, #tpu.memory_space<vmem>>
      %dma_wait3A_594 = arith.constant 0 : i32
      %dma_wait3A_595 = arith.constant 0 : i32
      %dma_wait3A_596 = tpu.memref_slice %arg2[%dma_wait3A_594, %dma_wait3A_595] : memref<10240x128xf32, #tpu.memory_space<hbm>> -> memref<10240x128xf32, #tpu.memory_space<hbm>>
      tpu.wait_indirect_dma semaphore(%arg12 : memref<!tpu.dma_semaphore, #tpu.memory_space<semaphore_mem>>) src(%dma_wait3A_596 : memref<10240x128xf32, #tpu.memory_space<hbm>>) dst(%dma_wait3A_590 : memref<64x128xf32, #tpu.memory_space<vmem>>)
      %dma_start3A_597 = arith.constant 2 : i32
      %dma_start3A_598 = arith.constant 0 : i32
      %dma_start3A_599 = tpu.memref_slice %arg9[%dma_start3A_597, %dma_start3A_598] : memref<8x128xi32, #tpu.memory_space<vmem>> -> memref<1x128xi32, #tpu.memory_space<vmem>>
      %dma_start3A_600 = tpu.memref_squeeze %dma_start3A_599 : memref<1x128xi32, #tpu.memory_space<vmem>> -> memref<128xi32, #tpu.memory_space<vmem>>
      %dma_start3A_601 = arith.constant 0 : i32
      %dma_start3A_602 = arith.constant 0 : i32
      %dma_start3A_603 = tpu.memref_slice %arg18[%dma_start3A_601, %dma_start3A_602] : memref<10240x128xf32, #tpu.memory_space<vmem_shared>> -> memref<10240x128xf32, #tpu.memory_space<vmem_shared>>
      tpu.enqueue_indirect_dma source(%arg10 : memref<128x128xf32, #tpu.memory_space<vmem>>) target(%dma_start3A_603 : memref<10240x128xf32, #tpu.memory_space<vmem_shared>>) offsets(%dma_start3A_600 : memref<128xi32, #tpu.memory_space<vmem>>) semaphore(%arg14 : memref<!tpu.dma_semaphore, #tpu.memory_space<semaphore_mem>>) {add = true}
      %dma_wait3A_604 = arith.constant 1 : i32
      %dma_wait3A_605 = arith.constant 0 : i32
      %dma_wait3A_606 = tpu.memref_slice %arg9[%dma_wait3A_604, %dma_wait3A_605] : memref<8x128xi32, #tpu.memory_space<vmem>> -> memref<1x128xi32, #tpu.memory_space<vmem>>
      %dma_wait3A_607 = tpu.memref_squeeze %dma_wait3A_606 : memref<1x128xi32, #tpu.memory_space<vmem>> -> memref<128xi32, #tpu.memory_space<vmem>>
      %dma_wait3A_608 = arith.constant 0 : i32
      %dma_wait3A_609 = arith.constant 0 : i32
      %dma_wait3A_610 = tpu.memref_slice %arg18[%dma_wait3A_608, %dma_wait3A_609] : memref<10240x128xf32, #tpu.memory_space<vmem_shared>> -> memref<10240x128xf32, #tpu.memory_space<vmem_shared>>
      tpu.wait_indirect_dma semaphore(%arg15 : memref<!tpu.dma_semaphore, #tpu.memory_space<semaphore_mem>>) src(%arg11 : memref<128x128xf32, #tpu.memory_space<vmem>>) dst(%dma_wait3A_610 : memref<10240x128xf32, #tpu.memory_space<vmem_shared>>)
      %dma_start3A_611 = arith.constant 3 : i32
      %dma_start3A_612 = arith.constant 0 : i32
      %dma_start3A_613 = arith.constant 0 : i32
      %dma_start3A_614 = tpu.memref_slice %arg11[%dma_start3A_612, %dma_start3A_613] : memref<128x128xf32, #tpu.memory_space<vmem>> -> memref<64x128xf32, #tpu.memory_space<vmem>>
      %dma_start3A_615 = arith.constant 0 : i32
      %dma_start3A_616 = tpu.memref_slice %arg7[%dma_start3A_611, %dma_start3A_615] : memref<8x128xi32, #tpu.memory_space<vmem>> -> memref<1x64xi32, #tpu.memory_space<vmem>>
      %dma_start3A_617 = tpu.memref_squeeze %dma_start3A_616 : memref<1x64xi32, #tpu.memory_space<vmem>> -> memref<64xi32, #tpu.memory_space<vmem>>
      %dma_start3A_618 = arith.constant 0 : i32
      %dma_start3A_619 = arith.constant 0 : i32
      %dma_start3A_620 = tpu.memref_slice %arg2[%dma_start3A_618, %dma_start3A_619] : memref<10240x128xf32, #tpu.memory_space<hbm>> -> memref<10240x128xf32, #tpu.memory_space<hbm>>
      tpu.enqueue_indirect_dma source(%dma_start3A_620 : memref<10240x128xf32, #tpu.memory_space<hbm>>) target(%dma_start3A_614 : memref<64x128xf32, #tpu.memory_space<vmem>>) offsets(%dma_start3A_617 : memref<64xi32, #tpu.memory_space<vmem>>) semaphore(%arg13 : memref<!tpu.dma_semaphore, #tpu.memory_space<semaphore_mem>>)
      %dma_start3A_621 = arith.constant 3 : i32
      %dma_start3A_622 = arith.constant 64 : i32
      %dma_start3A_623 = arith.constant 0 : i32
      %dma_start3A_624 = tpu.memref_slice %arg11[%dma_start3A_622, %dma_start3A_623] : memref<128x128xf32, #tpu.memory_space<vmem>> -> memref<64x128xf32, #tpu.memory_space<vmem>>
      %dma_start3A_625 = arith.constant 64 : i32
      %dma_start3A_626 = tpu.memref_slice %arg7[%dma_start3A_621, %dma_start3A_625] : memref<8x128xi32, #tpu.memory_space<vmem>> -> memref<1x64xi32, #tpu.memory_space<vmem>>
      %dma_start3A_627 = tpu.memref_squeeze %dma_start3A_626 : memref<1x64xi32, #tpu.memory_space<vmem>> -> memref<64xi32, #tpu.memory_space<vmem>>
      %dma_start3A_628 = arith.constant 0 : i32
      %dma_start3A_629 = arith.constant 0 : i32
      %dma_start3A_630 = tpu.memref_slice %arg2[%dma_start3A_628, %dma_start3A_629] : memref<10240x128xf32, #tpu.memory_space<hbm>> -> memref<10240x128xf32, #tpu.memory_space<hbm>>
      tpu.enqueue_indirect_dma source(%dma_start3A_630 : memref<10240x128xf32, #tpu.memory_space<hbm>>) target(%dma_start3A_624 : memref<64x128xf32, #tpu.memory_space<vmem>>) offsets(%dma_start3A_627 : memref<64xi32, #tpu.memory_space<vmem>>) semaphore(%arg13 : memref<!tpu.dma_semaphore, #tpu.memory_space<semaphore_mem>>)
      %dma_wait3A_631 = arith.constant 3 : i32
      %dma_wait3A_632 = arith.constant 0 : i32
      %dma_wait3A_633 = arith.constant 0 : i32
      %dma_wait3A_634 = tpu.memref_slice %arg11[%dma_wait3A_632, %dma_wait3A_633] : memref<128x128xf32, #tpu.memory_space<vmem>> -> memref<64x128xf32, #tpu.memory_space<vmem>>
      %dma_wait3A_635 = arith.constant 0 : i32
      %dma_wait3A_636 = tpu.memref_slice %arg7[%dma_wait3A_631, %dma_wait3A_635] : memref<8x128xi32, #tpu.memory_space<vmem>> -> memref<1x64xi32, #tpu.memory_space<vmem>>
      %dma_wait3A_637 = tpu.memref_squeeze %dma_wait3A_636 : memref<1x64xi32, #tpu.memory_space<vmem>> -> memref<64xi32, #tpu.memory_space<vmem>>
      %dma_wait3A_638 = arith.constant 0 : i32
      %dma_wait3A_639 = arith.constant 0 : i32
      %dma_wait3A_640 = tpu.memref_slice %arg2[%dma_wait3A_638, %dma_wait3A_639] : memref<10240x128xf32, #tpu.memory_space<hbm>> -> memref<10240x128xf32, #tpu.memory_space<hbm>>
      tpu.wait_indirect_dma semaphore(%arg13 : memref<!tpu.dma_semaphore, #tpu.memory_space<semaphore_mem>>) src(%dma_wait3A_640 : memref<10240x128xf32, #tpu.memory_space<hbm>>) dst(%dma_wait3A_634 : memref<64x128xf32, #tpu.memory_space<vmem>>)
      %dma_wait3A_641 = arith.constant 3 : i32
      %dma_wait3A_642 = arith.constant 64 : i32
      %dma_wait3A_643 = arith.constant 0 : i32
      %dma_wait3A_644 = tpu.memref_slice %arg11[%dma_wait3A_642, %dma_wait3A_643] : memref<128x128xf32, #tpu.memory_space<vmem>> -> memref<64x128xf32, #tpu.memory_space<vmem>>
      %dma_wait3A_645 = arith.constant 64 : i32
      %dma_wait3A_646 = tpu.memref_slice %arg7[%dma_wait3A_641, %dma_wait3A_645] : memref<8x128xi32, #tpu.memory_space<vmem>> -> memref<1x64xi32, #tpu.memory_space<vmem>>
      %dma_wait3A_647 = tpu.memref_squeeze %dma_wait3A_646 : memref<1x64xi32, #tpu.memory_space<vmem>> -> memref<64xi32, #tpu.memory_space<vmem>>
      %dma_wait3A_648 = arith.constant 0 : i32
      %dma_wait3A_649 = arith.constant 0 : i32
      %dma_wait3A_650 = tpu.memref_slice %arg2[%dma_wait3A_648, %dma_wait3A_649] : memref<10240x128xf32, #tpu.memory_space<hbm>> -> memref<10240x128xf32, #tpu.memory_space<hbm>>
      tpu.wait_indirect_dma semaphore(%arg13 : memref<!tpu.dma_semaphore, #tpu.memory_space<semaphore_mem>>) src(%dma_wait3A_650 : memref<10240x128xf32, #tpu.memory_space<hbm>>) dst(%dma_wait3A_644 : memref<64x128xf32, #tpu.memory_space<vmem>>)
      %dma_start3A_651 = arith.constant 3 : i32
      %dma_start3A_652 = arith.constant 0 : i32
      %dma_start3A_653 = tpu.memref_slice %arg9[%dma_start3A_651, %dma_start3A_652] : memref<8x128xi32, #tpu.memory_space<vmem>> -> memref<1x128xi32, #tpu.memory_space<vmem>>
      %dma_start3A_654 = tpu.memref_squeeze %dma_start3A_653 : memref<1x128xi32, #tpu.memory_space<vmem>> -> memref<128xi32, #tpu.memory_space<vmem>>
      %dma_start3A_655 = arith.constant 0 : i32
      %dma_start3A_656 = arith.constant 0 : i32
      %dma_start3A_657 = tpu.memref_slice %arg18[%dma_start3A_655, %dma_start3A_656] : memref<10240x128xf32, #tpu.memory_space<vmem_shared>> -> memref<10240x128xf32, #tpu.memory_space<vmem_shared>>
      tpu.enqueue_indirect_dma source(%arg11 : memref<128x128xf32, #tpu.memory_space<vmem>>) target(%dma_start3A_657 : memref<10240x128xf32, #tpu.memory_space<vmem_shared>>) offsets(%dma_start3A_654 : memref<128xi32, #tpu.memory_space<vmem>>) semaphore(%arg15 : memref<!tpu.dma_semaphore, #tpu.memory_space<semaphore_mem>>) {add = true}
      %dma_wait3A_658 = arith.constant 2 : i32
      %dma_wait3A_659 = arith.constant 0 : i32
      %dma_wait3A_660 = tpu.memref_slice %arg9[%dma_wait3A_658, %dma_wait3A_659] : memref<8x128xi32, #tpu.memory_space<vmem>> -> memref<1x128xi32, #tpu.memory_space<vmem>>
      %dma_wait3A_661 = tpu.memref_squeeze %dma_wait3A_660 : memref<1x128xi32, #tpu.memory_space<vmem>> -> memref<128xi32, #tpu.memory_space<vmem>>
      %dma_wait3A_662 = arith.constant 0 : i32
      %dma_wait3A_663 = arith.constant 0 : i32
      %dma_wait3A_664 = tpu.memref_slice %arg18[%dma_wait3A_662, %dma_wait3A_663] : memref<10240x128xf32, #tpu.memory_space<vmem_shared>> -> memref<10240x128xf32, #tpu.memory_space<vmem_shared>>
      tpu.wait_indirect_dma semaphore(%arg14 : memref<!tpu.dma_semaphore, #tpu.memory_space<semaphore_mem>>) src(%arg10 : memref<128x128xf32, #tpu.memory_space<vmem>>) dst(%dma_wait3A_664 : memref<10240x128xf32, #tpu.memory_space<vmem_shared>>)
      %dma_start3A_665 = arith.constant 4 : i32
      %dma_start3A_666 = arith.constant 0 : i32
      %dma_start3A_667 = arith.constant 0 : i32
      %dma_start3A_668 = tpu.memref_slice %arg10[%dma_start3A_666, %dma_start3A_667] : memref<128x128xf32, #tpu.memory_space<vmem>> -> memref<64x128xf32, #tpu.memory_space<vmem>>
      %dma_start3A_669 = arith.constant 0 : i32
      %dma_start3A_670 = tpu.memref_slice %arg7[%dma_start3A_665, %dma_start3A_669] : memref<8x128xi32, #tpu.memory_space<vmem>> -> memref<1x64xi32, #tpu.memory_space<vmem>>
      %dma_start3A_671 = tpu.memref_squeeze %dma_start3A_670 : memref<1x64xi32, #tpu.memory_space<vmem>> -> memref<64xi32, #tpu.memory_space<vmem>>
      %dma_start3A_672 = arith.constant 0 : i32
      %dma_start3A_673 = arith.constant 0 : i32
      %dma_start3A_674 = tpu.memref_slice %arg2[%dma_start3A_672, %dma_start3A_673] : memref<10240x128xf32, #tpu.memory_space<hbm>> -> memref<10240x128xf32, #tpu.memory_space<hbm>>
      tpu.enqueue_indirect_dma source(%dma_start3A_674 : memref<10240x128xf32, #tpu.memory_space<hbm>>) target(%dma_start3A_668 : memref<64x128xf32, #tpu.memory_space<vmem>>) offsets(%dma_start3A_671 : memref<64xi32, #tpu.memory_space<vmem>>) semaphore(%arg12 : memref<!tpu.dma_semaphore, #tpu.memory_space<semaphore_mem>>)
      %dma_start3A_675 = arith.constant 4 : i32
      %dma_start3A_676 = arith.constant 64 : i32
      %dma_start3A_677 = arith.constant 0 : i32
      %dma_start3A_678 = tpu.memref_slice %arg10[%dma_start3A_676, %dma_start3A_677] : memref<128x128xf32, #tpu.memory_space<vmem>> -> memref<64x128xf32, #tpu.memory_space<vmem>>
      %dma_start3A_679 = arith.constant 64 : i32
      %dma_start3A_680 = tpu.memref_slice %arg7[%dma_start3A_675, %dma_start3A_679] : memref<8x128xi32, #tpu.memory_space<vmem>> -> memref<1x64xi32, #tpu.memory_space<vmem>>
      %dma_start3A_681 = tpu.memref_squeeze %dma_start3A_680 : memref<1x64xi32, #tpu.memory_space<vmem>> -> memref<64xi32, #tpu.memory_space<vmem>>
      %dma_start3A_682 = arith.constant 0 : i32
      %dma_start3A_683 = arith.constant 0 : i32
      %dma_start3A_684 = tpu.memref_slice %arg2[%dma_start3A_682, %dma_start3A_683] : memref<10240x128xf32, #tpu.memory_space<hbm>> -> memref<10240x128xf32, #tpu.memory_space<hbm>>
      tpu.enqueue_indirect_dma source(%dma_start3A_684 : memref<10240x128xf32, #tpu.memory_space<hbm>>) target(%dma_start3A_678 : memref<64x128xf32, #tpu.memory_space<vmem>>) offsets(%dma_start3A_681 : memref<64xi32, #tpu.memory_space<vmem>>) semaphore(%arg12 : memref<!tpu.dma_semaphore, #tpu.memory_space<semaphore_mem>>)
      %dma_wait3A_685 = arith.constant 4 : i32
      %dma_wait3A_686 = arith.constant 0 : i32
      %dma_wait3A_687 = arith.constant 0 : i32
      %dma_wait3A_688 = tpu.memref_slice %arg10[%dma_wait3A_686, %dma_wait3A_687] : memref<128x128xf32, #tpu.memory_space<vmem>> -> memref<64x128xf32, #tpu.memory_space<vmem>>
      %dma_wait3A_689 = arith.constant 0 : i32
      %dma_wait3A_690 = tpu.memref_slice %arg7[%dma_wait3A_685, %dma_wait3A_689] : memref<8x128xi32, #tpu.memory_space<vmem>> -> memref<1x64xi32, #tpu.memory_space<vmem>>
      %dma_wait3A_691 = tpu.memref_squeeze %dma_wait3A_690 : memref<1x64xi32, #tpu.memory_space<vmem>> -> memref<64xi32, #tpu.memory_space<vmem>>
      %dma_wait3A_692 = arith.constant 0 : i32
      %dma_wait3A_693 = arith.constant 0 : i32
      %dma_wait3A_694 = tpu.memref_slice %arg2[%dma_wait3A_692, %dma_wait3A_693] : memref<10240x128xf32, #tpu.memory_space<hbm>> -> memref<10240x128xf32, #tpu.memory_space<hbm>>
      tpu.wait_indirect_dma semaphore(%arg12 : memref<!tpu.dma_semaphore, #tpu.memory_space<semaphore_mem>>) src(%dma_wait3A_694 : memref<10240x128xf32, #tpu.memory_space<hbm>>) dst(%dma_wait3A_688 : memref<64x128xf32, #tpu.memory_space<vmem>>)
      %dma_wait3A_695 = arith.constant 4 : i32
      %dma_wait3A_696 = arith.constant 64 : i32
      %dma_wait3A_697 = arith.constant 0 : i32
      %dma_wait3A_698 = tpu.memref_slice %arg10[%dma_wait3A_696, %dma_wait3A_697] : memref<128x128xf32, #tpu.memory_space<vmem>> -> memref<64x128xf32, #tpu.memory_space<vmem>>
      %dma_wait3A_699 = arith.constant 64 : i32
      %dma_wait3A_700 = tpu.memref_slice %arg7[%dma_wait3A_695, %dma_wait3A_699] : memref<8x128xi32, #tpu.memory_space<vmem>> -> memref<1x64xi32, #tpu.memory_space<vmem>>
      %dma_wait3A_701 = tpu.memref_squeeze %dma_wait3A_700 : memref<1x64xi32, #tpu.memory_space<vmem>> -> memref<64xi32, #tpu.memory_space<vmem>>
      %dma_wait3A_702 = arith.constant 0 : i32
      %dma_wait3A_703 = arith.constant 0 : i32
      %dma_wait3A_704 = tpu.memref_slice %arg2[%dma_wait3A_702, %dma_wait3A_703] : memref<10240x128xf32, #tpu.memory_space<hbm>> -> memref<10240x128xf32, #tpu.memory_space<hbm>>
      tpu.wait_indirect_dma semaphore(%arg12 : memref<!tpu.dma_semaphore, #tpu.memory_space<semaphore_mem>>) src(%dma_wait3A_704 : memref<10240x128xf32, #tpu.memory_space<hbm>>) dst(%dma_wait3A_698 : memref<64x128xf32, #tpu.memory_space<vmem>>)
      %dma_start3A_705 = arith.constant 4 : i32
      %dma_start3A_706 = arith.constant 0 : i32
      %dma_start3A_707 = tpu.memref_slice %arg9[%dma_start3A_705, %dma_start3A_706] : memref<8x128xi32, #tpu.memory_space<vmem>> -> memref<1x128xi32, #tpu.memory_space<vmem>>
      %dma_start3A_708 = tpu.memref_squeeze %dma_start3A_707 : memref<1x128xi32, #tpu.memory_space<vmem>> -> memref<128xi32, #tpu.memory_space<vmem>>
      %dma_start3A_709 = arith.constant 0 : i32
      %dma_start3A_710 = arith.constant 0 : i32
      %dma_start3A_711 = tpu.memref_slice %arg18[%dma_start3A_709, %dma_start3A_710] : memref<10240x128xf32, #tpu.memory_space<vmem_shared>> -> memref<10240x128xf32, #tpu.memory_space<vmem_shared>>
      tpu.enqueue_indirect_dma source(%arg10 : memref<128x128xf32, #tpu.memory_space<vmem>>) target(%dma_start3A_711 : memref<10240x128xf32, #tpu.memory_space<vmem_shared>>) offsets(%dma_start3A_708 : memref<128xi32, #tpu.memory_space<vmem>>) semaphore(%arg14 : memref<!tpu.dma_semaphore, #tpu.memory_space<semaphore_mem>>) {add = true}
      %dma_wait3A_712 = arith.constant 3 : i32
      %dma_wait3A_713 = arith.constant 0 : i32
      %dma_wait3A_714 = tpu.memref_slice %arg9[%dma_wait3A_712, %dma_wait3A_713] : memref<8x128xi32, #tpu.memory_space<vmem>> -> memref<1x128xi32, #tpu.memory_space<vmem>>
      %dma_wait3A_715 = tpu.memref_squeeze %dma_wait3A_714 : memref<1x128xi32, #tpu.memory_space<vmem>> -> memref<128xi32, #tpu.memory_space<vmem>>
      %dma_wait3A_716 = arith.constant 0 : i32
      %dma_wait3A_717 = arith.constant 0 : i32
      %dma_wait3A_718 = tpu.memref_slice %arg18[%dma_wait3A_716, %dma_wait3A_717] : memref<10240x128xf32, #tpu.memory_space<vmem_shared>> -> memref<10240x128xf32, #tpu.memory_space<vmem_shared>>
      tpu.wait_indirect_dma semaphore(%arg15 : memref<!tpu.dma_semaphore, #tpu.memory_space<semaphore_mem>>) src(%arg11 : memref<128x128xf32, #tpu.memory_space<vmem>>) dst(%dma_wait3A_718 : memref<10240x128xf32, #tpu.memory_space<vmem_shared>>)
      %dma_start3A_719 = arith.constant 5 : i32
      %dma_start3A_720 = arith.constant 0 : i32
      %dma_start3A_721 = arith.constant 0 : i32
      %dma_start3A_722 = tpu.memref_slice %arg11[%dma_start3A_720, %dma_start3A_721] : memref<128x128xf32, #tpu.memory_space<vmem>> -> memref<64x128xf32, #tpu.memory_space<vmem>>
      %dma_start3A_723 = arith.constant 0 : i32
      %dma_start3A_724 = tpu.memref_slice %arg7[%dma_start3A_719, %dma_start3A_723] : memref<8x128xi32, #tpu.memory_space<vmem>> -> memref<1x64xi32, #tpu.memory_space<vmem>>
      %dma_start3A_725 = tpu.memref_squeeze %dma_start3A_724 : memref<1x64xi32, #tpu.memory_space<vmem>> -> memref<64xi32, #tpu.memory_space<vmem>>
      %dma_start3A_726 = arith.constant 0 : i32
      %dma_start3A_727 = arith.constant 0 : i32
      %dma_start3A_728 = tpu.memref_slice %arg2[%dma_start3A_726, %dma_start3A_727] : memref<10240x128xf32, #tpu.memory_space<hbm>> -> memref<10240x128xf32, #tpu.memory_space<hbm>>
      tpu.enqueue_indirect_dma source(%dma_start3A_728 : memref<10240x128xf32, #tpu.memory_space<hbm>>) target(%dma_start3A_722 : memref<64x128xf32, #tpu.memory_space<vmem>>) offsets(%dma_start3A_725 : memref<64xi32, #tpu.memory_space<vmem>>) semaphore(%arg13 : memref<!tpu.dma_semaphore, #tpu.memory_space<semaphore_mem>>)
      %dma_start3A_729 = arith.constant 5 : i32
      %dma_start3A_730 = arith.constant 64 : i32
      %dma_start3A_731 = arith.constant 0 : i32
      %dma_start3A_732 = tpu.memref_slice %arg11[%dma_start3A_730, %dma_start3A_731] : memref<128x128xf32, #tpu.memory_space<vmem>> -> memref<64x128xf32, #tpu.memory_space<vmem>>
      %dma_start3A_733 = arith.constant 64 : i32
      %dma_start3A_734 = tpu.memref_slice %arg7[%dma_start3A_729, %dma_start3A_733] : memref<8x128xi32, #tpu.memory_space<vmem>> -> memref<1x64xi32, #tpu.memory_space<vmem>>
      %dma_start3A_735 = tpu.memref_squeeze %dma_start3A_734 : memref<1x64xi32, #tpu.memory_space<vmem>> -> memref<64xi32, #tpu.memory_space<vmem>>
      %dma_start3A_736 = arith.constant 0 : i32
      %dma_start3A_737 = arith.constant 0 : i32
      %dma_start3A_738 = tpu.memref_slice %arg2[%dma_start3A_736, %dma_start3A_737] : memref<10240x128xf32, #tpu.memory_space<hbm>> -> memref<10240x128xf32, #tpu.memory_space<hbm>>
      tpu.enqueue_indirect_dma source(%dma_start3A_738 : memref<10240x128xf32, #tpu.memory_space<hbm>>) target(%dma_start3A_732 : memref<64x128xf32, #tpu.memory_space<vmem>>) offsets(%dma_start3A_735 : memref<64xi32, #tpu.memory_space<vmem>>) semaphore(%arg13 : memref<!tpu.dma_semaphore, #tpu.memory_space<semaphore_mem>>)
      %dma_wait3A_739 = arith.constant 5 : i32
      %dma_wait3A_740 = arith.constant 0 : i32
      %dma_wait3A_741 = arith.constant 0 : i32
      %dma_wait3A_742 = tpu.memref_slice %arg11[%dma_wait3A_740, %dma_wait3A_741] : memref<128x128xf32, #tpu.memory_space<vmem>> -> memref<64x128xf32, #tpu.memory_space<vmem>>
      %dma_wait3A_743 = arith.constant 0 : i32
      %dma_wait3A_744 = tpu.memref_slice %arg7[%dma_wait3A_739, %dma_wait3A_743] : memref<8x128xi32, #tpu.memory_space<vmem>> -> memref<1x64xi32, #tpu.memory_space<vmem>>
      %dma_wait3A_745 = tpu.memref_squeeze %dma_wait3A_744 : memref<1x64xi32, #tpu.memory_space<vmem>> -> memref<64xi32, #tpu.memory_space<vmem>>
      %dma_wait3A_746 = arith.constant 0 : i32
      %dma_wait3A_747 = arith.constant 0 : i32
      %dma_wait3A_748 = tpu.memref_slice %arg2[%dma_wait3A_746, %dma_wait3A_747] : memref<10240x128xf32, #tpu.memory_space<hbm>> -> memref<10240x128xf32, #tpu.memory_space<hbm>>
      tpu.wait_indirect_dma semaphore(%arg13 : memref<!tpu.dma_semaphore, #tpu.memory_space<semaphore_mem>>) src(%dma_wait3A_748 : memref<10240x128xf32, #tpu.memory_space<hbm>>) dst(%dma_wait3A_742 : memref<64x128xf32, #tpu.memory_space<vmem>>)
      %dma_wait3A_749 = arith.constant 5 : i32
      %dma_wait3A_750 = arith.constant 64 : i32
      %dma_wait3A_751 = arith.constant 0 : i32
      %dma_wait3A_752 = tpu.memref_slice %arg11[%dma_wait3A_750, %dma_wait3A_751] : memref<128x128xf32, #tpu.memory_space<vmem>> -> memref<64x128xf32, #tpu.memory_space<vmem>>
      %dma_wait3A_753 = arith.constant 64 : i32
      %dma_wait3A_754 = tpu.memref_slice %arg7[%dma_wait3A_749, %dma_wait3A_753] : memref<8x128xi32, #tpu.memory_space<vmem>> -> memref<1x64xi32, #tpu.memory_space<vmem>>
      %dma_wait3A_755 = tpu.memref_squeeze %dma_wait3A_754 : memref<1x64xi32, #tpu.memory_space<vmem>> -> memref<64xi32, #tpu.memory_space<vmem>>
      %dma_wait3A_756 = arith.constant 0 : i32
      %dma_wait3A_757 = arith.constant 0 : i32
      %dma_wait3A_758 = tpu.memref_slice %arg2[%dma_wait3A_756, %dma_wait3A_757] : memref<10240x128xf32, #tpu.memory_space<hbm>> -> memref<10240x128xf32, #tpu.memory_space<hbm>>
      tpu.wait_indirect_dma semaphore(%arg13 : memref<!tpu.dma_semaphore, #tpu.memory_space<semaphore_mem>>) src(%dma_wait3A_758 : memref<10240x128xf32, #tpu.memory_space<hbm>>) dst(%dma_wait3A_752 : memref<64x128xf32, #tpu.memory_space<vmem>>)
      %dma_start3A_759 = arith.constant 5 : i32
      %dma_start3A_760 = arith.constant 0 : i32
      %dma_start3A_761 = tpu.memref_slice %arg9[%dma_start3A_759, %dma_start3A_760] : memref<8x128xi32, #tpu.memory_space<vmem>> -> memref<1x128xi32, #tpu.memory_space<vmem>>
      %dma_start3A_762 = tpu.memref_squeeze %dma_start3A_761 : memref<1x128xi32, #tpu.memory_space<vmem>> -> memref<128xi32, #tpu.memory_space<vmem>>
      %dma_start3A_763 = arith.constant 0 : i32
      %dma_start3A_764 = arith.constant 0 : i32
      %dma_start3A_765 = tpu.memref_slice %arg18[%dma_start3A_763, %dma_start3A_764] : memref<10240x128xf32, #tpu.memory_space<vmem_shared>> -> memref<10240x128xf32, #tpu.memory_space<vmem_shared>>
      tpu.enqueue_indirect_dma source(%arg11 : memref<128x128xf32, #tpu.memory_space<vmem>>) target(%dma_start3A_765 : memref<10240x128xf32, #tpu.memory_space<vmem_shared>>) offsets(%dma_start3A_762 : memref<128xi32, #tpu.memory_space<vmem>>) semaphore(%arg15 : memref<!tpu.dma_semaphore, #tpu.memory_space<semaphore_mem>>) {add = true}
      %dma_wait3A_766 = arith.constant 4 : i32
      %dma_wait3A_767 = arith.constant 0 : i32
      %dma_wait3A_768 = tpu.memref_slice %arg9[%dma_wait3A_766, %dma_wait3A_767] : memref<8x128xi32, #tpu.memory_space<vmem>> -> memref<1x128xi32, #tpu.memory_space<vmem>>
      %dma_wait3A_769 = tpu.memref_squeeze %dma_wait3A_768 : memref<1x128xi32, #tpu.memory_space<vmem>> -> memref<128xi32, #tpu.memory_space<vmem>>
      %dma_wait3A_770 = arith.constant 0 : i32
      %dma_wait3A_771 = arith.constant 0 : i32
      %dma_wait3A_772 = tpu.memref_slice %arg18[%dma_wait3A_770, %dma_wait3A_771] : memref<10240x128xf32, #tpu.memory_space<vmem_shared>> -> memref<10240x128xf32, #tpu.memory_space<vmem_shared>>
      tpu.wait_indirect_dma semaphore(%arg14 : memref<!tpu.dma_semaphore, #tpu.memory_space<semaphore_mem>>) src(%arg10 : memref<128x128xf32, #tpu.memory_space<vmem>>) dst(%dma_wait3A_772 : memref<10240x128xf32, #tpu.memory_space<vmem_shared>>)
      %dma_start3A_773 = arith.constant 6 : i32
      %dma_start3A_774 = arith.constant 0 : i32
      %dma_start3A_775 = arith.constant 0 : i32
      %dma_start3A_776 = tpu.memref_slice %arg10[%dma_start3A_774, %dma_start3A_775] : memref<128x128xf32, #tpu.memory_space<vmem>> -> memref<64x128xf32, #tpu.memory_space<vmem>>
      %dma_start3A_777 = arith.constant 0 : i32
      %dma_start3A_778 = tpu.memref_slice %arg7[%dma_start3A_773, %dma_start3A_777] : memref<8x128xi32, #tpu.memory_space<vmem>> -> memref<1x64xi32, #tpu.memory_space<vmem>>
      %dma_start3A_779 = tpu.memref_squeeze %dma_start3A_778 : memref<1x64xi32, #tpu.memory_space<vmem>> -> memref<64xi32, #tpu.memory_space<vmem>>
      %dma_start3A_780 = arith.constant 0 : i32
      %dma_start3A_781 = arith.constant 0 : i32
      %dma_start3A_782 = tpu.memref_slice %arg2[%dma_start3A_780, %dma_start3A_781] : memref<10240x128xf32, #tpu.memory_space<hbm>> -> memref<10240x128xf32, #tpu.memory_space<hbm>>
      tpu.enqueue_indirect_dma source(%dma_start3A_782 : memref<10240x128xf32, #tpu.memory_space<hbm>>) target(%dma_start3A_776 : memref<64x128xf32, #tpu.memory_space<vmem>>) offsets(%dma_start3A_779 : memref<64xi32, #tpu.memory_space<vmem>>) semaphore(%arg12 : memref<!tpu.dma_semaphore, #tpu.memory_space<semaphore_mem>>)
      %dma_start3A_783 = arith.constant 6 : i32
      %dma_start3A_784 = arith.constant 64 : i32
      %dma_start3A_785 = arith.constant 0 : i32
      %dma_start3A_786 = tpu.memref_slice %arg10[%dma_start3A_784, %dma_start3A_785] : memref<128x128xf32, #tpu.memory_space<vmem>> -> memref<64x128xf32, #tpu.memory_space<vmem>>
      %dma_start3A_787 = arith.constant 64 : i32
      %dma_start3A_788 = tpu.memref_slice %arg7[%dma_start3A_783, %dma_start3A_787] : memref<8x128xi32, #tpu.memory_space<vmem>> -> memref<1x64xi32, #tpu.memory_space<vmem>>
      %dma_start3A_789 = tpu.memref_squeeze %dma_start3A_788 : memref<1x64xi32, #tpu.memory_space<vmem>> -> memref<64xi32, #tpu.memory_space<vmem>>
      %dma_start3A_790 = arith.constant 0 : i32
      %dma_start3A_791 = arith.constant 0 : i32
      %dma_start3A_792 = tpu.memref_slice %arg2[%dma_start3A_790, %dma_start3A_791] : memref<10240x128xf32, #tpu.memory_space<hbm>> -> memref<10240x128xf32, #tpu.memory_space<hbm>>
      tpu.enqueue_indirect_dma source(%dma_start3A_792 : memref<10240x128xf32, #tpu.memory_space<hbm>>) target(%dma_start3A_786 : memref<64x128xf32, #tpu.memory_space<vmem>>) offsets(%dma_start3A_789 : memref<64xi32, #tpu.memory_space<vmem>>) semaphore(%arg12 : memref<!tpu.dma_semaphore, #tpu.memory_space<semaphore_mem>>)
      %dma_wait3A_793 = arith.constant 6 : i32
      %dma_wait3A_794 = arith.constant 0 : i32
      %dma_wait3A_795 = arith.constant 0 : i32
      %dma_wait3A_796 = tpu.memref_slice %arg10[%dma_wait3A_794, %dma_wait3A_795] : memref<128x128xf32, #tpu.memory_space<vmem>> -> memref<64x128xf32, #tpu.memory_space<vmem>>
      %dma_wait3A_797 = arith.constant 0 : i32
      %dma_wait3A_798 = tpu.memref_slice %arg7[%dma_wait3A_793, %dma_wait3A_797] : memref<8x128xi32, #tpu.memory_space<vmem>> -> memref<1x64xi32, #tpu.memory_space<vmem>>
      %dma_wait3A_799 = tpu.memref_squeeze %dma_wait3A_798 : memref<1x64xi32, #tpu.memory_space<vmem>> -> memref<64xi32, #tpu.memory_space<vmem>>
      %dma_wait3A_800 = arith.constant 0 : i32
      %dma_wait3A_801 = arith.constant 0 : i32
      %dma_wait3A_802 = tpu.memref_slice %arg2[%dma_wait3A_800, %dma_wait3A_801] : memref<10240x128xf32, #tpu.memory_space<hbm>> -> memref<10240x128xf32, #tpu.memory_space<hbm>>
      tpu.wait_indirect_dma semaphore(%arg12 : memref<!tpu.dma_semaphore, #tpu.memory_space<semaphore_mem>>) src(%dma_wait3A_802 : memref<10240x128xf32, #tpu.memory_space<hbm>>) dst(%dma_wait3A_796 : memref<64x128xf32, #tpu.memory_space<vmem>>)
      %dma_wait3A_803 = arith.constant 6 : i32
      %dma_wait3A_804 = arith.constant 64 : i32
      %dma_wait3A_805 = arith.constant 0 : i32
      %dma_wait3A_806 = tpu.memref_slice %arg10[%dma_wait3A_804, %dma_wait3A_805] : memref<128x128xf32, #tpu.memory_space<vmem>> -> memref<64x128xf32, #tpu.memory_space<vmem>>
      %dma_wait3A_807 = arith.constant 64 : i32
      %dma_wait3A_808 = tpu.memref_slice %arg7[%dma_wait3A_803, %dma_wait3A_807] : memref<8x128xi32, #tpu.memory_space<vmem>> -> memref<1x64xi32, #tpu.memory_space<vmem>>
      %dma_wait3A_809 = tpu.memref_squeeze %dma_wait3A_808 : memref<1x64xi32, #tpu.memory_space<vmem>> -> memref<64xi32, #tpu.memory_space<vmem>>
      %dma_wait3A_810 = arith.constant 0 : i32
      %dma_wait3A_811 = arith.constant 0 : i32
      %dma_wait3A_812 = tpu.memref_slice %arg2[%dma_wait3A_810, %dma_wait3A_811] : memref<10240x128xf32, #tpu.memory_space<hbm>> -> memref<10240x128xf32, #tpu.memory_space<hbm>>
      tpu.wait_indirect_dma semaphore(%arg12 : memref<!tpu.dma_semaphore, #tpu.memory_space<semaphore_mem>>) src(%dma_wait3A_812 : memref<10240x128xf32, #tpu.memory_space<hbm>>) dst(%dma_wait3A_806 : memref<64x128xf32, #tpu.memory_space<vmem>>)
      %dma_start3A_813 = arith.constant 6 : i32
      %dma_start3A_814 = arith.constant 0 : i32
      %dma_start3A_815 = tpu.memref_slice %arg9[%dma_start3A_813, %dma_start3A_814] : memref<8x128xi32, #tpu.memory_space<vmem>> -> memref<1x128xi32, #tpu.memory_space<vmem>>
      %dma_start3A_816 = tpu.memref_squeeze %dma_start3A_815 : memref<1x128xi32, #tpu.memory_space<vmem>> -> memref<128xi32, #tpu.memory_space<vmem>>
      %dma_start3A_817 = arith.constant 0 : i32
      %dma_start3A_818 = arith.constant 0 : i32
      %dma_start3A_819 = tpu.memref_slice %arg18[%dma_start3A_817, %dma_start3A_818] : memref<10240x128xf32, #tpu.memory_space<vmem_shared>> -> memref<10240x128xf32, #tpu.memory_space<vmem_shared>>
      tpu.enqueue_indirect_dma source(%arg10 : memref<128x128xf32, #tpu.memory_space<vmem>>) target(%dma_start3A_819 : memref<10240x128xf32, #tpu.memory_space<vmem_shared>>) offsets(%dma_start3A_816 : memref<128xi32, #tpu.memory_space<vmem>>) semaphore(%arg14 : memref<!tpu.dma_semaphore, #tpu.memory_space<semaphore_mem>>) {add = true}
      %dma_wait3A_820 = arith.constant 5 : i32
      %dma_wait3A_821 = arith.constant 0 : i32
      %dma_wait3A_822 = tpu.memref_slice %arg9[%dma_wait3A_820, %dma_wait3A_821] : memref<8x128xi32, #tpu.memory_space<vmem>> -> memref<1x128xi32, #tpu.memory_space<vmem>>
      %dma_wait3A_823 = tpu.memref_squeeze %dma_wait3A_822 : memref<1x128xi32, #tpu.memory_space<vmem>> -> memref<128xi32, #tpu.memory_space<vmem>>
      %dma_wait3A_824 = arith.constant 0 : i32
      %dma_wait3A_825 = arith.constant 0 : i32
      %dma_wait3A_826 = tpu.memref_slice %arg18[%dma_wait3A_824, %dma_wait3A_825] : memref<10240x128xf32, #tpu.memory_space<vmem_shared>> -> memref<10240x128xf32, #tpu.memory_space<vmem_shared>>
      tpu.wait_indirect_dma semaphore(%arg15 : memref<!tpu.dma_semaphore, #tpu.memory_space<semaphore_mem>>) src(%arg11 : memref<128x128xf32, #tpu.memory_space<vmem>>) dst(%dma_wait3A_826 : memref<10240x128xf32, #tpu.memory_space<vmem_shared>>)
      %dma_start3A_827 = arith.constant 7 : i32
      %dma_start3A_828 = arith.constant 0 : i32
      %dma_start3A_829 = arith.constant 0 : i32
      %dma_start3A_830 = tpu.memref_slice %arg11[%dma_start3A_828, %dma_start3A_829] : memref<128x128xf32, #tpu.memory_space<vmem>> -> memref<64x128xf32, #tpu.memory_space<vmem>>
      %dma_start3A_831 = arith.constant 0 : i32
      %dma_start3A_832 = tpu.memref_slice %arg7[%dma_start3A_827, %dma_start3A_831] : memref<8x128xi32, #tpu.memory_space<vmem>> -> memref<1x64xi32, #tpu.memory_space<vmem>>
      %dma_start3A_833 = tpu.memref_squeeze %dma_start3A_832 : memref<1x64xi32, #tpu.memory_space<vmem>> -> memref<64xi32, #tpu.memory_space<vmem>>
      %dma_start3A_834 = arith.constant 0 : i32
      %dma_start3A_835 = arith.constant 0 : i32
      %dma_start3A_836 = tpu.memref_slice %arg2[%dma_start3A_834, %dma_start3A_835] : memref<10240x128xf32, #tpu.memory_space<hbm>> -> memref<10240x128xf32, #tpu.memory_space<hbm>>
      tpu.enqueue_indirect_dma source(%dma_start3A_836 : memref<10240x128xf32, #tpu.memory_space<hbm>>) target(%dma_start3A_830 : memref<64x128xf32, #tpu.memory_space<vmem>>) offsets(%dma_start3A_833 : memref<64xi32, #tpu.memory_space<vmem>>) semaphore(%arg13 : memref<!tpu.dma_semaphore, #tpu.memory_space<semaphore_mem>>)
      %dma_start3A_837 = arith.constant 7 : i32
      %dma_start3A_838 = arith.constant 64 : i32
      %dma_start3A_839 = arith.constant 0 : i32
      %dma_start3A_840 = tpu.memref_slice %arg11[%dma_start3A_838, %dma_start3A_839] : memref<128x128xf32, #tpu.memory_space<vmem>> -> memref<64x128xf32, #tpu.memory_space<vmem>>
      %dma_start3A_841 = arith.constant 64 : i32
      %dma_start3A_842 = tpu.memref_slice %arg7[%dma_start3A_837, %dma_start3A_841] : memref<8x128xi32, #tpu.memory_space<vmem>> -> memref<1x64xi32, #tpu.memory_space<vmem>>
      %dma_start3A_843 = tpu.memref_squeeze %dma_start3A_842 : memref<1x64xi32, #tpu.memory_space<vmem>> -> memref<64xi32, #tpu.memory_space<vmem>>
      %dma_start3A_844 = arith.constant 0 : i32
      %dma_start3A_845 = arith.constant 0 : i32
      %dma_start3A_846 = tpu.memref_slice %arg2[%dma_start3A_844, %dma_start3A_845] : memref<10240x128xf32, #tpu.memory_space<hbm>> -> memref<10240x128xf32, #tpu.memory_space<hbm>>
      tpu.enqueue_indirect_dma source(%dma_start3A_846 : memref<10240x128xf32, #tpu.memory_space<hbm>>) target(%dma_start3A_840 : memref<64x128xf32, #tpu.memory_space<vmem>>) offsets(%dma_start3A_843 : memref<64xi32, #tpu.memory_space<vmem>>) semaphore(%arg13 : memref<!tpu.dma_semaphore, #tpu.memory_space<semaphore_mem>>)
      %dma_wait3A_847 = arith.constant 7 : i32
      %dma_wait3A_848 = arith.constant 0 : i32
      %dma_wait3A_849 = arith.constant 0 : i32
      %dma_wait3A_850 = tpu.memref_slice %arg11[%dma_wait3A_848, %dma_wait3A_849] : memref<128x128xf32, #tpu.memory_space<vmem>> -> memref<64x128xf32, #tpu.memory_space<vmem>>
      %dma_wait3A_851 = arith.constant 0 : i32
      %dma_wait3A_852 = tpu.memref_slice %arg7[%dma_wait3A_847, %dma_wait3A_851] : memref<8x128xi32, #tpu.memory_space<vmem>> -> memref<1x64xi32, #tpu.memory_space<vmem>>
      %dma_wait3A_853 = tpu.memref_squeeze %dma_wait3A_852 : memref<1x64xi32, #tpu.memory_space<vmem>> -> memref<64xi32, #tpu.memory_space<vmem>>
      %dma_wait3A_854 = arith.constant 0 : i32
      %dma_wait3A_855 = arith.constant 0 : i32
      %dma_wait3A_856 = tpu.memref_slice %arg2[%dma_wait3A_854, %dma_wait3A_855] : memref<10240x128xf32, #tpu.memory_space<hbm>> -> memref<10240x128xf32, #tpu.memory_space<hbm>>
      tpu.wait_indirect_dma semaphore(%arg13 : memref<!tpu.dma_semaphore, #tpu.memory_space<semaphore_mem>>) src(%dma_wait3A_856 : memref<10240x128xf32, #tpu.memory_space<hbm>>) dst(%dma_wait3A_850 : memref<64x128xf32, #tpu.memory_space<vmem>>)
      %dma_wait3A_857 = arith.constant 7 : i32
      %dma_wait3A_858 = arith.constant 64 : i32
      %dma_wait3A_859 = arith.constant 0 : i32
      %dma_wait3A_860 = tpu.memref_slice %arg11[%dma_wait3A_858, %dma_wait3A_859] : memref<128x128xf32, #tpu.memory_space<vmem>> -> memref<64x128xf32, #tpu.memory_space<vmem>>
      %dma_wait3A_861 = arith.constant 64 : i32
      %dma_wait3A_862 = tpu.memref_slice %arg7[%dma_wait3A_857, %dma_wait3A_861] : memref<8x128xi32, #tpu.memory_space<vmem>> -> memref<1x64xi32, #tpu.memory_space<vmem>>
      %dma_wait3A_863 = tpu.memref_squeeze %dma_wait3A_862 : memref<1x64xi32, #tpu.memory_space<vmem>> -> memref<64xi32, #tpu.memory_space<vmem>>
      %dma_wait3A_864 = arith.constant 0 : i32
      %dma_wait3A_865 = arith.constant 0 : i32
      %dma_wait3A_866 = tpu.memref_slice %arg2[%dma_wait3A_864, %dma_wait3A_865] : memref<10240x128xf32, #tpu.memory_space<hbm>> -> memref<10240x128xf32, #tpu.memory_space<hbm>>
      tpu.wait_indirect_dma semaphore(%arg13 : memref<!tpu.dma_semaphore, #tpu.memory_space<semaphore_mem>>) src(%dma_wait3A_866 : memref<10240x128xf32, #tpu.memory_space<hbm>>) dst(%dma_wait3A_860 : memref<64x128xf32, #tpu.memory_space<vmem>>)
      %dma_start3A_867 = arith.constant 7 : i32
      %dma_start3A_868 = arith.constant 0 : i32
      %dma_start3A_869 = tpu.memref_slice %arg9[%dma_start3A_867, %dma_start3A_868] : memref<8x128xi32, #tpu.memory_space<vmem>> -> memref<1x128xi32, #tpu.memory_space<vmem>>
      %dma_start3A_870 = tpu.memref_squeeze %dma_start3A_869 : memref<1x128xi32, #tpu.memory_space<vmem>> -> memref<128xi32, #tpu.memory_space<vmem>>
      %dma_start3A_871 = arith.constant 0 : i32
      %dma_start3A_872 = arith.constant 0 : i32
      %dma_start3A_873 = tpu.memref_slice %arg18[%dma_start3A_871, %dma_start3A_872] : memref<10240x128xf32, #tpu.memory_space<vmem_shared>> -> memref<10240x128xf32, #tpu.memory_space<vmem_shared>>
      tpu.enqueue_indirect_dma source(%arg11 : memref<128x128xf32, #tpu.memory_space<vmem>>) target(%dma_start3A_873 : memref<10240x128xf32, #tpu.memory_space<vmem_shared>>) offsets(%dma_start3A_870 : memref<128xi32, #tpu.memory_space<vmem>>) semaphore(%arg15 : memref<!tpu.dma_semaphore, #tpu.memory_space<semaphore_mem>>) {add = true}
      %dma_wait3A_874 = arith.constant 6 : i32
      %dma_wait3A_875 = arith.constant 0 : i32
      %dma_wait3A_876 = tpu.memref_slice %arg9[%dma_wait3A_874, %dma_wait3A_875] : memref<8x128xi32, #tpu.memory_space<vmem>> -> memref<1x128xi32, #tpu.memory_space<vmem>>
      %dma_wait3A_877 = tpu.memref_squeeze %dma_wait3A_876 : memref<1x128xi32, #tpu.memory_space<vmem>> -> memref<128xi32, #tpu.memory_space<vmem>>
      %dma_wait3A_878 = arith.constant 0 : i32
      %dma_wait3A_879 = arith.constant 0 : i32
      %dma_wait3A_880 = tpu.memref_slice %arg18[%dma_wait3A_878, %dma_wait3A_879] : memref<10240x128xf32, #tpu.memory_space<vmem_shared>> -> memref<10240x128xf32, #tpu.memory_space<vmem_shared>>
      tpu.wait_indirect_dma semaphore(%arg14 : memref<!tpu.dma_semaphore, #tpu.memory_space<semaphore_mem>>) src(%arg10 : memref<128x128xf32, #tpu.memory_space<vmem>>) dst(%dma_wait3A_880 : memref<10240x128xf32, #tpu.memory_space<vmem_shared>>)
      %add3A_881 = arith.constant 1 : i32
      %add3A_882 = arith.addi %add3A_464, %add3A_881 : i32
      %lt3A_883 = arith.cmpi slt, %add3A_882, %select_n3A_6 : i32
      %convert_element_type3A_884 = arith.extui %lt3A_883 : i1 to i32
      %cond3A_885 = arith.constant 0 : i32
      %cond3A_886 = arith.cmpi ne, %convert_element_type3A_884, %cond3A_885 : i32
      scf.if %cond3A_886 {
        %add3A_887 = arith.constant 1 : i32
        %add3A_888 = arith.addi %add3A_464, %add3A_887 : i32
        %mul3A_889 = arith.constant 8 : i32
        %mul3A_890 = arith.muli %add3A_888, %mul3A_889 : i32
        %add3A_891 = arith.addi %select_n3A, %mul3A_890 : i32
        %dma_wait3A_892 = arith.constant 0 : i32
        %dma_wait3A_893 = tpu.memref_slice %arg3[%add3A_891, %dma_wait3A_892] : memref<2560x128xi32, #tpu.memory_space<hbm>> -> memref<8x128xi32, #tpu.memory_space<hbm>>
        %dma_wait3A_894 = arith.constant 0 : i32
        %dma_wait3A_895 = tpu.memref_slice %arg3[%add3A_891, %dma_wait3A_894] : memref<2560x128xi32, #tpu.memory_space<hbm>> -> memref<8x128xi32, #tpu.memory_space<hbm>>
        tpu.wait_dma2 semaphore(%arg16 : memref<!tpu.dma_semaphore, #tpu.memory_space<semaphore_mem>>) src(%dma_wait3A_895 : memref<8x128xi32, #tpu.memory_space<hbm>>) dst(%arg6 : memref<8x128xi32, #tpu.memory_space<vmem>>)
        %dma_wait3A_896 = arith.constant 0 : i32
        %dma_wait3A_897 = tpu.memref_slice %arg4[%add3A_891, %dma_wait3A_896] : memref<2560x128xi32, #tpu.memory_space<hbm>> -> memref<8x128xi32, #tpu.memory_space<hbm>>
        %dma_wait3A_898 = arith.constant 0 : i32
        %dma_wait3A_899 = tpu.memref_slice %arg4[%add3A_891, %dma_wait3A_898] : memref<2560x128xi32, #tpu.memory_space<hbm>> -> memref<8x128xi32, #tpu.memory_space<hbm>>
        tpu.wait_dma2 semaphore(%arg16 : memref<!tpu.dma_semaphore, #tpu.memory_space<semaphore_mem>>) src(%dma_wait3A_899 : memref<8x128xi32, #tpu.memory_space<hbm>>) dst(%arg8 : memref<8x128xi32, #tpu.memory_space<vmem>>)
        %dma_start3A_900 = arith.constant 0 : i32
        %dma_start3A_901 = arith.constant 0 : i32
        %dma_start3A_902 = arith.constant 0 : i32
        %dma_start3A_903 = tpu.memref_slice %arg10[%dma_start3A_901, %dma_start3A_902] : memref<128x128xf32, #tpu.memory_space<vmem>> -> memref<64x128xf32, #tpu.memory_space<vmem>>
        %dma_start3A_904 = arith.constant 0 : i32
        %dma_start3A_905 = tpu.memref_slice %arg6[%dma_start3A_900, %dma_start3A_904] : memref<8x128xi32, #tpu.memory_space<vmem>> -> memref<1x64xi32, #tpu.memory_space<vmem>>
        %dma_start3A_906 = tpu.memref_squeeze %dma_start3A_905 : memref<1x64xi32, #tpu.memory_space<vmem>> -> memref<64xi32, #tpu.memory_space<vmem>>
        %dma_start3A_907 = arith.constant 0 : i32
        %dma_start3A_908 = arith.constant 0 : i32
        %dma_start3A_909 = tpu.memref_slice %arg2[%dma_start3A_907, %dma_start3A_908] : memref<10240x128xf32, #tpu.memory_space<hbm>> -> memref<10240x128xf32, #tpu.memory_space<hbm>>
        tpu.enqueue_indirect_dma source(%dma_start3A_909 : memref<10240x128xf32, #tpu.memory_space<hbm>>) target(%dma_start3A_903 : memref<64x128xf32, #tpu.memory_space<vmem>>) offsets(%dma_start3A_906 : memref<64xi32, #tpu.memory_space<vmem>>) semaphore(%arg12 : memref<!tpu.dma_semaphore, #tpu.memory_space<semaphore_mem>>)
        %dma_start3A_910 = arith.constant 0 : i32
        %dma_start3A_911 = arith.constant 64 : i32
        %dma_start3A_912 = arith.constant 0 : i32
        %dma_start3A_913 = tpu.memref_slice %arg10[%dma_start3A_911, %dma_start3A_912] : memref<128x128xf32, #tpu.memory_space<vmem>> -> memref<64x128xf32, #tpu.memory_space<vmem>>
        %dma_start3A_914 = arith.constant 64 : i32
        %dma_start3A_915 = tpu.memref_slice %arg6[%dma_start3A_910, %dma_start3A_914] : memref<8x128xi32, #tpu.memory_space<vmem>> -> memref<1x64xi32, #tpu.memory_space<vmem>>
        %dma_start3A_916 = tpu.memref_squeeze %dma_start3A_915 : memref<1x64xi32, #tpu.memory_space<vmem>> -> memref<64xi32, #tpu.memory_space<vmem>>
        %dma_start3A_917 = arith.constant 0 : i32
        %dma_start3A_918 = arith.constant 0 : i32
        %dma_start3A_919 = tpu.memref_slice %arg2[%dma_start3A_917, %dma_start3A_918] : memref<10240x128xf32, #tpu.memory_space<hbm>> -> memref<10240x128xf32, #tpu.memory_space<hbm>>
        tpu.enqueue_indirect_dma source(%dma_start3A_919 : memref<10240x128xf32, #tpu.memory_space<hbm>>) target(%dma_start3A_913 : memref<64x128xf32, #tpu.memory_space<vmem>>) offsets(%dma_start3A_916 : memref<64xi32, #tpu.memory_space<vmem>>) semaphore(%arg12 : memref<!tpu.dma_semaphore, #tpu.memory_space<semaphore_mem>>)
      } else {
      }
    }
    %gt3A_29 = arith.constant 0 : i32
    %gt3A_30 = arith.cmpi sgt, %select_n3A_6, %gt3A_29 : i32
    %convert_element_type3A_31 = arith.extui %gt3A_30 : i1 to i32
    %cond3A_32 = arith.constant 0 : i32
    %cond3A_33 = arith.cmpi ne, %convert_element_type3A_31, %cond3A_32 : i32
    scf.if %cond3A_33 {
      %dma_wait3A = arith.constant 7 : i32
      %dma_wait3A_39 = arith.constant 0 : i32
      %dma_wait3A_40 = tpu.memref_slice %arg9[%dma_wait3A, %dma_wait3A_39] : memref<8x128xi32, #tpu.memory_space<vmem>> -> memref<1x128xi32, #tpu.memory_space<vmem>>
      %dma_wait3A_41 = tpu.memref_squeeze %dma_wait3A_40 : memref<1x128xi32, #tpu.memory_space<vmem>> -> memref<128xi32, #tpu.memory_space<vmem>>
      %dma_wait3A_42 = arith.constant 0 : i32
      %dma_wait3A_43 = arith.constant 0 : i32
      %dma_wait3A_44 = tpu.memref_slice %arg18[%dma_wait3A_42, %dma_wait3A_43] : memref<10240x128xf32, #tpu.memory_space<vmem_shared>> -> memref<10240x128xf32, #tpu.memory_space<vmem_shared>>
      tpu.wait_indirect_dma semaphore(%arg15 : memref<!tpu.dma_semaphore, #tpu.memory_space<semaphore_mem>>) src(%arg11 : memref<128x128xf32, #tpu.memory_space<vmem>>) dst(%dma_wait3A_44 : memref<10240x128xf32, #tpu.memory_space<vmem_shared>>)
    } else {
    }
    %barrier3A_34 = arith.constant 0 : index
    tpu.barrier barrier_id(%barrier3A_34)
    %mul3A_35 = arith.constant 640 : i32
    %mul3A_36 = arith.muli %arg1, %mul3A_35 : i32
    %mul3A_37 = arith.constant 640 : i32
    %mul3A_38 = arith.muli %arg1, %mul3A_37 : i32
    "tpu.region"() ({
      %run_scoped3A = tpu.sem_alloc : memref<!tpu.dma_semaphore, #tpu.memory_space<semaphore_mem>>
      %dma_start3A = arith.constant 0 : i32
      %dma_start3A_39 = tpu.memref_slice %arg5[%arg0, %mul3A_38, %dma_start3A] : memref<2x10240x128xf32, #tpu.memory_space<hbm>> -> memref<1x640x128xf32, #tpu.memory_space<hbm>>
      %dma_start3A_40 = tpu.memref_squeeze %dma_start3A_39 : memref<1x640x128xf32, #tpu.memory_space<hbm>> -> memref<640x128xf32, #tpu.memory_space<hbm>>
      %dma_start3A_41 = arith.constant 0 : i32
      %dma_start3A_42 = tpu.memref_slice %arg18[%mul3A_36, %dma_start3A_41] : memref<10240x128xf32, #tpu.memory_space<vmem_shared>> -> memref<640x128xf32, #tpu.memory_space<vmem_shared>>
      tpu.enqueue_dma source(%dma_start3A_42 : memref<640x128xf32, #tpu.memory_space<vmem_shared>>) target(%dma_start3A_40 : memref<640x128xf32, #tpu.memory_space<hbm>>) target_semaphore(%run_scoped3A : memref<!tpu.dma_semaphore, #tpu.memory_space<semaphore_mem>>)
      %dma_wait3A = arith.constant 0 : i32
      %dma_wait3A_43 = tpu.memref_slice %arg5[%arg0, %mul3A_38, %dma_wait3A] : memref<2x10240x128xf32, #tpu.memory_space<hbm>> -> memref<1x640x128xf32, #tpu.memory_space<hbm>>
      %dma_wait3A_44 = tpu.memref_squeeze %dma_wait3A_43 : memref<1x640x128xf32, #tpu.memory_space<hbm>> -> memref<640x128xf32, #tpu.memory_space<hbm>>
      %dma_wait3A_45 = arith.constant 0 : i32
      %dma_wait3A_46 = tpu.memref_slice %arg18[%mul3A_36, %dma_wait3A_45] : memref<10240x128xf32, #tpu.memory_space<vmem_shared>> -> memref<640x128xf32, #tpu.memory_space<vmem_shared>>
      tpu.wait_dma2 semaphore(%run_scoped3A : memref<!tpu.dma_semaphore, #tpu.memory_space<semaphore_mem>>) src(%dma_wait3A_46 : memref<640x128xf32, #tpu.memory_space<vmem_shared>>) dst(%dma_wait3A_44 : memref<640x128xf32, #tpu.memory_space<hbm>>)
      tpu.yield
    }) : () -> ()
    return
  }
}

#map = affine_map<(d0, d1) -> (0, 0)>
module attributes {stable_mosaic.version = 14 : i64} {
  func.func @k(%arg0: i32, %arg1: i32, %arg2: memref<2560x128xi32, #tpu.memory_space<hbm>>, %arg3: memref<2x10240xf32, #tpu.memory_space<hbm>>, %arg4: memref<80x128xi32, #tpu.memory_space<vmem>>, %arg5: memref<10240xf32, #tpu.memory_space<vmem>>, %arg6: memref<16x640xf32, #tpu.memory_space<vmem>>, %arg7: memref<16x10240xf32, #tpu.memory_space<vmem_shared>>) attributes {dimension_semantics = [#tpu.dimension_semantics<core_parallel>, #tpu.dimension_semantics<subcore_parallel>], iteration_bounds = array<i64: 2, 16>, scalar_prefetch = 0 : i64, scratch_operands = 4 : i64, tpu.core_type = #tpu.core_type<sc_vector_subcore>, window_params = [{transform_indices = #map}, {transform_indices = #map}]} {
    %mul3A = arith.constant 16 : i32
    %mul3A_0 = arith.muli %arg0, %mul3A : i32
    %add3A = arith.addi %mul3A_0, %arg1 : i32
    %mul3A_1 = arith.constant 80 : i32
    %mul3A_2 = arith.muli %add3A, %mul3A_1 : i32
    "tpu.region"() ({
      %run_scoped3A_86 = tpu.sem_alloc : memref<!tpu.dma_semaphore, #tpu.memory_space<semaphore_mem>>
      %dma_start3A = arith.constant 0 : i32
      %dma_start3A_87 = tpu.memref_slice %arg2[%mul3A_2, %dma_start3A] : memref<2560x128xi32, #tpu.memory_space<hbm>> -> memref<80x128xi32, #tpu.memory_space<hbm>>
      %dma_start3A_88 = arith.constant 0 : i32
      %dma_start3A_89 = tpu.memref_slice %arg2[%mul3A_2, %dma_start3A_88] : memref<2560x128xi32, #tpu.memory_space<hbm>> -> memref<80x128xi32, #tpu.memory_space<hbm>>
      tpu.enqueue_dma source(%dma_start3A_89 : memref<80x128xi32, #tpu.memory_space<hbm>>) target(%arg4 : memref<80x128xi32, #tpu.memory_space<vmem>>) target_semaphore(%run_scoped3A_86 : memref<!tpu.dma_semaphore, #tpu.memory_space<semaphore_mem>>)
      %dma_wait3A = arith.constant 0 : i32
      %dma_wait3A_90 = tpu.memref_slice %arg2[%mul3A_2, %dma_wait3A] : memref<2560x128xi32, #tpu.memory_space<hbm>> -> memref<80x128xi32, #tpu.memory_space<hbm>>
      %dma_wait3A_91 = arith.constant 0 : i32
      %dma_wait3A_92 = tpu.memref_slice %arg2[%mul3A_2, %dma_wait3A_91] : memref<2560x128xi32, #tpu.memory_space<hbm>> -> memref<80x128xi32, #tpu.memory_space<hbm>>
      tpu.wait_dma2 semaphore(%run_scoped3A_86 : memref<!tpu.dma_semaphore, #tpu.memory_space<semaphore_mem>>) src(%dma_wait3A_92 : memref<80x128xi32, #tpu.memory_space<hbm>>) dst(%arg4 : memref<80x128xi32, #tpu.memory_space<vmem>>)
      tpu.yield
    }) : () -> ()
    %broadcast_in_dim3A = arith.constant 0.000000e+00 : f32
    %broadcast_in_dim3A_3 = vector.broadcast %broadcast_in_dim3A : f32 to vector<16xf32>
    %broadcast_in_dim3A_4 = arith.constant 1.000000e+00 : f32
    %broadcast_in_dim3A_5 = vector.broadcast %broadcast_in_dim3A_4 : f32 to vector<16xf32>
    %scan3A = arith.constant 0 : i32
    %scan3A_6 = arith.constant 640 : i32
    %scan3A_7 = arith.addi %scan3A, %scan3A_6 : i32
    %scan3A_8 = arith.constant 1 : i32
    scf.for %scan3A_86 = %scan3A to %scan3A_7 step %scan3A_8  : i32 {
      %mul3A_87 = arith.constant 1 : i32
      %mul3A_88 = arith.muli %scan3A_86, %mul3A_87 : i32
      %add3A_89 = arith.constant 0 : i32
      %add3A_90 = arith.addi %add3A_89, %mul3A_88 : i32
      %mul3A_91 = arith.constant 16 : i32
      %mul3A_92 = arith.muli %add3A_90, %mul3A_91 : i32
      %swap3A = arith.index_cast %mul3A_92 : i32 to index
      %swap3A_93 = tpu.vector_load %arg5[%swap3A] {strides = array<i32>} : memref<10240xf32, #tpu.memory_space<vmem>>, vector<16xf32>,
      tpu.vector_store %arg5[%swap3A], %broadcast_in_dim3A_3 {strides = array<i32>} : memref<10240xf32, #tpu.memory_space<vmem>>, vector<16xf32>,
    }
    %scan3A_9 = arith.constant 640 : i32
    %scan3A_10 = arith.constant 0 : i32
    %scan3A_11 = arith.constant 80 : i32
    %scan3A_12 = arith.addi %scan3A_10, %scan3A_11 : i32
    %scan3A_13 = arith.constant 1 : i32
    scf.for %scan3A_86 = %scan3A_10 to %scan3A_12 step %scan3A_13  : i32 {
      %mul3A_87 = arith.constant 1 : i32
      %mul3A_88 = arith.muli %scan3A_86, %mul3A_87 : i32
      %add3A_89 = arith.constant 0 : i32
      %add3A_90 = arith.addi %add3A_89, %mul3A_88 : i32
      %get3A = arith.index_cast %add3A_90 : i32 to index
      %get3A_91 = arith.constant 0 : index
      %get3A_92 = tpu.vector_load %arg4[%get3A, %get3A_91] {strides = array<i32>} : memref<80x128xi32, #tpu.memory_space<vmem>>, vector<16xi32>,
      tpu.vector_store_idx %arg5[%get3A_92], %broadcast_in_dim3A_5 {add = true} : memref<10240xf32, #tpu.memory_space<vmem>>[vector<16xi32>], vector<16xf32>,
      %get3A_93 = arith.index_cast %add3A_90 : i32 to index
      %get3A_94 = arith.constant 16 : index
      %get3A_95 = tpu.vector_load %arg4[%get3A_93, %get3A_94] {strides = array<i32>} : memref<80x128xi32, #tpu.memory_space<vmem>>, vector<16xi32>,
      tpu.vector_store_idx %arg5[%get3A_95], %broadcast_in_dim3A_5 {add = true} : memref<10240xf32, #tpu.memory_space<vmem>>[vector<16xi32>], vector<16xf32>,
      %get3A_96 = arith.index_cast %add3A_90 : i32 to index
      %get3A_97 = arith.constant 32 : index
      %get3A_98 = tpu.vector_load %arg4[%get3A_96, %get3A_97] {strides = array<i32>} : memref<80x128xi32, #tpu.memory_space<vmem>>, vector<16xi32>,
      tpu.vector_store_idx %arg5[%get3A_98], %broadcast_in_dim3A_5 {add = true} : memref<10240xf32, #tpu.memory_space<vmem>>[vector<16xi32>], vector<16xf32>,
      %get3A_99 = arith.index_cast %add3A_90 : i32 to index
      %get3A_100 = arith.constant 48 : index
      %get3A_101 = tpu.vector_load %arg4[%get3A_99, %get3A_100] {strides = array<i32>} : memref<80x128xi32, #tpu.memory_space<vmem>>, vector<16xi32>,
      tpu.vector_store_idx %arg5[%get3A_101], %broadcast_in_dim3A_5 {add = true} : memref<10240xf32, #tpu.memory_space<vmem>>[vector<16xi32>], vector<16xf32>,
      %get3A_102 = arith.index_cast %add3A_90 : i32 to index
      %get3A_103 = arith.constant 64 : index
      %get3A_104 = tpu.vector_load %arg4[%get3A_102, %get3A_103] {strides = array<i32>} : memref<80x128xi32, #tpu.memory_space<vmem>>, vector<16xi32>,
      tpu.vector_store_idx %arg5[%get3A_104], %broadcast_in_dim3A_5 {add = true} : memref<10240xf32, #tpu.memory_space<vmem>>[vector<16xi32>], vector<16xf32>,
      %get3A_105 = arith.index_cast %add3A_90 : i32 to index
      %get3A_106 = arith.constant 80 : index
      %get3A_107 = tpu.vector_load %arg4[%get3A_105, %get3A_106] {strides = array<i32>} : memref<80x128xi32, #tpu.memory_space<vmem>>, vector<16xi32>,
      tpu.vector_store_idx %arg5[%get3A_107], %broadcast_in_dim3A_5 {add = true} : memref<10240xf32, #tpu.memory_space<vmem>>[vector<16xi32>], vector<16xf32>,
      %get3A_108 = arith.index_cast %add3A_90 : i32 to index
      %get3A_109 = arith.constant 96 : index
      %get3A_110 = tpu.vector_load %arg4[%get3A_108, %get3A_109] {strides = array<i32>} : memref<80x128xi32, #tpu.memory_space<vmem>>, vector<16xi32>,
      tpu.vector_store_idx %arg5[%get3A_110], %broadcast_in_dim3A_5 {add = true} : memref<10240xf32, #tpu.memory_space<vmem>>[vector<16xi32>], vector<16xf32>,
      %get3A_111 = arith.index_cast %add3A_90 : i32 to index
      %get3A_112 = arith.constant 112 : index
      %get3A_113 = tpu.vector_load %arg4[%get3A_111, %get3A_112] {strides = array<i32>} : memref<80x128xi32, #tpu.memory_space<vmem>>, vector<16xi32>,
      tpu.vector_store_idx %arg5[%get3A_113], %broadcast_in_dim3A_5 {add = true} : memref<10240xf32, #tpu.memory_space<vmem>>[vector<16xi32>], vector<16xf32>,
    }
    %scan3A_14 = arith.constant 80 : i32
    "tpu.region"() ({
      %run_scoped3A_86 = tpu.sem_alloc : memref<!tpu.dma_semaphore, #tpu.memory_space<semaphore_mem>>
      %dma_start3A = arith.constant 0 : i32
      %dma_start3A_87 = tpu.memref_slice %arg7[%arg1, %dma_start3A] : memref<16x10240xf32, #tpu.memory_space<vmem_shared>> -> memref<1x10240xf32, #tpu.memory_space<vmem_shared>>
      %dma_start3A_88 = tpu.memref_squeeze %dma_start3A_87 : memref<1x10240xf32, #tpu.memory_space<vmem_shared>> -> memref<10240xf32, #tpu.memory_space<vmem_shared>>
      %dma_start3A_89 = arith.constant 0 : i32
      %dma_start3A_90 = tpu.memref_slice %arg7[%arg1, %dma_start3A_89] : memref<16x10240xf32, #tpu.memory_space<vmem_shared>> -> memref<1x10240xf32, #tpu.memory_space<vmem_shared>>
      %dma_start3A_91 = tpu.memref_squeeze %dma_start3A_90 : memref<1x10240xf32, #tpu.memory_space<vmem_shared>> -> memref<10240xf32, #tpu.memory_space<vmem_shared>>
      tpu.enqueue_dma source(%arg5 : memref<10240xf32, #tpu.memory_space<vmem>>) target(%dma_start3A_91 : memref<10240xf32, #tpu.memory_space<vmem_shared>>) target_semaphore(%run_scoped3A_86 : memref<!tpu.dma_semaphore, #tpu.memory_space<semaphore_mem>>)
      %dma_wait3A = arith.constant 0 : i32
      %dma_wait3A_92 = tpu.memref_slice %arg7[%arg1, %dma_wait3A] : memref<16x10240xf32, #tpu.memory_space<vmem_shared>> -> memref<1x10240xf32, #tpu.memory_space<vmem_shared>>
      %dma_wait3A_93 = tpu.memref_squeeze %dma_wait3A_92 : memref<1x10240xf32, #tpu.memory_space<vmem_shared>> -> memref<10240xf32, #tpu.memory_space<vmem_shared>>
      %dma_wait3A_94 = arith.constant 0 : i32
      %dma_wait3A_95 = tpu.memref_slice %arg7[%arg1, %dma_wait3A_94] : memref<16x10240xf32, #tpu.memory_space<vmem_shared>> -> memref<1x10240xf32, #tpu.memory_space<vmem_shared>>
      %dma_wait3A_96 = tpu.memref_squeeze %dma_wait3A_95 : memref<1x10240xf32, #tpu.memory_space<vmem_shared>> -> memref<10240xf32, #tpu.memory_space<vmem_shared>>
      tpu.wait_dma2 semaphore(%run_scoped3A_86 : memref<!tpu.dma_semaphore, #tpu.memory_space<semaphore_mem>>) src(%arg5 : memref<10240xf32, #tpu.memory_space<vmem>>) dst(%dma_wait3A_96 : memref<10240xf32, #tpu.memory_space<vmem_shared>>)
      tpu.yield
    }) : () -> ()
    %barrier3A = arith.constant 0 : index
    tpu.barrier barrier_id(%barrier3A)
    %mul3A_15 = arith.constant 640 : i32
    %mul3A_16 = arith.muli %arg1, %mul3A_15 : i32
    %run_scoped3A = arith.constant 0 : i32
    %run_scoped3A_17 = arith.constant 0 : i32
    "tpu.region"() ({
      %run_scoped3A_86 = tpu.sem_alloc : memref<!tpu.dma_semaphore, #tpu.memory_space<semaphore_mem>>
      %dma_start3A = arith.constant 0 : i32
      %dma_start3A_87 = tpu.memref_slice %arg6[%run_scoped3A_17, %dma_start3A] : memref<16x640xf32, #tpu.memory_space<vmem>> -> memref<1x640xf32, #tpu.memory_space<vmem>>
      %dma_start3A_88 = tpu.memref_squeeze %dma_start3A_87 : memref<1x640xf32, #tpu.memory_space<vmem>> -> memref<640xf32, #tpu.memory_space<vmem>>
      %dma_start3A_89 = tpu.memref_slice %arg7[%run_scoped3A, %mul3A_16] : memref<16x10240xf32, #tpu.memory_space<vmem_shared>> -> memref<1x640xf32, #tpu.memory_space<vmem_shared>>
      %dma_start3A_90 = tpu.memref_squeeze %dma_start3A_89 : memref<1x640xf32, #tpu.memory_space<vmem_shared>> -> memref<640xf32, #tpu.memory_space<vmem_shared>>
      %dma_start3A_91 = arith.constant 0 : i32
      %dma_start3A_92 = tpu.memref_slice %arg6[%run_scoped3A_17, %dma_start3A_91] : memref<16x640xf32, #tpu.memory_space<vmem>> -> memref<1x640xf32, #tpu.memory_space<vmem>>
      %dma_start3A_93 = tpu.memref_squeeze %dma_start3A_92 : memref<1x640xf32, #tpu.memory_space<vmem>> -> memref<640xf32, #tpu.memory_space<vmem>>
      %dma_start3A_94 = tpu.memref_slice %arg7[%run_scoped3A, %mul3A_16] : memref<16x10240xf32, #tpu.memory_space<vmem_shared>> -> memref<1x640xf32, #tpu.memory_space<vmem_shared>>
      %dma_start3A_95 = tpu.memref_squeeze %dma_start3A_94 : memref<1x640xf32, #tpu.memory_space<vmem_shared>> -> memref<640xf32, #tpu.memory_space<vmem_shared>>
      tpu.enqueue_dma source(%dma_start3A_95 : memref<640xf32, #tpu.memory_space<vmem_shared>>) target(%dma_start3A_93 : memref<640xf32, #tpu.memory_space<vmem>>) target_semaphore(%run_scoped3A_86 : memref<!tpu.dma_semaphore, #tpu.memory_space<semaphore_mem>>)
      %dma_wait3A = arith.constant 0 : i32
      %dma_wait3A_96 = tpu.memref_slice %arg6[%run_scoped3A_17, %dma_wait3A] : memref<16x640xf32, #tpu.memory_space<vmem>> -> memref<1x640xf32, #tpu.memory_space<vmem>>
      %dma_wait3A_97 = tpu.memref_squeeze %dma_wait3A_96 : memref<1x640xf32, #tpu.memory_space<vmem>> -> memref<640xf32, #tpu.memory_space<vmem>>
      %dma_wait3A_98 = tpu.memref_slice %arg7[%run_scoped3A, %mul3A_16] : memref<16x10240xf32, #tpu.memory_space<vmem_shared>> -> memref<1x640xf32, #tpu.memory_space<vmem_shared>>
      %dma_wait3A_99 = tpu.memref_squeeze %dma_wait3A_98 : memref<1x640xf32, #tpu.memory_space<vmem_shared>> -> memref<640xf32, #tpu.memory_space<vmem_shared>>
      %dma_wait3A_100 = arith.constant 0 : i32
      %dma_wait3A_101 = tpu.memref_slice %arg6[%run_scoped3A_17, %dma_wait3A_100] : memref<16x640xf32, #tpu.memory_space<vmem>> -> memref<1x640xf32, #tpu.memory_space<vmem>>
      %dma_wait3A_102 = tpu.memref_squeeze %dma_wait3A_101 : memref<1x640xf32, #tpu.memory_space<vmem>> -> memref<640xf32, #tpu.memory_space<vmem>>
      %dma_wait3A_103 = tpu.memref_slice %arg7[%run_scoped3A, %mul3A_16] : memref<16x10240xf32, #tpu.memory_space<vmem_shared>> -> memref<1x640xf32, #tpu.memory_space<vmem_shared>>
      %dma_wait3A_104 = tpu.memref_squeeze %dma_wait3A_103 : memref<1x640xf32, #tpu.memory_space<vmem_shared>> -> memref<640xf32, #tpu.memory_space<vmem_shared>>
      tpu.wait_dma2 semaphore(%run_scoped3A_86 : memref<!tpu.dma_semaphore, #tpu.memory_space<semaphore_mem>>) src(%dma_wait3A_104 : memref<640xf32, #tpu.memory_space<vmem_shared>>) dst(%dma_wait3A_102 : memref<640xf32, #tpu.memory_space<vmem>>)
      tpu.yield
    }) : () -> ()
    %mul3A_18 = arith.constant 640 : i32
    %mul3A_19 = arith.muli %arg1, %mul3A_18 : i32
    %run_scoped3A_20 = arith.constant 1 : i32
    %run_scoped3A_21 = arith.constant 1 : i32
    "tpu.region"() ({
      %run_scoped3A_86 = tpu.sem_alloc : memref<!tpu.dma_semaphore, #tpu.memory_space<semaphore_mem>>
      %dma_start3A = arith.constant 0 : i32
      %dma_start3A_87 = tpu.memref_slice %arg6[%run_scoped3A_21, %dma_start3A] : memref<16x640xf32, #tpu.memory_space<vmem>> -> memref<1x640xf32, #tpu.memory_space<vmem>>
      %dma_start3A_88 = tpu.memref_squeeze %dma_start3A_87 : memref<1x640xf32, #tpu.memory_space<vmem>> -> memref<640xf32, #tpu.memory_space<vmem>>
      %dma_start3A_89 = tpu.memref_slice %arg7[%run_scoped3A_20, %mul3A_19] : memref<16x10240xf32, #tpu.memory_space<vmem_shared>> -> memref<1x640xf32, #tpu.memory_space<vmem_shared>>
      %dma_start3A_90 = tpu.memref_squeeze %dma_start3A_89 : memref<1x640xf32, #tpu.memory_space<vmem_shared>> -> memref<640xf32, #tpu.memory_space<vmem_shared>>
      %dma_start3A_91 = arith.constant 0 : i32
      %dma_start3A_92 = tpu.memref_slice %arg6[%run_scoped3A_21, %dma_start3A_91] : memref<16x640xf32, #tpu.memory_space<vmem>> -> memref<1x640xf32, #tpu.memory_space<vmem>>
      %dma_start3A_93 = tpu.memref_squeeze %dma_start3A_92 : memref<1x640xf32, #tpu.memory_space<vmem>> -> memref<640xf32, #tpu.memory_space<vmem>>
      %dma_start3A_94 = tpu.memref_slice %arg7[%run_scoped3A_20, %mul3A_19] : memref<16x10240xf32, #tpu.memory_space<vmem_shared>> -> memref<1x640xf32, #tpu.memory_space<vmem_shared>>
      %dma_start3A_95 = tpu.memref_squeeze %dma_start3A_94 : memref<1x640xf32, #tpu.memory_space<vmem_shared>> -> memref<640xf32, #tpu.memory_space<vmem_shared>>
      tpu.enqueue_dma source(%dma_start3A_95 : memref<640xf32, #tpu.memory_space<vmem_shared>>) target(%dma_start3A_93 : memref<640xf32, #tpu.memory_space<vmem>>) target_semaphore(%run_scoped3A_86 : memref<!tpu.dma_semaphore, #tpu.memory_space<semaphore_mem>>)
      %dma_wait3A = arith.constant 0 : i32
      %dma_wait3A_96 = tpu.memref_slice %arg6[%run_scoped3A_21, %dma_wait3A] : memref<16x640xf32, #tpu.memory_space<vmem>> -> memref<1x640xf32, #tpu.memory_space<vmem>>
      %dma_wait3A_97 = tpu.memref_squeeze %dma_wait3A_96 : memref<1x640xf32, #tpu.memory_space<vmem>> -> memref<640xf32, #tpu.memory_space<vmem>>
      %dma_wait3A_98 = tpu.memref_slice %arg7[%run_scoped3A_20, %mul3A_19] : memref<16x10240xf32, #tpu.memory_space<vmem_shared>> -> memref<1x640xf32, #tpu.memory_space<vmem_shared>>
      %dma_wait3A_99 = tpu.memref_squeeze %dma_wait3A_98 : memref<1x640xf32, #tpu.memory_space<vmem_shared>> -> memref<640xf32, #tpu.memory_space<vmem_shared>>
      %dma_wait3A_100 = arith.constant 0 : i32
      %dma_wait3A_101 = tpu.memref_slice %arg6[%run_scoped3A_21, %dma_wait3A_100] : memref<16x640xf32, #tpu.memory_space<vmem>> -> memref<1x640xf32, #tpu.memory_space<vmem>>
      %dma_wait3A_102 = tpu.memref_squeeze %dma_wait3A_101 : memref<1x640xf32, #tpu.memory_space<vmem>> -> memref<640xf32, #tpu.memory_space<vmem>>
      %dma_wait3A_103 = tpu.memref_slice %arg7[%run_scoped3A_20, %mul3A_19] : memref<16x10240xf32, #tpu.memory_space<vmem_shared>> -> memref<1x640xf32, #tpu.memory_space<vmem_shared>>
      %dma_wait3A_104 = tpu.memref_squeeze %dma_wait3A_103 : memref<1x640xf32, #tpu.memory_space<vmem_shared>> -> memref<640xf32, #tpu.memory_space<vmem_shared>>
      tpu.wait_dma2 semaphore(%run_scoped3A_86 : memref<!tpu.dma_semaphore, #tpu.memory_space<semaphore_mem>>) src(%dma_wait3A_104 : memref<640xf32, #tpu.memory_space<vmem_shared>>) dst(%dma_wait3A_102 : memref<640xf32, #tpu.memory_space<vmem>>)
      tpu.yield
    }) : () -> ()
    %mul3A_22 = arith.constant 640 : i32
    %mul3A_23 = arith.muli %arg1, %mul3A_22 : i32
    %run_scoped3A_24 = arith.constant 2 : i32
    %run_scoped3A_25 = arith.constant 2 : i32
    "tpu.region"() ({
      %run_scoped3A_86 = tpu.sem_alloc : memref<!tpu.dma_semaphore, #tpu.memory_space<semaphore_mem>>
      %dma_start3A = arith.constant 0 : i32
      %dma_start3A_87 = tpu.memref_slice %arg6[%run_scoped3A_25, %dma_start3A] : memref<16x640xf32, #tpu.memory_space<vmem>> -> memref<1x640xf32, #tpu.memory_space<vmem>>
      %dma_start3A_88 = tpu.memref_squeeze %dma_start3A_87 : memref<1x640xf32, #tpu.memory_space<vmem>> -> memref<640xf32, #tpu.memory_space<vmem>>
      %dma_start3A_89 = tpu.memref_slice %arg7[%run_scoped3A_24, %mul3A_23] : memref<16x10240xf32, #tpu.memory_space<vmem_shared>> -> memref<1x640xf32, #tpu.memory_space<vmem_shared>>
      %dma_start3A_90 = tpu.memref_squeeze %dma_start3A_89 : memref<1x640xf32, #tpu.memory_space<vmem_shared>> -> memref<640xf32, #tpu.memory_space<vmem_shared>>
      %dma_start3A_91 = arith.constant 0 : i32
      %dma_start3A_92 = tpu.memref_slice %arg6[%run_scoped3A_25, %dma_start3A_91] : memref<16x640xf32, #tpu.memory_space<vmem>> -> memref<1x640xf32, #tpu.memory_space<vmem>>
      %dma_start3A_93 = tpu.memref_squeeze %dma_start3A_92 : memref<1x640xf32, #tpu.memory_space<vmem>> -> memref<640xf32, #tpu.memory_space<vmem>>
      %dma_start3A_94 = tpu.memref_slice %arg7[%run_scoped3A_24, %mul3A_23] : memref<16x10240xf32, #tpu.memory_space<vmem_shared>> -> memref<1x640xf32, #tpu.memory_space<vmem_shared>>
      %dma_start3A_95 = tpu.memref_squeeze %dma_start3A_94 : memref<1x640xf32, #tpu.memory_space<vmem_shared>> -> memref<640xf32, #tpu.memory_space<vmem_shared>>
      tpu.enqueue_dma source(%dma_start3A_95 : memref<640xf32, #tpu.memory_space<vmem_shared>>) target(%dma_start3A_93 : memref<640xf32, #tpu.memory_space<vmem>>) target_semaphore(%run_scoped3A_86 : memref<!tpu.dma_semaphore, #tpu.memory_space<semaphore_mem>>)
      %dma_wait3A = arith.constant 0 : i32
      %dma_wait3A_96 = tpu.memref_slice %arg6[%run_scoped3A_25, %dma_wait3A] : memref<16x640xf32, #tpu.memory_space<vmem>> -> memref<1x640xf32, #tpu.memory_space<vmem>>
      %dma_wait3A_97 = tpu.memref_squeeze %dma_wait3A_96 : memref<1x640xf32, #tpu.memory_space<vmem>> -> memref<640xf32, #tpu.memory_space<vmem>>
      %dma_wait3A_98 = tpu.memref_slice %arg7[%run_scoped3A_24, %mul3A_23] : memref<16x10240xf32, #tpu.memory_space<vmem_shared>> -> memref<1x640xf32, #tpu.memory_space<vmem_shared>>
      %dma_wait3A_99 = tpu.memref_squeeze %dma_wait3A_98 : memref<1x640xf32, #tpu.memory_space<vmem_shared>> -> memref<640xf32, #tpu.memory_space<vmem_shared>>
      %dma_wait3A_100 = arith.constant 0 : i32
      %dma_wait3A_101 = tpu.memref_slice %arg6[%run_scoped3A_25, %dma_wait3A_100] : memref<16x640xf32, #tpu.memory_space<vmem>> -> memref<1x640xf32, #tpu.memory_space<vmem>>
      %dma_wait3A_102 = tpu.memref_squeeze %dma_wait3A_101 : memref<1x640xf32, #tpu.memory_space<vmem>> -> memref<640xf32, #tpu.memory_space<vmem>>
      %dma_wait3A_103 = tpu.memref_slice %arg7[%run_scoped3A_24, %mul3A_23] : memref<16x10240xf32, #tpu.memory_space<vmem_shared>> -> memref<1x640xf32, #tpu.memory_space<vmem_shared>>
      %dma_wait3A_104 = tpu.memref_squeeze %dma_wait3A_103 : memref<1x640xf32, #tpu.memory_space<vmem_shared>> -> memref<640xf32, #tpu.memory_space<vmem_shared>>
      tpu.wait_dma2 semaphore(%run_scoped3A_86 : memref<!tpu.dma_semaphore, #tpu.memory_space<semaphore_mem>>) src(%dma_wait3A_104 : memref<640xf32, #tpu.memory_space<vmem_shared>>) dst(%dma_wait3A_102 : memref<640xf32, #tpu.memory_space<vmem>>)
      tpu.yield
    }) : () -> ()
    %mul3A_26 = arith.constant 640 : i32
    %mul3A_27 = arith.muli %arg1, %mul3A_26 : i32
    %run_scoped3A_28 = arith.constant 3 : i32
    %run_scoped3A_29 = arith.constant 3 : i32
    "tpu.region"() ({
      %run_scoped3A_86 = tpu.sem_alloc : memref<!tpu.dma_semaphore, #tpu.memory_space<semaphore_mem>>
      %dma_start3A = arith.constant 0 : i32
      %dma_start3A_87 = tpu.memref_slice %arg6[%run_scoped3A_29, %dma_start3A] : memref<16x640xf32, #tpu.memory_space<vmem>> -> memref<1x640xf32, #tpu.memory_space<vmem>>
      %dma_start3A_88 = tpu.memref_squeeze %dma_start3A_87 : memref<1x640xf32, #tpu.memory_space<vmem>> -> memref<640xf32, #tpu.memory_space<vmem>>
      %dma_start3A_89 = tpu.memref_slice %arg7[%run_scoped3A_28, %mul3A_27] : memref<16x10240xf32, #tpu.memory_space<vmem_shared>> -> memref<1x640xf32, #tpu.memory_space<vmem_shared>>
      %dma_start3A_90 = tpu.memref_squeeze %dma_start3A_89 : memref<1x640xf32, #tpu.memory_space<vmem_shared>> -> memref<640xf32, #tpu.memory_space<vmem_shared>>
      %dma_start3A_91 = arith.constant 0 : i32
      %dma_start3A_92 = tpu.memref_slice %arg6[%run_scoped3A_29, %dma_start3A_91] : memref<16x640xf32, #tpu.memory_space<vmem>> -> memref<1x640xf32, #tpu.memory_space<vmem>>
      %dma_start3A_93 = tpu.memref_squeeze %dma_start3A_92 : memref<1x640xf32, #tpu.memory_space<vmem>> -> memref<640xf32, #tpu.memory_space<vmem>>
      %dma_start3A_94 = tpu.memref_slice %arg7[%run_scoped3A_28, %mul3A_27] : memref<16x10240xf32, #tpu.memory_space<vmem_shared>> -> memref<1x640xf32, #tpu.memory_space<vmem_shared>>
      %dma_start3A_95 = tpu.memref_squeeze %dma_start3A_94 : memref<1x640xf32, #tpu.memory_space<vmem_shared>> -> memref<640xf32, #tpu.memory_space<vmem_shared>>
      tpu.enqueue_dma source(%dma_start3A_95 : memref<640xf32, #tpu.memory_space<vmem_shared>>) target(%dma_start3A_93 : memref<640xf32, #tpu.memory_space<vmem>>) target_semaphore(%run_scoped3A_86 : memref<!tpu.dma_semaphore, #tpu.memory_space<semaphore_mem>>)
      %dma_wait3A = arith.constant 0 : i32
      %dma_wait3A_96 = tpu.memref_slice %arg6[%run_scoped3A_29, %dma_wait3A] : memref<16x640xf32, #tpu.memory_space<vmem>> -> memref<1x640xf32, #tpu.memory_space<vmem>>
      %dma_wait3A_97 = tpu.memref_squeeze %dma_wait3A_96 : memref<1x640xf32, #tpu.memory_space<vmem>> -> memref<640xf32, #tpu.memory_space<vmem>>
      %dma_wait3A_98 = tpu.memref_slice %arg7[%run_scoped3A_28, %mul3A_27] : memref<16x10240xf32, #tpu.memory_space<vmem_shared>> -> memref<1x640xf32, #tpu.memory_space<vmem_shared>>
      %dma_wait3A_99 = tpu.memref_squeeze %dma_wait3A_98 : memref<1x640xf32, #tpu.memory_space<vmem_shared>> -> memref<640xf32, #tpu.memory_space<vmem_shared>>
      %dma_wait3A_100 = arith.constant 0 : i32
      %dma_wait3A_101 = tpu.memref_slice %arg6[%run_scoped3A_29, %dma_wait3A_100] : memref<16x640xf32, #tpu.memory_space<vmem>> -> memref<1x640xf32, #tpu.memory_space<vmem>>
      %dma_wait3A_102 = tpu.memref_squeeze %dma_wait3A_101 : memref<1x640xf32, #tpu.memory_space<vmem>> -> memref<640xf32, #tpu.memory_space<vmem>>
      %dma_wait3A_103 = tpu.memref_slice %arg7[%run_scoped3A_28, %mul3A_27] : memref<16x10240xf32, #tpu.memory_space<vmem_shared>> -> memref<1x640xf32, #tpu.memory_space<vmem_shared>>
      %dma_wait3A_104 = tpu.memref_squeeze %dma_wait3A_103 : memref<1x640xf32, #tpu.memory_space<vmem_shared>> -> memref<640xf32, #tpu.memory_space<vmem_shared>>
      tpu.wait_dma2 semaphore(%run_scoped3A_86 : memref<!tpu.dma_semaphore, #tpu.memory_space<semaphore_mem>>) src(%dma_wait3A_104 : memref<640xf32, #tpu.memory_space<vmem_shared>>) dst(%dma_wait3A_102 : memref<640xf32, #tpu.memory_space<vmem>>)
      tpu.yield
    }) : () -> ()
    %mul3A_30 = arith.constant 640 : i32
    %mul3A_31 = arith.muli %arg1, %mul3A_30 : i32
    %run_scoped3A_32 = arith.constant 4 : i32
    %run_scoped3A_33 = arith.constant 4 : i32
    "tpu.region"() ({
      %run_scoped3A_86 = tpu.sem_alloc : memref<!tpu.dma_semaphore, #tpu.memory_space<semaphore_mem>>
      %dma_start3A = arith.constant 0 : i32
      %dma_start3A_87 = tpu.memref_slice %arg6[%run_scoped3A_33, %dma_start3A] : memref<16x640xf32, #tpu.memory_space<vmem>> -> memref<1x640xf32, #tpu.memory_space<vmem>>
      %dma_start3A_88 = tpu.memref_squeeze %dma_start3A_87 : memref<1x640xf32, #tpu.memory_space<vmem>> -> memref<640xf32, #tpu.memory_space<vmem>>
      %dma_start3A_89 = tpu.memref_slice %arg7[%run_scoped3A_32, %mul3A_31] : memref<16x10240xf32, #tpu.memory_space<vmem_shared>> -> memref<1x640xf32, #tpu.memory_space<vmem_shared>>
      %dma_start3A_90 = tpu.memref_squeeze %dma_start3A_89 : memref<1x640xf32, #tpu.memory_space<vmem_shared>> -> memref<640xf32, #tpu.memory_space<vmem_shared>>
      %dma_start3A_91 = arith.constant 0 : i32
      %dma_start3A_92 = tpu.memref_slice %arg6[%run_scoped3A_33, %dma_start3A_91] : memref<16x640xf32, #tpu.memory_space<vmem>> -> memref<1x640xf32, #tpu.memory_space<vmem>>
      %dma_start3A_93 = tpu.memref_squeeze %dma_start3A_92 : memref<1x640xf32, #tpu.memory_space<vmem>> -> memref<640xf32, #tpu.memory_space<vmem>>
      %dma_start3A_94 = tpu.memref_slice %arg7[%run_scoped3A_32, %mul3A_31] : memref<16x10240xf32, #tpu.memory_space<vmem_shared>> -> memref<1x640xf32, #tpu.memory_space<vmem_shared>>
      %dma_start3A_95 = tpu.memref_squeeze %dma_start3A_94 : memref<1x640xf32, #tpu.memory_space<vmem_shared>> -> memref<640xf32, #tpu.memory_space<vmem_shared>>
      tpu.enqueue_dma source(%dma_start3A_95 : memref<640xf32, #tpu.memory_space<vmem_shared>>) target(%dma_start3A_93 : memref<640xf32, #tpu.memory_space<vmem>>) target_semaphore(%run_scoped3A_86 : memref<!tpu.dma_semaphore, #tpu.memory_space<semaphore_mem>>)
      %dma_wait3A = arith.constant 0 : i32
      %dma_wait3A_96 = tpu.memref_slice %arg6[%run_scoped3A_33, %dma_wait3A] : memref<16x640xf32, #tpu.memory_space<vmem>> -> memref<1x640xf32, #tpu.memory_space<vmem>>
      %dma_wait3A_97 = tpu.memref_squeeze %dma_wait3A_96 : memref<1x640xf32, #tpu.memory_space<vmem>> -> memref<640xf32, #tpu.memory_space<vmem>>
      %dma_wait3A_98 = tpu.memref_slice %arg7[%run_scoped3A_32, %mul3A_31] : memref<16x10240xf32, #tpu.memory_space<vmem_shared>> -> memref<1x640xf32, #tpu.memory_space<vmem_shared>>
      %dma_wait3A_99 = tpu.memref_squeeze %dma_wait3A_98 : memref<1x640xf32, #tpu.memory_space<vmem_shared>> -> memref<640xf32, #tpu.memory_space<vmem_shared>>
      %dma_wait3A_100 = arith.constant 0 : i32
      %dma_wait3A_101 = tpu.memref_slice %arg6[%run_scoped3A_33, %dma_wait3A_100] : memref<16x640xf32, #tpu.memory_space<vmem>> -> memref<1x640xf32, #tpu.memory_space<vmem>>
      %dma_wait3A_102 = tpu.memref_squeeze %dma_wait3A_101 : memref<1x640xf32, #tpu.memory_space<vmem>> -> memref<640xf32, #tpu.memory_space<vmem>>
      %dma_wait3A_103 = tpu.memref_slice %arg7[%run_scoped3A_32, %mul3A_31] : memref<16x10240xf32, #tpu.memory_space<vmem_shared>> -> memref<1x640xf32, #tpu.memory_space<vmem_shared>>
      %dma_wait3A_104 = tpu.memref_squeeze %dma_wait3A_103 : memref<1x640xf32, #tpu.memory_space<vmem_shared>> -> memref<640xf32, #tpu.memory_space<vmem_shared>>
      tpu.wait_dma2 semaphore(%run_scoped3A_86 : memref<!tpu.dma_semaphore, #tpu.memory_space<semaphore_mem>>) src(%dma_wait3A_104 : memref<640xf32, #tpu.memory_space<vmem_shared>>) dst(%dma_wait3A_102 : memref<640xf32, #tpu.memory_space<vmem>>)
      tpu.yield
    }) : () -> ()
    %mul3A_34 = arith.constant 640 : i32
    %mul3A_35 = arith.muli %arg1, %mul3A_34 : i32
    %run_scoped3A_36 = arith.constant 5 : i32
    %run_scoped3A_37 = arith.constant 5 : i32
    "tpu.region"() ({
      %run_scoped3A_86 = tpu.sem_alloc : memref<!tpu.dma_semaphore, #tpu.memory_space<semaphore_mem>>
      %dma_start3A = arith.constant 0 : i32
      %dma_start3A_87 = tpu.memref_slice %arg6[%run_scoped3A_37, %dma_start3A] : memref<16x640xf32, #tpu.memory_space<vmem>> -> memref<1x640xf32, #tpu.memory_space<vmem>>
      %dma_start3A_88 = tpu.memref_squeeze %dma_start3A_87 : memref<1x640xf32, #tpu.memory_space<vmem>> -> memref<640xf32, #tpu.memory_space<vmem>>
      %dma_start3A_89 = tpu.memref_slice %arg7[%run_scoped3A_36, %mul3A_35] : memref<16x10240xf32, #tpu.memory_space<vmem_shared>> -> memref<1x640xf32, #tpu.memory_space<vmem_shared>>
      %dma_start3A_90 = tpu.memref_squeeze %dma_start3A_89 : memref<1x640xf32, #tpu.memory_space<vmem_shared>> -> memref<640xf32, #tpu.memory_space<vmem_shared>>
      %dma_start3A_91 = arith.constant 0 : i32
      %dma_start3A_92 = tpu.memref_slice %arg6[%run_scoped3A_37, %dma_start3A_91] : memref<16x640xf32, #tpu.memory_space<vmem>> -> memref<1x640xf32, #tpu.memory_space<vmem>>
      %dma_start3A_93 = tpu.memref_squeeze %dma_start3A_92 : memref<1x640xf32, #tpu.memory_space<vmem>> -> memref<640xf32, #tpu.memory_space<vmem>>
      %dma_start3A_94 = tpu.memref_slice %arg7[%run_scoped3A_36, %mul3A_35] : memref<16x10240xf32, #tpu.memory_space<vmem_shared>> -> memref<1x640xf32, #tpu.memory_space<vmem_shared>>
      %dma_start3A_95 = tpu.memref_squeeze %dma_start3A_94 : memref<1x640xf32, #tpu.memory_space<vmem_shared>> -> memref<640xf32, #tpu.memory_space<vmem_shared>>
      tpu.enqueue_dma source(%dma_start3A_95 : memref<640xf32, #tpu.memory_space<vmem_shared>>) target(%dma_start3A_93 : memref<640xf32, #tpu.memory_space<vmem>>) target_semaphore(%run_scoped3A_86 : memref<!tpu.dma_semaphore, #tpu.memory_space<semaphore_mem>>)
      %dma_wait3A = arith.constant 0 : i32
      %dma_wait3A_96 = tpu.memref_slice %arg6[%run_scoped3A_37, %dma_wait3A] : memref<16x640xf32, #tpu.memory_space<vmem>> -> memref<1x640xf32, #tpu.memory_space<vmem>>
      %dma_wait3A_97 = tpu.memref_squeeze %dma_wait3A_96 : memref<1x640xf32, #tpu.memory_space<vmem>> -> memref<640xf32, #tpu.memory_space<vmem>>
      %dma_wait3A_98 = tpu.memref_slice %arg7[%run_scoped3A_36, %mul3A_35] : memref<16x10240xf32, #tpu.memory_space<vmem_shared>> -> memref<1x640xf32, #tpu.memory_space<vmem_shared>>
      %dma_wait3A_99 = tpu.memref_squeeze %dma_wait3A_98 : memref<1x640xf32, #tpu.memory_space<vmem_shared>> -> memref<640xf32, #tpu.memory_space<vmem_shared>>
      %dma_wait3A_100 = arith.constant 0 : i32
      %dma_wait3A_101 = tpu.memref_slice %arg6[%run_scoped3A_37, %dma_wait3A_100] : memref<16x640xf32, #tpu.memory_space<vmem>> -> memref<1x640xf32, #tpu.memory_space<vmem>>
      %dma_wait3A_102 = tpu.memref_squeeze %dma_wait3A_101 : memref<1x640xf32, #tpu.memory_space<vmem>> -> memref<640xf32, #tpu.memory_space<vmem>>
      %dma_wait3A_103 = tpu.memref_slice %arg7[%run_scoped3A_36, %mul3A_35] : memref<16x10240xf32, #tpu.memory_space<vmem_shared>> -> memref<1x640xf32, #tpu.memory_space<vmem_shared>>
      %dma_wait3A_104 = tpu.memref_squeeze %dma_wait3A_103 : memref<1x640xf32, #tpu.memory_space<vmem_shared>> -> memref<640xf32, #tpu.memory_space<vmem_shared>>
      tpu.wait_dma2 semaphore(%run_scoped3A_86 : memref<!tpu.dma_semaphore, #tpu.memory_space<semaphore_mem>>) src(%dma_wait3A_104 : memref<640xf32, #tpu.memory_space<vmem_shared>>) dst(%dma_wait3A_102 : memref<640xf32, #tpu.memory_space<vmem>>)
      tpu.yield
    }) : () -> ()
    %mul3A_38 = arith.constant 640 : i32
    %mul3A_39 = arith.muli %arg1, %mul3A_38 : i32
    %run_scoped3A_40 = arith.constant 6 : i32
    %run_scoped3A_41 = arith.constant 6 : i32
    "tpu.region"() ({
      %run_scoped3A_86 = tpu.sem_alloc : memref<!tpu.dma_semaphore, #tpu.memory_space<semaphore_mem>>
      %dma_start3A = arith.constant 0 : i32
      %dma_start3A_87 = tpu.memref_slice %arg6[%run_scoped3A_41, %dma_start3A] : memref<16x640xf32, #tpu.memory_space<vmem>> -> memref<1x640xf32, #tpu.memory_space<vmem>>
      %dma_start3A_88 = tpu.memref_squeeze %dma_start3A_87 : memref<1x640xf32, #tpu.memory_space<vmem>> -> memref<640xf32, #tpu.memory_space<vmem>>
      %dma_start3A_89 = tpu.memref_slice %arg7[%run_scoped3A_40, %mul3A_39] : memref<16x10240xf32, #tpu.memory_space<vmem_shared>> -> memref<1x640xf32, #tpu.memory_space<vmem_shared>>
      %dma_start3A_90 = tpu.memref_squeeze %dma_start3A_89 : memref<1x640xf32, #tpu.memory_space<vmem_shared>> -> memref<640xf32, #tpu.memory_space<vmem_shared>>
      %dma_start3A_91 = arith.constant 0 : i32
      %dma_start3A_92 = tpu.memref_slice %arg6[%run_scoped3A_41, %dma_start3A_91] : memref<16x640xf32, #tpu.memory_space<vmem>> -> memref<1x640xf32, #tpu.memory_space<vmem>>
      %dma_start3A_93 = tpu.memref_squeeze %dma_start3A_92 : memref<1x640xf32, #tpu.memory_space<vmem>> -> memref<640xf32, #tpu.memory_space<vmem>>
      %dma_start3A_94 = tpu.memref_slice %arg7[%run_scoped3A_40, %mul3A_39] : memref<16x10240xf32, #tpu.memory_space<vmem_shared>> -> memref<1x640xf32, #tpu.memory_space<vmem_shared>>
      %dma_start3A_95 = tpu.memref_squeeze %dma_start3A_94 : memref<1x640xf32, #tpu.memory_space<vmem_shared>> -> memref<640xf32, #tpu.memory_space<vmem_shared>>
      tpu.enqueue_dma source(%dma_start3A_95 : memref<640xf32, #tpu.memory_space<vmem_shared>>) target(%dma_start3A_93 : memref<640xf32, #tpu.memory_space<vmem>>) target_semaphore(%run_scoped3A_86 : memref<!tpu.dma_semaphore, #tpu.memory_space<semaphore_mem>>)
      %dma_wait3A = arith.constant 0 : i32
      %dma_wait3A_96 = tpu.memref_slice %arg6[%run_scoped3A_41, %dma_wait3A] : memref<16x640xf32, #tpu.memory_space<vmem>> -> memref<1x640xf32, #tpu.memory_space<vmem>>
      %dma_wait3A_97 = tpu.memref_squeeze %dma_wait3A_96 : memref<1x640xf32, #tpu.memory_space<vmem>> -> memref<640xf32, #tpu.memory_space<vmem>>
      %dma_wait3A_98 = tpu.memref_slice %arg7[%run_scoped3A_40, %mul3A_39] : memref<16x10240xf32, #tpu.memory_space<vmem_shared>> -> memref<1x640xf32, #tpu.memory_space<vmem_shared>>
      %dma_wait3A_99 = tpu.memref_squeeze %dma_wait3A_98 : memref<1x640xf32, #tpu.memory_space<vmem_shared>> -> memref<640xf32, #tpu.memory_space<vmem_shared>>
      %dma_wait3A_100 = arith.constant 0 : i32
      %dma_wait3A_101 = tpu.memref_slice %arg6[%run_scoped3A_41, %dma_wait3A_100] : memref<16x640xf32, #tpu.memory_space<vmem>> -> memref<1x640xf32, #tpu.memory_space<vmem>>
      %dma_wait3A_102 = tpu.memref_squeeze %dma_wait3A_101 : memref<1x640xf32, #tpu.memory_space<vmem>> -> memref<640xf32, #tpu.memory_space<vmem>>
      %dma_wait3A_103 = tpu.memref_slice %arg7[%run_scoped3A_40, %mul3A_39] : memref<16x10240xf32, #tpu.memory_space<vmem_shared>> -> memref<1x640xf32, #tpu.memory_space<vmem_shared>>
      %dma_wait3A_104 = tpu.memref_squeeze %dma_wait3A_103 : memref<1x640xf32, #tpu.memory_space<vmem_shared>> -> memref<640xf32, #tpu.memory_space<vmem_shared>>
      tpu.wait_dma2 semaphore(%run_scoped3A_86 : memref<!tpu.dma_semaphore, #tpu.memory_space<semaphore_mem>>) src(%dma_wait3A_104 : memref<640xf32, #tpu.memory_space<vmem_shared>>) dst(%dma_wait3A_102 : memref<640xf32, #tpu.memory_space<vmem>>)
      tpu.yield
    }) : () -> ()
    %mul3A_42 = arith.constant 640 : i32
    %mul3A_43 = arith.muli %arg1, %mul3A_42 : i32
    %run_scoped3A_44 = arith.constant 7 : i32
    %run_scoped3A_45 = arith.constant 7 : i32
    "tpu.region"() ({
      %run_scoped3A_86 = tpu.sem_alloc : memref<!tpu.dma_semaphore, #tpu.memory_space<semaphore_mem>>
      %dma_start3A = arith.constant 0 : i32
      %dma_start3A_87 = tpu.memref_slice %arg6[%run_scoped3A_45, %dma_start3A] : memref<16x640xf32, #tpu.memory_space<vmem>> -> memref<1x640xf32, #tpu.memory_space<vmem>>
      %dma_start3A_88 = tpu.memref_squeeze %dma_start3A_87 : memref<1x640xf32, #tpu.memory_space<vmem>> -> memref<640xf32, #tpu.memory_space<vmem>>
      %dma_start3A_89 = tpu.memref_slice %arg7[%run_scoped3A_44, %mul3A_43] : memref<16x10240xf32, #tpu.memory_space<vmem_shared>> -> memref<1x640xf32, #tpu.memory_space<vmem_shared>>
      %dma_start3A_90 = tpu.memref_squeeze %dma_start3A_89 : memref<1x640xf32, #tpu.memory_space<vmem_shared>> -> memref<640xf32, #tpu.memory_space<vmem_shared>>
      %dma_start3A_91 = arith.constant 0 : i32
      %dma_start3A_92 = tpu.memref_slice %arg6[%run_scoped3A_45, %dma_start3A_91] : memref<16x640xf32, #tpu.memory_space<vmem>> -> memref<1x640xf32, #tpu.memory_space<vmem>>
      %dma_start3A_93 = tpu.memref_squeeze %dma_start3A_92 : memref<1x640xf32, #tpu.memory_space<vmem>> -> memref<640xf32, #tpu.memory_space<vmem>>
      %dma_start3A_94 = tpu.memref_slice %arg7[%run_scoped3A_44, %mul3A_43] : memref<16x10240xf32, #tpu.memory_space<vmem_shared>> -> memref<1x640xf32, #tpu.memory_space<vmem_shared>>
      %dma_start3A_95 = tpu.memref_squeeze %dma_start3A_94 : memref<1x640xf32, #tpu.memory_space<vmem_shared>> -> memref<640xf32, #tpu.memory_space<vmem_shared>>
      tpu.enqueue_dma source(%dma_start3A_95 : memref<640xf32, #tpu.memory_space<vmem_shared>>) target(%dma_start3A_93 : memref<640xf32, #tpu.memory_space<vmem>>) target_semaphore(%run_scoped3A_86 : memref<!tpu.dma_semaphore, #tpu.memory_space<semaphore_mem>>)
      %dma_wait3A = arith.constant 0 : i32
      %dma_wait3A_96 = tpu.memref_slice %arg6[%run_scoped3A_45, %dma_wait3A] : memref<16x640xf32, #tpu.memory_space<vmem>> -> memref<1x640xf32, #tpu.memory_space<vmem>>
      %dma_wait3A_97 = tpu.memref_squeeze %dma_wait3A_96 : memref<1x640xf32, #tpu.memory_space<vmem>> -> memref<640xf32, #tpu.memory_space<vmem>>
      %dma_wait3A_98 = tpu.memref_slice %arg7[%run_scoped3A_44, %mul3A_43] : memref<16x10240xf32, #tpu.memory_space<vmem_shared>> -> memref<1x640xf32, #tpu.memory_space<vmem_shared>>
      %dma_wait3A_99 = tpu.memref_squeeze %dma_wait3A_98 : memref<1x640xf32, #tpu.memory_space<vmem_shared>> -> memref<640xf32, #tpu.memory_space<vmem_shared>>
      %dma_wait3A_100 = arith.constant 0 : i32
      %dma_wait3A_101 = tpu.memref_slice %arg6[%run_scoped3A_45, %dma_wait3A_100] : memref<16x640xf32, #tpu.memory_space<vmem>> -> memref<1x640xf32, #tpu.memory_space<vmem>>
      %dma_wait3A_102 = tpu.memref_squeeze %dma_wait3A_101 : memref<1x640xf32, #tpu.memory_space<vmem>> -> memref<640xf32, #tpu.memory_space<vmem>>
      %dma_wait3A_103 = tpu.memref_slice %arg7[%run_scoped3A_44, %mul3A_43] : memref<16x10240xf32, #tpu.memory_space<vmem_shared>> -> memref<1x640xf32, #tpu.memory_space<vmem_shared>>
      %dma_wait3A_104 = tpu.memref_squeeze %dma_wait3A_103 : memref<1x640xf32, #tpu.memory_space<vmem_shared>> -> memref<640xf32, #tpu.memory_space<vmem_shared>>
      tpu.wait_dma2 semaphore(%run_scoped3A_86 : memref<!tpu.dma_semaphore, #tpu.memory_space<semaphore_mem>>) src(%dma_wait3A_104 : memref<640xf32, #tpu.memory_space<vmem_shared>>) dst(%dma_wait3A_102 : memref<640xf32, #tpu.memory_space<vmem>>)
      tpu.yield
    }) : () -> ()
    %mul3A_46 = arith.constant 640 : i32
    %mul3A_47 = arith.muli %arg1, %mul3A_46 : i32
    %run_scoped3A_48 = arith.constant 8 : i32
    %run_scoped3A_49 = arith.constant 8 : i32
    "tpu.region"() ({
      %run_scoped3A_86 = tpu.sem_alloc : memref<!tpu.dma_semaphore, #tpu.memory_space<semaphore_mem>>
      %dma_start3A = arith.constant 0 : i32
      %dma_start3A_87 = tpu.memref_slice %arg6[%run_scoped3A_49, %dma_start3A] : memref<16x640xf32, #tpu.memory_space<vmem>> -> memref<1x640xf32, #tpu.memory_space<vmem>>
      %dma_start3A_88 = tpu.memref_squeeze %dma_start3A_87 : memref<1x640xf32, #tpu.memory_space<vmem>> -> memref<640xf32, #tpu.memory_space<vmem>>
      %dma_start3A_89 = tpu.memref_slice %arg7[%run_scoped3A_48, %mul3A_47] : memref<16x10240xf32, #tpu.memory_space<vmem_shared>> -> memref<1x640xf32, #tpu.memory_space<vmem_shared>>
      %dma_start3A_90 = tpu.memref_squeeze %dma_start3A_89 : memref<1x640xf32, #tpu.memory_space<vmem_shared>> -> memref<640xf32, #tpu.memory_space<vmem_shared>>
      %dma_start3A_91 = arith.constant 0 : i32
      %dma_start3A_92 = tpu.memref_slice %arg6[%run_scoped3A_49, %dma_start3A_91] : memref<16x640xf32, #tpu.memory_space<vmem>> -> memref<1x640xf32, #tpu.memory_space<vmem>>
      %dma_start3A_93 = tpu.memref_squeeze %dma_start3A_92 : memref<1x640xf32, #tpu.memory_space<vmem>> -> memref<640xf32, #tpu.memory_space<vmem>>
      %dma_start3A_94 = tpu.memref_slice %arg7[%run_scoped3A_48, %mul3A_47] : memref<16x10240xf32, #tpu.memory_space<vmem_shared>> -> memref<1x640xf32, #tpu.memory_space<vmem_shared>>
      %dma_start3A_95 = tpu.memref_squeeze %dma_start3A_94 : memref<1x640xf32, #tpu.memory_space<vmem_shared>> -> memref<640xf32, #tpu.memory_space<vmem_shared>>
      tpu.enqueue_dma source(%dma_start3A_95 : memref<640xf32, #tpu.memory_space<vmem_shared>>) target(%dma_start3A_93 : memref<640xf32, #tpu.memory_space<vmem>>) target_semaphore(%run_scoped3A_86 : memref<!tpu.dma_semaphore, #tpu.memory_space<semaphore_mem>>)
      %dma_wait3A = arith.constant 0 : i32
      %dma_wait3A_96 = tpu.memref_slice %arg6[%run_scoped3A_49, %dma_wait3A] : memref<16x640xf32, #tpu.memory_space<vmem>> -> memref<1x640xf32, #tpu.memory_space<vmem>>
      %dma_wait3A_97 = tpu.memref_squeeze %dma_wait3A_96 : memref<1x640xf32, #tpu.memory_space<vmem>> -> memref<640xf32, #tpu.memory_space<vmem>>
      %dma_wait3A_98 = tpu.memref_slice %arg7[%run_scoped3A_48, %mul3A_47] : memref<16x10240xf32, #tpu.memory_space<vmem_shared>> -> memref<1x640xf32, #tpu.memory_space<vmem_shared>>
      %dma_wait3A_99 = tpu.memref_squeeze %dma_wait3A_98 : memref<1x640xf32, #tpu.memory_space<vmem_shared>> -> memref<640xf32, #tpu.memory_space<vmem_shared>>
      %dma_wait3A_100 = arith.constant 0 : i32
      %dma_wait3A_101 = tpu.memref_slice %arg6[%run_scoped3A_49, %dma_wait3A_100] : memref<16x640xf32, #tpu.memory_space<vmem>> -> memref<1x640xf32, #tpu.memory_space<vmem>>
      %dma_wait3A_102 = tpu.memref_squeeze %dma_wait3A_101 : memref<1x640xf32, #tpu.memory_space<vmem>> -> memref<640xf32, #tpu.memory_space<vmem>>
      %dma_wait3A_103 = tpu.memref_slice %arg7[%run_scoped3A_48, %mul3A_47] : memref<16x10240xf32, #tpu.memory_space<vmem_shared>> -> memref<1x640xf32, #tpu.memory_space<vmem_shared>>
      %dma_wait3A_104 = tpu.memref_squeeze %dma_wait3A_103 : memref<1x640xf32, #tpu.memory_space<vmem_shared>> -> memref<640xf32, #tpu.memory_space<vmem_shared>>
      tpu.wait_dma2 semaphore(%run_scoped3A_86 : memref<!tpu.dma_semaphore, #tpu.memory_space<semaphore_mem>>) src(%dma_wait3A_104 : memref<640xf32, #tpu.memory_space<vmem_shared>>) dst(%dma_wait3A_102 : memref<640xf32, #tpu.memory_space<vmem>>)
      tpu.yield
    }) : () -> ()
    %mul3A_50 = arith.constant 640 : i32
    %mul3A_51 = arith.muli %arg1, %mul3A_50 : i32
    %run_scoped3A_52 = arith.constant 9 : i32
    %run_scoped3A_53 = arith.constant 9 : i32
    "tpu.region"() ({
      %run_scoped3A_86 = tpu.sem_alloc : memref<!tpu.dma_semaphore, #tpu.memory_space<semaphore_mem>>
      %dma_start3A = arith.constant 0 : i32
      %dma_start3A_87 = tpu.memref_slice %arg6[%run_scoped3A_53, %dma_start3A] : memref<16x640xf32, #tpu.memory_space<vmem>> -> memref<1x640xf32, #tpu.memory_space<vmem>>
      %dma_start3A_88 = tpu.memref_squeeze %dma_start3A_87 : memref<1x640xf32, #tpu.memory_space<vmem>> -> memref<640xf32, #tpu.memory_space<vmem>>
      %dma_start3A_89 = tpu.memref_slice %arg7[%run_scoped3A_52, %mul3A_51] : memref<16x10240xf32, #tpu.memory_space<vmem_shared>> -> memref<1x640xf32, #tpu.memory_space<vmem_shared>>
      %dma_start3A_90 = tpu.memref_squeeze %dma_start3A_89 : memref<1x640xf32, #tpu.memory_space<vmem_shared>> -> memref<640xf32, #tpu.memory_space<vmem_shared>>
      %dma_start3A_91 = arith.constant 0 : i32
      %dma_start3A_92 = tpu.memref_slice %arg6[%run_scoped3A_53, %dma_start3A_91] : memref<16x640xf32, #tpu.memory_space<vmem>> -> memref<1x640xf32, #tpu.memory_space<vmem>>
      %dma_start3A_93 = tpu.memref_squeeze %dma_start3A_92 : memref<1x640xf32, #tpu.memory_space<vmem>> -> memref<640xf32, #tpu.memory_space<vmem>>
      %dma_start3A_94 = tpu.memref_slice %arg7[%run_scoped3A_52, %mul3A_51] : memref<16x10240xf32, #tpu.memory_space<vmem_shared>> -> memref<1x640xf32, #tpu.memory_space<vmem_shared>>
      %dma_start3A_95 = tpu.memref_squeeze %dma_start3A_94 : memref<1x640xf32, #tpu.memory_space<vmem_shared>> -> memref<640xf32, #tpu.memory_space<vmem_shared>>
      tpu.enqueue_dma source(%dma_start3A_95 : memref<640xf32, #tpu.memory_space<vmem_shared>>) target(%dma_start3A_93 : memref<640xf32, #tpu.memory_space<vmem>>) target_semaphore(%run_scoped3A_86 : memref<!tpu.dma_semaphore, #tpu.memory_space<semaphore_mem>>)
      %dma_wait3A = arith.constant 0 : i32
      %dma_wait3A_96 = tpu.memref_slice %arg6[%run_scoped3A_53, %dma_wait3A] : memref<16x640xf32, #tpu.memory_space<vmem>> -> memref<1x640xf32, #tpu.memory_space<vmem>>
      %dma_wait3A_97 = tpu.memref_squeeze %dma_wait3A_96 : memref<1x640xf32, #tpu.memory_space<vmem>> -> memref<640xf32, #tpu.memory_space<vmem>>
      %dma_wait3A_98 = tpu.memref_slice %arg7[%run_scoped3A_52, %mul3A_51] : memref<16x10240xf32, #tpu.memory_space<vmem_shared>> -> memref<1x640xf32, #tpu.memory_space<vmem_shared>>
      %dma_wait3A_99 = tpu.memref_squeeze %dma_wait3A_98 : memref<1x640xf32, #tpu.memory_space<vmem_shared>> -> memref<640xf32, #tpu.memory_space<vmem_shared>>
      %dma_wait3A_100 = arith.constant 0 : i32
      %dma_wait3A_101 = tpu.memref_slice %arg6[%run_scoped3A_53, %dma_wait3A_100] : memref<16x640xf32, #tpu.memory_space<vmem>> -> memref<1x640xf32, #tpu.memory_space<vmem>>
      %dma_wait3A_102 = tpu.memref_squeeze %dma_wait3A_101 : memref<1x640xf32, #tpu.memory_space<vmem>> -> memref<640xf32, #tpu.memory_space<vmem>>
      %dma_wait3A_103 = tpu.memref_slice %arg7[%run_scoped3A_52, %mul3A_51] : memref<16x10240xf32, #tpu.memory_space<vmem_shared>> -> memref<1x640xf32, #tpu.memory_space<vmem_shared>>
      %dma_wait3A_104 = tpu.memref_squeeze %dma_wait3A_103 : memref<1x640xf32, #tpu.memory_space<vmem_shared>> -> memref<640xf32, #tpu.memory_space<vmem_shared>>
      tpu.wait_dma2 semaphore(%run_scoped3A_86 : memref<!tpu.dma_semaphore, #tpu.memory_space<semaphore_mem>>) src(%dma_wait3A_104 : memref<640xf32, #tpu.memory_space<vmem_shared>>) dst(%dma_wait3A_102 : memref<640xf32, #tpu.memory_space<vmem>>)
      tpu.yield
    }) : () -> ()
    %mul3A_54 = arith.constant 640 : i32
    %mul3A_55 = arith.muli %arg1, %mul3A_54 : i32
    %run_scoped3A_56 = arith.constant 10 : i32
    %run_scoped3A_57 = arith.constant 10 : i32
    "tpu.region"() ({
      %run_scoped3A_86 = tpu.sem_alloc : memref<!tpu.dma_semaphore, #tpu.memory_space<semaphore_mem>>
      %dma_start3A = arith.constant 0 : i32
      %dma_start3A_87 = tpu.memref_slice %arg6[%run_scoped3A_57, %dma_start3A] : memref<16x640xf32, #tpu.memory_space<vmem>> -> memref<1x640xf32, #tpu.memory_space<vmem>>
      %dma_start3A_88 = tpu.memref_squeeze %dma_start3A_87 : memref<1x640xf32, #tpu.memory_space<vmem>> -> memref<640xf32, #tpu.memory_space<vmem>>
      %dma_start3A_89 = tpu.memref_slice %arg7[%run_scoped3A_56, %mul3A_55] : memref<16x10240xf32, #tpu.memory_space<vmem_shared>> -> memref<1x640xf32, #tpu.memory_space<vmem_shared>>
      %dma_start3A_90 = tpu.memref_squeeze %dma_start3A_89 : memref<1x640xf32, #tpu.memory_space<vmem_shared>> -> memref<640xf32, #tpu.memory_space<vmem_shared>>
      %dma_start3A_91 = arith.constant 0 : i32
      %dma_start3A_92 = tpu.memref_slice %arg6[%run_scoped3A_57, %dma_start3A_91] : memref<16x640xf32, #tpu.memory_space<vmem>> -> memref<1x640xf32, #tpu.memory_space<vmem>>
      %dma_start3A_93 = tpu.memref_squeeze %dma_start3A_92 : memref<1x640xf32, #tpu.memory_space<vmem>> -> memref<640xf32, #tpu.memory_space<vmem>>
      %dma_start3A_94 = tpu.memref_slice %arg7[%run_scoped3A_56, %mul3A_55] : memref<16x10240xf32, #tpu.memory_space<vmem_shared>> -> memref<1x640xf32, #tpu.memory_space<vmem_shared>>
      %dma_start3A_95 = tpu.memref_squeeze %dma_start3A_94 : memref<1x640xf32, #tpu.memory_space<vmem_shared>> -> memref<640xf32, #tpu.memory_space<vmem_shared>>
      tpu.enqueue_dma source(%dma_start3A_95 : memref<640xf32, #tpu.memory_space<vmem_shared>>) target(%dma_start3A_93 : memref<640xf32, #tpu.memory_space<vmem>>) target_semaphore(%run_scoped3A_86 : memref<!tpu.dma_semaphore, #tpu.memory_space<semaphore_mem>>)
      %dma_wait3A = arith.constant 0 : i32
      %dma_wait3A_96 = tpu.memref_slice %arg6[%run_scoped3A_57, %dma_wait3A] : memref<16x640xf32, #tpu.memory_space<vmem>> -> memref<1x640xf32, #tpu.memory_space<vmem>>
      %dma_wait3A_97 = tpu.memref_squeeze %dma_wait3A_96 : memref<1x640xf32, #tpu.memory_space<vmem>> -> memref<640xf32, #tpu.memory_space<vmem>>
      %dma_wait3A_98 = tpu.memref_slice %arg7[%run_scoped3A_56, %mul3A_55] : memref<16x10240xf32, #tpu.memory_space<vmem_shared>> -> memref<1x640xf32, #tpu.memory_space<vmem_shared>>
      %dma_wait3A_99 = tpu.memref_squeeze %dma_wait3A_98 : memref<1x640xf32, #tpu.memory_space<vmem_shared>> -> memref<640xf32, #tpu.memory_space<vmem_shared>>
      %dma_wait3A_100 = arith.constant 0 : i32
      %dma_wait3A_101 = tpu.memref_slice %arg6[%run_scoped3A_57, %dma_wait3A_100] : memref<16x640xf32, #tpu.memory_space<vmem>> -> memref<1x640xf32, #tpu.memory_space<vmem>>
      %dma_wait3A_102 = tpu.memref_squeeze %dma_wait3A_101 : memref<1x640xf32, #tpu.memory_space<vmem>> -> memref<640xf32, #tpu.memory_space<vmem>>
      %dma_wait3A_103 = tpu.memref_slice %arg7[%run_scoped3A_56, %mul3A_55] : memref<16x10240xf32, #tpu.memory_space<vmem_shared>> -> memref<1x640xf32, #tpu.memory_space<vmem_shared>>
      %dma_wait3A_104 = tpu.memref_squeeze %dma_wait3A_103 : memref<1x640xf32, #tpu.memory_space<vmem_shared>> -> memref<640xf32, #tpu.memory_space<vmem_shared>>
      tpu.wait_dma2 semaphore(%run_scoped3A_86 : memref<!tpu.dma_semaphore, #tpu.memory_space<semaphore_mem>>) src(%dma_wait3A_104 : memref<640xf32, #tpu.memory_space<vmem_shared>>) dst(%dma_wait3A_102 : memref<640xf32, #tpu.memory_space<vmem>>)
      tpu.yield
    }) : () -> ()
    %mul3A_58 = arith.constant 640 : i32
    %mul3A_59 = arith.muli %arg1, %mul3A_58 : i32
    %run_scoped3A_60 = arith.constant 11 : i32
    %run_scoped3A_61 = arith.constant 11 : i32
    "tpu.region"() ({
      %run_scoped3A_86 = tpu.sem_alloc : memref<!tpu.dma_semaphore, #tpu.memory_space<semaphore_mem>>
      %dma_start3A = arith.constant 0 : i32
      %dma_start3A_87 = tpu.memref_slice %arg6[%run_scoped3A_61, %dma_start3A] : memref<16x640xf32, #tpu.memory_space<vmem>> -> memref<1x640xf32, #tpu.memory_space<vmem>>
      %dma_start3A_88 = tpu.memref_squeeze %dma_start3A_87 : memref<1x640xf32, #tpu.memory_space<vmem>> -> memref<640xf32, #tpu.memory_space<vmem>>
      %dma_start3A_89 = tpu.memref_slice %arg7[%run_scoped3A_60, %mul3A_59] : memref<16x10240xf32, #tpu.memory_space<vmem_shared>> -> memref<1x640xf32, #tpu.memory_space<vmem_shared>>
      %dma_start3A_90 = tpu.memref_squeeze %dma_start3A_89 : memref<1x640xf32, #tpu.memory_space<vmem_shared>> -> memref<640xf32, #tpu.memory_space<vmem_shared>>
      %dma_start3A_91 = arith.constant 0 : i32
      %dma_start3A_92 = tpu.memref_slice %arg6[%run_scoped3A_61, %dma_start3A_91] : memref<16x640xf32, #tpu.memory_space<vmem>> -> memref<1x640xf32, #tpu.memory_space<vmem>>
      %dma_start3A_93 = tpu.memref_squeeze %dma_start3A_92 : memref<1x640xf32, #tpu.memory_space<vmem>> -> memref<640xf32, #tpu.memory_space<vmem>>
      %dma_start3A_94 = tpu.memref_slice %arg7[%run_scoped3A_60, %mul3A_59] : memref<16x10240xf32, #tpu.memory_space<vmem_shared>> -> memref<1x640xf32, #tpu.memory_space<vmem_shared>>
      %dma_start3A_95 = tpu.memref_squeeze %dma_start3A_94 : memref<1x640xf32, #tpu.memory_space<vmem_shared>> -> memref<640xf32, #tpu.memory_space<vmem_shared>>
      tpu.enqueue_dma source(%dma_start3A_95 : memref<640xf32, #tpu.memory_space<vmem_shared>>) target(%dma_start3A_93 : memref<640xf32, #tpu.memory_space<vmem>>) target_semaphore(%run_scoped3A_86 : memref<!tpu.dma_semaphore, #tpu.memory_space<semaphore_mem>>)
      %dma_wait3A = arith.constant 0 : i32
      %dma_wait3A_96 = tpu.memref_slice %arg6[%run_scoped3A_61, %dma_wait3A] : memref<16x640xf32, #tpu.memory_space<vmem>> -> memref<1x640xf32, #tpu.memory_space<vmem>>
      %dma_wait3A_97 = tpu.memref_squeeze %dma_wait3A_96 : memref<1x640xf32, #tpu.memory_space<vmem>> -> memref<640xf32, #tpu.memory_space<vmem>>
      %dma_wait3A_98 = tpu.memref_slice %arg7[%run_scoped3A_60, %mul3A_59] : memref<16x10240xf32, #tpu.memory_space<vmem_shared>> -> memref<1x640xf32, #tpu.memory_space<vmem_shared>>
      %dma_wait3A_99 = tpu.memref_squeeze %dma_wait3A_98 : memref<1x640xf32, #tpu.memory_space<vmem_shared>> -> memref<640xf32, #tpu.memory_space<vmem_shared>>
      %dma_wait3A_100 = arith.constant 0 : i32
      %dma_wait3A_101 = tpu.memref_slice %arg6[%run_scoped3A_61, %dma_wait3A_100] : memref<16x640xf32, #tpu.memory_space<vmem>> -> memref<1x640xf32, #tpu.memory_space<vmem>>
      %dma_wait3A_102 = tpu.memref_squeeze %dma_wait3A_101 : memref<1x640xf32, #tpu.memory_space<vmem>> -> memref<640xf32, #tpu.memory_space<vmem>>
      %dma_wait3A_103 = tpu.memref_slice %arg7[%run_scoped3A_60, %mul3A_59] : memref<16x10240xf32, #tpu.memory_space<vmem_shared>> -> memref<1x640xf32, #tpu.memory_space<vmem_shared>>
      %dma_wait3A_104 = tpu.memref_squeeze %dma_wait3A_103 : memref<1x640xf32, #tpu.memory_space<vmem_shared>> -> memref<640xf32, #tpu.memory_space<vmem_shared>>
      tpu.wait_dma2 semaphore(%run_scoped3A_86 : memref<!tpu.dma_semaphore, #tpu.memory_space<semaphore_mem>>) src(%dma_wait3A_104 : memref<640xf32, #tpu.memory_space<vmem_shared>>) dst(%dma_wait3A_102 : memref<640xf32, #tpu.memory_space<vmem>>)
      tpu.yield
    }) : () -> ()
    %mul3A_62 = arith.constant 640 : i32
    %mul3A_63 = arith.muli %arg1, %mul3A_62 : i32
    %run_scoped3A_64 = arith.constant 12 : i32
    %run_scoped3A_65 = arith.constant 12 : i32
    "tpu.region"() ({
      %run_scoped3A_86 = tpu.sem_alloc : memref<!tpu.dma_semaphore, #tpu.memory_space<semaphore_mem>>
      %dma_start3A = arith.constant 0 : i32
      %dma_start3A_87 = tpu.memref_slice %arg6[%run_scoped3A_65, %dma_start3A] : memref<16x640xf32, #tpu.memory_space<vmem>> -> memref<1x640xf32, #tpu.memory_space<vmem>>
      %dma_start3A_88 = tpu.memref_squeeze %dma_start3A_87 : memref<1x640xf32, #tpu.memory_space<vmem>> -> memref<640xf32, #tpu.memory_space<vmem>>
      %dma_start3A_89 = tpu.memref_slice %arg7[%run_scoped3A_64, %mul3A_63] : memref<16x10240xf32, #tpu.memory_space<vmem_shared>> -> memref<1x640xf32, #tpu.memory_space<vmem_shared>>
      %dma_start3A_90 = tpu.memref_squeeze %dma_start3A_89 : memref<1x640xf32, #tpu.memory_space<vmem_shared>> -> memref<640xf32, #tpu.memory_space<vmem_shared>>
      %dma_start3A_91 = arith.constant 0 : i32
      %dma_start3A_92 = tpu.memref_slice %arg6[%run_scoped3A_65, %dma_start3A_91] : memref<16x640xf32, #tpu.memory_space<vmem>> -> memref<1x640xf32, #tpu.memory_space<vmem>>
      %dma_start3A_93 = tpu.memref_squeeze %dma_start3A_92 : memref<1x640xf32, #tpu.memory_space<vmem>> -> memref<640xf32, #tpu.memory_space<vmem>>
      %dma_start3A_94 = tpu.memref_slice %arg7[%run_scoped3A_64, %mul3A_63] : memref<16x10240xf32, #tpu.memory_space<vmem_shared>> -> memref<1x640xf32, #tpu.memory_space<vmem_shared>>
      %dma_start3A_95 = tpu.memref_squeeze %dma_start3A_94 : memref<1x640xf32, #tpu.memory_space<vmem_shared>> -> memref<640xf32, #tpu.memory_space<vmem_shared>>
      tpu.enqueue_dma source(%dma_start3A_95 : memref<640xf32, #tpu.memory_space<vmem_shared>>) target(%dma_start3A_93 : memref<640xf32, #tpu.memory_space<vmem>>) target_semaphore(%run_scoped3A_86 : memref<!tpu.dma_semaphore, #tpu.memory_space<semaphore_mem>>)
      %dma_wait3A = arith.constant 0 : i32
      %dma_wait3A_96 = tpu.memref_slice %arg6[%run_scoped3A_65, %dma_wait3A] : memref<16x640xf32, #tpu.memory_space<vmem>> -> memref<1x640xf32, #tpu.memory_space<vmem>>
      %dma_wait3A_97 = tpu.memref_squeeze %dma_wait3A_96 : memref<1x640xf32, #tpu.memory_space<vmem>> -> memref<640xf32, #tpu.memory_space<vmem>>
      %dma_wait3A_98 = tpu.memref_slice %arg7[%run_scoped3A_64, %mul3A_63] : memref<16x10240xf32, #tpu.memory_space<vmem_shared>> -> memref<1x640xf32, #tpu.memory_space<vmem_shared>>
      %dma_wait3A_99 = tpu.memref_squeeze %dma_wait3A_98 : memref<1x640xf32, #tpu.memory_space<vmem_shared>> -> memref<640xf32, #tpu.memory_space<vmem_shared>>
      %dma_wait3A_100 = arith.constant 0 : i32
      %dma_wait3A_101 = tpu.memref_slice %arg6[%run_scoped3A_65, %dma_wait3A_100] : memref<16x640xf32, #tpu.memory_space<vmem>> -> memref<1x640xf32, #tpu.memory_space<vmem>>
      %dma_wait3A_102 = tpu.memref_squeeze %dma_wait3A_101 : memref<1x640xf32, #tpu.memory_space<vmem>> -> memref<640xf32, #tpu.memory_space<vmem>>
      %dma_wait3A_103 = tpu.memref_slice %arg7[%run_scoped3A_64, %mul3A_63] : memref<16x10240xf32, #tpu.memory_space<vmem_shared>> -> memref<1x640xf32, #tpu.memory_space<vmem_shared>>
      %dma_wait3A_104 = tpu.memref_squeeze %dma_wait3A_103 : memref<1x640xf32, #tpu.memory_space<vmem_shared>> -> memref<640xf32, #tpu.memory_space<vmem_shared>>
      tpu.wait_dma2 semaphore(%run_scoped3A_86 : memref<!tpu.dma_semaphore, #tpu.memory_space<semaphore_mem>>) src(%dma_wait3A_104 : memref<640xf32, #tpu.memory_space<vmem_shared>>) dst(%dma_wait3A_102 : memref<640xf32, #tpu.memory_space<vmem>>)
      tpu.yield
    }) : () -> ()
    %mul3A_66 = arith.constant 640 : i32
    %mul3A_67 = arith.muli %arg1, %mul3A_66 : i32
    %run_scoped3A_68 = arith.constant 13 : i32
    %run_scoped3A_69 = arith.constant 13 : i32
    "tpu.region"() ({
      %run_scoped3A_86 = tpu.sem_alloc : memref<!tpu.dma_semaphore, #tpu.memory_space<semaphore_mem>>
      %dma_start3A = arith.constant 0 : i32
      %dma_start3A_87 = tpu.memref_slice %arg6[%run_scoped3A_69, %dma_start3A] : memref<16x640xf32, #tpu.memory_space<vmem>> -> memref<1x640xf32, #tpu.memory_space<vmem>>
      %dma_start3A_88 = tpu.memref_squeeze %dma_start3A_87 : memref<1x640xf32, #tpu.memory_space<vmem>> -> memref<640xf32, #tpu.memory_space<vmem>>
      %dma_start3A_89 = tpu.memref_slice %arg7[%run_scoped3A_68, %mul3A_67] : memref<16x10240xf32, #tpu.memory_space<vmem_shared>> -> memref<1x640xf32, #tpu.memory_space<vmem_shared>>
      %dma_start3A_90 = tpu.memref_squeeze %dma_start3A_89 : memref<1x640xf32, #tpu.memory_space<vmem_shared>> -> memref<640xf32, #tpu.memory_space<vmem_shared>>
      %dma_start3A_91 = arith.constant 0 : i32
      %dma_start3A_92 = tpu.memref_slice %arg6[%run_scoped3A_69, %dma_start3A_91] : memref<16x640xf32, #tpu.memory_space<vmem>> -> memref<1x640xf32, #tpu.memory_space<vmem>>
      %dma_start3A_93 = tpu.memref_squeeze %dma_start3A_92 : memref<1x640xf32, #tpu.memory_space<vmem>> -> memref<640xf32, #tpu.memory_space<vmem>>
      %dma_start3A_94 = tpu.memref_slice %arg7[%run_scoped3A_68, %mul3A_67] : memref<16x10240xf32, #tpu.memory_space<vmem_shared>> -> memref<1x640xf32, #tpu.memory_space<vmem_shared>>
      %dma_start3A_95 = tpu.memref_squeeze %dma_start3A_94 : memref<1x640xf32, #tpu.memory_space<vmem_shared>> -> memref<640xf32, #tpu.memory_space<vmem_shared>>
      tpu.enqueue_dma source(%dma_start3A_95 : memref<640xf32, #tpu.memory_space<vmem_shared>>) target(%dma_start3A_93 : memref<640xf32, #tpu.memory_space<vmem>>) target_semaphore(%run_scoped3A_86 : memref<!tpu.dma_semaphore, #tpu.memory_space<semaphore_mem>>)
      %dma_wait3A = arith.constant 0 : i32
      %dma_wait3A_96 = tpu.memref_slice %arg6[%run_scoped3A_69, %dma_wait3A] : memref<16x640xf32, #tpu.memory_space<vmem>> -> memref<1x640xf32, #tpu.memory_space<vmem>>
      %dma_wait3A_97 = tpu.memref_squeeze %dma_wait3A_96 : memref<1x640xf32, #tpu.memory_space<vmem>> -> memref<640xf32, #tpu.memory_space<vmem>>
      %dma_wait3A_98 = tpu.memref_slice %arg7[%run_scoped3A_68, %mul3A_67] : memref<16x10240xf32, #tpu.memory_space<vmem_shared>> -> memref<1x640xf32, #tpu.memory_space<vmem_shared>>
      %dma_wait3A_99 = tpu.memref_squeeze %dma_wait3A_98 : memref<1x640xf32, #tpu.memory_space<vmem_shared>> -> memref<640xf32, #tpu.memory_space<vmem_shared>>
      %dma_wait3A_100 = arith.constant 0 : i32
      %dma_wait3A_101 = tpu.memref_slice %arg6[%run_scoped3A_69, %dma_wait3A_100] : memref<16x640xf32, #tpu.memory_space<vmem>> -> memref<1x640xf32, #tpu.memory_space<vmem>>
      %dma_wait3A_102 = tpu.memref_squeeze %dma_wait3A_101 : memref<1x640xf32, #tpu.memory_space<vmem>> -> memref<640xf32, #tpu.memory_space<vmem>>
      %dma_wait3A_103 = tpu.memref_slice %arg7[%run_scoped3A_68, %mul3A_67] : memref<16x10240xf32, #tpu.memory_space<vmem_shared>> -> memref<1x640xf32, #tpu.memory_space<vmem_shared>>
      %dma_wait3A_104 = tpu.memref_squeeze %dma_wait3A_103 : memref<1x640xf32, #tpu.memory_space<vmem_shared>> -> memref<640xf32, #tpu.memory_space<vmem_shared>>
      tpu.wait_dma2 semaphore(%run_scoped3A_86 : memref<!tpu.dma_semaphore, #tpu.memory_space<semaphore_mem>>) src(%dma_wait3A_104 : memref<640xf32, #tpu.memory_space<vmem_shared>>) dst(%dma_wait3A_102 : memref<640xf32, #tpu.memory_space<vmem>>)
      tpu.yield
    }) : () -> ()
    %mul3A_70 = arith.constant 640 : i32
    %mul3A_71 = arith.muli %arg1, %mul3A_70 : i32
    %run_scoped3A_72 = arith.constant 14 : i32
    %run_scoped3A_73 = arith.constant 14 : i32
    "tpu.region"() ({
      %run_scoped3A_86 = tpu.sem_alloc : memref<!tpu.dma_semaphore, #tpu.memory_space<semaphore_mem>>
      %dma_start3A = arith.constant 0 : i32
      %dma_start3A_87 = tpu.memref_slice %arg6[%run_scoped3A_73, %dma_start3A] : memref<16x640xf32, #tpu.memory_space<vmem>> -> memref<1x640xf32, #tpu.memory_space<vmem>>
      %dma_start3A_88 = tpu.memref_squeeze %dma_start3A_87 : memref<1x640xf32, #tpu.memory_space<vmem>> -> memref<640xf32, #tpu.memory_space<vmem>>
      %dma_start3A_89 = tpu.memref_slice %arg7[%run_scoped3A_72, %mul3A_71] : memref<16x10240xf32, #tpu.memory_space<vmem_shared>> -> memref<1x640xf32, #tpu.memory_space<vmem_shared>>
      %dma_start3A_90 = tpu.memref_squeeze %dma_start3A_89 : memref<1x640xf32, #tpu.memory_space<vmem_shared>> -> memref<640xf32, #tpu.memory_space<vmem_shared>>
      %dma_start3A_91 = arith.constant 0 : i32
      %dma_start3A_92 = tpu.memref_slice %arg6[%run_scoped3A_73, %dma_start3A_91] : memref<16x640xf32, #tpu.memory_space<vmem>> -> memref<1x640xf32, #tpu.memory_space<vmem>>
      %dma_start3A_93 = tpu.memref_squeeze %dma_start3A_92 : memref<1x640xf32, #tpu.memory_space<vmem>> -> memref<640xf32, #tpu.memory_space<vmem>>
      %dma_start3A_94 = tpu.memref_slice %arg7[%run_scoped3A_72, %mul3A_71] : memref<16x10240xf32, #tpu.memory_space<vmem_shared>> -> memref<1x640xf32, #tpu.memory_space<vmem_shared>>
      %dma_start3A_95 = tpu.memref_squeeze %dma_start3A_94 : memref<1x640xf32, #tpu.memory_space<vmem_shared>> -> memref<640xf32, #tpu.memory_space<vmem_shared>>
      tpu.enqueue_dma source(%dma_start3A_95 : memref<640xf32, #tpu.memory_space<vmem_shared>>) target(%dma_start3A_93 : memref<640xf32, #tpu.memory_space<vmem>>) target_semaphore(%run_scoped3A_86 : memref<!tpu.dma_semaphore, #tpu.memory_space<semaphore_mem>>)
      %dma_wait3A = arith.constant 0 : i32
      %dma_wait3A_96 = tpu.memref_slice %arg6[%run_scoped3A_73, %dma_wait3A] : memref<16x640xf32, #tpu.memory_space<vmem>> -> memref<1x640xf32, #tpu.memory_space<vmem>>
      %dma_wait3A_97 = tpu.memref_squeeze %dma_wait3A_96 : memref<1x640xf32, #tpu.memory_space<vmem>> -> memref<640xf32, #tpu.memory_space<vmem>>
      %dma_wait3A_98 = tpu.memref_slice %arg7[%run_scoped3A_72, %mul3A_71] : memref<16x10240xf32, #tpu.memory_space<vmem_shared>> -> memref<1x640xf32, #tpu.memory_space<vmem_shared>>
      %dma_wait3A_99 = tpu.memref_squeeze %dma_wait3A_98 : memref<1x640xf32, #tpu.memory_space<vmem_shared>> -> memref<640xf32, #tpu.memory_space<vmem_shared>>
      %dma_wait3A_100 = arith.constant 0 : i32
      %dma_wait3A_101 = tpu.memref_slice %arg6[%run_scoped3A_73, %dma_wait3A_100] : memref<16x640xf32, #tpu.memory_space<vmem>> -> memref<1x640xf32, #tpu.memory_space<vmem>>
      %dma_wait3A_102 = tpu.memref_squeeze %dma_wait3A_101 : memref<1x640xf32, #tpu.memory_space<vmem>> -> memref<640xf32, #tpu.memory_space<vmem>>
      %dma_wait3A_103 = tpu.memref_slice %arg7[%run_scoped3A_72, %mul3A_71] : memref<16x10240xf32, #tpu.memory_space<vmem_shared>> -> memref<1x640xf32, #tpu.memory_space<vmem_shared>>
      %dma_wait3A_104 = tpu.memref_squeeze %dma_wait3A_103 : memref<1x640xf32, #tpu.memory_space<vmem_shared>> -> memref<640xf32, #tpu.memory_space<vmem_shared>>
      tpu.wait_dma2 semaphore(%run_scoped3A_86 : memref<!tpu.dma_semaphore, #tpu.memory_space<semaphore_mem>>) src(%dma_wait3A_104 : memref<640xf32, #tpu.memory_space<vmem_shared>>) dst(%dma_wait3A_102 : memref<640xf32, #tpu.memory_space<vmem>>)
      tpu.yield
    }) : () -> ()
    %mul3A_74 = arith.constant 640 : i32
    %mul3A_75 = arith.muli %arg1, %mul3A_74 : i32
    %run_scoped3A_76 = arith.constant 15 : i32
    %run_scoped3A_77 = arith.constant 15 : i32
    "tpu.region"() ({
      %run_scoped3A_86 = tpu.sem_alloc : memref<!tpu.dma_semaphore, #tpu.memory_space<semaphore_mem>>
      %dma_start3A = arith.constant 0 : i32
      %dma_start3A_87 = tpu.memref_slice %arg6[%run_scoped3A_77, %dma_start3A] : memref<16x640xf32, #tpu.memory_space<vmem>> -> memref<1x640xf32, #tpu.memory_space<vmem>>
      %dma_start3A_88 = tpu.memref_squeeze %dma_start3A_87 : memref<1x640xf32, #tpu.memory_space<vmem>> -> memref<640xf32, #tpu.memory_space<vmem>>
      %dma_start3A_89 = tpu.memref_slice %arg7[%run_scoped3A_76, %mul3A_75] : memref<16x10240xf32, #tpu.memory_space<vmem_shared>> -> memref<1x640xf32, #tpu.memory_space<vmem_shared>>
      %dma_start3A_90 = tpu.memref_squeeze %dma_start3A_89 : memref<1x640xf32, #tpu.memory_space<vmem_shared>> -> memref<640xf32, #tpu.memory_space<vmem_shared>>
      %dma_start3A_91 = arith.constant 0 : i32
      %dma_start3A_92 = tpu.memref_slice %arg6[%run_scoped3A_77, %dma_start3A_91] : memref<16x640xf32, #tpu.memory_space<vmem>> -> memref<1x640xf32, #tpu.memory_space<vmem>>
      %dma_start3A_93 = tpu.memref_squeeze %dma_start3A_92 : memref<1x640xf32, #tpu.memory_space<vmem>> -> memref<640xf32, #tpu.memory_space<vmem>>
      %dma_start3A_94 = tpu.memref_slice %arg7[%run_scoped3A_76, %mul3A_75] : memref<16x10240xf32, #tpu.memory_space<vmem_shared>> -> memref<1x640xf32, #tpu.memory_space<vmem_shared>>
      %dma_start3A_95 = tpu.memref_squeeze %dma_start3A_94 : memref<1x640xf32, #tpu.memory_space<vmem_shared>> -> memref<640xf32, #tpu.memory_space<vmem_shared>>
      tpu.enqueue_dma source(%dma_start3A_95 : memref<640xf32, #tpu.memory_space<vmem_shared>>) target(%dma_start3A_93 : memref<640xf32, #tpu.memory_space<vmem>>) target_semaphore(%run_scoped3A_86 : memref<!tpu.dma_semaphore, #tpu.memory_space<semaphore_mem>>)
      %dma_wait3A = arith.constant 0 : i32
      %dma_wait3A_96 = tpu.memref_slice %arg6[%run_scoped3A_77, %dma_wait3A] : memref<16x640xf32, #tpu.memory_space<vmem>> -> memref<1x640xf32, #tpu.memory_space<vmem>>
      %dma_wait3A_97 = tpu.memref_squeeze %dma_wait3A_96 : memref<1x640xf32, #tpu.memory_space<vmem>> -> memref<640xf32, #tpu.memory_space<vmem>>
      %dma_wait3A_98 = tpu.memref_slice %arg7[%run_scoped3A_76, %mul3A_75] : memref<16x10240xf32, #tpu.memory_space<vmem_shared>> -> memref<1x640xf32, #tpu.memory_space<vmem_shared>>
      %dma_wait3A_99 = tpu.memref_squeeze %dma_wait3A_98 : memref<1x640xf32, #tpu.memory_space<vmem_shared>> -> memref<640xf32, #tpu.memory_space<vmem_shared>>
      %dma_wait3A_100 = arith.constant 0 : i32
      %dma_wait3A_101 = tpu.memref_slice %arg6[%run_scoped3A_77, %dma_wait3A_100] : memref<16x640xf32, #tpu.memory_space<vmem>> -> memref<1x640xf32, #tpu.memory_space<vmem>>
      %dma_wait3A_102 = tpu.memref_squeeze %dma_wait3A_101 : memref<1x640xf32, #tpu.memory_space<vmem>> -> memref<640xf32, #tpu.memory_space<vmem>>
      %dma_wait3A_103 = tpu.memref_slice %arg7[%run_scoped3A_76, %mul3A_75] : memref<16x10240xf32, #tpu.memory_space<vmem_shared>> -> memref<1x640xf32, #tpu.memory_space<vmem_shared>>
      %dma_wait3A_104 = tpu.memref_squeeze %dma_wait3A_103 : memref<1x640xf32, #tpu.memory_space<vmem_shared>> -> memref<640xf32, #tpu.memory_space<vmem_shared>>
      tpu.wait_dma2 semaphore(%run_scoped3A_86 : memref<!tpu.dma_semaphore, #tpu.memory_space<semaphore_mem>>) src(%dma_wait3A_104 : memref<640xf32, #tpu.memory_space<vmem_shared>>) dst(%dma_wait3A_102 : memref<640xf32, #tpu.memory_space<vmem>>)
      tpu.yield
    }) : () -> ()
    %scan3A_78 = arith.constant 0 : i32
    %scan3A_79 = arith.constant 40 : i32
    %scan3A_80 = arith.addi %scan3A_78, %scan3A_79 : i32
    %scan3A_81 = arith.constant 1 : i32
    scf.for %scan3A_86 = %scan3A_78 to %scan3A_80 step %scan3A_81  : i32 {
      %mul3A_87 = arith.constant 1 : i32
      %mul3A_88 = arith.muli %scan3A_86, %mul3A_87 : i32
      %add3A_89 = arith.constant 0 : i32
      %add3A_90 = arith.addi %add3A_89, %mul3A_88 : i32
      %mul3A_91 = arith.constant 16 : i32
      %mul3A_92 = arith.muli %add3A_90, %mul3A_91 : i32
      %get3A = arith.constant 0 : i32
      %get3A_93 = arith.index_cast %get3A : i32 to index
      %get3A_94 = arith.index_cast %mul3A_92 : i32 to index
      %get3A_95 = tpu.vector_load %arg6[%get3A_93, %get3A_94] {strides = array<i32>} : memref<16x640xf32, #tpu.memory_space<vmem>>, vector<16xf32>,
      %mul3A_96 = arith.constant 16 : i32
      %mul3A_97 = arith.muli %add3A_90, %mul3A_96 : i32
      %get3A_98 = arith.constant 1 : i32
      %get3A_99 = arith.index_cast %get3A_98 : i32 to index
      %get3A_100 = arith.index_cast %mul3A_97 : i32 to index
      %get3A_101 = tpu.vector_load %arg6[%get3A_99, %get3A_100] {strides = array<i32>} : memref<16x640xf32, #tpu.memory_space<vmem>>, vector<16xf32>,
      %add3A_102 = arith.addf %get3A_95, %get3A_101 : vector<16xf32>
      %mul3A_103 = arith.constant 16 : i32
      %mul3A_104 = arith.muli %add3A_90, %mul3A_103 : i32
      %get3A_105 = arith.constant 2 : i32
      %get3A_106 = arith.index_cast %get3A_105 : i32 to index
      %get3A_107 = arith.index_cast %mul3A_104 : i32 to index
      %get3A_108 = tpu.vector_load %arg6[%get3A_106, %get3A_107] {strides = array<i32>} : memref<16x640xf32, #tpu.memory_space<vmem>>, vector<16xf32>,
      %add3A_109 = arith.addf %add3A_102, %get3A_108 : vector<16xf32>
      %mul3A_110 = arith.constant 16 : i32
      %mul3A_111 = arith.muli %add3A_90, %mul3A_110 : i32
      %get3A_112 = arith.constant 3 : i32
      %get3A_113 = arith.index_cast %get3A_112 : i32 to index
      %get3A_114 = arith.index_cast %mul3A_111 : i32 to index
      %get3A_115 = tpu.vector_load %arg6[%get3A_113, %get3A_114] {strides = array<i32>} : memref<16x640xf32, #tpu.memory_space<vmem>>, vector<16xf32>,
      %add3A_116 = arith.addf %add3A_109, %get3A_115 : vector<16xf32>
      %mul3A_117 = arith.constant 16 : i32
      %mul3A_118 = arith.muli %add3A_90, %mul3A_117 : i32
      %get3A_119 = arith.constant 4 : i32
      %get3A_120 = arith.index_cast %get3A_119 : i32 to index
      %get3A_121 = arith.index_cast %mul3A_118 : i32 to index
      %get3A_122 = tpu.vector_load %arg6[%get3A_120, %get3A_121] {strides = array<i32>} : memref<16x640xf32, #tpu.memory_space<vmem>>, vector<16xf32>,
      %add3A_123 = arith.addf %add3A_116, %get3A_122 : vector<16xf32>
      %mul3A_124 = arith.constant 16 : i32
      %mul3A_125 = arith.muli %add3A_90, %mul3A_124 : i32
      %get3A_126 = arith.constant 5 : i32
      %get3A_127 = arith.index_cast %get3A_126 : i32 to index
      %get3A_128 = arith.index_cast %mul3A_125 : i32 to index
      %get3A_129 = tpu.vector_load %arg6[%get3A_127, %get3A_128] {strides = array<i32>} : memref<16x640xf32, #tpu.memory_space<vmem>>, vector<16xf32>,
      %add3A_130 = arith.addf %add3A_123, %get3A_129 : vector<16xf32>
      %mul3A_131 = arith.constant 16 : i32
      %mul3A_132 = arith.muli %add3A_90, %mul3A_131 : i32
      %get3A_133 = arith.constant 6 : i32
      %get3A_134 = arith.index_cast %get3A_133 : i32 to index
      %get3A_135 = arith.index_cast %mul3A_132 : i32 to index
      %get3A_136 = tpu.vector_load %arg6[%get3A_134, %get3A_135] {strides = array<i32>} : memref<16x640xf32, #tpu.memory_space<vmem>>, vector<16xf32>,
      %add3A_137 = arith.addf %add3A_130, %get3A_136 : vector<16xf32>
      %mul3A_138 = arith.constant 16 : i32
      %mul3A_139 = arith.muli %add3A_90, %mul3A_138 : i32
      %get3A_140 = arith.constant 7 : i32
      %get3A_141 = arith.index_cast %get3A_140 : i32 to index
      %get3A_142 = arith.index_cast %mul3A_139 : i32 to index
      %get3A_143 = tpu.vector_load %arg6[%get3A_141, %get3A_142] {strides = array<i32>} : memref<16x640xf32, #tpu.memory_space<vmem>>, vector<16xf32>,
      %add3A_144 = arith.addf %add3A_137, %get3A_143 : vector<16xf32>
      %mul3A_145 = arith.constant 16 : i32
      %mul3A_146 = arith.muli %add3A_90, %mul3A_145 : i32
      %get3A_147 = arith.constant 8 : i32
      %get3A_148 = arith.index_cast %get3A_147 : i32 to index
      %get3A_149 = arith.index_cast %mul3A_146 : i32 to index
      %get3A_150 = tpu.vector_load %arg6[%get3A_148, %get3A_149] {strides = array<i32>} : memref<16x640xf32, #tpu.memory_space<vmem>>, vector<16xf32>,
      %add3A_151 = arith.addf %add3A_144, %get3A_150 : vector<16xf32>
      %mul3A_152 = arith.constant 16 : i32
      %mul3A_153 = arith.muli %add3A_90, %mul3A_152 : i32
      %get3A_154 = arith.constant 9 : i32
      %get3A_155 = arith.index_cast %get3A_154 : i32 to index
      %get3A_156 = arith.index_cast %mul3A_153 : i32 to index
      %get3A_157 = tpu.vector_load %arg6[%get3A_155, %get3A_156] {strides = array<i32>} : memref<16x640xf32, #tpu.memory_space<vmem>>, vector<16xf32>,
      %add3A_158 = arith.addf %add3A_151, %get3A_157 : vector<16xf32>
      %mul3A_159 = arith.constant 16 : i32
      %mul3A_160 = arith.muli %add3A_90, %mul3A_159 : i32
      %get3A_161 = arith.constant 10 : i32
      %get3A_162 = arith.index_cast %get3A_161 : i32 to index
      %get3A_163 = arith.index_cast %mul3A_160 : i32 to index
      %get3A_164 = tpu.vector_load %arg6[%get3A_162, %get3A_163] {strides = array<i32>} : memref<16x640xf32, #tpu.memory_space<vmem>>, vector<16xf32>,
      %add3A_165 = arith.addf %add3A_158, %get3A_164 : vector<16xf32>
      %mul3A_166 = arith.constant 16 : i32
      %mul3A_167 = arith.muli %add3A_90, %mul3A_166 : i32
      %get3A_168 = arith.constant 11 : i32
      %get3A_169 = arith.index_cast %get3A_168 : i32 to index
      %get3A_170 = arith.index_cast %mul3A_167 : i32 to index
      %get3A_171 = tpu.vector_load %arg6[%get3A_169, %get3A_170] {strides = array<i32>} : memref<16x640xf32, #tpu.memory_space<vmem>>, vector<16xf32>,
      %add3A_172 = arith.addf %add3A_165, %get3A_171 : vector<16xf32>
      %mul3A_173 = arith.constant 16 : i32
      %mul3A_174 = arith.muli %add3A_90, %mul3A_173 : i32
      %get3A_175 = arith.constant 12 : i32
      %get3A_176 = arith.index_cast %get3A_175 : i32 to index
      %get3A_177 = arith.index_cast %mul3A_174 : i32 to index
      %get3A_178 = tpu.vector_load %arg6[%get3A_176, %get3A_177] {strides = array<i32>} : memref<16x640xf32, #tpu.memory_space<vmem>>, vector<16xf32>,
      %add3A_179 = arith.addf %add3A_172, %get3A_178 : vector<16xf32>
      %mul3A_180 = arith.constant 16 : i32
      %mul3A_181 = arith.muli %add3A_90, %mul3A_180 : i32
      %get3A_182 = arith.constant 13 : i32
      %get3A_183 = arith.index_cast %get3A_182 : i32 to index
      %get3A_184 = arith.index_cast %mul3A_181 : i32 to index
      %get3A_185 = tpu.vector_load %arg6[%get3A_183, %get3A_184] {strides = array<i32>} : memref<16x640xf32, #tpu.memory_space<vmem>>, vector<16xf32>,
      %add3A_186 = arith.addf %add3A_179, %get3A_185 : vector<16xf32>
      %mul3A_187 = arith.constant 16 : i32
      %mul3A_188 = arith.muli %add3A_90, %mul3A_187 : i32
      %get3A_189 = arith.constant 14 : i32
      %get3A_190 = arith.index_cast %get3A_189 : i32 to index
      %get3A_191 = arith.index_cast %mul3A_188 : i32 to index
      %get3A_192 = tpu.vector_load %arg6[%get3A_190, %get3A_191] {strides = array<i32>} : memref<16x640xf32, #tpu.memory_space<vmem>>, vector<16xf32>,
      %add3A_193 = arith.addf %add3A_186, %get3A_192 : vector<16xf32>
      %mul3A_194 = arith.constant 16 : i32
      %mul3A_195 = arith.muli %add3A_90, %mul3A_194 : i32
      %get3A_196 = arith.constant 15 : i32
      %get3A_197 = arith.index_cast %get3A_196 : i32 to index
      %get3A_198 = arith.index_cast %mul3A_195 : i32 to index
      %get3A_199 = tpu.vector_load %arg6[%get3A_197, %get3A_198] {strides = array<i32>} : memref<16x640xf32, #tpu.memory_space<vmem>>, vector<16xf32>,
      %add3A_200 = arith.addf %add3A_193, %get3A_199 : vector<16xf32>
      %mul3A_201 = arith.constant 16 : i32
      %mul3A_202 = arith.muli %add3A_90, %mul3A_201 : i32
      %swap3A = arith.constant 0 : i32
      %swap3A_203 = arith.index_cast %swap3A : i32 to index
      %swap3A_204 = arith.index_cast %mul3A_202 : i32 to index
      %swap3A_205 = tpu.vector_load %arg6[%swap3A_203, %swap3A_204] {strides = array<i32>} : memref<16x640xf32, #tpu.memory_space<vmem>>, vector<16xf32>,
      tpu.vector_store %arg6[%swap3A_203, %swap3A_204], %add3A_200 {strides = array<i32>} : memref<16x640xf32, #tpu.memory_space<vmem>>, vector<16xf32>,
    }
    %scan3A_82 = arith.constant 40 : i32
    %mul3A_83 = arith.constant 640 : i32
    %mul3A_84 = arith.muli %arg1, %mul3A_83 : i32
    %run_scoped3A_85 = arith.constant 0 : i32
    "tpu.region"() ({
      %run_scoped3A_86 = tpu.sem_alloc : memref<!tpu.dma_semaphore, #tpu.memory_space<semaphore_mem>>
      %dma_start3A = arith.constant 0 : i32
      %dma_start3A_87 = tpu.memref_slice %arg6[%run_scoped3A_85, %dma_start3A] : memref<16x640xf32, #tpu.memory_space<vmem>> -> memref<1x640xf32, #tpu.memory_space<vmem>>
      %dma_start3A_88 = tpu.memref_squeeze %dma_start3A_87 : memref<1x640xf32, #tpu.memory_space<vmem>> -> memref<640xf32, #tpu.memory_space<vmem>>
      %dma_start3A_89 = tpu.memref_slice %arg3[%arg0, %mul3A_84] : memref<2x10240xf32, #tpu.memory_space<hbm>> -> memref<1x640xf32, #tpu.memory_space<hbm>>
      %dma_start3A_90 = tpu.memref_squeeze %dma_start3A_89 : memref<1x640xf32, #tpu.memory_space<hbm>> -> memref<640xf32, #tpu.memory_space<hbm>>
      %dma_start3A_91 = tpu.memref_slice %arg3[%arg0, %mul3A_84] : memref<2x10240xf32, #tpu.memory_space<hbm>> -> memref<1x640xf32, #tpu.memory_space<hbm>>
      %dma_start3A_92 = tpu.memref_squeeze %dma_start3A_91 : memref<1x640xf32, #tpu.memory_space<hbm>> -> memref<640xf32, #tpu.memory_space<hbm>>
      %dma_start3A_93 = arith.constant 0 : i32
      %dma_start3A_94 = tpu.memref_slice %arg6[%run_scoped3A_85, %dma_start3A_93] : memref<16x640xf32, #tpu.memory_space<vmem>> -> memref<1x640xf32, #tpu.memory_space<vmem>>
      %dma_start3A_95 = tpu.memref_squeeze %dma_start3A_94 : memref<1x640xf32, #tpu.memory_space<vmem>> -> memref<640xf32, #tpu.memory_space<vmem>>
      tpu.enqueue_dma source(%dma_start3A_95 : memref<640xf32, #tpu.memory_space<vmem>>) target(%dma_start3A_92 : memref<640xf32, #tpu.memory_space<hbm>>) target_semaphore(%run_scoped3A_86 : memref<!tpu.dma_semaphore, #tpu.memory_space<semaphore_mem>>)
      %dma_wait3A = arith.constant 0 : i32
      %dma_wait3A_96 = tpu.memref_slice %arg6[%run_scoped3A_85, %dma_wait3A] : memref<16x640xf32, #tpu.memory_space<vmem>> -> memref<1x640xf32, #tpu.memory_space<vmem>>
      %dma_wait3A_97 = tpu.memref_squeeze %dma_wait3A_96 : memref<1x640xf32, #tpu.memory_space<vmem>> -> memref<640xf32, #tpu.memory_space<vmem>>
      %dma_wait3A_98 = tpu.memref_slice %arg3[%arg0, %mul3A_84] : memref<2x10240xf32, #tpu.memory_space<hbm>> -> memref<1x640xf32, #tpu.memory_space<hbm>>
      %dma_wait3A_99 = tpu.memref_squeeze %dma_wait3A_98 : memref<1x640xf32, #tpu.memory_space<hbm>> -> memref<640xf32, #tpu.memory_space<hbm>>
      %dma_wait3A_100 = tpu.memref_slice %arg3[%arg0, %mul3A_84] : memref<2x10240xf32, #tpu.memory_space<hbm>> -> memref<1x640xf32, #tpu.memory_space<hbm>>
      %dma_wait3A_101 = tpu.memref_squeeze %dma_wait3A_100 : memref<1x640xf32, #tpu.memory_space<hbm>> -> memref<640xf32, #tpu.memory_space<hbm>>
      %dma_wait3A_102 = arith.constant 0 : i32
      %dma_wait3A_103 = tpu.memref_slice %arg6[%run_scoped3A_85, %dma_wait3A_102] : memref<16x640xf32, #tpu.memory_space<vmem>> -> memref<1x640xf32, #tpu.memory_space<vmem>>
      %dma_wait3A_104 = tpu.memref_squeeze %dma_wait3A_103 : memref<1x640xf32, #tpu.memory_space<vmem>> -> memref<640xf32, #tpu.memory_space<vmem>>
      tpu.wait_dma2 semaphore(%run_scoped3A_86 : memref<!tpu.dma_semaphore, #tpu.memory_space<semaphore_mem>>) src(%dma_wait3A_104 : memref<640xf32, #tpu.memory_space<vmem>>) dst(%dma_wait3A_101 : memref<640xf32, #tpu.memory_space<hbm>>)
      tpu.yield
    }) : () -> ()
    return
  }
}

module attributes {stable_mosaic.version = 14 : i64} {
  func.func @body(%arg0: i32, %arg1: memref<1024x128xf32, #tpu.memory_space<vmem>>, %arg2: memref<128x128xf32, #tpu.memory_space<vmem>>, %arg3: memref<1024x1xf32, #tpu.memory_space<vmem>>, %arg4: memref<1024x128xf32, #tpu.memory_space<vmem>>, %arg5: memref<1024x1xf32, #tpu.memory_space<vmem>>) attributes {dimension_semantics = [#tpu.dimension_semantics<arbitrary>], iteration_bounds = array<i64: 10>, scalar_prefetch = 0 : i64, scratch_operands = 0 : i64, tpu.core_type = #tpu.core_type<tc>, window_params = [{transform_indices = @transform_0, window_bounds = array<i64: 1024, 128>}, {pipeline_mode = #tpu.pipeline_mode<synchronous>, transform_indices = @transform_1, window_bounds = array<i64: 128, 128>}, {transform_indices = @transform_2, window_bounds = array<i64: 1024, 1>}, {transform_indices = @transform_3, window_bounds = array<i64: 1024, 128>}, {transform_indices = @transform_4, window_bounds = array<i64: 1024, 1>}]} {
    %get3A = arith.constant 0 : index
    %get3A_0 = arith.constant 0 : index
    %get3A_1 = vector.load %arg3[%get3A, %get3A_0] : memref<1024x1xf32, #tpu.memory_space<vmem>>, vector<1024x1xf32>
    %add3A = arith.constant 1.000000e+00 : f32
    %add3A_2 = vector.broadcast %add3A : f32 to vector<1024x1xf32>
    %add3A_3 = arith.addf %add3A_2, %get3A_1 : vector<1024x1xf32>
    %rsqrt3A = math.rsqrt %add3A_3 : vector<1024x1xf32>
    %get3A_4 = arith.constant 0 : index
    %get3A_5 = arith.constant 0 : index
    %get3A_6 = vector.load %arg1[%get3A_4, %get3A_5] : memref<1024x128xf32, #tpu.memory_space<vmem>>, vector<1024x128xf32>
    %get3A_7 = arith.constant 0 : index
    %get3A_8 = arith.constant 0 : index
    %get3A_9 = vector.load %arg2[%get3A_7, %get3A_8] : memref<128x128xf32, #tpu.memory_space<vmem>>, vector<128x128xf32>
    %dot_general3A = arith.constant dense<0.000000e+00> : vector<1024x128xf32>
    %dot_general3A_10 = tpu.matmul %get3A_6, %get3A_9, %dot_general3A {dimension_numbers = #tpu.dot_dimension_numbers<[1], [1], [0], [0], [0, 0, 1, 0], [], []>, precision = #tpu.contract_precision<fp32>, transpose_lhs_hint = false} : vector<1024x128xf32>, vector<128x128xf32>, vector<1024x128xf32> -> vector<1024x128xf32>
    %mul3A = vector.broadcast %rsqrt3A : vector<1024x1xf32> to vector<1024x128xf32>
    %mul3A_11 = arith.mulf %dot_general3A_10, %mul3A : vector<1024x128xf32>
    %swap3A = arith.constant 0 : index
    %swap3A_12 = arith.constant 0 : index
    %swap3A_13 = vector.load %arg4[%swap3A, %swap3A_12] : memref<1024x128xf32, #tpu.memory_space<vmem>>, vector<1024x128xf32>
    tpu.vector_store %arg4[%swap3A, %swap3A_12], %mul3A_11 {strides = array<i32>} : memref<1024x128xf32, #tpu.memory_space<vmem>>, vector<1024x128xf32>,
    %swap3A_14 = arith.constant 0 : index
    %swap3A_15 = arith.constant 0 : index
    %swap3A_16 = vector.load %arg5[%swap3A_14, %swap3A_15] : memref<1024x1xf32, #tpu.memory_space<vmem>>, vector<1024x1xf32>
    tpu.vector_store %arg5[%swap3A_14, %swap3A_15], %rsqrt3A {strides = array<i32>} : memref<1024x1xf32, #tpu.memory_space<vmem>>, vector<1024x1xf32>,
    return
  }
  func.func @transform_0(%arg0: i32) -> (i32, i32) {
    %c0_i32 = arith.constant 0 : i32
    %c0_i32_0 = arith.constant 0 : i32
    return %arg0, %c0_i32 : i32, i32
  }
  func.func @transform_1(%arg0: i32) -> (i32, i32) {
    %c0_i32 = arith.constant 0 : i32
    %c0_i32_0 = arith.constant 0 : i32
    %c0_i32_1 = arith.constant 0 : i32
    return %c0_i32, %c0_i32_0 : i32, i32
  }
  func.func @transform_2(%arg0: i32) -> (i32, i32) {
    %c0_i32 = arith.constant 0 : i32
    %c0_i32_0 = arith.constant 0 : i32
    return %arg0, %c0_i32 : i32, i32
  }
  func.func @transform_3(%arg0: i32) -> (i32, i32) {
    %c0_i32 = arith.constant 0 : i32
    %c0_i32_0 = arith.constant 0 : i32
    return %arg0, %c0_i32 : i32, i32
  }
  func.func @transform_4(%arg0: i32) -> (i32, i32) {
    %c0_i32 = arith.constant 0 : i32
    %c0_i32_0 = arith.constant 0 : i32
    return %arg0, %c0_i32 : i32, i32
  }
}

module attributes {stable_mosaic.version = 14 : i64} {
  func.func @body(%arg0: i32, %arg1: memref<2000x128xf32, #tpu.memory_space<vmem>>, %arg2: memref<2x2000x128xf32, #tpu.memory_space<vmem>>, %arg3: memref<2000x1xf32, #tpu.memory_space<vmem>>, %arg4: memref<1x128xf32, #tpu.memory_space<vmem>>, %arg5: memref<1x128xf32, #tpu.memory_space<vmem>>, %arg6: memref<1x128xf32, #tpu.memory_space<vmem>>, %arg7: memref<10000x128xf32, #tpu.memory_space<vmem>>, %arg8: memref<10000x128xf32, #tpu.memory_space<vmem>>, %arg9: memref<8x128xf32, #tpu.memory_space<vmem>>, %arg10: memref<8x128xf32, #tpu.memory_space<vmem>>) attributes {dimension_semantics = [#tpu.dimension_semantics<arbitrary>], iteration_bounds = array<i64: 5>, scalar_prefetch = 0 : i64, scratch_operands = 3 : i64, tpu.core_type = #tpu.core_type<tc>, window_params = [{transform_indices = @transform_0, window_bounds = array<i64: 2000, 128>}, {transform_indices = @transform_1, window_bounds = array<i64: 2, 2000, 128>}, {transform_indices = @transform_2, window_bounds = array<i64: 2000, 1>}, {pipeline_mode = #tpu.pipeline_mode<synchronous>, transform_indices = @transform_3, window_bounds = array<i64: 1, 128>}, {pipeline_mode = #tpu.pipeline_mode<synchronous>, transform_indices = @transform_4, window_bounds = array<i64: 1, 128>}, {pipeline_mode = #tpu.pipeline_mode<synchronous>, transform_indices = @transform_5, window_bounds = array<i64: 1, 128>}, {pipeline_mode = #tpu.pipeline_mode<synchronous>, transform_indices = @transform_6, window_bounds = array<i64: 10000, 128>}]} {
    %get3A = arith.constant 0 : index
    %get3A_0 = arith.constant 0 : index
    %get3A_1 = arith.constant 0 : index
    %get3A_2 = vector.load %arg2[%get3A, %get3A_0, %get3A_1] : memref<2x2000x128xf32, #tpu.memory_space<vmem>>, vector<1x2000x128xf32>
    %get3A_3 = vector.shape_cast %get3A_2 : vector<1x2000x128xf32> to vector<2000x128xf32>
    %get3A_4 = arith.constant 1 : index
    %get3A_5 = arith.constant 0 : index
    %get3A_6 = arith.constant 0 : index
    %get3A_7 = vector.load %arg2[%get3A_4, %get3A_5, %get3A_6] : memref<2x2000x128xf32, #tpu.memory_space<vmem>>, vector<1x2000x128xf32>
    %get3A_8 = vector.shape_cast %get3A_7 : vector<1x2000x128xf32> to vector<2000x128xf32>
    %add3A = arith.addf %get3A_3, %get3A_8 : vector<2000x128xf32>
    %get3A_9 = arith.constant 0 : index
    %get3A_10 = arith.constant 0 : index
    %get3A_11 = vector.load %arg1[%get3A_9, %get3A_10] : memref<2000x128xf32, #tpu.memory_space<vmem>>, vector<2000x128xf32>
    %sub3A = arith.subf %add3A, %get3A_11 : vector<2000x128xf32>
    %get3A_12 = arith.constant 0 : index
    %get3A_13 = arith.constant 0 : index
    %get3A_14 = vector.load %arg3[%get3A_12, %get3A_13] : memref<2000x1xf32, #tpu.memory_space<vmem>>, vector<2000x1xf32>
    %mul3A = vector.broadcast %get3A_14 : vector<2000x1xf32> to vector<2000x128xf32>
    %mul3A_15 = arith.mulf %sub3A, %mul3A : vector<2000x128xf32>
    %get3A_16 = arith.constant 0 : index
    %get3A_17 = arith.constant 0 : index
    %get3A_18 = vector.load %arg4[%get3A_16, %get3A_17] : memref<1x128xf32, #tpu.memory_space<vmem>>, vector<1x128xf32>
    %add3A_19 = vector.broadcast %get3A_18 : vector<1x128xf32> to vector<2000x128xf32>
    %add3A_20 = arith.addf %mul3A_15, %add3A_19 : vector<2000x128xf32>
    %mul3A_21 = arith.constant 2000 : i32
    %mul3A_22 = arith.muli %arg0, %mul3A_21 : i32
    %swap3A = arith.index_cast %mul3A_22 : i32 to index
    %swap3A_23 = arith.constant 0 : index
    %swap3A_24 = vector.load %arg8[%swap3A, %swap3A_23] : memref<10000x128xf32, #tpu.memory_space<vmem>>, vector<2000x128xf32>
    tpu.vector_store %arg8[%swap3A, %swap3A_23], %add3A_20 {strides = array<i32>} : memref<10000x128xf32, #tpu.memory_space<vmem>>, vector<2000x128xf32>,
    %reshape3A = vector.shape_cast %add3A_20 : vector<2000x128xf32> to vector<250x8x128xf32>
    %reduce_sum3A = arith.constant dense<0.000000e+00> : vector<8x128xf32>
    %reduce_sum3A_25 = vector.multi_reduction <add>, %reshape3A, %reduce_sum3A [0] : vector<250x8x128xf32> to vector<8x128xf32>
    %mul3A_26 = arith.mulf %add3A_20, %add3A_20 : vector<2000x128xf32>
    %reshape3A_27 = vector.shape_cast %mul3A_26 : vector<2000x128xf32> to vector<250x8x128xf32>
    %reduce_sum3A_28 = arith.constant dense<0.000000e+00> : vector<8x128xf32>
    %reduce_sum3A_29 = vector.multi_reduction <add>, %reshape3A_27, %reduce_sum3A_28 [0] : vector<250x8x128xf32> to vector<8x128xf32>
    %eq3A = arith.constant 0 : i32
    %eq3A_30 = arith.cmpi eq, %arg0, %eq3A : i32
    %convert_element_type3A = arith.extui %eq3A_30 : i1 to i32
    %cond3A = arith.constant 0 : i32
    %cond3A_31 = arith.cmpi ne, %convert_element_type3A, %cond3A : i32
    scf.if %cond3A_31 {
      %swap3A_41 = arith.constant 0 : index
      %swap3A_42 = arith.constant 0 : index
      %swap3A_43 = vector.load %arg9[%swap3A_41, %swap3A_42] : memref<8x128xf32, #tpu.memory_space<vmem>>, vector<8x128xf32>
      tpu.vector_store %arg9[%swap3A_41, %swap3A_42], %reduce_sum3A_25 {strides = array<i32>} : memref<8x128xf32, #tpu.memory_space<vmem>>, vector<8x128xf32>,
      %swap3A_44 = arith.constant 0 : index
      %swap3A_45 = arith.constant 0 : index
      %swap3A_46 = vector.load %arg10[%swap3A_44, %swap3A_45] : memref<8x128xf32, #tpu.memory_space<vmem>>, vector<8x128xf32>
      tpu.vector_store %arg10[%swap3A_44, %swap3A_45], %reduce_sum3A_29 {strides = array<i32>} : memref<8x128xf32, #tpu.memory_space<vmem>>, vector<8x128xf32>,
    } else {
    }
    %gt3A = arith.constant 0 : i32
    %gt3A_32 = arith.cmpi sgt, %arg0, %gt3A : i32
    %convert_element_type3A_33 = arith.extui %gt3A_32 : i1 to i32
    %cond3A_34 = arith.constant 0 : i32
    %cond3A_35 = arith.cmpi ne, %convert_element_type3A_33, %cond3A_34 : i32
    scf.if %cond3A_35 {
      %get3A_41 = arith.constant 0 : index
      %get3A_42 = arith.constant 0 : index
      %get3A_43 = vector.load %arg9[%get3A_41, %get3A_42] : memref<8x128xf32, #tpu.memory_space<vmem>>, vector<8x128xf32>
      %add3A_44 = arith.addf %get3A_43, %reduce_sum3A_25 : vector<8x128xf32>
      %swap3A_45 = arith.constant 0 : index
      %swap3A_46 = arith.constant 0 : index
      %swap3A_47 = vector.load %arg9[%swap3A_45, %swap3A_46] : memref<8x128xf32, #tpu.memory_space<vmem>>, vector<8x128xf32>
      tpu.vector_store %arg9[%swap3A_45, %swap3A_46], %add3A_44 {strides = array<i32>} : memref<8x128xf32, #tpu.memory_space<vmem>>, vector<8x128xf32>,
      %get3A_48 = arith.constant 0 : index
      %get3A_49 = arith.constant 0 : index
      %get3A_50 = vector.load %arg10[%get3A_48, %get3A_49] : memref<8x128xf32, #tpu.memory_space<vmem>>, vector<8x128xf32>
      %add3A_51 = arith.addf %get3A_50, %reduce_sum3A_29 : vector<8x128xf32>
      %swap3A_52 = arith.constant 0 : index
      %swap3A_53 = arith.constant 0 : index
      %swap3A_54 = vector.load %arg10[%swap3A_52, %swap3A_53] : memref<8x128xf32, #tpu.memory_space<vmem>>, vector<8x128xf32>
      tpu.vector_store %arg10[%swap3A_52, %swap3A_53], %add3A_51 {strides = array<i32>} : memref<8x128xf32, #tpu.memory_space<vmem>>, vector<8x128xf32>,
    } else {
    }
    %eq3A_36 = arith.constant 4 : i32
    %eq3A_37 = arith.cmpi eq, %arg0, %eq3A_36 : i32
    %convert_element_type3A_38 = arith.extui %eq3A_37 : i1 to i32
    %cond3A_39 = arith.constant 0 : i32
    %cond3A_40 = arith.cmpi ne, %convert_element_type3A_38, %cond3A_39 : i32
    scf.if %cond3A_40 {
      %get3A_41 = arith.constant 0 : index
      %get3A_42 = arith.constant 0 : index
      %get3A_43 = vector.load %arg9[%get3A_41, %get3A_42] : memref<8x128xf32, #tpu.memory_space<vmem>>, vector<8x128xf32>
      %reduce_sum3A_44 = arith.constant dense<0.000000e+00> : vector<128xf32>
      %reduce_sum3A_45 = vector.multi_reduction <add>, %get3A_43, %reduce_sum3A_44 [0] : vector<8x128xf32> to vector<128xf32>
      %broadcast_in_dim3A = vector.shape_cast %reduce_sum3A_45 : vector<128xf32> to vector<1x128xf32>
      %div3A = arith.constant 1.000000e+04 : f32
      %div3A_46 = vector.broadcast %div3A : f32 to vector<1x128xf32>
      %div3A_47 = arith.divf %broadcast_in_dim3A, %div3A_46 : vector<1x128xf32>
      %get3A_48 = arith.constant 0 : index
      %get3A_49 = arith.constant 0 : index
      %get3A_50 = vector.load %arg10[%get3A_48, %get3A_49] : memref<8x128xf32, #tpu.memory_space<vmem>>, vector<8x128xf32>
      %reduce_sum3A_51 = arith.constant dense<0.000000e+00> : vector<128xf32>
      %reduce_sum3A_52 = vector.multi_reduction <add>, %get3A_50, %reduce_sum3A_51 [0] : vector<8x128xf32> to vector<128xf32>
      %broadcast_in_dim3A_53 = vector.shape_cast %reduce_sum3A_52 : vector<128xf32> to vector<1x128xf32>
      %div3A_54 = arith.constant 1.000000e+04 : f32
      %div3A_55 = vector.broadcast %div3A_54 : f32 to vector<1x128xf32>
      %div3A_56 = arith.divf %broadcast_in_dim3A_53, %div3A_55 : vector<1x128xf32>
      %mul3A_57 = arith.mulf %div3A_47, %div3A_47 : vector<1x128xf32>
      %sub3A_58 = arith.subf %div3A_56, %mul3A_57 : vector<1x128xf32>
      %get3A_59 = arith.constant 0 : index
      %get3A_60 = arith.constant 0 : index
      %get3A_61 = vector.load %arg5[%get3A_59, %get3A_60] : memref<1x128xf32, #tpu.memory_space<vmem>>, vector<1x128xf32>
      %add3A_62 = arith.constant 9.99999974E-6 : f32
      %add3A_63 = vector.broadcast %add3A_62 : f32 to vector<1x128xf32>
      %add3A_64 = arith.addf %sub3A_58, %add3A_63 : vector<1x128xf32>
      %rsqrt3A = math.rsqrt %add3A_64 : vector<1x128xf32>
      %mul3A_65 = arith.mulf %get3A_61, %rsqrt3A : vector<1x128xf32>
      %get3A_66 = arith.constant 0 : index
      %get3A_67 = arith.constant 0 : index
      %get3A_68 = vector.load %arg8[%get3A_66, %get3A_67] : memref<10000x128xf32, #tpu.memory_space<vmem>>, vector<10000x128xf32>
      %sub3A_69 = vector.broadcast %div3A_47 : vector<1x128xf32> to vector<10000x128xf32>
      %sub3A_70 = arith.subf %get3A_68, %sub3A_69 : vector<10000x128xf32>
      %mul3A_71 = vector.broadcast %mul3A_65 : vector<1x128xf32> to vector<10000x128xf32>
      %mul3A_72 = arith.mulf %sub3A_70, %mul3A_71 : vector<10000x128xf32>
      %get3A_73 = arith.constant 0 : index
      %get3A_74 = arith.constant 0 : index
      %get3A_75 = vector.load %arg6[%get3A_73, %get3A_74] : memref<1x128xf32, #tpu.memory_space<vmem>>, vector<1x128xf32>
      %add3A_76 = vector.broadcast %get3A_75 : vector<1x128xf32> to vector<10000x128xf32>
      %add3A_77 = arith.addf %mul3A_72, %add3A_76 : vector<10000x128xf32>
      %max3A = arith.constant 0.000000e+00 : f32
      %max3A_78 = vector.broadcast %max3A : f32 to vector<10000x128xf32>
      %max3A_79 = arith.maximumf %add3A_77, %max3A_78 : vector<10000x128xf32>
      %swap3A_80 = arith.constant 0 : index
      %swap3A_81 = arith.constant 0 : index
      %swap3A_82 = vector.load %arg7[%swap3A_80, %swap3A_81] : memref<10000x128xf32, #tpu.memory_space<vmem>>, vector<10000x128xf32>
      tpu.vector_store %arg7[%swap3A_80, %swap3A_81], %max3A_79 {strides = array<i32>} : memref<10000x128xf32, #tpu.memory_space<vmem>>, vector<10000x128xf32>,
    } else {
    }
    return
  }
  func.func @transform_0(%arg0: i32) -> (i32, i32) {
    %c0_i32 = arith.constant 0 : i32
    %c0_i32_0 = arith.constant 0 : i32
    return %arg0, %c0_i32 : i32, i32
  }
  func.func @transform_1(%arg0: i32) -> (i32, i32, i32) {
    %c0_i32 = arith.constant 0 : i32
    %c0_i32_0 = arith.constant 0 : i32
    %c0_i32_1 = arith.constant 0 : i32
    return %c0_i32, %arg0, %c0_i32_0 : i32, i32, i32
  }
  func.func @transform_2(%arg0: i32) -> (i32, i32) {
    %c0_i32 = arith.constant 0 : i32
    %c0_i32_0 = arith.constant 0 : i32
    return %arg0, %c0_i32 : i32, i32
  }
  func.func @transform_3(%arg0: i32) -> (i32, i32) {
    %c0_i32 = arith.constant 0 : i32
    %c0_i32_0 = arith.constant 0 : i32
    %c0_i32_1 = arith.constant 0 : i32
    return %c0_i32, %c0_i32_0 : i32, i32
  }
  func.func @transform_4(%arg0: i32) -> (i32, i32) {
    %c0_i32 = arith.constant 0 : i32
    %c0_i32_0 = arith.constant 0 : i32
    %c0_i32_1 = arith.constant 0 : i32
    return %c0_i32, %c0_i32_0 : i32, i32
  }
  func.func @transform_5(%arg0: i32) -> (i32, i32) {
    %c0_i32 = arith.constant 0 : i32
    %c0_i32_0 = arith.constant 0 : i32
    %c0_i32_1 = arith.constant 0 : i32
    return %c0_i32, %c0_i32_0 : i32, i32
  }
  func.func @transform_6(%arg0: i32) -> (i32, i32) {
    %c0_i32 = arith.constant 0 : i32
    %c0_i32_0 = arith.constant 0 : i32
    %c0_i32_1 = arith.constant 0 : i32
    return %c0_i32, %c0_i32_0 : i32, i32
  }
}

</mosaic_0001>

<sc_bundles>
// kernel: kernel.6.cloned.1.call-start
scs
__scs_entry_jumppad:
0x0: {  	(pc) =	sbr.rel $0x88, $3  }
0x1: {  	(tag) =	ssettag $0x0;
	lr =	simm.s32 $0x1  }
0x2: {  	[smem:$0x3F9B] =	sst lr;
	_ =	strace $0xD0000000  }
0x3: {  	_ = 	snop  }
0x4: {  	_ = 	snop  }
0x5: {  	_ = 	snop  }
0x6: {  	_ = 	snop  }
0x7: {  	_ = 	snop  }
__scs_overlays_trampoline_lowered:
0x8: {  	[smem:$0x3FAA] =	sst s0  }
0x9: {  	[smem:$0x3FAB] =	sst s1  }
0xa: {  	[smem:$0x3FAC] =	sst s2  }
0xb: {  	[smem:$0x3FAD] =	sst s3  }
0xc: {  	[smem:$0x3FAE] =	sst s4  }
0xd: {  	[smem:$0x3FAF] =	sst s5  }
0xe: {  	[smem:$0x3FB0] =	sst s6  }
0xf: {  	[smem:$0x3FB1] =	sst s7  }
0x10: {  	[smem:$0x3FB2] =	sst s8  }
0x11: {  	[smem:$0x3FB3] =	sst s9;
	s0 =	simm.s32 @!p0 $0x0  }
0x12: {  	s1 =	sld [smem:$0x3F99];
	s0 =	simm.s32 @p0 $0x1  }
0x13: {  	[smem:$0x3FB4] =	sst s0;
	s0 =	simm.s32 @!p1 $0x0  }
0x14: {  	s2 =	sld [smem:$0x3F98];
	s0 =	simm.s32 @p1 $0x1  }
0x15: {  	[smem:$0x3FB5] =	sst s0;
	s0 =	simm.s32 @!p2 $0x0  }
0x16: {  	s3 =	sld [smem:$0x3FDB];
	s0 =	simm.s32 @p2 $0x1  }
0x17: {  	s4 =	simm.s32 $0x1BF5;
	[smem:$0x3FB7] =	sst s0  }
0x18: {  	s0 =	sld [smem:$0x3F9A];
	_ =	swait.ge [sflag:s4], $0x0  }
0x19: {  	s7 =	sld [smem:$0x3F9B]  }
0x1a: {  	s8 =	sadd.s32 $0xFFFFE003, lr  }
0x1b: {  	s9 =	sadd.s32 $0xFFFFFEF7, lr;
	s5 =	simm.s32 $0xFFFFFFFF;
	p2 =	slt.u32 s8, $0xFFFFF086  }
0x1c: {  	p1 =	slt.u32 s9, $0xF7A;
	s5 =	simm.s32 @!p2 $0x0  }
0x1d: {  	s5 =	simm.s32 @p1 $0x1;
	p0 =	seq.s32 s7, s2  }
0x1e: {  	s7 =	smul.u32 @!p0 $0xF7A, s2;
	p2 =	seq.s32 @!p0 s5, $0x0  }
0x1f: {  	s9 =	smul.u32 $0xF7A, s1;
	s8 =	simm.s32 @!p0 $0x1BF5;
	p2 =	por !p2, p0  }
0x20: {  	[sflag:s8] =	ssyncset.s32 @!p0 $0xFFFFF086;
	s6 =	sadd.s32 @!p0 s3, s7;
	s7 =	simm.s32 @!p0 $0x108  }
0x21: {  	s3 =	sadd.s32 s3, s9;
	s6 =	sadd.s32 @!p0 $0x88, s6;
	s7 =	simm.s32 @p2 $0x1082  }
0x22: {  	[simem:s7], [sflag:s8] =	dma.local @!p0 [hbm:s6], $0xF7A  }
0x23: {  	s9 =	sor.u32 $0xD0000000, s2;
	s6 =	simm.s32 $0x108;
	_ =	swait.ge @!p0 [sflag:s8], $0x0  }
0x24: {  	s3 =	sadd.s32 $0x88, s3;
	s6 =	simm.s32 @!p1 $0x1082;
	[sflag:s4] =	ssyncset.s32 $0xFFFFF086  }
0x25: {  	[simem:s6], [sflag:s4] =	dma.local [hbm:s3], $0xF7A  }
0x26: {  	[smem:$0x3F9B] =	sst s1;
	(tag) =	ssettag s2;
	_ =	strace s9  }
0x27: {  	s1 =	sld [smem:$0x3FAB]  }
0x28: {  	s2 =	sld [smem:$0x3FAC]  }
0x29: {  	s4 =	sld [smem:$0x3FAE]  }
0x2a: {  	p0 =	seq.s32 s5, $0x0;
	s5 =	sld [smem:$0x3FAF]  }
0x2b: {  	s6 =	sld [smem:$0x3FB0]  }
0x2c: {  	s7 =	sld [smem:$0x3FB1]  }
0x2d: {  	s3 =	simm.s32 $0x108;
	s8 =	sld [smem:$0x3FB2]  }
0x2e: {  	s3 =	simm.s32 @!p0 $0x1082;
	s9 =	sld [smem:$0x3FB3]  }
0x2f: {  	lr =	sadd.s32 s0, s3;
	s0 =	sld [smem:$0x3FAA]  }
0x30: {  	s3 =	sld [smem:$0x3FAD]  }
0x31: {  	[smem:$0x3FB6] =	sst s10  }
0x32: {  	s10 =	sld [smem:$0x3FB4];
	_ =	sdelay $0x3  }
0x33: {  	p0 =	seq.s32 s10, $0x1;
	s10 =	sld [smem:$0x3FB6];
	_ =	sdelay $0x3  }
0x34: {  	[smem:$0x3FB6] =	sst s10  }
0x35: {  	s10 =	sld [smem:$0x3FB5];
	_ =	sdelay $0x3  }
0x36: {  	p1 =	seq.s32 s10, $0x1;
	s10 =	sld [smem:$0x3FB6];
	_ =	sdelay $0x3  }
0x37: {  	[smem:$0x3FB6] =	sst s10  }
0x38: {  	s10 =	sld [smem:$0x3FB7]  }
0x39: {  	_ = 	snop;
	(pc) =	sbr.ind lr, $3  }
0x3a: {  	_ = 	snop  }
0x3b: {  	_ = 	snop  }
0x3c: {  	p2 =	seq.s32 s10, $0x1;
	s10 =	sld [smem:$0x3FB6]  }
0x3d: {  	_ =	shalt  }
0x3e: {  	_ =	shalt  }
0x3f: {  	_ =	shalt  }
0x40: {  	_ =	shalt  }
0x41: {  	_ =	shalt  }
0x42: {  	_ =	shalt  }
0x43: {  	_ =	shalt  }
0x44: {  	_ =	shalt  }
0x45: {  	_ =	shalt  }
0x46: {  	_ =	shalt  }
0x47: {  	_ =	shalt  }
0x48: {  	_ =	shalt  }
0x49: {  	_ =	shalt  }
0x4a: {  	_ =	shalt  }
0x4b: {  	_ =	shalt  }
0x4c: {  	_ =	shalt  }
0x4d: {  	_ =	shalt  }
0x4e: {  	_ =	shalt  }
0x4f: {  	_ =	shalt  }
0x50: {  	_ =	shalt  }
0x51: {  	_ =	shalt  }
0x52: {  	_ =	shalt  }
0x53: {  	_ =	shalt  }
0x54: {  	_ =	shalt  }
0x55: {  	_ =	shalt  }
0x56: {  	_ =	shalt  }
0x57: {  	_ =	shalt  }
0x58: {  	_ =	shalt  }
0x59: {  	_ =	shalt  }
0x5a: {  	_ =	shalt  }
0x5b: {  	_ =	shalt  }
0x5c: {  	_ =	shalt  }
0x5d: {  	_ =	shalt  }
0x5e: {  	_ =	shalt  }
0x5f: {  	_ =	shalt  }
0x60: {  	_ =	shalt  }
0x61: {  	_ =	shalt  }
0x62: {  	_ =	shalt  }
0x63: {  	_ =	shalt  }
0x64: {  	_ =	shalt  }
0x65: {  	_ =	shalt  }
0x66: {  	_ =	shalt  }
0x67: {  	_ =	shalt  }
0x68: {  	_ =	shalt  }
0x69: {  	_ =	shalt  }
0x6a: {  	_ =	shalt  }
0x6b: {  	_ =	shalt  }
0x6c: {  	_ =	shalt  }
0x6d: {  	_ =	shalt  }
0x6e: {  	_ =	shalt  }
0x6f: {  	_ =	shalt  }
0x70: {  	_ =	shalt  }
0x71: {  	_ =	shalt  }
0x72: {  	_ =	shalt  }
0x73: {  	_ =	shalt  }
0x74: {  	_ =	shalt  }
0x75: {  	_ =	shalt  }
0x76: {  	_ =	shalt  }
0x77: {  	_ =	shalt  }
0x78: {  	_ =	shalt  }
0x79: {  	_ =	shalt  }
0x7a: {  	_ =	shalt  }
0x7b: {  	_ =	shalt  }
0x7c: {  	_ =	shalt  }
0x7d: {  	_ =	shalt  }
0x7e: {  	_ =	shalt  }
0x7f: {  	_ =	shalt  }
0x80: {  	_ =	shalt  }
0x81: {  	_ =	shalt  }
0x82: {  	_ =	shalt  }
0x83: {  	_ =	shalt  }
0x84: {  	_ =	shalt  }
0x85: {  	_ =	shalt  }
0x86: {  	_ =	shalt  }
0x87: {  	_ =	shalt  }
.Lfunc_end0:
.L_simem_size_0:
called_computation_lowered:
.L_overlay_start_0:
0x88: {  	s2 =	sld [smem:$0x3FD9]  }
0x89: {  	s3 =	sld [smem:$0x3FFE];
	_ =	sdelay $0x1  }
0x8a: {  	s1 =	srdreg.scid  }
0x8b: {  	s0 =	sand.u32 $0x1, s1  }
0x8c: {  	s16 =	sshll.u32 s0, $0xA;
	s2 =	sadd.s32 s3, s2  }
0x8d: {  	s2 =	sadd.s32 s2, s16  }
0x8e: {  	[smem:$0x3FC2] =	sst s2  }
0x8f: {  	_ = 	snop  }
0x90: {  	(tm) =	ssettm $0x1  }
0x91: {  	s17 =	sld [smem:$0x3FFB];
	_ =	sdelay $0x3  }
0x92: {  	_ =	strace s17  }
0x93: {  	s2 =	sld [smem:$0x3FFC];
	_ =	sdelay $0x3  }
0x94: {  	_ =	strace s2  }
0x95: {  	s2 =	sld [smem:$0x3FFD];
	_ =	sdelay $0x3  }
0x96: {  	_ =	strace s2  }
0x97: {  	_ =	strace $0x8FFFFFFF  }
0x98: {  	s18 =	sld [smem:$0x3FDB];
	_ =	sdelay $0x1  }
0x99: {  	s19 =	simm.s32 $_scs_section_size  }
0x9a: {  	s4 =	simm.s32 $_size__tile_overlayer_lowered;
	s5 =	simm.s32 $_tile_overlayer_lowered  }
0x9b: {  	s22 =	simm.s32 $0x1BFF;
	s21 =	sshll.u32 s5, $0x1;
	s2 =	sadd.s32 s19, s18  }
0x9c: {  	s6 =	simm.s32 $0x0;
	s20 =	sshll.u32 s4, $0x1;
	s4 =	sadd.s32 s21, s2  }
0x9d: {  	[timem:s6], [sflag:s22] =	dma.local [hbm:s4], s20  }
0x9e: {  	_ =	swait.ge [sflag:s22], s20  }
0x9f: {  	s3 =	ssub.s32 $0x0, s20;
	[sflag:s22] =	ssyncset.done $0x0  }
0xa0: {  	[sflag:s22] =	ssyncadd.s32 s3;
	_ =	sdelay $0x1  }
0xa1: {  	s23 =	simm.s32 $0x1B8B  }
0xa2: {  	_ =	swait.ge [sflag:s23], $0x1  }
0xa3: {  	[sflag:s23] =	ssyncset.done $0x0  }
0xa4: {  	s25 =	simm.s32 $0x1B8E;
	s24 =	sld [smem:$0x3FFE];
	[sflag:s23] =	ssyncadd.s32 $0xFFFFFFFF  }
0xa5: {  	s26 =	simm.s32 $execute0_lowered;
	[smem:$0x3FD2] =	sst s25  }
0xa6: {  	s4 =	sshll.u32 s26, $0x1;
	_ =	strace $0x80000046;
	[dreg:$0x1] =	wrdreg $0xFFFFFFFF  }
0xa7: {  	s28 =	simm.s32 $_size_execute0_lowered;
	s2 =	sadd.s32 s2, s4;
	[dreg:$0x0] =	wrdreg $0x0  }
0xa8: {  	s4 =	sshll.u32 s28, $0x1;
	[dreg:$0x2] =	wrdreg s2  }
0xa9: {  	[dreg:$0x3] =	wrdreg s4  }
0xaa: {  	[dreg:$0x4] =	wrdreg $0xC0  }
0xab: {  	_ =	task [dreg:s6], $0x5FFFF  }
0xac: {  	[dreg:$0x1] =	wrdreg $0xFFFFFFFF  }
0xad: {  	[dreg:$0x0] =	wrdreg $0x60  }
0xae: {  	[dreg:$0x2] =	wrdreg s24  }
0xaf: {  	[dreg:$0x3] =	wrdreg $0x78000  }
0xb0: {  	[dreg:$0x4] =	wrdreg $0x9  }
0xb1: {  	_ =	task.clear_ibuf [dreg:s6], $0x5FFFF;
	_ =	strace $0x90000046  }
0xb2: {  	s29 =	simm.s32 $0x9;
	_ =	strace $0x80000048  }
0xb3: {  	_ =	swait.ge [sflag:s29], $0x1  }
0xb4: {  	[sflag:s29] =	ssyncadd.s32 $0xFFFFFFFF  }
0xb5: {  	_ =	strace $0x90000048  }
0xb6: {  	_ =	sfence  }
0xb7: {  	s30 =	sld [smem:$0x0];
	_ =	sdelay $0x2  }
0xb8: {  	s31 =	sshll.u32 s1, $0xD;
	s1 =	sshrl.u32 s1, $0x2  }
0xb9: {  	s3 =	sand.u32 $0x4000, s31;
	s1 =	sadd.s32 s1, s30  }
0xba: {  	s0 =	sor.u32 s3, s0;
	s1 =	sshll.u32 s1, $0x11  }
0xbb: {  	s0 =	sor.u32 s1, s0  }
0xbc: {  	s0 =	sadd.s32 $0x8F2B, s0  }
0xbd: {  	[sflag:s0] =	ssyncadd.remote.s32 $0x1  }
0xbe: {  	_ =	sfence.sel $0xFFFF  }
0xbf: {  	[dreg:$0x0] =	wrdreg $0xFFFFFFFF;
	(pc) =	sbr.abs _section_cstart, $3  }
0xc0: {  	[dreg:$0x1] =	wrdreg $0xFFFFFFFF  }
0xc1: {  	_ =	task.clear_ibuf [dreg:s6], $0x2FFFF;
	_ =	strace $0x9FFFFFFF  }
0xc2: {  	(tm) =	ssettm $0x7FFFFFFF  }
0xc3: {  	_ =	shalt  }
tec
execute0_lowered:
.L_overlay_start_1:
0x0: {  	(tag) =	ssettag $0x1  }
0x1: {  	s0 =	rddreg [dreg:$0x0]  }
0x2: {  	s1 =	rddreg [dreg:$0x1]  }
0x3: {  	s3 =	srdreg.scid;
	s2 =	simm.s32 $0x0;
	s9 =	stileid.u32  }
0x4: {  	s3 =	sand.u32 $0x1, s3;
	[smem:$0x7FF] =	sst s2;
	s8 =	smul.u32 $0x5000, s9  }
0x5: {  	s4 =	sshll.u32 s3, $0x4;
	s6 =	sshll.u32 s3, $0x7;
	s3 =	ssub.s32 $0x2, s3  }
0x6: {  	s5 =	smul.u32 $0x500, s9;
	s22 =	sshrl.u32 s3, $0x1;
	s25 =	sshrl.u32 s8, $0x2  }
0x7: {  	s7 =	sshrl.u32 s9, $0x3;
	s23 =	ssub.s32 s3, s22;
	s3 =	sadd.s32 s25, s1  }
0x8: {  	s24 =	sshll.u32 s9, $0x7;
	s21 =	smul.u32 $0x50000, s7;
	s7 =	sadd.s32 $0x80, s3  }
0x9: {  	_ =	strace $0x80000047;
	s8 =	sadd.s32 $0x100, s3;
	[dreg:$0x5] =	wrdreg s7  }
0xa: {  	s4 =	sor.u32 s9, s4;
	s9 =	sadd.s32 $0x180, s3;
	[dreg:$0x6] =	wrdreg s8  }
0xb: {  	s10 =	sadd.s32 $0x200, s3;
	[dreg:$0x7] =	wrdreg s9  }
0xc: {  	s11 =	sadd.s32 $0x280, s3;
	[dreg:$0x8] =	wrdreg s10  }
0xd: {  	s12 =	sadd.s32 $0x300, s3;
	[dreg:$0x9] =	wrdreg s11  }
0xe: {  	s13 =	sadd.s32 $0x380, s3;
	[dreg:$0xa] =	wrdreg s12  }
0xf: {  	s14 =	sadd.s32 $0x14000, s3;
	[dreg:$0xb] =	wrdreg s13  }
0x10: {  	s15 =	sadd.s32 $0x14080, s3;
	[dreg:$0xc] =	wrdreg s14  }
0x11: {  	s16 =	sadd.s32 $0x14100, s3;
	[dreg:$0xd] =	wrdreg s15  }
0x12: {  	s17 =	sadd.s32 $0x14180, s3;
	[dreg:$0xe] =	wrdreg s16  }
0x13: {  	s18 =	sadd.s32 $0x14200, s3;
	[dreg:$0xf] =	wrdreg s17  }
0x14: {  	s19 =	sadd.s32 $0x14280, s3;
	[dreg:$0x10] =	wrdreg s18  }
0x15: {  	s5 =	sor.u32 s6, s5;
	s20 =	sadd.s32 $0x14300, s3;
	[dreg:$0x11] =	wrdreg s19  }
0x16: {  	s6 =	sshrl.u32 s21, $0x2;
	s21 =	sadd.s32 $0x14380, s3;
	[dreg:$0x12] =	wrdreg s20  }
0x17: {  	s22 =	smax.u32 s23, $0x1;
	[dreg:$0x13] =	wrdreg s21  }
0x18: {  	s23 =	sadd.s32 $0x400, s3;
	[dreg:$0x14] =	wrdreg s22  }
0x19: {  	s26 =	sand.u32 $0x380, s24;
	s24 =	sadd.s32 $0x800, s3;
	[dreg:$0x15] =	wrdreg s23  }
0x1a: {  	s4 =	smul.u32 $0x500, s4;
	s25 =	sadd.s32 $0xC00, s3;
	[dreg:$0x16] =	wrdreg s24  }
0x1b: {  	s6 =	sadd.s32 s6, s1;
	s1 =	sadd.s32 $0x480, s3;
	[dreg:$0x17] =	wrdreg s25  }
0x1c: {  	s5 =	sshrl.u32 s5, $0x3;
	s6 =	sadd.s32 s26, s6;
	[dreg:$0x19] =	wrdreg s1  }
0x1d: {  	s4 =	sadd.s32 s4, s0;
	s26 =	sadd.s32 $0x1000, s3;
	[dreg:$0x4] =	wrdreg s6  }
0x1e: {  	s0 =	sadd.s32 s5, s0;
	s5 =	sadd.s32 $0xC80, s3;
	[dreg:$0x18] =	wrdreg s26  }
0x1f: {  	s7 =	sadd.s32 $0x500, s3;
	[dreg:$0x1b] =	wrdreg s5  }
0x20: {  	s8 =	sadd.s32 $0x900, s3;
	[dreg:$0x1d] =	wrdreg s7  }
0x21: {  	s9 =	sadd.s32 $0xD00, s3;
	[dreg:$0x1e] =	wrdreg s8  }
0x22: {  	s10 =	sadd.s32 $0x1100, s3;
	[dreg:$0x1f] =	wrdreg s9  }
0x23: {  	s11 =	sadd.s32 $0x580, s3;
	[smem:$0x7D7] =	sst s10  }
0x24: {  	s12 =	sadd.s32 $0x980, s3;
	[smem:$0x7D8] =	sst s11  }
0x25: {  	s13 =	sadd.s32 $0xD80, s3;
	[smem:$0x7D9] =	sst s12  }
0x26: {  	s14 =	sadd.s32 $0x1180, s3;
	[smem:$0x7DA] =	sst s13  }
0x27: {  	s15 =	sadd.s32 $0x600, s3;
	[smem:$0x7DB] =	sst s14  }
0x28: {  	s16 =	sadd.s32 $0xA00, s3;
	[smem:$0x7DC] =	sst s15  }
0x29: {  	s17 =	sadd.s32 $0xE00, s3;
	[smem:$0x7DD] =	sst s16  }
0x2a: {  	s18 =	sadd.s32 $0x1200, s3;
	[smem:$0x7DE] =	sst s17  }
0x2b: {  	s19 =	sadd.s32 $0x680, s3;
	[smem:$0x7DF] =	sst s18  }
0x2c: {  	s20 =	sadd.s32 $0xA80, s3;
	[smem:$0x7E0] =	sst s19  }
0x2d: {  	s22 =	sadd.s32 $0xE80, s3;
	[smem:$0x7E1] =	sst s20  }
0x2e: {  	s23 =	sadd.s32 $0x1280, s3;
	[smem:$0x7E2] =	sst s22  }
0x2f: {  	s24 =	sadd.s32 $0x700, s3;
	[smem:$0x7E3] =	sst s23  }
0x30: {  	s25 =	sadd.s32 $0xB00, s3;
	[smem:$0x7E4] =	sst s24  }
0x31: {  	s1 =	sadd.s32 $0x1300, s3;
	[smem:$0x7E5] =	sst s25  }
0x32: {  	s4 =	sadd.s32 $0x2000, s4;
	[smem:$0x7E7] =	sst s1  }
0x33: {  	s6 =	sadd.s32 $0x1080, s3;
	[dreg:$0x3] =	wrdreg s4  }
0x34: {  	s26 =	sadd.s32 $0xF00, s3;
	[dreg:$0x1c] =	wrdreg s6  }
0x35: {  	s5 =	sadd.s32 $0xB80, s3;
	[smem:$0x7E6] =	sst s26  }
0x36: {  	s7 =	sadd.s32 $0x1380, s3;
	[smem:$0x7E9] =	sst s5  }
0x37: {  	s8 =	sadd.s32 $0x14400, s3;
	[smem:$0x7EB] =	sst s7  }
0x38: {  	s9 =	sadd.s32 $0x14800, s3;
	[smem:$0x7EC] =	sst s8  }
0x39: {  	s10 =	sadd.s32 $0x14C00, s3;
	[smem:$0x7ED] =	sst s9  }
0x3a: {  	s11 =	sadd.s32 $0x15000, s3;
	[smem:$0x7EE] =	sst s10  }
0x3b: {  	s12 =	sadd.s32 $0x14480, s3;
	[smem:$0x7EF] =	sst s11  }
0x3c: {  	s13 =	sadd.s32 $0x14880, s3;
	[smem:$0x7F0] =	sst s12  }
0x3d: {  	s14 =	sadd.s32 $0x14C80, s3;
	[smem:$0x7F1] =	sst s13  }
0x3e: {  	s15 =	sadd.s32 $0x15080, s3;
	[smem:$0x7F2] =	sst s14  }
0x3f: {  	s16 =	sadd.s32 $0x14500, s3;
	[smem:$0x7F3] =	sst s15  }
0x40: {  	s28 =	sadd.s32 $0x14780, s3;
	s17 =	sadd.s32 $0x14900, s3;
	[smem:$0x7F4] =	sst s16  }
0x41: {  	s29 =	sadd.s32 $0x14B80, s3;
	s18 =	sadd.s32 $0x14D00, s3;
	[smem:$0x7F5] =	sst s17  }
0x42: {  	s30 =	sadd.s32 $0x14F80, s3;
	s19 =	sadd.s32 $0x15100, s3;
	[smem:$0x7F6] =	sst s18  }
0x43: {  	s31 =	sadd.s32 $0x15380, s3;
	s20 =	sadd.s32 $0x14580, s3;
	[smem:$0x7F7] =	sst s19  }
0x44: {  	s21 =	sadd.s32 $0xC000, s0;
	s22 =	sadd.s32 $0x14980, s3;
	[smem:$0x7F8] =	sst s20  }
0x45: {  	s23 =	sadd.s32 $0x14D80, s3;
	s24 =	sadd.s32 $0x15180, s3;
	[smem:$0x7F9] =	sst s22  }
0x46: {  	s25 =	sadd.s32 $0x14600, s3;
	s0 =	simm.s32 $0x1;
	[smem:$0x7FA] =	sst s23  }
0x47: {  	s1 =	simm.s32 $0x2800;
	s4 =	sadd.s32 $0x880, s3;
	[smem:$0x7FB] =	sst s24  }
0x48: {  	s6 =	sadd.s32 $0xF80, s3;
	[smem:$0x7FC] =	sst s25;
	s26 =	sadd.s32 $0x14A00, s3  }
0x49: {  	s16 =	sadd.s32 $0x14E00, s3;
	s17 =	sadd.s32 $0x15200, s3;
	s18 =	sadd.s32 $0x14680, s3  }
0x4a: {  	s19 =	sadd.s32 $0x14A80, s3;
	s20 =	sadd.s32 $0x14E80, s3;
	s22 =	sadd.s32 $0x15280, s3  }
0x4b: {  	s23 =	sadd.s32 $0x14700, s3;
	s24 =	sadd.s32 $0x14B00, s3;
	s25 =	sadd.s32 $0x14F00, s3  }
0x4c: {  	s5 =	simm.s32 $0x5400;
	s7 =	simm.s32 $0x5C00;
	[dreg:$0x1a] =	wrdreg s4  }
0x4d: {  	s8 =	simm.s32 $0x6000;
	s9 =	simm.s32 $0x0;
	[smem:$0x7EA] =	sst s6  }
0x4e: {  	s4 =	sadd.s32 $0x780, s3;
	[smem:$0x7FD] =	sst s26;
	s26 =	sadd.s32 $0x15300, s3  }
0x4f: {  	v0 =	vimm.f32 $0.0e+00;
	v1 =	vimm.f32 $1.000000000e+00;
	s6 =	simm.s32 $0x5800;
	[smem:$0x7E8] =	sst s4;
	s4 =	simm.s32 $0x5000  }
.LBB2_1:
0x50: {  	s10 =	rddreg [dreg:$0x3]  }
0x51: {  	[tilespmem:s2], [sflag:$0x1] =	stream.linear.gather [hbm4b:s10+s2], $0x2800, $0x38;
	[tilespmem:$0xA000] =	vst v63  }
0x52: {  	_ =	swait.ge [sflag:s0], $0x2800  }
0x53: {  	[sflag:s0] =	ssyncset.done $0x0  }
0x54: {  	s10 =	simm.s32 $0x0;
	[sflag:s0] =	ssyncadd.s32 $0xFFFFD800  }
.LBB2_2:
0x55: {  	p0 =	sne.s32 s10, $0x9FC0  }
.Ltmp0:
0x56: {  	_ = 	snop;
	(pc) =	sbr.rel @p0 .LBB2_2-.Ltmp0, $3  }
0x57: {  	_ =	sdelay $0x1  }
0x58: {  	s11 =	sshra.s32 s10, $0x2  }
0x59: {  	s10 =	sadd.s32 $0x40, s10;
	[tilespmem:s11+$0x2800] =	vst v0  }
0x5a: {  	s10 =	simm.s32 $0x0  }
.LBB2_4:
0x5b: {  	s11 =	sshra.s32 s10, $0x2  }
0x5c: {  	v2 =	vld [tilespmem:s11+$0x0];
	_ =	sdelay $0x7  }
0x5d: {  	[tilespmem:v2+s1+$0x0] =	vst.idx.add.f32.msk $0xffff, v1  }
0x5e: {  	v2 =	vld [tilespmem:s11+$0x10];
	_ =	sdelay $0x7  }
0x5f: {  	[tilespmem:v2+s1+$0x0] =	vst.idx.add.f32.msk $0xffff, v1  }
0x60: {  	v2 =	vld [tilespmem:s11+$0x20];
	_ =	sdelay $0x7  }
0x61: {  	[tilespmem:v2+s1+$0x0] =	vst.idx.add.f32.msk $0xffff, v1  }
0x62: {  	v2 =	vld [tilespmem:s11+$0x30];
	_ =	sdelay $0x7  }
0x63: {  	[tilespmem:v2+s1+$0x0] =	vst.idx.add.f32.msk $0xffff, v1  }
0x64: {  	v2 =	vld [tilespmem:s11+$0x40];
	_ =	sdelay $0x7  }
0x65: {  	[tilespmem:v2+s1+$0x0] =	vst.idx.add.f32.msk $0xffff, v1  }
0x66: {  	v2 =	vld [tilespmem:s11+$0x50];
	_ =	sdelay $0x7  }
0x67: {  	[tilespmem:v2+s1+$0x0] =	vst.idx.add.f32.msk $0xffff, v1  }
0x68: {  	v2 =	vld [tilespmem:s11+$0x60];
	_ =	sdelay $0x7  }
0x69: {  	[tilespmem:v2+s1+$0x0] =	vst.idx.add.f32.msk $0xffff, v1  }
0x6a: {  	v2 =	vld [tilespmem:s11+$0x70];
	_ =	sdelay $0x2  }
0x6b: {  	p0 =	sne.s32 s10, $0x9E00  }
.Ltmp1:
0x6c: {  	_ = 	snop;
	(pc) =	sbr.rel @p0 .LBB2_4-.Ltmp1, $2  }
0x6d: {  	_ =	sdelay $0x2  }
0x6e: {  	s10 =	sadd.s32 $0x200, s10;
	[tilespmem:v2+s1+$0x0] =	vst.idx.add.f32.msk $0xffff, v1  }
0x6f: {  	s10 =	rddreg [dreg:$0x4];
	s11 =	simm.s32 $0x80;
	s12 =	simm.s32 $0x400  }
0x70: {  	[spmem:s10] =	stream.strided.scatter [tilespmem:s1], [sflag:$0x1], $0x2800, s12, s11, $0x38;
	[tilespmem:$0xA000] =	vst v63  }
0x71: {  	_ =	swait.ge [sflag:s0], $0x2800  }
0x72: {  	[sflag:s0] =	ssyncset.done $0x0  }
0x73: {  	[sflag:s0] =	ssyncadd.s32 $0xFFFFD800  }
0x74: {  	[bflag:$0x0] =	sbarrier.arrive $0xFFFF  }
0x75: {  	[tilespmem:s4], [sflag:$0x1] =	stream.linear.gather [spmem:s3], $0x80, $0x38;
	[tilespmem:$0xA000] =	vst v63  }
0x76: {  	s13 =	rddreg [dreg:$0x15]  }
0x77: {  	[tilespmem:s5], [sflag:$0x1] =	stream.linear.gather [spmem:s13], $0x80, $0x38;
	[tilespmem:$0xA000] =	vst v63  }
0x78: {  	s14 =	rddreg [dreg:$0x16]  }
0x79: {  	[tilespmem:s6], [sflag:$0x1] =	stream.linear.gather [spmem:s14], $0x80, $0x38;
	[tilespmem:$0xA000] =	vst v63  }
0x7a: {  	s15 =	rddreg [dreg:$0x17]  }
0x7b: {  	[tilespmem:s7], [sflag:$0x1] =	stream.linear.gather [spmem:s15], $0x80, $0x38;
	[tilespmem:$0xA000] =	vst v63  }
0x7c: {  	s11 =	rddreg [dreg:$0x18]  }
0x7d: {  	[tilespmem:s8], [sflag:$0x1] =	stream.linear.gather [spmem:s11], $0x80, $0x38;
	[tilespmem:$0xA000] =	vst v63  }
0x7e: {  	_ =	swait.ge [sflag:s0], $0x280  }
0x7f: {  	[sflag:s0] =	ssyncset.done $0x0  }
0x80: {  	s13 =	simm.s32 $0x5080;
	s12 =	rddreg [dreg:$0x5];
	[sflag:s0] =	ssyncadd.s32 $0xFFFFFD80  }
0x81: {  	[tilespmem:s13], [sflag:$0x1] =	stream.linear.gather [spmem:s12], $0x80, $0x38;
	[tilespmem:$0xA000] =	vst v63  }
0x82: {  	s15 =	simm.s32 $0x5480;
	s14 =	rddreg [dreg:$0x19]  }
0x83: {  	[tilespmem:s15], [sflag:$0x1] =	stream.linear.gather [spmem:s14], $0x80, $0x38;
	[tilespmem:$0xA000] =	vst v63  }
0x84: {  	s12 =	rddreg [dreg:$0x1a];
	s13 =	simm.s32 $0x5880  }
0x85: {  	[tilespmem:s13], [sflag:$0x1] =	stream.linear.gather [spmem:s12], $0x80, $0x38;
	[tilespmem:$0xA000] =	vst v63  }
0x86: {  	s14 =	rddreg [dreg:$0x1b];
	s15 =	simm.s32 $0x5C80  }
0x87: {  	[tilespmem:s15], [sflag:$0x1] =	stream.linear.gather [spmem:s14], $0x80, $0x38;
	[tilespmem:$0xA000] =	vst v63  }
0x88: {  	s12 =	rddreg [dreg:$0x1c];
	s13 =	simm.s32 $0x6080  }
0x89: {  	[tilespmem:s13], [sflag:$0x1] =	stream.linear.gather [spmem:s12], $0x80, $0x38;
	[tilespmem:$0xA000] =	vst v63  }
0x8a: {  	_ =	swait.ge [sflag:s0], $0x280  }
0x8b: {  	[sflag:s0] =	ssyncset.done $0x0;
	s14 =	rddreg [dreg:$0x6]  }
0x8c: {  	s15 =	simm.s32 $0x5100;
	s12 =	rddreg [dreg:$0x1d];
	[sflag:s0] =	ssyncadd.s32 $0xFFFFFD80  }
0x8d: {  	[tilespmem:s15], [sflag:$0x1] =	stream.linear.gather [spmem:s14], $0x80, $0x38;
	[tilespmem:$0xA000] =	vst v63  }
0x8e: {  	s13 =	simm.s32 $0x5500;
	s14 =	rddreg [dreg:$0x1e]  }
0x8f: {  	[tilespmem:s13], [sflag:$0x1] =	stream.linear.gather [spmem:s12], $0x80, $0x38;
	[tilespmem:$0xA000] =	vst v63  }
0x90: {  	s15 =	simm.s32 $0x5900;
	s12 =	rddreg [dreg:$0x1f]  }
0x91: {  	[tilespmem:s15], [sflag:$0x1] =	stream.linear.gather [spmem:s14], $0x80, $0x38;
	[tilespmem:$0xA000] =	vst v63  }
0x92: {  	s13 =	simm.s32 $0x5D00;
	s14 =	sld [smem:$0x7D7]  }
0x93: {  	[tilespmem:s13], [sflag:$0x1] =	stream.linear.gather [spmem:s12], $0x80, $0x38;
	[tilespmem:$0xA000] =	vst v63  }
0x94: {  	s15 =	simm.s32 $0x6100  }
0x95: {  	[tilespmem:s15], [sflag:$0x1] =	stream.linear.gather [spmem:s14], $0x80, $0x38;
	[tilespmem:$0xA000] =	vst v63  }
0x96: {  	_ =	swait.ge [sflag:s0], $0x280  }
0x97: {  	[sflag:s0] =	ssyncset.done $0x0;
	s12 =	rddreg [dreg:$0x7]  }
0x98: {  	s13 =	simm.s32 $0x5180;
	s14 =	sld [smem:$0x7D8];
	[sflag:s0] =	ssyncadd.s32 $0xFFFFFD80  }
0x99: {  	[tilespmem:s13], [sflag:$0x1] =	stream.linear.gather [spmem:s12], $0x80, $0x38;
	[tilespmem:$0xA000] =	vst v63  }
0x9a: {  	s15 =	simm.s32 $0x5580;
	s12 =	sld [smem:$0x7D9]  }
0x9b: {  	[tilespmem:s15], [sflag:$0x1] =	stream.linear.gather [spmem:s14], $0x80, $0x38;
	[tilespmem:$0xA000] =	vst v63  }
0x9c: {  	s13 =	simm.s32 $0x5980;
	s14 =	sld [smem:$0x7DA]  }
0x9d: {  	[tilespmem:s13], [sflag:$0x1] =	stream.linear.gather [spmem:s12], $0x80, $0x38;
	[tilespmem:$0xA000] =	vst v63  }
0x9e: {  	s15 =	simm.s32 $0x5D80;
	s12 =	sld [smem:$0x7DB]  }
0x9f: {  	[tilespmem:s15], [sflag:$0x1] =	stream.linear.gather [spmem:s14], $0x80, $0x38;
	[tilespmem:$0xA000] =	vst v63  }
0xa0: {  	s13 =	simm.s32 $0x6180  }
0xa1: {  	[tilespmem:s13], [sflag:$0x1] =	stream.linear.gather [spmem:s12], $0x80, $0x38;
	[tilespmem:$0xA000] =	vst v63  }
0xa2: {  	_ =	swait.ge [sflag:s0], $0x280  }
0xa3: {  	[sflag:s0] =	ssyncset.done $0x0;
	s14 =	rddreg [dreg:$0x8]  }
0xa4: {  	s15 =	simm.s32 $0x5200;
	s12 =	sld [smem:$0x7DC];
	[sflag:s0] =	ssyncadd.s32 $0xFFFFFD80  }
0xa5: {  	[tilespmem:s15], [sflag:$0x1] =	stream.linear.gather [spmem:s14], $0x80, $0x38;
	[tilespmem:$0xA000] =	vst v63  }
0xa6: {  	s13 =	simm.s32 $0x5600;
	s14 =	sld [smem:$0x7DD]  }
0xa7: {  	[tilespmem:s13], [sflag:$0x1] =	stream.linear.gather [spmem:s12], $0x80, $0x38;
	[tilespmem:$0xA000] =	vst v63  }
0xa8: {  	s15 =	simm.s32 $0x5A00;
	s12 =	sld [smem:$0x7DE]  }
0xa9: {  	[tilespmem:s15], [sflag:$0x1] =	stream.linear.gather [spmem:s14], $0x80, $0x38;
	[tilespmem:$0xA000] =	vst v63  }
0xaa: {  	s13 =	simm.s32 $0x5E00;
	s14 =	sld [smem:$0x7DF]  }
0xab: {  	[tilespmem:s13], [sflag:$0x1] =	stream.linear.gather [spmem:s12], $0x80, $0x38;
	[tilespmem:$0xA000] =	vst v63  }
0xac: {  	s15 =	simm.s32 $0x6200  }
0xad: {  	[tilespmem:s15], [sflag:$0x1] =	stream.linear.gather [spmem:s14], $0x80, $0x38;
	[tilespmem:$0xA000] =	vst v63  }
0xae: {  	_ =	swait.ge [sflag:s0], $0x280  }
0xaf: {  	[sflag:s0] =	ssyncset.done $0x0;
	s12 =	rddreg [dreg:$0x9]  }
0xb0: {  	s13 =	simm.s32 $0x5280;
	s14 =	sld [smem:$0x7E0];
	[sflag:s0] =	ssyncadd.s32 $0xFFFFFD80  }
0xb1: {  	[tilespmem:s13], [sflag:$0x1] =	stream.linear.gather [spmem:s12], $0x80, $0x38;
	[tilespmem:$0xA000] =	vst v63  }
0xb2: {  	s15 =	simm.s32 $0x5680;
	s12 =	sld [smem:$0x7E1]  }
0xb3: {  	[tilespmem:s15], [sflag:$0x1] =	stream.linear.gather [spmem:s14], $0x80, $0x38;
	[tilespmem:$0xA000] =	vst v63  }
0xb4: {  	s13 =	simm.s32 $0x5A80;
	s14 =	sld [smem:$0x7E2]  }
0xb5: {  	[tilespmem:s13], [sflag:$0x1] =	stream.linear.gather [spmem:s12], $0x80, $0x38;
	[tilespmem:$0xA000] =	vst v63  }
0xb6: {  	s15 =	simm.s32 $0x5E80;
	s12 =	sld [smem:$0x7E3]  }
0xb7: {  	[tilespmem:s15], [sflag:$0x1] =	stream.linear.gather [spmem:s14], $0x80, $0x38;
	[tilespmem:$0xA000] =	vst v63  }
0xb8: {  	s13 =	simm.s32 $0x6280  }
0xb9: {  	[tilespmem:s13], [sflag:$0x1] =	stream.linear.gather [spmem:s12], $0x80, $0x38;
	[tilespmem:$0xA000] =	vst v63  }
0xba: {  	_ =	swait.ge [sflag:s0], $0x280  }
0xbb: {  	[sflag:s0] =	ssyncset.done $0x0;
	s14 =	rddreg [dreg:$0xa]  }
0xbc: {  	s15 =	simm.s32 $0x5300;
	s12 =	sld [smem:$0x7E4];
	[sflag:s0] =	ssyncadd.s32 $0xFFFFFD80  }
0xbd: {  	[tilespmem:s15], [sflag:$0x1] =	stream.linear.gather [spmem:s14], $0x80, $0x38;
	[tilespmem:$0xA000] =	vst v63  }
0xbe: {  	s13 =	simm.s32 $0x5700;
	s14 =	sld [smem:$0x7E5]  }
0xbf: {  	[tilespmem:s13], [sflag:$0x1] =	stream.linear.gather [spmem:s12], $0x80, $0x38;
	[tilespmem:$0xA000] =	vst v63  }
0xc0: {  	s15 =	simm.s32 $0x5B00;
	s12 =	sld [smem:$0x7E6]  }
0xc1: {  	[tilespmem:s15], [sflag:$0x1] =	stream.linear.gather [spmem:s14], $0x80, $0x38;
	[tilespmem:$0xA000] =	vst v63  }
0xc2: {  	s13 =	simm.s32 $0x5F00;
	s14 =	sld [smem:$0x7E7]  }
0xc3: {  	[tilespmem:s13], [sflag:$0x1] =	stream.linear.gather [spmem:s12], $0x80, $0x38;
	[tilespmem:$0xA000] =	vst v63  }
0xc4: {  	s15 =	simm.s32 $0x6300  }
0xc5: {  	[tilespmem:s15], [sflag:$0x1] =	stream.linear.gather [spmem:s14], $0x80, $0x38;
	[tilespmem:$0xA000] =	vst v63  }
0xc6: {  	_ =	swait.ge [sflag:s0], $0x280  }
0xc7: {  	[sflag:s0] =	ssyncset.done $0x0;
	s12 =	rddreg [dreg:$0xb]  }
0xc8: {  	s13 =	simm.s32 $0x5380;
	s14 =	sld [smem:$0x7E8];
	[sflag:s0] =	ssyncadd.s32 $0xFFFFFD80  }
0xc9: {  	[tilespmem:s13], [sflag:$0x1] =	stream.linear.gather [spmem:s12], $0x80, $0x38;
	[tilespmem:$0xA000] =	vst v63  }
0xca: {  	s15 =	simm.s32 $0x5780;
	s12 =	sld [smem:$0x7E9]  }
0xcb: {  	[tilespmem:s15], [sflag:$0x1] =	stream.linear.gather [spmem:s14], $0x80, $0x38;
	[tilespmem:$0xA000] =	vst v63  }
0xcc: {  	s13 =	simm.s32 $0x5B80;
	s14 =	sld [smem:$0x7EA]  }
0xcd: {  	[tilespmem:s13], [sflag:$0x1] =	stream.linear.gather [spmem:s12], $0x80, $0x38;
	[tilespmem:$0xA000] =	vst v63  }
0xce: {  	s15 =	simm.s32 $0x5F80;
	s12 =	sld [smem:$0x7EB]  }
0xcf: {  	[tilespmem:s15], [sflag:$0x1] =	stream.linear.gather [spmem:s14], $0x80, $0x38;
	[tilespmem:$0xA000] =	vst v63  }
0xd0: {  	s13 =	simm.s32 $0x6380  }
0xd1: {  	[tilespmem:s13], [sflag:$0x1] =	stream.linear.gather [spmem:s12], $0x80, $0x38;
	[tilespmem:$0xA000] =	vst v63  }
0xd2: {  	_ =	swait.ge [sflag:s0], $0x280  }
0xd3: {  	[sflag:s0] =	ssyncset.done $0x0;
	s14 =	rddreg [dreg:$0xc]  }
0xd4: {  	s15 =	simm.s32 $0x6400;
	s12 =	sld [smem:$0x7EC];
	[sflag:s0] =	ssyncadd.s32 $0xFFFFFD80  }
0xd5: {  	[tilespmem:s15], [sflag:$0x1] =	stream.linear.gather [spmem:s14], $0x80, $0x38;
	[tilespmem:$0xA000] =	vst v63  }
0xd6: {  	s13 =	simm.s32 $0x6800;
	s14 =	sld [smem:$0x7ED]  }
0xd7: {  	[tilespmem:s13], [sflag:$0x1] =	stream.linear.gather [spmem:s12], $0x80, $0x38;
	[tilespmem:$0xA000] =	vst v63  }
0xd8: {  	s15 =	simm.s32 $0x6C00;
	s12 =	sld [smem:$0x7EE]  }
0xd9: {  	[tilespmem:s15], [sflag:$0x1] =	stream.linear.gather [spmem:s14], $0x80, $0x38;
	[tilespmem:$0xA000] =	vst v63  }
0xda: {  	s13 =	simm.s32 $0x7000;
	s14 =	sld [smem:$0x7EF]  }
0xdb: {  	[tilespmem:s13], [sflag:$0x1] =	stream.linear.gather [spmem:s12], $0x80, $0x38;
	[tilespmem:$0xA000] =	vst v63  }
0xdc: {  	s15 =	simm.s32 $0x7400  }
0xdd: {  	[tilespmem:s15], [sflag:$0x1] =	stream.linear.gather [spmem:s14], $0x80, $0x38;
	[tilespmem:$0xA000] =	vst v63  }
0xde: {  	_ =	swait.ge [sflag:s0], $0x280  }
0xdf: {  	[sflag:s0] =	ssyncset.done $0x0;
	s12 =	rddreg [dreg:$0xd]  }
0xe0: {  	s13 =	simm.s32 $0x6480;
	s14 =	sld [smem:$0x7F0];
	[sflag:s0] =	ssyncadd.s32 $0xFFFFFD80  }
0xe1: {  	[tilespmem:s13], [sflag:$0x1] =	stream.linear.gather [spmem:s12], $0x80, $0x38;
	[tilespmem:$0xA000] =	vst v63  }
0xe2: {  	s15 =	simm.s32 $0x6880;
	s12 =	sld [smem:$0x7F1]  }
0xe3: {  	[tilespmem:s15], [sflag:$0x1] =	stream.linear.gather [spmem:s14], $0x80, $0x38;
	[tilespmem:$0xA000] =	vst v63  }
0xe4: {  	s13 =	simm.s32 $0x6C80;
	s14 =	sld [smem:$0x7F2]  }
0xe5: {  	[tilespmem:s13], [sflag:$0x1] =	stream.linear.gather [spmem:s12], $0x80, $0x38;
	[tilespmem:$0xA000] =	vst v63  }
0xe6: {  	s15 =	simm.s32 $0x7080;
	s12 =	sld [smem:$0x7F3]  }
0xe7: {  	[tilespmem:s15], [sflag:$0x1] =	stream.linear.gather [spmem:s14], $0x80, $0x38;
	[tilespmem:$0xA000] =	vst v63  }
0xe8: {  	s13 =	simm.s32 $0x7480  }
0xe9: {  	[tilespmem:s13], [sflag:$0x1] =	stream.linear.gather [spmem:s12], $0x80, $0x38;
	[tilespmem:$0xA000] =	vst v63  }
0xea: {  	_ =	swait.ge [sflag:s0], $0x280  }
0xeb: {  	[sflag:s0] =	ssyncset.done $0x0;
	s14 =	rddreg [dreg:$0xe]  }
0xec: {  	s15 =	simm.s32 $0x6500;
	s12 =	sld [smem:$0x7F4];
	[sflag:s0] =	ssyncadd.s32 $0xFFFFFD80  }
0xed: {  	[tilespmem:s15], [sflag:$0x1] =	stream.linear.gather [spmem:s14], $0x80, $0x38;
	[tilespmem:$0xA000] =	vst v63  }
0xee: {  	s13 =	simm.s32 $0x6900;
	s14 =	sld [smem:$0x7F5]  }
0xef: {  	[tilespmem:s13], [sflag:$0x1] =	stream.linear.gather [spmem:s12], $0x80, $0x38;
	[tilespmem:$0xA000] =	vst v63  }
0xf0: {  	s15 =	simm.s32 $0x6D00;
	s12 =	sld [smem:$0x7F6]  }
0xf1: {  	[tilespmem:s15], [sflag:$0x1] =	stream.linear.gather [spmem:s14], $0x80, $0x38;
	[tilespmem:$0xA000] =	vst v63  }
0xf2: {  	s13 =	simm.s32 $0x7100;
	s14 =	sld [smem:$0x7F7]  }
0xf3: {  	[tilespmem:s13], [sflag:$0x1] =	stream.linear.gather [spmem:s12], $0x80, $0x38;
	[tilespmem:$0xA000] =	vst v63  }
0xf4: {  	s15 =	simm.s32 $0x7500  }
0xf5: {  	[tilespmem:s15], [sflag:$0x1] =	stream.linear.gather [spmem:s14], $0x80, $0x38;
	[tilespmem:$0xA000] =	vst v63  }
0xf6: {  	_ =	swait.ge [sflag:s0], $0x280  }
0xf7: {  	[sflag:s0] =	ssyncset.done $0x0;
	s12 =	rddreg [dreg:$0xf]  }
0xf8: {  	s13 =	simm.s32 $0x6580;
	s14 =	sld [smem:$0x7F8];
	[sflag:s0] =	ssyncadd.s32 $0xFFFFFD80  }
0xf9: {  	[tilespmem:s13], [sflag:$0x1] =	stream.linear.gather [spmem:s12], $0x80, $0x38;
	[tilespmem:$0xA000] =	vst v63  }
0xfa: {  	s15 =	simm.s32 $0x6980;
	s12 =	sld [smem:$0x7F9]  }
0xfb: {  	[tilespmem:s15], [sflag:$0x1] =	stream.linear.gather [spmem:s14], $0x80, $0x38;
	[tilespmem:$0xA000] =	vst v63  }
0xfc: {  	s13 =	simm.s32 $0x6D80;
	s14 =	sld [smem:$0x7FA]  }
0xfd: {  	[tilespmem:s13], [sflag:$0x1] =	stream.linear.gather [spmem:s12], $0x80, $0x38;
	[tilespmem:$0xA000] =	vst v63  }
0xfe: {  	s15 =	simm.s32 $0x7180;
	s12 =	sld [smem:$0x7FB]  }
0xff: {  	[tilespmem:s15], [sflag:$0x1] =	stream.linear.gather [spmem:s14], $0x80, $0x38;
	[tilespmem:$0xA000] =	vst v63  }
0x100: {  	s13 =	simm.s32 $0x7580  }
0x101: {  	[tilespmem:s13], [sflag:$0x1] =	stream.linear.gather [spmem:s12], $0x80, $0x38;
	[tilespmem:$0xA000] =	vst v63  }
0x102: {  	_ =	swait.ge [sflag:s0], $0x280  }
0x103: {  	[sflag:s0] =	ssyncset.done $0x0;
	s14 =	rddreg [dreg:$0x10]  }
0x104: {  	s15 =	simm.s32 $0x6600;
	s12 =	sld [smem:$0x7FC];
	[sflag:s0] =	ssyncadd.s32 $0xFFFFFD80  }
0x105: {  	[tilespmem:s15], [sflag:$0x1] =	stream.linear.gather [spmem:s14], $0x80, $0x38;
	[tilespmem:$0xA000] =	vst v63  }
0x106: {  	s13 =	simm.s32 $0x6A00;
	s14 =	sld [smem:$0x7FD]  }
0x107: {  	[tilespmem:s13], [sflag:$0x1] =	stream.linear.gather [spmem:s12], $0x80, $0x38;
	[tilespmem:$0xA000] =	vst v63  }
0x108: {  	s15 =	simm.s32 $0x6E00  }
0x109: {  	[tilespmem:s15], [sflag:$0x1] =	stream.linear.gather [spmem:s14], $0x80, $0x38;
	[tilespmem:$0xA000] =	vst v63  }
0x10a: {  	s12 =	simm.s32 $0x7200  }
0x10b: {  	[tilespmem:s12], [sflag:$0x1] =	stream.linear.gather [spmem:s16], $0x80, $0x38;
	[tilespmem:$0xA000] =	vst v63  }
0x10c: {  	s13 =	simm.s32 $0x7600  }
0x10d: {  	[tilespmem:s13], [sflag:$0x1] =	stream.linear.gather [spmem:s17], $0x80, $0x38;
	[tilespmem:$0xA000] =	vst v63  }
0x10e: {  	_ =	swait.ge [sflag:s0], $0x280  }
0x10f: {  	[sflag:s0] =	ssyncset.done $0x0  }
0x110: {  	s15 =	simm.s32 $0x6680;
	s14 =	rddreg [dreg:$0x11];
	[sflag:s0] =	ssyncadd.s32 $0xFFFFFD80  }
0x111: {  	[tilespmem:s15], [sflag:$0x1] =	stream.linear.gather [spmem:s14], $0x80, $0x38;
	[tilespmem:$0xA000] =	vst v63  }
0x112: {  	s12 =	simm.s32 $0x6A80  }
0x113: {  	[tilespmem:s12], [sflag:$0x1] =	stream.linear.gather [spmem:s18], $0x80, $0x38;
	[tilespmem:$0xA000] =	vst v63  }
0x114: {  	s13 =	simm.s32 $0x6E80  }
0x115: {  	[tilespmem:s13], [sflag:$0x1] =	stream.linear.gather [spmem:s19], $0x80, $0x38;
	[tilespmem:$0xA000] =	vst v63  }
0x116: {  	s14 =	simm.s32 $0x7280  }
0x117: {  	[tilespmem:s14], [sflag:$0x1] =	stream.linear.gather [spmem:s20], $0x80, $0x38;
	[tilespmem:$0xA000] =	vst v63  }
0x118: {  	s15 =	simm.s32 $0x7680  }
0x119: {  	[tilespmem:s15], [sflag:$0x1] =	stream.linear.gather [spmem:s22], $0x80, $0x38;
	[tilespmem:$0xA000] =	vst v63  }
0x11a: {  	_ =	swait.ge [sflag:s0], $0x280  }
0x11b: {  	[sflag:s0] =	ssyncset.done $0x0  }
0x11c: {  	s12 =	simm.s32 $0x6700;
	s11 =	rddreg [dreg:$0x12];
	[sflag:s0] =	ssyncadd.s32 $0xFFFFFD80  }
0x11d: {  	[tilespmem:s12], [sflag:$0x1] =	stream.linear.gather [spmem:s11], $0x80, $0x38;
	[tilespmem:$0xA000] =	vst v63  }
0x11e: {  	s13 =	simm.s32 $0x6B00  }
0x11f: {  	[tilespmem:s13], [sflag:$0x1] =	stream.linear.gather [spmem:s23], $0x80, $0x38;
	[tilespmem:$0xA000] =	vst v63  }
0x120: {  	s14 =	simm.s32 $0x6F00  }
0x121: {  	[tilespmem:s14], [sflag:$0x1] =	stream.linear.gather [spmem:s24], $0x80, $0x38;
	[tilespmem:$0xA000] =	vst v63  }
0x122: {  	s15 =	simm.s32 $0x7300  }
0x123: {  	[tilespmem:s15], [sflag:$0x1] =	stream.linear.gather [spmem:s25], $0x80, $0x38;
	[tilespmem:$0xA000] =	vst v63  }
0x124: {  	s11 =	simm.s32 $0x7700  }
0x125: {  	[tilespmem:s11], [sflag:$0x1] =	stream.linear.gather [spmem:s26], $0x80, $0x38;
	[tilespmem:$0xA000] =	vst v63  }
0x126: {  	_ =	swait.ge [sflag:s0], $0x280  }
0x127: {  	[sflag:s0] =	ssyncset.done $0x0  }
0x128: {  	s13 =	simm.s32 $0x6780;
	s12 =	rddreg [dreg:$0x13];
	[sflag:s0] =	ssyncadd.s32 $0xFFFFFD80  }
0x129: {  	[tilespmem:s13], [sflag:$0x1] =	stream.linear.gather [spmem:s12], $0x80, $0x38;
	[tilespmem:$0xA000] =	vst v63  }
0x12a: {  	s14 =	simm.s32 $0x6B80  }
0x12b: {  	[tilespmem:s14], [sflag:$0x1] =	stream.linear.gather [spmem:s28], $0x80, $0x38;
	[tilespmem:$0xA000] =	vst v63  }
0x12c: {  	s15 =	simm.s32 $0x6F80  }
0x12d: {  	[tilespmem:s15], [sflag:$0x1] =	stream.linear.gather [spmem:s29], $0x80, $0x38;
	[tilespmem:$0xA000] =	vst v63  }
0x12e: {  	s11 =	simm.s32 $0x7380  }
0x12f: {  	[tilespmem:s11], [sflag:$0x1] =	stream.linear.gather [spmem:s30], $0x80, $0x38;
	[tilespmem:$0xA000] =	vst v63  }
0x130: {  	s12 =	simm.s32 $0x7780  }
0x131: {  	[tilespmem:s12], [sflag:$0x1] =	stream.linear.gather [spmem:s31], $0x80, $0x38;
	[tilespmem:$0xA000] =	vst v63  }
0x132: {  	s13 =	simm.s32 $0x0;
	_ =	swait.ge [sflag:s0], $0x280  }
0x133: {  	s14 =	sand.u32 $0x70, s13;
	s15 =	sand.u32 $0x1C00, s13;
	[sflag:s0] =	ssyncset.done $0x0  }
0x134: {  	s10 =	sor.u32 s14, s15;
	[sflag:s0] =	ssyncadd.s32 $0xFFFFFD80  }
0x135: {  	v2 =	vld [tilespmem:s10+$0x5080]  }
0x136: {  	v3 =	vld [tilespmem:s10+$0x5000];
	_ =	sdelay $0x1  }
0x137: {  	v4 =	vld [tilespmem:s10+$0x5100];
	_ =	sdelay $0x1  }
0x138: {  	v5 =	vld [tilespmem:s10+$0x5180]  }
0x139: {  	v2 =	vadd.f32 v2, v3  }
0x13a: {  	v3 =	vld [tilespmem:s10+$0x5200]  }
0x13b: {  	v2 =	vadd.f32 v4, v2  }
0x13c: {  	v56 =	vld [tilespmem:s10+$0x5280]  }
0x13d: {  	v2 =	vadd.f32 v5, v2  }
0x13e: {  	s11 =	sor.u32 s13, s13;
	v57 =	vld [tilespmem:s10+$0x5300]  }
0x13f: {  	s11 =	sor.u32 $0x380, s11;
	v2 =	vadd.f32 v3, v2  }
0x140: {  	v3 =	vld [tilespmem:s11+$0x5000]  }
0x141: {  	v2 =	vadd.f32 v56, v2  }
0x142: {  	v58 =	vld [tilespmem:s10+$0x6400]  }
0x143: {  	v2 =	vadd.f32 v57, v2  }
0x144: {  	v59 =	vld [tilespmem:s10+$0x6480]  }
0x145: {  	v2 =	vadd.f32 v3, v2  }
0x146: {  	v3 =	vld [tilespmem:s10+$0x6500]  }
0x147: {  	v2 =	vadd.f32 v58, v2  }
0x148: {  	v60 =	vld [tilespmem:s10+$0x6580]  }
0x149: {  	v2 =	vadd.f32 v59, v2  }
0x14a: {  	v61 =	vld [tilespmem:s10+$0x6600]  }
0x14b: {  	v2 =	vadd.f32 v3, v2  }
0x14c: {  	v3 =	vld [tilespmem:s10+$0x6680]  }
0x14d: {  	v2 =	vadd.f32 v60, v2  }
0x14e: {  	v62 =	vld [tilespmem:s10+$0x6700]  }
0x14f: {  	v2 =	vadd.f32 v61, v2  }
0x150: {  	v63 =	vld [tilespmem:s10+$0x6780]  }
0x151: {  	v2 =	vadd.f32 v3, v2;
	_ =	sdelay $0x1  }
0x152: {  	v2 =	vadd.f32 v62, v2  }
0x153: {  	s12 =	simm.s32 $0x80;
	s11 =	simm.s32 $0x10  }
0x154: {  	s14 =	sand.u32 $0x1C00, s12;
	s13 =	sand.u32 $0x70, s11;
	v2 =	vadd.f32 v63, v2  }
0x155: {  	s14 =	sor.u32 s13, s14;
	s13 =	simm.s32 $0x20  }
.LBB2_6:
0x156: {  	p0 =	sne.s32 s13, $0x270;
	v3 =	vld [tilespmem:s14+$0x5080];
	[tilespmem:s10+$0x5000] =	vst v2;
	s10 =	smov.u32 s14  }
0x157: {  	v2 =	vld [tilespmem:s10+$0x5000];
	_ =	sdelay $0x1  }
0x158: {  	v4 =	vld [tilespmem:s10+$0x5100];
	_ =	sdelay $0x1  }
0x159: {  	v5 =	vld [tilespmem:s10+$0x5180]  }
0x15a: {  	v2 =	vadd.f32 v3, v2  }
0x15b: {  	v3 =	vld [tilespmem:s10+$0x5200]  }
0x15c: {  	v2 =	vadd.f32 v4, v2  }
0x15d: {  	v4 =	vld [tilespmem:s10+$0x5280]  }
0x15e: {  	v2 =	vadd.f32 v5, v2  }
0x15f: {  	s14 =	sor.u32 s12, s11;
	s11 =	smov.u32 s13;
	v5 =	vld [tilespmem:s10+$0x5300]  }
0x160: {  	s14 =	sor.u32 $0x380, s14;
	v2 =	vadd.f32 v3, v2  }
0x161: {  	v3 =	vld [tilespmem:s14+$0x5000]  }
0x162: {  	v2 =	vadd.f32 v4, v2  }
0x163: {  	v4 =	vld [tilespmem:s10+$0x6400]  }
0x164: {  	v2 =	vadd.f32 v5, v2  }
0x165: {  	v5 =	vld [tilespmem:s10+$0x6480]  }
0x166: {  	v2 =	vadd.f32 v3, v2  }
0x167: {  	v3 =	vld [tilespmem:s10+$0x6500]  }
0x168: {  	v2 =	vadd.f32 v4, v2  }
0x169: {  	v4 =	vld [tilespmem:s10+$0x6580]  }
0x16a: {  	v2 =	vadd.f32 v5, v2  }
0x16b: {  	v5 =	vld [tilespmem:s10+$0x6600]  }
0x16c: {  	v2 =	vadd.f32 v3, v2  }
0x16d: {  	v3 =	vld [tilespmem:s10+$0x6680]  }
0x16e: {  	v2 =	vadd.f32 v4, v2  }
0x16f: {  	v4 =	vld [tilespmem:s10+$0x6700]  }
0x170: {  	v2 =	vadd.f32 v5, v2  }
0x171: {  	v5 =	vld [tilespmem:s10+$0x6780]  }
0x172: {  	v2 =	vadd.f32 v3, v2  }
.Ltmp2:
0x173: {  	(pc) =	sbr.rel @p0 .LBB2_6-.Ltmp2, $4  }
0x174: {  	v2 =	vadd.f32 v4, v2  }
0x175: {  	s12 =	sadd.s32 $0x80, s12  }
0x176: {  	s15 =	sand.u32 $0x1C00, s12;
	s14 =	sand.u32 $0x70, s13;
	v2 =	vadd.f32 v5, v2  }
0x177: {  	s13 =	sadd.s32 $0x10, s13;
	s14 =	sor.u32 s14, s15  }
0x178: {  	v3 =	vld [tilespmem:s14+$0x5080];
	[tilespmem:s10+$0x5000] =	vst v2  }
0x179: {  	v2 =	vld [tilespmem:s14+$0x5000];
	_ =	sdelay $0x1  }
0x17a: {  	v4 =	vld [tilespmem:s14+$0x5100];
	_ =	sdelay $0x1  }
0x17b: {  	v5 =	vld [tilespmem:s14+$0x5180]  }
0x17c: {  	v2 =	vadd.f32 v3, v2  }
0x17d: {  	v3 =	vld [tilespmem:s14+$0x5200]  }
0x17e: {  	v2 =	vadd.f32 v4, v2  }
0x17f: {  	v56 =	vld [tilespmem:s14+$0x5280]  }
0x180: {  	v2 =	vadd.f32 v5, v2  }
0x181: {  	v57 =	vld [tilespmem:s14+$0x5300];
	s15 =	sor.u32 s12, s11  }
0x182: {  	s10 =	sor.u32 $0x380, s15;
	v2 =	vadd.f32 v3, v2  }
0x183: {  	v3 =	vld [tilespmem:s10+$0x5000]  }
0x184: {  	v2 =	vadd.f32 v56, v2  }
0x185: {  	v58 =	vld [tilespmem:s14+$0x6400]  }
0x186: {  	v2 =	vadd.f32 v57, v2  }
0x187: {  	v59 =	vld [tilespmem:s14+$0x6480]  }
0x188: {  	v2 =	vadd.f32 v3, v2  }
0x189: {  	v3 =	vld [tilespmem:s14+$0x6500]  }
0x18a: {  	v2 =	vadd.f32 v58, v2  }
0x18b: {  	v60 =	vld [tilespmem:s14+$0x6580]  }
0x18c: {  	v2 =	vadd.f32 v59, v2  }
0x18d: {  	v61 =	vld [tilespmem:s14+$0x6600]  }
0x18e: {  	v2 =	vadd.f32 v3, v2  }
0x18f: {  	v3 =	vld [tilespmem:s14+$0x6680]  }
0x190: {  	v2 =	vadd.f32 v60, v2  }
0x191: {  	v62 =	vld [tilespmem:s14+$0x6700]  }
0x192: {  	v2 =	vadd.f32 v61, v2  }
0x193: {  	v63 =	vld [tilespmem:s14+$0x6780]  }
0x194: {  	v2 =	vadd.f32 v3, v2;
	_ =	sdelay $0x1  }
0x195: {  	v2 =	vadd.f32 v62, v2;
	_ =	sdelay $0x1  }
0x196: {  	v2 =	vadd.f32 v63, v2;
	_ =	sdelay $0x1  }
0x197: {  	[tilespmem:s14+$0x5000] =	vst v2  }
0x198: {  	[hbm4b:s21+s2] =	stream.linear.scatter [tilespmem:s4], [sflag:$0x1], $0x80, $0x38;
	[tilespmem:$0xA000] =	vst v63  }
0x199: {  	s11 =	sadd.s32 $0x20, s21  }
0x19a: {  	[hbm4b:s11+s2] =	stream.linear.scatter [tilespmem:s5], [sflag:$0x1], $0x80, $0x38;
	[tilespmem:$0xA000] =	vst v63  }
0x19b: {  	s12 =	sadd.s32 $0x40, s21  }
0x19c: {  	[hbm4b:s12+s2] =	stream.linear.scatter [tilespmem:s6], [sflag:$0x1], $0x80, $0x38;
	[tilespmem:$0xA000] =	vst v63  }
0x19d: {  	s13 =	sadd.s32 $0x60, s21  }
0x19e: {  	[hbm4b:s13+s2] =	stream.linear.scatter [tilespmem:s7], [sflag:$0x1], $0x80, $0x38;
	[tilespmem:$0xA000] =	vst v63  }
0x19f: {  	s14 =	sadd.s32 $0x80, s21  }
0x1a0: {  	[hbm4b:s14+s2] =	stream.linear.scatter [tilespmem:s8], [sflag:$0x1], $0x80, $0x38;
	[tilespmem:$0xA000] =	vst v63  }
0x1a1: {  	_ =	swait.ge [sflag:s0], $0x280  }
0x1a2: {  	s9 =	sadd.s32 $0x1, s9;
	s15 =	rddreg [dreg:$0x14]  }
0x1a3: {  	p0 =	sne.s32 s9, s15  }
.Ltmp3:
0x1a4: {  	_ = 	snop;
	(pc) =	sbr.rel @p0 .LBB2_1-.Ltmp3, $3  }
0x1a5: {  	_ =	sdelay $0x1  }
0x1a6: {  	[sflag:s0] =	ssyncset.done $0x0  }
0x1a7: {  	[sflag:s0] =	ssyncadd.s32 $0xFFFFFD80  }
0x1a8: {  	_ =	sfence.sel $0x180000  }
0x1a9: {  	[bflag:$0x0] =	sbarrier.arrive $0xFFFF  }
0x1aa: {  	_ =	strace $0x90000047  }
0x1ab: {  	s0 =	stileid.u32;
	[bflag:$0x2] =	sbarrier.arrive $0xFFFF  }
0x1ac: {  	p0 =	sne.s32 s0, $0x0;
	s0 =	rddreg [dreg:$0x2]  }
0x1ad: {  	s0 =	sadd.s32 @!p0 $0x100000, s0  }
0x1ae: {  	[sflag:s0] =	ssyncadd.tile.s32 @!p0 $0x1;
	_ =	shalt  }
.Lfunc_end2:
_tile_overlayer_lowered:
.L_overlay_start_2:
0x1af: {  	(tag) =	ssettag $0x2  }
0x1b0: {  	s0 =	rddreg [dreg:$0x0];
	s2 =	stileid.u32  }
0x1b1: {  	s1 =	rddreg [dreg:$0x1];
	p0 =	sne.s32 s2, $0x0  }
0x1b2: {  	s3 =	rddreg [dreg:$0x2];
	[bflag:$0x3] =	sbarrier.arrive $0xFFFF;
	s2 =	simm.s32 @!p0 $0x1C01  }
0x1b3: {  	[timem:s3], [sflag:s2] =	dma.local @!p0 [hbm:s0], s1  }
0x1b4: {  	s0 =	simm.s32 @!p0 $0x1  }
0x1b5: {  	_ =	swait.ge @!p0 [sflag:s0], s1  }
0x1b6: {  	s1 =	ssub.s32 @!p0 $0x0, s1;
	[sflag:s0] =	ssyncset.done @!p0 $0x0  }
0x1b7: {  	[sflag:s0] =	ssyncadd.s32 @!p0 s1  }
0x1b8: {  	[bflag:$0x3] =	sbarrier.arrive $0xFFFF  }
0x1b9: {  	_ =	shalt  }

// kernel: kernel.9.cloned.1.call-start
scs
__scs_entry_jumppad:
0x0: {  	(pc) =	sbr.rel $0x88, $3  }
0x1: {  	(tag) =	ssettag $0x0;
	lr =	simm.s32 $0x1  }
0x2: {  	[smem:$0x3F9B] =	sst lr;
	_ =	strace $0xD0000000  }
0x3: {  	_ = 	snop  }
0x4: {  	_ = 	snop  }
0x5: {  	_ = 	snop  }
0x6: {  	_ = 	snop  }
0x7: {  	_ = 	snop  }
__scs_overlays_trampoline_lowered:
0x8: {  	[smem:$0x3FAA] =	sst s0  }
0x9: {  	[smem:$0x3FAB] =	sst s1  }
0xa: {  	[smem:$0x3FAC] =	sst s2  }
0xb: {  	[smem:$0x3FAD] =	sst s3  }
0xc: {  	[smem:$0x3FAE] =	sst s4  }
0xd: {  	[smem:$0x3FAF] =	sst s5  }
0xe: {  	[smem:$0x3FB0] =	sst s6  }
0xf: {  	[smem:$0x3FB1] =	sst s7  }
0x10: {  	[smem:$0x3FB2] =	sst s8  }
0x11: {  	[smem:$0x3FB3] =	sst s9;
	s0 =	simm.s32 @!p0 $0x0  }
0x12: {  	s1 =	sld [smem:$0x3F99];
	s0 =	simm.s32 @p0 $0x1  }
0x13: {  	[smem:$0x3FB4] =	sst s0;
	s0 =	simm.s32 @!p1 $0x0  }
0x14: {  	s2 =	sld [smem:$0x3F98];
	s0 =	simm.s32 @p1 $0x1  }
0x15: {  	[smem:$0x3FB5] =	sst s0;
	s0 =	simm.s32 @!p2 $0x0  }
0x16: {  	s3 =	sld [smem:$0x3FDB];
	s0 =	simm.s32 @p2 $0x1  }
0x17: {  	s4 =	simm.s32 $0x1BF5;
	[smem:$0x3FB7] =	sst s0  }
0x18: {  	s0 =	sld [smem:$0x3F9A];
	_ =	swait.ge [sflag:s4], $0x0  }
0x19: {  	s7 =	sld [smem:$0x3F9B]  }
0x1a: {  	s8 =	sadd.s32 $0xFFFFE003, lr  }
0x1b: {  	s9 =	sadd.s32 $0xFFFFFEF7, lr;
	s5 =	simm.s32 $0xFFFFFFFF;
	p2 =	slt.u32 s8, $0xFFFFF086  }
0x1c: {  	p1 =	slt.u32 s9, $0xF7A;
	s5 =	simm.s32 @!p2 $0x0  }
0x1d: {  	s5 =	simm.s32 @p1 $0x1;
	p0 =	seq.s32 s7, s2  }
0x1e: {  	s7 =	smul.u32 @!p0 $0xF7A, s2;
	p2 =	seq.s32 @!p0 s5, $0x0  }
0x1f: {  	s9 =	smul.u32 $0xF7A, s1;
	s8 =	simm.s32 @!p0 $0x1BF5;
	p2 =	por !p2, p0  }
0x20: {  	[sflag:s8] =	ssyncset.s32 @!p0 $0xFFFFF086;
	s6 =	sadd.s32 @!p0 s3, s7;
	s7 =	simm.s32 @!p0 $0x108  }
0x21: {  	s3 =	sadd.s32 s3, s9;
	s6 =	sadd.s32 @!p0 $0x88, s6;
	s7 =	simm.s32 @p2 $0x1082  }
0x22: {  	[simem:s7], [sflag:s8] =	dma.local @!p0 [hbm:s6], $0xF7A  }
0x23: {  	s9 =	sor.u32 $0xD0000000, s2;
	s6 =	simm.s32 $0x108;
	_ =	swait.ge @!p0 [sflag:s8], $0x0  }
0x24: {  	s3 =	sadd.s32 $0x88, s3;
	s6 =	simm.s32 @!p1 $0x1082;
	[sflag:s4] =	ssyncset.s32 $0xFFFFF086  }
0x25: {  	[simem:s6], [sflag:s4] =	dma.local [hbm:s3], $0xF7A  }
0x26: {  	[smem:$0x3F9B] =	sst s1;
	(tag) =	ssettag s2;
	_ =	strace s9  }
0x27: {  	s1 =	sld [smem:$0x3FAB]  }
0x28: {  	s2 =	sld [smem:$0x3FAC]  }
0x29: {  	s4 =	sld [smem:$0x3FAE]  }
0x2a: {  	p0 =	seq.s32 s5, $0x0;
	s5 =	sld [smem:$0x3FAF]  }
0x2b: {  	s6 =	sld [smem:$0x3FB0]  }
0x2c: {  	s7 =	sld [smem:$0x3FB1]  }
0x2d: {  	s3 =	simm.s32 $0x108;
	s8 =	sld [smem:$0x3FB2]  }
0x2e: {  	s3 =	simm.s32 @!p0 $0x1082;
	s9 =	sld [smem:$0x3FB3]  }
0x2f: {  	lr =	sadd.s32 s0, s3;
	s0 =	sld [smem:$0x3FAA]  }
0x30: {  	s3 =	sld [smem:$0x3FAD]  }
0x31: {  	[smem:$0x3FB6] =	sst s10  }
0x32: {  	s10 =	sld [smem:$0x3FB4];
	_ =	sdelay $0x3  }
0x33: {  	p0 =	seq.s32 s10, $0x1;
	s10 =	sld [smem:$0x3FB6];
	_ =	sdelay $0x3  }
0x34: {  	[smem:$0x3FB6] =	sst s10  }
0x35: {  	s10 =	sld [smem:$0x3FB5];
	_ =	sdelay $0x3  }
0x36: {  	p1 =	seq.s32 s10, $0x1;
	s10 =	sld [smem:$0x3FB6];
	_ =	sdelay $0x3  }
0x37: {  	[smem:$0x3FB6] =	sst s10  }
0x38: {  	s10 =	sld [smem:$0x3FB7]  }
0x39: {  	_ = 	snop;
	(pc) =	sbr.ind lr, $3  }
0x3a: {  	_ = 	snop  }
0x3b: {  	_ = 	snop  }
0x3c: {  	p2 =	seq.s32 s10, $0x1;
	s10 =	sld [smem:$0x3FB6]  }
0x3d: {  	_ =	shalt  }
0x3e: {  	_ =	shalt  }
0x3f: {  	_ =	shalt  }
0x40: {  	_ =	shalt  }
0x41: {  	_ =	shalt  }
0x42: {  	_ =	shalt  }
0x43: {  	_ =	shalt  }
0x44: {  	_ =	shalt  }
0x45: {  	_ =	shalt  }
0x46: {  	_ =	shalt  }
0x47: {  	_ =	shalt  }
0x48: {  	_ =	shalt  }
0x49: {  	_ =	shalt  }
0x4a: {  	_ =	shalt  }
0x4b: {  	_ =	shalt  }
0x4c: {  	_ =	shalt  }
0x4d: {  	_ =	shalt  }
0x4e: {  	_ =	shalt  }
0x4f: {  	_ =	shalt  }
0x50: {  	_ =	shalt  }
0x51: {  	_ =	shalt  }
0x52: {  	_ =	shalt  }
0x53: {  	_ =	shalt  }
0x54: {  	_ =	shalt  }
0x55: {  	_ =	shalt  }
0x56: {  	_ =	shalt  }
0x57: {  	_ =	shalt  }
0x58: {  	_ =	shalt  }
0x59: {  	_ =	shalt  }
0x5a: {  	_ =	shalt  }
0x5b: {  	_ =	shalt  }
0x5c: {  	_ =	shalt  }
0x5d: {  	_ =	shalt  }
0x5e: {  	_ =	shalt  }
0x5f: {  	_ =	shalt  }
0x60: {  	_ =	shalt  }
0x61: {  	_ =	shalt  }
0x62: {  	_ =	shalt  }
0x63: {  	_ =	shalt  }
0x64: {  	_ =	shalt  }
0x65: {  	_ =	shalt  }
0x66: {  	_ =	shalt  }
0x67: {  	_ =	shalt  }
0x68: {  	_ =	shalt  }
0x69: {  	_ =	shalt  }
0x6a: {  	_ =	shalt  }
0x6b: {  	_ =	shalt  }
0x6c: {  	_ =	shalt  }
0x6d: {  	_ =	shalt  }
0x6e: {  	_ =	shalt  }
0x6f: {  	_ =	shalt  }
0x70: {  	_ =	shalt  }
0x71: {  	_ =	shalt  }
0x72: {  	_ =	shalt  }
0x73: {  	_ =	shalt  }
0x74: {  	_ =	shalt  }
0x75: {  	_ =	shalt  }
0x76: {  	_ =	shalt  }
0x77: {  	_ =	shalt  }
0x78: {  	_ =	shalt  }
0x79: {  	_ =	shalt  }
0x7a: {  	_ =	shalt  }
0x7b: {  	_ =	shalt  }
0x7c: {  	_ =	shalt  }
0x7d: {  	_ =	shalt  }
0x7e: {  	_ =	shalt  }
0x7f: {  	_ =	shalt  }
0x80: {  	_ =	shalt  }
0x81: {  	_ =	shalt  }
0x82: {  	_ =	shalt  }
0x83: {  	_ =	shalt  }
0x84: {  	_ =	shalt  }
0x85: {  	_ =	shalt  }
0x86: {  	_ =	shalt  }
0x87: {  	_ =	shalt  }
.Lfunc_end0:
.L_simem_size_0:
called_computation.1_lowered:
.L_overlay_start_0:
0x88: {  	s2 =	sld [smem:$0x3FD9]  }
0x89: {  	s3 =	sld [smem:$0x3FFE];
	_ =	sdelay $0x1  }
0x8a: {  	s1 =	srdreg.scid  }
0x8b: {  	s0 =	sand.u32 $0x1, s1  }
0x8c: {  	s17 =	sshll.u32 s0, $0xA;
	s2 =	sadd.s32 s3, s2  }
0x8d: {  	s2 =	sadd.s32 s2, s17  }
0x8e: {  	[smem:$0x3FC2] =	sst s2  }
0x8f: {  	_ = 	snop  }
0x90: {  	s2 =	sld [smem:$0x3FD0];
	(tm) =	ssettm $0x1  }
0x91: {  	s18 =	sld [smem:$0x3FFB];
	_ =	sdelay $0x3  }
0x92: {  	_ =	strace s18  }
0x93: {  	s3 =	sld [smem:$0x3FFC];
	_ =	sdelay $0x3  }
0x94: {  	_ =	strace s3  }
0x95: {  	s3 =	sld [smem:$0x3FFD];
	_ =	sdelay $0x3  }
0x96: {  	_ =	strace s3  }
0x97: {  	_ =	strace $0x8FFFFFFF  }
0x98: {  	s19 =	sld [smem:$0x3FDB];
	_ =	sdelay $0x1  }
0x99: {  	s4 =	simm.s32 $_scs_section_size  }
0x9a: {  	s5 =	simm.s32 $_size__tile_overlayer_lowered;
	s6 =	simm.s32 $_tile_overlayer_lowered  }
0x9b: {  	s22 =	simm.s32 $0x1BFF;
	s21 =	sshll.u32 s6, $0x1;
	s3 =	sadd.s32 s4, s19  }
0x9c: {  	s7 =	simm.s32 $0x0;
	s20 =	sshll.u32 s5, $0x1;
	s5 =	sadd.s32 s21, s3  }
0x9d: {  	[timem:s7], [sflag:s22] =	dma.local [hbm:s5], s20  }
0x9e: {  	_ =	swait.ge [sflag:s22], s20  }
0x9f: {  	s4 =	ssub.s32 $0x0, s20;
	[sflag:s22] =	ssyncset.done $0x0  }
0xa0: {  	[sflag:s22] =	ssyncadd.s32 s4;
	_ =	sdelay $0x1  }
0xa1: {  	s23 =	simm.s32 $0x1B8B  }
0xa2: {  	_ =	swait.ge [sflag:s23], $0x1  }
0xa3: {  	[sflag:s23] =	ssyncset.done $0x0  }
0xa4: {  	s25 =	simm.s32 $0x1B8E;
	s24 =	sld [smem:$0x3FFE];
	[sflag:s23] =	ssyncadd.s32 $0xFFFFFFFF  }
0xa5: {  	s26 =	simm.s32 $execute0_lowered;
	[smem:$0x3FD2] =	sst s25  }
0xa6: {  	s5 =	sshll.u32 s26, $0x1;
	_ =	strace $0x80000049;
	[dreg:$0x1] =	wrdreg $0xFFFFFFFF  }
0xa7: {  	s28 =	simm.s32 $_size_execute0_lowered;
	s3 =	sadd.s32 s3, s5;
	[dreg:$0x0] =	wrdreg $0x0  }
0xa8: {  	s5 =	sshll.u32 s28, $0x1;
	[dreg:$0x2] =	wrdreg s3  }
0xa9: {  	[dreg:$0x3] =	wrdreg s5  }
0xaa: {  	[dreg:$0x4] =	wrdreg $0xC0  }
0xab: {  	_ =	task [dreg:s7], $0x5FFFF  }
0xac: {  	[dreg:$0x1] =	wrdreg $0xFFFFFFFF  }
0xad: {  	[dreg:$0x0] =	wrdreg $0x60  }
0xae: {  	[dreg:$0x2] =	wrdreg s24  }
0xaf: {  	[dreg:$0x3] =	wrdreg s2  }
0xb0: {  	[dreg:$0x4] =	wrdreg $0x90000  }
0xb1: {  	[dreg:$0x5] =	wrdreg $0x9  }
0xb2: {  	_ =	task.clear_ibuf [dreg:s7], $0x6FFFF;
	_ =	strace $0x90000049  }
0xb3: {  	s29 =	simm.s32 $0x9;
	_ =	strace $0x8000004B  }
0xb4: {  	_ =	swait.ge [sflag:s29], $0x1  }
0xb5: {  	[sflag:s29] =	ssyncadd.s32 $0xFFFFFFFF  }
0xb6: {  	_ =	strace $0x9000004B  }
0xb7: {  	_ =	sfence  }
0xb8: {  	s30 =	sld [smem:$0x0];
	_ =	sdelay $0x2  }
0xb9: {  	s31 =	sshll.u32 s1, $0xD;
	s1 =	sshrl.u32 s1, $0x2  }
0xba: {  	s3 =	sand.u32 $0x4000, s31;
	s1 =	sadd.s32 s1, s30  }
0xbb: {  	s0 =	sor.u32 s3, s0;
	s1 =	sshll.u32 s1, $0x11  }
0xbc: {  	s0 =	sor.u32 s1, s0  }
0xbd: {  	s0 =	sadd.s32 $0x8F2B, s0  }
0xbe: {  	[sflag:s0] =	ssyncadd.remote.s32 $0x1  }
0xbf: {  	_ =	sfence.sel $0xFFFF  }
0xc0: {  	[dreg:$0x0] =	wrdreg $0xFFFFFFFF;
	(pc) =	sbr.abs _section_cstart, $3  }
0xc1: {  	[dreg:$0x1] =	wrdreg $0xFFFFFFFF  }
0xc2: {  	_ =	task.clear_ibuf [dreg:s7], $0x2FFFF;
	_ =	strace $0x9FFFFFFF  }
0xc3: {  	(tm) =	ssettm $0x7FFFFFFF  }
tec
execute0_lowered:
.L_overlay_start_1:
0x0: {  	(tag) =	ssettag $0x1  }
0x1: {  	s0 =	rddreg [dreg:$0x0]  }
0x2: {  	s1 =	rddreg [dreg:$0x1];
	s3 =	srdreg.scid  }
0x3: {  	s12 =	stileid.u32;
	s2 =	rddreg [dreg:$0x2];
	s30 =	simm.s32 $0x7  }
0x4: {  	s18 =	simm.s32 $0x40;
	s19 =	simm.s32 $0x1000;
	s20 =	simm.s32 $0x3000  }
0x5: {  	s28 =	simm.s32 $0x7000;
	s29 =	simm.s32 $0x2;
	s31 =	simm.s32 $0x3  }
0x6: {  	s15 =	simm.s32 $0x5;
	s16 =	simm.s32 $0x0;
	s6 =	smul.u32 $0x14000, s12  }
0x7: {  	s5 =	sand.u32 $0x1, s3;
	s3 =	simm.s32 $0x0;
	s9 =	smul.u32 $0x50, s12  }
0x8: {  	s4 =	sadd.s32 $0xC000, s0;
	s8 =	sadd.s32 $0x2000, s0;
	s10 =	smul.u32 $0x50000, s12  }
0x9: {  	s23 =	sshll.u32 s12, $0x6;
	s7 =	smul.u32 $0x140000, s5;
	[smem:$0x7FF] =	sst s3  }
0xa: {  	s21 =	ssub.s32 $0x2, s5;
	p0 =	seq.s32 s5, $0x0;
	s17 =	sor.u32 $0x1C07, s23  }
0xb: {  	s23 =	simm.s32 $0x400;
	_ =	strace $0x8000004A;
	s11 =	sshrl.u32 s21, $0x1  }
0xc: {  	s5 =	sadd.s32 $0x500, s9;
	s22 =	sshrl.u32 s10, $0x2;
	[dreg:$0xb] =	wrdreg s16  }
0xd: {  	s10 =	simm.s32 $0x780;
	[dreg:$0x5] =	wrdreg s17;
	s7 =	sadd.s32 s6, s7  }
0xe: {  	s5 =	smov.u32 @p0 s9;
	s9 =	sadd.s32 s22, s2;
	s6 =	sshrl.u32 s6, $0x3  }
0xf: {  	s22 =	simm.s32 $0x80;
	s7 =	sshrl.u32 s7, $0x3;
	s6 =	sadd.s32 s4, s6  }
0x10: {  	s5 =	sshll.u32 s5, $0x4;
	s0 =	sadd.s32 s7, s0;
	s7 =	ssub.s32 s21, s11  }
0x11: {  	[dreg:$0x4] =	wrdreg s6;
	s24 =	sadd.s32 s1, s5;
	s25 =	sadd.s32 s8, s5  }
0x12: {  	s5 =	sadd.s32 $0x100, s5;
	s21 =	simm.s32 $0x1;
	s6 =	simm.s32 $0x6  }
0x13: {  	s0 =	sadd.s32 $0x34000, s0;
	s26 =	smax.u32 s7, $0x1;
	s11 =	sadd.s32 s5, s1  }
0x14: {  	s12 =	sadd.s32 s5, s8;
	[dreg:$0x7] =	wrdreg s25;
	s13 =	sadd.s32 $0x80, s25  }
.Ltmp0:
0x15: {  	[dreg:$0x6] =	wrdreg s24;
	s14 =	sadd.s32 $0x80, s24;
	(pc) =	sbr.rel .LBB2_1-.Ltmp0, $4  }
0x16: {  	s24 =	simm.s32 $0xC00;
	s25 =	simm.s32 $0x5000;
	s1 =	simm.s32 $0x700  }
0x17: {  	s5 =	simm.s32 $0xF00;
	s7 =	simm.s32 $0x7C0;
	[dreg:$0x8] =	wrdreg s0  }
0x18: {  	s8 =	simm.s32 $0xF80;
	[dreg:$0x9] =	wrdreg s26;
	s26 =	sshrl.u32 s9, $0x3  }
0x19: {  	s9 =	simm.s32 $0x4;
	s0 =	simm.s32 $0x740;
	[dreg:$0xa] =	wrdreg s26  }
.LBB2_4:
0x1a: {  	_ =	swait.ge [sflag:s9], $0x4000  }
0x1b: {  	[sflag:s9] =	ssyncset.done $0x0  }
0x1c: {  	[sflag:s9] =	ssyncadd.s32 $0xFFFFC000  }
0x1d: {  	[bflag:$0x0] =	sbarrier.arrive $0xFFFF  }
0x1e: {  	s17 =	rddreg [dreg:$0x5]  }
0x1f: {  	s16 =	rddreg [dreg:$0x8]  }
0x20: {  	s30 =	simm.s32 $0x7;
	s26 =	rddreg [dreg:$0xa]  }
0x21: {  	[hbm:s16], [sflag:s17] =	dma.local [spmem:s26], $0x2800  }
0x22: {  	_ =	swait.ge [sflag:s30], $0x2800  }
0x23: {  	s1 =	rddreg [dreg:$0xb]  }
0x24: {  	s16 =	rddreg [dreg:$0x9];
	s1 =	sadd.s32 $0x1, s1  }
0x25: {  	p0 =	sne.s32 s1, s16  }
.Ltmp1:
0x26: {  	_ = 	snop;
	(pc) =	sbr.rel @!p0 .LBB2_5-.Ltmp1, $3  }
0x27: {  	_ =	sdelay $0x1  }
0x28: {  	[sflag:s30] =	ssyncset.done $0x0  }
0x29: {  	[sflag:s30] =	ssyncadd.s32 $0xFFFFD800;
	[dreg:$0xb] =	wrdreg s1;
	s1 =	simm.s32 $0x700  }
.LBB2_1:
0x2a: {  	s16 =	rddreg [dreg:$0x4]  }
0x2b: {  	[spmem:s26], [sflag:s17] =	dma.local [hbm:s16], $0x2800  }
0x2c: {  	_ =	swait.ge [sflag:s30], $0x2800  }
0x2d: {  	[sflag:s30] =	ssyncset.done $0x0  }
0x2e: {  	[sflag:s30] =	ssyncadd.s32 $0xFFFFD800  }
0x2f: {  	[bflag:$0x0] =	sbarrier.arrive $0xFFFF  }
0x30: {  	s26 =	rddreg [dreg:$0x6]  }
0x31: {  	[tilespmem:s3], [sflag:$0x7] =	stream.linear.gather [hbm4b:s26+s3], $0x400, $0x38;
	[tilespmem:$0x1D000] =	vst v63  }
0x32: {  	_ =	swait.ge [sflag:s30], $0x400  }
0x33: {  	[sflag:s30] =	ssyncset.done $0x0  }
0x34: {  	s26 =	simm.s32 $0x800;
	s17 =	rddreg [dreg:$0x7];
	[sflag:s30] =	ssyncadd.s32 $0xFFFFFC00  }
0x35: {  	[tilespmem:s26], [sflag:$0x7] =	stream.linear.gather [hbm4b:s17+s3], $0x400, $0x38;
	[tilespmem:$0x1D000] =	vst v63  }
0x36: {  	_ =	swait.ge [sflag:s30], $0x400  }
0x37: {  	[sflag:s30] =	ssyncset.done $0x0  }
0x38: {  	[sflag:s30] =	ssyncadd.s32 $0xFFFFFC00  }
0x39: {  	[tilespmem:s19], [sflag:$0x1] =	stream.indirect.gather [hbm4b:s4+s18], $0x80, s3, s18, $0xb8;
	[tilespmem:$0x1D000] =	vst v63  }
0x3a: {  	s16 =	simm.s32 $0x0  }
0x3b: {  	[tilespmem:s20], [sflag:$0x1] =	stream.indirect.gather [hbm4b:s4+s18], $0x80, s18, s18, $0xb8;
	[tilespmem:$0x1D000] =	vst v63  }
.LBB2_2:
0x3c: {  	_ =	swait.ge [sflag:s21], $0x2000  }
0x3d: {  	[sflag:s21] =	ssyncset.done $0x0  }
0x3e: {  	[sflag:s21] =	ssyncadd.s32 $0xFFFFE000  }
0x3f: {  	_ =	swait.ge [sflag:s21], $0x2000  }
0x40: {  	p0 =	seq.s32 s16, $0x0;
	[sflag:s21] =	ssyncset.done $0x0  }
0x41: {  	s17 =	simm.s32 $0x800;
	s26 =	simm.s32 @!p0 $0x4;
	[sflag:s21] =	ssyncadd.s32 $0xFFFFE000  }
0x42: {  	[spmem:s2] =	stream.indirect.scatter.add.f32 [tilespmem:s19], [sflag:$0x3], $0x80, s17, s22, $0xb8;
	[tilespmem:$0x1D000] =	vst v63  }
0x43: {  	_ =	swait.ge @!p0 [sflag:s26], $0x4000  }
0x44: {  	[sflag:s26] =	ssyncset.done @!p0 $0x0  }
0x45: {  	s30 =	sadd.s32 s16, s14;
	[sflag:s26] =	ssyncadd.s32 @!p0 $0xFFFFC000  }
0x46: {  	[tilespmem:s23], [sflag:$0x6] =	stream.linear.gather [hbm4b:s30+s3], $0x400, $0x38;
	[tilespmem:$0x1D000] =	vst v63  }
0x47: {  	s17 =	sadd.s32 s16, s13  }
0x48: {  	[tilespmem:s24], [sflag:$0x6] =	stream.linear.gather [hbm4b:s17+s3], $0x400, $0x38;
	[tilespmem:$0x1D000] =	vst v63  }
0x49: {  	_ = 	snop  }
0x4a: {  	[tilespmem:s25], [sflag:$0x2] =	stream.indirect.gather [hbm4b:s4+s18], $0x80, s22, s18, $0xb8;
	[tilespmem:$0x1D000] =	vst v63  }
0x4b: {  	s26 =	simm.s32 $0xC0  }
0x4c: {  	[tilespmem:s28], [sflag:$0x2] =	stream.indirect.gather [hbm4b:s4+s18], $0x80, s26, s18, $0xb8;
	[tilespmem:$0x1D000] =	vst v63  }
0x4d: {  	_ =	swait.ge [sflag:s29], $0x2000  }
0x4e: {  	[sflag:s29] =	ssyncset.done $0x0  }
0x4f: {  	[sflag:s29] =	ssyncadd.s32 $0xFFFFE000  }
0x50: {  	_ =	swait.ge [sflag:s29], $0x2000  }
0x51: {  	[sflag:s29] =	ssyncset.done $0x0  }
0x52: {  	s30 =	simm.s32 $0x880;
	[sflag:s29] =	ssyncadd.s32 $0xFFFFE000  }
0x53: {  	[spmem:s2] =	stream.indirect.scatter.add.f32 [tilespmem:s25], [sflag:$0x4], $0x80, s30, s22, $0xb8;
	[tilespmem:$0x1D000] =	vst v63  }
0x54: {  	_ =	swait.ge [sflag:s31], $0x4000  }
0x55: {  	[sflag:s31] =	ssyncset.done $0x0  }
0x56: {  	s26 =	simm.s32 $0x100;
	[sflag:s31] =	ssyncadd.s32 $0xFFFFC000  }
0x57: {  	[tilespmem:s19], [sflag:$0x1] =	stream.indirect.gather [hbm4b:s4+s18], $0x80, s26, s18, $0xb8;
	[tilespmem:$0x1D000] =	vst v63  }
0x58: {  	s30 =	simm.s32 $0x140  }
0x59: {  	[tilespmem:s20], [sflag:$0x1] =	stream.indirect.gather [hbm4b:s4+s18], $0x80, s30, s18, $0xb8;
	[tilespmem:$0x1D000] =	vst v63  }
0x5a: {  	_ =	swait.ge [sflag:s21], $0x2000  }
0x5b: {  	[sflag:s21] =	ssyncset.done $0x0  }
0x5c: {  	[sflag:s21] =	ssyncadd.s32 $0xFFFFE000  }
0x5d: {  	_ =	swait.ge [sflag:s21], $0x2000  }
0x5e: {  	[sflag:s21] =	ssyncset.done $0x0  }
0x5f: {  	s26 =	simm.s32 $0x900;
	[sflag:s21] =	ssyncadd.s32 $0xFFFFE000  }
0x60: {  	[spmem:s2] =	stream.indirect.scatter.add.f32 [tilespmem:s19], [sflag:$0x3], $0x80, s26, s22, $0xb8;
	[tilespmem:$0x1D000] =	vst v63  }
0x61: {  	_ =	swait.ge [sflag:s9], $0x4000  }
0x62: {  	[sflag:s9] =	ssyncset.done $0x0  }
0x63: {  	s30 =	simm.s32 $0x180;
	[sflag:s9] =	ssyncadd.s32 $0xFFFFC000  }
0x64: {  	[tilespmem:s25], [sflag:$0x2] =	stream.indirect.gather [hbm4b:s4+s18], $0x80, s30, s18, $0xb8;
	[tilespmem:$0x1D000] =	vst v63  }
0x65: {  	s26 =	simm.s32 $0x1C0  }
0x66: {  	[tilespmem:s28], [sflag:$0x2] =	stream.indirect.gather [hbm4b:s4+s18], $0x80, s26, s18, $0xb8;
	[tilespmem:$0x1D000] =	vst v63  }
0x67: {  	_ =	swait.ge [sflag:s29], $0x2000  }
0x68: {  	[sflag:s29] =	ssyncset.done $0x0  }
0x69: {  	[sflag:s29] =	ssyncadd.s32 $0xFFFFE000  }
0x6a: {  	_ =	swait.ge [sflag:s29], $0x2000  }
0x6b: {  	[sflag:s29] =	ssyncset.done $0x0  }
0x6c: {  	s30 =	simm.s32 $0x980;
	[sflag:s29] =	ssyncadd.s32 $0xFFFFE000  }
0x6d: {  	[spmem:s2] =	stream.indirect.scatter.add.f32 [tilespmem:s25], [sflag:$0x4], $0x80, s30, s22, $0xb8;
	[tilespmem:$0x1D000] =	vst v63  }
0x6e: {  	_ =	swait.ge [sflag:s31], $0x4000  }
0x6f: {  	[sflag:s31] =	ssyncset.done $0x0  }
0x70: {  	s26 =	simm.s32 $0x200;
	[sflag:s31] =	ssyncadd.s32 $0xFFFFC000  }
0x71: {  	[tilespmem:s19], [sflag:$0x1] =	stream.indirect.gather [hbm4b:s4+s18], $0x80, s26, s18, $0xb8;
	[tilespmem:$0x1D000] =	vst v63  }
0x72: {  	s30 =	simm.s32 $0x240  }
0x73: {  	[tilespmem:s20], [sflag:$0x1] =	stream.indirect.gather [hbm4b:s4+s18], $0x80, s30, s18, $0xb8;
	[tilespmem:$0x1D000] =	vst v63  }
0x74: {  	_ =	swait.ge [sflag:s21], $0x2000  }
0x75: {  	[sflag:s21] =	ssyncset.done $0x0  }
0x76: {  	[sflag:s21] =	ssyncadd.s32 $0xFFFFE000  }
0x77: {  	_ =	swait.ge [sflag:s21], $0x2000  }
0x78: {  	[sflag:s21] =	ssyncset.done $0x0  }
0x79: {  	s26 =	simm.s32 $0xA00;
	[sflag:s21] =	ssyncadd.s32 $0xFFFFE000  }
0x7a: {  	[spmem:s2] =	stream.indirect.scatter.add.f32 [tilespmem:s19], [sflag:$0x3], $0x80, s26, s22, $0xb8;
	[tilespmem:$0x1D000] =	vst v63  }
0x7b: {  	_ =	swait.ge [sflag:s9], $0x4000  }
0x7c: {  	[sflag:s9] =	ssyncset.done $0x0  }
0x7d: {  	s30 =	simm.s32 $0x280;
	[sflag:s9] =	ssyncadd.s32 $0xFFFFC000  }
0x7e: {  	[tilespmem:s25], [sflag:$0x2] =	stream.indirect.gather [hbm4b:s4+s18], $0x80, s30, s18, $0xb8;
	[tilespmem:$0x1D000] =	vst v63  }
0x7f: {  	s26 =	simm.s32 $0x2C0  }
0x80: {  	[tilespmem:s28], [sflag:$0x2] =	stream.indirect.gather [hbm4b:s4+s18], $0x80, s26, s18, $0xb8;
	[tilespmem:$0x1D000] =	vst v63  }
0x81: {  	_ =	swait.ge [sflag:s29], $0x2000  }
0x82: {  	[sflag:s29] =	ssyncset.done $0x0  }
0x83: {  	[sflag:s29] =	ssyncadd.s32 $0xFFFFE000  }
0x84: {  	_ =	swait.ge [sflag:s29], $0x2000  }
0x85: {  	[sflag:s29] =	ssyncset.done $0x0  }
0x86: {  	s30 =	simm.s32 $0xA80;
	[sflag:s29] =	ssyncadd.s32 $0xFFFFE000  }
0x87: {  	[spmem:s2] =	stream.indirect.scatter.add.f32 [tilespmem:s25], [sflag:$0x4], $0x80, s30, s22, $0xb8;
	[tilespmem:$0x1D000] =	vst v63  }
0x88: {  	_ =	swait.ge [sflag:s31], $0x4000  }
0x89: {  	[sflag:s31] =	ssyncset.done $0x0  }
0x8a: {  	s26 =	simm.s32 $0x300;
	[sflag:s31] =	ssyncadd.s32 $0xFFFFC000  }
0x8b: {  	[tilespmem:s19], [sflag:$0x1] =	stream.indirect.gather [hbm4b:s4+s18], $0x80, s26, s18, $0xb8;
	[tilespmem:$0x1D000] =	vst v63  }
0x8c: {  	s30 =	simm.s32 $0x340  }
0x8d: {  	[tilespmem:s20], [sflag:$0x1] =	stream.indirect.gather [hbm4b:s4+s18], $0x80, s30, s18, $0xb8;
	[tilespmem:$0x1D000] =	vst v63  }
0x8e: {  	_ =	swait.ge [sflag:s21], $0x2000  }
0x8f: {  	[sflag:s21] =	ssyncset.done $0x0  }
0x90: {  	[sflag:s21] =	ssyncadd.s32 $0xFFFFE000  }
0x91: {  	_ =	swait.ge [sflag:s21], $0x2000  }
0x92: {  	[sflag:s21] =	ssyncset.done $0x0  }
0x93: {  	s26 =	simm.s32 $0xB00;
	[sflag:s21] =	ssyncadd.s32 $0xFFFFE000  }
0x94: {  	[spmem:s2] =	stream.indirect.scatter.add.f32 [tilespmem:s19], [sflag:$0x3], $0x80, s26, s22, $0xb8;
	[tilespmem:$0x1D000] =	vst v63  }
0x95: {  	_ =	swait.ge [sflag:s9], $0x4000  }
0x96: {  	[sflag:s9] =	ssyncset.done $0x0  }
0x97: {  	s30 =	simm.s32 $0x380;
	[sflag:s9] =	ssyncadd.s32 $0xFFFFC000  }
0x98: {  	[tilespmem:s25], [sflag:$0x2] =	stream.indirect.gather [hbm4b:s4+s18], $0x80, s30, s18, $0xb8;
	[tilespmem:$0x1D000] =	vst v63  }
0x99: {  	s26 =	simm.s32 $0x3C0  }
0x9a: {  	[tilespmem:s28], [sflag:$0x2] =	stream.indirect.gather [hbm4b:s4+s18], $0x80, s26, s18, $0xb8;
	[tilespmem:$0x1D000] =	vst v63  }
0x9b: {  	_ =	swait.ge [sflag:s29], $0x2000  }
0x9c: {  	[sflag:s29] =	ssyncset.done $0x0  }
0x9d: {  	[sflag:s29] =	ssyncadd.s32 $0xFFFFE000  }
0x9e: {  	_ =	swait.ge [sflag:s29], $0x2000  }
0x9f: {  	[sflag:s29] =	ssyncset.done $0x0  }
0xa0: {  	s30 =	simm.s32 $0xB80;
	[sflag:s29] =	ssyncadd.s32 $0xFFFFE000  }
0xa1: {  	[spmem:s2] =	stream.indirect.scatter.add.f32 [tilespmem:s25], [sflag:$0x4], $0x80, s30, s22, $0xb8;
	[tilespmem:$0x1D000] =	vst v63  }
0xa2: {  	_ =	swait.ge [sflag:s31], $0x4000  }
0xa3: {  	[sflag:s31] =	ssyncset.done $0x0  }
0xa4: {  	[sflag:s31] =	ssyncadd.s32 $0xFFFFC000  }
0xa5: {  	_ =	swait.ge [sflag:s6], $0x400  }
0xa6: {  	[sflag:s6] =	ssyncset.done $0x0  }
0xa7: {  	[sflag:s6] =	ssyncadd.s32 $0xFFFFFC00  }
0xa8: {  	_ =	swait.ge [sflag:s6], $0x400  }
0xa9: {  	[sflag:s6] =	ssyncset.done $0x0  }
0xaa: {  	[sflag:s6] =	ssyncadd.s32 $0xFFFFFC00  }
0xab: {  	[tilespmem:s19], [sflag:$0x1] =	stream.indirect.gather [hbm4b:s4+s18], $0x80, s23, s18, $0xb8;
	[tilespmem:$0x1D000] =	vst v63  }
0xac: {  	s26 =	simm.s32 $0x440  }
0xad: {  	[tilespmem:s20], [sflag:$0x1] =	stream.indirect.gather [hbm4b:s4+s18], $0x80, s26, s18, $0xb8;
	[tilespmem:$0x1D000] =	vst v63  }
0xae: {  	_ =	swait.ge [sflag:s21], $0x2000  }
0xaf: {  	[sflag:s21] =	ssyncset.done $0x0  }
0xb0: {  	[sflag:s21] =	ssyncadd.s32 $0xFFFFE000  }
0xb1: {  	_ =	swait.ge [sflag:s21], $0x2000  }
0xb2: {  	[sflag:s21] =	ssyncset.done $0x0  }
0xb3: {  	[sflag:s21] =	ssyncadd.s32 $0xFFFFE000  }
0xb4: {  	[spmem:s2] =	stream.indirect.scatter.add.f32 [tilespmem:s19], [sflag:$0x3], $0x80, s24, s22, $0xb8;
	[tilespmem:$0x1D000] =	vst v63  }
0xb5: {  	_ =	swait.ge [sflag:s9], $0x4000  }
0xb6: {  	p0 =	seq.s32 s16, $0x400;
	[sflag:s9] =	ssyncset.done $0x0  }
0xb7: {  	s17 =	simm.s32 @!p0 $0x0;
	s26 =	sadd.s32 @!p0 s16, s11;
	[sflag:s9] =	ssyncadd.s32 $0xFFFFC000  }
0xb8: {  	[tilespmem:s17], [sflag:$0x5] =	stream.linear.gather @!p0 [hbm4b:s26+s17], $0x400, $0x38;
	[tilespmem:$0x1D000] =	vst v63  }
0xb9: {  	s30 =	simm.s32 @!p0 $0x800;
	s26 =	sadd.s32 @!p0 s16, s12  }
0xba: {  	[tilespmem:s30], [sflag:$0x5] =	stream.linear.gather @!p0 [hbm4b:s26+s17], $0x400, $0x38;
	[tilespmem:$0x1D000] =	vst v63  }
0xbb: {  	s30 =	simm.s32 $0x480  }
0xbc: {  	[tilespmem:s25], [sflag:$0x2] =	stream.indirect.gather [hbm4b:s4+s18], $0x80, s30, s18, $0xb8;
	[tilespmem:$0x1D000] =	vst v63  }
0xbd: {  	s26 =	simm.s32 $0x4C0  }
0xbe: {  	[tilespmem:s28], [sflag:$0x2] =	stream.indirect.gather [hbm4b:s4+s18], $0x80, s26, s18, $0xb8;
	[tilespmem:$0x1D000] =	vst v63  }
0xbf: {  	_ =	swait.ge [sflag:s29], $0x2000  }
0xc0: {  	[sflag:s29] =	ssyncset.done $0x0  }
0xc1: {  	[sflag:s29] =	ssyncadd.s32 $0xFFFFE000  }
0xc2: {  	_ =	swait.ge [sflag:s29], $0x2000  }
0xc3: {  	[sflag:s29] =	ssyncset.done $0x0  }
0xc4: {  	s30 =	simm.s32 $0xC80;
	[sflag:s29] =	ssyncadd.s32 $0xFFFFE000  }
0xc5: {  	[spmem:s2] =	stream.indirect.scatter.add.f32 [tilespmem:s25], [sflag:$0x4], $0x80, s30, s22, $0xb8;
	[tilespmem:$0x1D000] =	vst v63  }
0xc6: {  	_ =	swait.ge [sflag:s31], $0x4000  }
0xc7: {  	[sflag:s31] =	ssyncset.done $0x0  }
0xc8: {  	s26 =	simm.s32 $0x500;
	[sflag:s31] =	ssyncadd.s32 $0xFFFFC000  }
0xc9: {  	[tilespmem:s19], [sflag:$0x1] =	stream.indirect.gather [hbm4b:s4+s18], $0x80, s26, s18, $0xb8;
	[tilespmem:$0x1D000] =	vst v63  }
0xca: {  	s30 =	simm.s32 $0x540  }
0xcb: {  	[tilespmem:s20], [sflag:$0x1] =	stream.indirect.gather [hbm4b:s4+s18], $0x80, s30, s18, $0xb8;
	[tilespmem:$0x1D000] =	vst v63  }
0xcc: {  	_ =	swait.ge [sflag:s21], $0x2000  }
0xcd: {  	[sflag:s21] =	ssyncset.done $0x0  }
0xce: {  	[sflag:s21] =	ssyncadd.s32 $0xFFFFE000  }
0xcf: {  	_ =	swait.ge [sflag:s21], $0x2000  }
0xd0: {  	[sflag:s21] =	ssyncset.done $0x0  }
0xd1: {  	s26 =	simm.s32 $0xD00;
	[sflag:s21] =	ssyncadd.s32 $0xFFFFE000  }
0xd2: {  	[spmem:s2] =	stream.indirect.scatter.add.f32 [tilespmem:s19], [sflag:$0x3], $0x80, s26, s22, $0xb8;
	[tilespmem:$0x1D000] =	vst v63  }
0xd3: {  	_ =	swait.ge [sflag:s9], $0x4000  }
0xd4: {  	[sflag:s9] =	ssyncset.done $0x0  }
0xd5: {  	s30 =	simm.s32 $0x580;
	[sflag:s9] =	ssyncadd.s32 $0xFFFFC000  }
0xd6: {  	[tilespmem:s25], [sflag:$0x2] =	stream.indirect.gather [hbm4b:s4+s18], $0x80, s30, s18, $0xb8;
	[tilespmem:$0x1D000] =	vst v63  }
0xd7: {  	s26 =	simm.s32 $0x5C0  }
0xd8: {  	[tilespmem:s28], [sflag:$0x2] =	stream.indirect.gather [hbm4b:s4+s18], $0x80, s26, s18, $0xb8;
	[tilespmem:$0x1D000] =	vst v63  }
0xd9: {  	_ =	swait.ge [sflag:s29], $0x2000  }
0xda: {  	[sflag:s29] =	ssyncset.done $0x0  }
0xdb: {  	[sflag:s29] =	ssyncadd.s32 $0xFFFFE000  }
0xdc: {  	_ =	swait.ge [sflag:s29], $0x2000  }
0xdd: {  	[sflag:s29] =	ssyncset.done $0x0  }
0xde: {  	s30 =	simm.s32 $0xD80;
	[sflag:s29] =	ssyncadd.s32 $0xFFFFE000  }
0xdf: {  	[spmem:s2] =	stream.indirect.scatter.add.f32 [tilespmem:s25], [sflag:$0x4], $0x80, s30, s22, $0xb8;
	[tilespmem:$0x1D000] =	vst v63  }
0xe0: {  	_ =	swait.ge [sflag:s31], $0x4000  }
0xe1: {  	[sflag:s31] =	ssyncset.done $0x0  }
0xe2: {  	s26 =	simm.s32 $0x600;
	[sflag:s31] =	ssyncadd.s32 $0xFFFFC000  }
0xe3: {  	[tilespmem:s19], [sflag:$0x1] =	stream.indirect.gather [hbm4b:s4+s18], $0x80, s26, s18, $0xb8;
	[tilespmem:$0x1D000] =	vst v63  }
0xe4: {  	s30 =	simm.s32 $0x640  }
0xe5: {  	[tilespmem:s20], [sflag:$0x1] =	stream.indirect.gather [hbm4b:s4+s18], $0x80, s30, s18, $0xb8;
	[tilespmem:$0x1D000] =	vst v63  }
0xe6: {  	_ =	swait.ge [sflag:s21], $0x2000  }
0xe7: {  	[sflag:s21] =	ssyncset.done $0x0  }
0xe8: {  	[sflag:s21] =	ssyncadd.s32 $0xFFFFE000  }
0xe9: {  	_ =	swait.ge [sflag:s21], $0x2000  }
0xea: {  	[sflag:s21] =	ssyncset.done $0x0  }
0xeb: {  	s26 =	simm.s32 $0xE00;
	[sflag:s21] =	ssyncadd.s32 $0xFFFFE000  }
0xec: {  	[spmem:s2] =	stream.indirect.scatter.add.f32 [tilespmem:s19], [sflag:$0x3], $0x80, s26, s22, $0xb8;
	[tilespmem:$0x1D000] =	vst v63  }
0xed: {  	_ =	swait.ge [sflag:s9], $0x4000  }
0xee: {  	[sflag:s9] =	ssyncset.done $0x0  }
0xef: {  	s30 =	simm.s32 $0x680;
	[sflag:s9] =	ssyncadd.s32 $0xFFFFC000  }
0xf0: {  	[tilespmem:s25], [sflag:$0x2] =	stream.indirect.gather [hbm4b:s4+s18], $0x80, s30, s18, $0xb8;
	[tilespmem:$0x1D000] =	vst v63  }
0xf1: {  	s26 =	simm.s32 $0x6C0  }
0xf2: {  	[tilespmem:s28], [sflag:$0x2] =	stream.indirect.gather [hbm4b:s4+s18], $0x80, s26, s18, $0xb8;
	[tilespmem:$0x1D000] =	vst v63  }
0xf3: {  	_ =	swait.ge [sflag:s29], $0x2000  }
0xf4: {  	[sflag:s29] =	ssyncset.done $0x0  }
0xf5: {  	[sflag:s29] =	ssyncadd.s32 $0xFFFFE000  }
0xf6: {  	_ =	swait.ge [sflag:s29], $0x2000  }
0xf7: {  	[sflag:s29] =	ssyncset.done $0x0  }
0xf8: {  	s30 =	simm.s32 $0xE80;
	[sflag:s29] =	ssyncadd.s32 $0xFFFFE000  }
0xf9: {  	[spmem:s2] =	stream.indirect.scatter.add.f32 [tilespmem:s25], [sflag:$0x4], $0x80, s30, s22, $0xb8;
	[tilespmem:$0x1D000] =	vst v63  }
0xfa: {  	_ =	swait.ge [sflag:s31], $0x4000  }
0xfb: {  	[sflag:s31] =	ssyncset.done $0x0  }
0xfc: {  	[sflag:s31] =	ssyncadd.s32 $0xFFFFC000  }
0xfd: {  	[tilespmem:s19], [sflag:$0x1] =	stream.indirect.gather [hbm4b:s4+s18], $0x80, s1, s18, $0xb8;
	[tilespmem:$0x1D000] =	vst v63  }
0xfe: {  	_ = 	snop  }
0xff: {  	[tilespmem:s20], [sflag:$0x1] =	stream.indirect.gather [hbm4b:s4+s18], $0x80, s0, s18, $0xb8;
	[tilespmem:$0x1D000] =	vst v63  }
0x100: {  	_ =	swait.ge [sflag:s21], $0x2000  }
0x101: {  	[sflag:s21] =	ssyncset.done $0x0  }
0x102: {  	[sflag:s21] =	ssyncadd.s32 $0xFFFFE000  }
0x103: {  	_ =	swait.ge [sflag:s21], $0x2000  }
0x104: {  	[sflag:s21] =	ssyncset.done $0x0  }
0x105: {  	[sflag:s21] =	ssyncadd.s32 $0xFFFFE000  }
0x106: {  	[spmem:s2] =	stream.indirect.scatter.add.f32 [tilespmem:s19], [sflag:$0x3], $0x80, s5, s22, $0xb8;
	[tilespmem:$0x1D000] =	vst v63  }
0x107: {  	_ =	swait.ge [sflag:s9], $0x4000  }
0x108: {  	[sflag:s9] =	ssyncset.done $0x0  }
0x109: {  	[sflag:s9] =	ssyncadd.s32 $0xFFFFC000  }
0x10a: {  	[tilespmem:s25], [sflag:$0x2] =	stream.indirect.gather [hbm4b:s4+s18], $0x80, s10, s18, $0xb8;
	[tilespmem:$0x1D000] =	vst v63  }
0x10b: {  	_ = 	snop  }
0x10c: {  	[tilespmem:s28], [sflag:$0x2] =	stream.indirect.gather [hbm4b:s4+s18], $0x80, s7, s18, $0xb8;
	[tilespmem:$0x1D000] =	vst v63  }
0x10d: {  	_ =	swait.ge [sflag:s29], $0x2000  }
0x10e: {  	[sflag:s29] =	ssyncset.done $0x0  }
0x10f: {  	[sflag:s29] =	ssyncadd.s32 $0xFFFFE000  }
0x110: {  	_ =	swait.ge [sflag:s29], $0x2000  }
0x111: {  	[sflag:s29] =	ssyncset.done $0x0  }
.Ltmp2:
0x112: {  	[sflag:s29] =	ssyncadd.s32 $0xFFFFE000;
	(pc) =	sbr.rel @p0 .LBB2_4-.Ltmp2, $4  }
0x113: {  	[spmem:s2] =	stream.indirect.scatter.add.f32 [tilespmem:s25], [sflag:$0x4], $0x80, s8, s22, $0xb8;
	[tilespmem:$0x1D000] =	vst v63  }
0x114: {  	_ =	swait.ge [sflag:s31], $0x4000  }
0x115: {  	[sflag:s31] =	ssyncset.done $0x0  }
0x116: {  	[sflag:s31] =	ssyncadd.s32 $0xFFFFC000  }
0x117: {  	_ =	swait.ge [sflag:s15], $0x400  }
0x118: {  	[sflag:s15] =	ssyncset.done $0x0  }
0x119: {  	[sflag:s15] =	ssyncadd.s32 $0xFFFFFC00  }
0x11a: {  	_ =	swait.ge [sflag:s15], $0x400  }
.Ltmp3:
0x11b: {  	[sflag:s15] =	ssyncset.done $0x0;
	(pc) =	sbr.rel .LBB2_2-.Ltmp3, $4  }
0x11c: {  	[sflag:s15] =	ssyncadd.s32 $0xFFFFFC00  }
0x11d: {  	[tilespmem:s19], [sflag:$0x1] =	stream.indirect.gather [hbm4b:s4+s18], $0x80, s3, s18, $0xb8;
	[tilespmem:$0x1D000] =	vst v63  }
0x11e: {  	s16 =	sadd.s32 $0x100, s16  }
0x11f: {  	[tilespmem:s20], [sflag:$0x1] =	stream.indirect.gather [hbm4b:s4+s18], $0x80, s18, s18, $0xb8;
	[tilespmem:$0x1D000] =	vst v63  }
.LBB2_5:
0x120: {  	_ =	sfence.sel $0x180000  }
0x121: {  	[bflag:$0x0] =	sbarrier.arrive $0xFFFF  }
0x122: {  	_ =	strace $0x9000004A  }
0x123: {  	s0 =	stileid.u32;
	[bflag:$0x2] =	sbarrier.arrive $0xFFFF  }
0x124: {  	p0 =	sne.s32 s0, $0x0;
	s0 =	rddreg [dreg:$0x3]  }
0x125: {  	s0 =	sadd.s32 @!p0 $0x100000, s0  }
0x126: {  	[sflag:s0] =	ssyncadd.tile.s32 @!p0 $0x1;
	_ =	shalt  }
.Lfunc_end2:
_tile_overlayer_lowered:
.L_overlay_start_2:
0x127: {  	(tag) =	ssettag $0x2  }
0x128: {  	s0 =	rddreg [dreg:$0x0];
	s2 =	stileid.u32  }
0x129: {  	s1 =	rddreg [dreg:$0x1];
	p0 =	sne.s32 s2, $0x0  }
0x12a: {  	s3 =	rddreg [dreg:$0x2];
	[bflag:$0x3] =	sbarrier.arrive $0xFFFF;
	s2 =	simm.s32 @!p0 $0x1C07  }
0x12b: {  	[timem:s3], [sflag:s2] =	dma.local @!p0 [hbm:s0], s1  }
0x12c: {  	s0 =	simm.s32 @!p0 $0x7  }
0x12d: {  	_ =	swait.ge @!p0 [sflag:s0], s1  }
0x12e: {  	s1 =	ssub.s32 @!p0 $0x0, s1;
	[sflag:s0] =	ssyncset.done @!p0 $0x0  }
0x12f: {  	[sflag:s0] =	ssyncadd.s32 @!p0 s1  }
0x130: {  	[bflag:$0x3] =	sbarrier.arrive $0xFFFF  }
0x131: {  	_ =	shalt  }

</sc_bundles>
